<compile_context>
chip_gen: v7x
topology: tpu7x:2x2x1
jax: 0.10.2.dev20260603
libtpu: 0.0.44.dev20260713+nightly
codegen_flags: <defaults>
</compile_context>

<pallas_src>
import functools

import jax
import jax.numpy as jnp
from jax import lax
from jax.experimental import pallas as pl
from jax.experimental.pallas import tpu as pltpu
from jax.experimental.pallas import tpu_sc as plsc

EMB = 128
N_NODES = 10000
N_PAD = 10240
E = 320000
E_PAD = 327680
EROWS = E_PAD // 128
NC, NS = 2, 16
NW = NC * NS
RPW = EROWS // NW
TROWS = N_PAD // NS
B = 1024
L = 50
SEQROWS = (L * B) // 128
H3 = 3 * EMB

_mesh = plsc.VectorSubcoreMesh(core_axis_name="c", subcore_axis_name="s")


HBINS = N_PAD // 2


@functools.partial(
    pl.kernel,
    out_type=jax.ShapeDtypeStruct((NW, 2, N_PAD), jnp.float32),
    mesh=_mesh,
    scratch_types=[
        pltpu.VMEM((RPW, 128), jnp.int32),
        pltpu.VMEM((16 * HBINS + 16,), jnp.float32),
        pltpu.VMEM((HBINS,), jnp.float32),
    ],
    compiler_params=pltpu.CompilerParams(needs_layout_passes=False),
)
def _degrees_sc(src_hbm, dst_hbm, zeros_hbm, out_hbm, ibig, hist, outbuf):
    c = lax.axis_index("c")
    s = lax.axis_index("s")
    wid = c * NS + s
    base = wid * RPW
    ones16 = jnp.ones((16,), jnp.float32)
    lane_ids = lax.iota(jnp.int32, 16)
    lane_base = lane_ids * HBINS

    for d, eref in ((0, src_hbm), (1, dst_hbm)):
        pltpu.sync_copy(eref.at[pl.ds(base, RPW)], ibig)
        for half in range(2):
            pltpu.sync_copy(zeros_hbm, hist)

            def scan(k, _):
                for j in range(8):
                    v = ibig[k, pl.ds(j * 16, 16)]
                    local = v - (half * HBINS)
                    m = (local >= 0) & (local < HBINS)
                    addr = jnp.where(m, local + lane_base,
                                     16 * HBINS + lane_ids)
                    plsc.addupdate_scatter(hist, [addr], ones16)
                return _

            lax.fori_loop(0, RPW, scan, 0)

            def reduce(g, _):
                acc = hist[pl.ds(g * 16, 16)]
                for j in range(1, 16):
                    acc = acc + hist[pl.ds(j * HBINS + g * 16, 16)]
                outbuf[pl.ds(g * 16, 16)] = acc
                return _

            lax.fori_loop(0, HBINS // 16, reduce, 0)
            pltpu.sync_copy(outbuf,
                            out_hbm.at[wid, d, pl.ds(half * HBINS, HBINS)])


@functools.partial(
    pl.kernel,
    out_type=jax.ShapeDtypeStruct((NC, N_PAD, EMB), jnp.float32),
    mesh=_mesh,
    scratch_types=[
        pltpu.VMEM((4, 128), jnp.int32),
        pltpu.VMEM((4, 128), jnp.int32),
        pltpu.VMEM((2, 128, EMB), jnp.float32),
        pltpu.VMEM_SHARED((N_PAD, EMB), jnp.float32),
        pltpu.SemaphoreType.DMA,
        pltpu.SemaphoreType.DMA,
        pltpu.SemaphoreType.DMA,
        pltpu.SemaphoreType.DMA,
        pltpu.SemaphoreType.DMA,
    ],
)
def _smooth_sc(xs_hbm, src_hbm, dst_hbm, zz2_hbm, out_hbm,
               idx4, didx4, rows2, acc_sh, sem_i, sem_g0, sem_g1,
               sem_s0, sem_s1):
    c = lax.axis_index("c")
    s = lax.axis_index("s")
    wid = c * NS + s
    base = wid * RPW
    pltpu.sync_copy(zz2_hbm, acc_sh.at[pl.ds(s * TROWS, TROWS)])
    plsc.subcore_barrier()

    pltpu.async_copy(src_hbm.at[base], idx4.at[0], sem_i)
    pltpu.async_copy(dst_hbm.at[base], didx4.at[0], sem_i)

    sem_g = (sem_g0, sem_g1)
    sem_s = (sem_s0, sem_s1)

    def chunk(k, q, w_scat, pf, w_gath):
        b = q % 2
        qp = (q + 3) % 4
        if w_scat:
            pltpu.make_async_copy(rows2.at[b], acc_sh.at[didx4.at[(q + 2) % 4]],
                                  sem_s[b]).wait()
        pltpu.make_async_copy(src_hbm.at[base], idx4.at[q], sem_i).wait()
        pltpu.make_async_copy(dst_hbm.at[base], didx4.at[q], sem_i).wait()
        if pf:
            pltpu.async_copy(src_hbm.at[base + k + 1], idx4.at[(q + 1) % 4],
                             sem_i)
            pltpu.async_copy(dst_hbm.at[base + k + 1], didx4.at[(q + 1) % 4],
                             sem_i)
        pltpu.async_copy(xs_hbm.at[idx4.at[q]], rows2.at[b], sem_g[b])
        if w_gath:
            pltpu.make_async_copy(xs_hbm.at[idx4.at[qp]], rows2.at[1 - b],
                                  sem_g[1 - b]).wait()
            pltpu.async_copy(rows2.at[1 - b], acc_sh.at[didx4.at[qp]],
                             sem_s[1 - b], add=True)

    def body(o, _):
        k = 2 + 4 * o
        chunk(k, 2, w_scat=True, pf=True, w_gath=True)
        chunk(k + 1, 3, w_scat=True, pf=True, w_gath=True)
        chunk(k + 2, 0, w_scat=True, pf=True, w_gath=True)
        chunk(k + 3, 1, w_scat=True, pf=True, w_gath=True)
        return _

    chunk(0, 0, w_scat=False, pf=True, w_gath=False)
    chunk(1, 1, w_scat=False, pf=True, w_gath=True)
    lax.fori_loop(0, (RPW - 4) // 4, body, 0)
    chunk(RPW - 2, 2, w_scat=True, pf=True, w_gath=True)
    chunk(RPW - 1, 3, w_scat=True, pf=False, w_gath=True)
    pltpu.make_async_copy(xs_hbm.at[idx4.at[3]], rows2.at[1], sem_g1).wait()
    pltpu.async_copy(rows2.at[1], acc_sh.at[didx4.at[3]], sem_s1, add=True)
    pltpu.make_async_copy(rows2.at[0], acc_sh.at[didx4.at[2]], sem_s0).wait()
    pltpu.make_async_copy(rows2.at[1], acc_sh.at[didx4.at[3]], sem_s1).wait()
    plsc.subcore_barrier()
    pltpu.sync_copy(acc_sh.at[pl.ds(s * TROWS, TROWS)],
                    out_hbm.at[c, pl.ds(s * TROWS, TROWS)])


@functools.partial(
    pl.kernel,
    out_type=jax.ShapeDtypeStruct((L * B, EMB), jnp.float32),
    mesh=_mesh,
    scratch_types=[
        pltpu.VMEM((128,), jnp.int32),
        pltpu.VMEM((128, EMB), jnp.float32),
        pltpu.SemaphoreType.DMA,
    ],
)
def _seq_gather_sc(emb_hbm, seq_hbm, out_hbm, idx_v, rows, sem):
    c = lax.axis_index("c")
    s = lax.axis_index("s")
    wid = c * NS + s
    nb = jnp.where(wid < 16, 13, 12)
    base = jnp.where(wid < 16, wid * 13, 208 + (wid - 16) * 12)

    def body(k, _):
        r = base + k
        pltpu.sync_copy(seq_hbm.at[r], idx_v)
        pltpu.async_copy(emb_hbm.at[idx_v], rows, sem).wait()
        pltpu.sync_copy(rows, out_hbm.at[pl.ds(r * 128, 128)])
        return _

    lax.fori_loop(0, nb, body, 0)


def _prep_body(degp_ref, u_ref, i_ref, a_ref, b_ref, x0_ref, xs0_ref):
    deg = jnp.sum(degp_ref[...], axis=0)
    ab = lax.rsqrt(jnp.maximum(deg, 1.0))
    a_col = jnp.reshape(ab[0, :], (N_PAD, 1))
    b_col = jnp.reshape(ab[1, :], (N_PAD, 1))
    a_ref[...] = a_col
    b_ref[...] = b_col
    zeros_pad = jnp.zeros((N_PAD - N_NODES, EMB), dtype=jnp.float32)
    x0 = jnp.concatenate([u_ref[...], i_ref[...], zeros_pad], axis=0)
    x0_ref[...] = x0
    xs0_ref[...] = a_col * x0


def _prep_call(deg_partials, u_embs, i_embs):
    return pl.pallas_call(
        _prep_body,
        out_shape=(
            jax.ShapeDtypeStruct((N_PAD, 1), jnp.float32),
            jax.ShapeDtypeStruct((N_PAD, 1), jnp.float32),
            jax.ShapeDtypeStruct((N_PAD, EMB), jnp.float32),
            jax.ShapeDtypeStruct((N_PAD, EMB), jnp.float32),
        ),
    )(deg_partials, u_embs, i_embs)


def _combine_body(p_ref, a_ref, b_ref, acc_ref, xs_ref, accout_ref):
    x = b_ref[...] * jnp.sum(p_ref[...], axis=0)
    xs_ref[...] = a_ref[...] * x
    accout_ref[...] = acc_ref[...] + x


def _combine_call(partials, a, b, acc):
    return pl.pallas_call(
        _combine_body,
        out_shape=(
            jax.ShapeDtypeStruct((N_PAD, EMB), jnp.float32),
            jax.ShapeDtypeStruct((N_PAD, EMB), jnp.float32),
        ),
    )(partials, a, b, acc)


def _final_body(p_ref, b_ref, acc_ref, emb_ref):
    x2 = b_ref[...] * jnp.sum(p_ref[...], axis=0)
    emb_ref[...] = (acc_ref[...] + x2) * (1.0 / 3.0)


def _final_call(partials, b, acc):
    return pl.pallas_call(
        _final_body,
        out_shape=jax.ShapeDtypeStruct((N_PAD, EMB), jnp.float32),
    )(partials, b, acc)


def _gru_body(x_ref, wih0_ref, whh0_ref, bih0_ref, bhh0_ref,
              wih1_ref, bih1_ref, bhh1_ref, out_ref, h_ref):
    t = pl.program_id(0)

    @pl.when(t == 0)
    def _():
        h_ref[...] = jnp.zeros_like(h_ref)

    h = h_ref[...]
    gi = jnp.dot(x_ref[...], wih0_ref[...],
                 preferred_element_type=jnp.float32) + bih0_ref[...]
    gh = jnp.dot(h, whh0_ref[...],
                 preferred_element_type=jnp.float32) + bhh0_ref[...]
    r = jax.nn.sigmoid(gi[:, 0:EMB] + gh[:, 0:EMB])
    z = jax.nn.sigmoid(gi[:, EMB:2 * EMB] + gh[:, EMB:2 * EMB])
    n = jnp.tanh(gi[:, 2 * EMB:] + r * gh[:, 2 * EMB:])
    h_new = (1.0 - z) * n + z * h
    h_ref[...] = h_new

    @pl.when(t == pl.num_programs(0) - 1)
    def _():
        gi1 = jnp.dot(h_new, wih1_ref[...],
                      preferred_element_type=jnp.float32) + bih1_ref[...]
        r1 = jax.nn.sigmoid(gi1[:, 0:EMB] + bhh1_ref[:, 0:EMB])
        z1 = jax.nn.sigmoid(gi1[:, EMB:2 * EMB] + bhh1_ref[:, EMB:2 * EMB])
        n1 = jnp.tanh(gi1[:, 2 * EMB:] + r1 * bhh1_ref[:, 2 * EMB:])
        out_ref[...] = (1.0 - z1) * n1


def _gru_call(de_emb_flat, wih0t, whh0t, bih0, bhh0, wih1t, bih1, bhh1):
    full = lambda s: pl.BlockSpec(s, lambda t: (0,) * len(s))
    return pl.pallas_call(
        _gru_body,
        grid=(L,),
        in_specs=[
            pl.BlockSpec((B, EMB), lambda t: (t, 0)),
            full((EMB, H3)), full((EMB, H3)), full((1, H3)), full((1, H3)),
            full((EMB, H3)), full((1, H3)), full((1, H3)),
        ],
        out_specs=pl.BlockSpec((B, EMB), lambda t: (0, 0)),
        out_shape=jax.ShapeDtypeStruct((B, EMB), jnp.float32),
        scratch_shapes=[pltpu.VMEM((B, EMB), jnp.float32)],
    )(de_emb_flat, wih0t, whh0t, bih0, bhh0, wih1t, bih1, bhh1)


def kernel(u_embs, i_embs, edge_index, user_seq,
           W_ih0, W_hh0, b_ih0, b_hh0, W_ih1, W_hh1, b_ih1, b_hh1):
    del W_hh1
    edge32 = edge_index.astype(jnp.int32)
    pad = 10000 + (jnp.arange(E_PAD - E, dtype=jnp.int32) % (N_PAD - N_NODES))
    src2d = jnp.concatenate([edge32[0], pad]).reshape(EROWS, 128)
    dst2d = jnp.concatenate([edge32[1], pad]).reshape(EROWS, 128)
    zz = jnp.zeros((TROWS, EMB), jnp.float32)
    zhist = jnp.zeros((16 * HBINS + 16,), jnp.float32)

    deg_partials = _degrees_sc(src2d, dst2d, zhist)
    a, b, x0, xs0 = _prep_call(deg_partials, u_embs, i_embs)

    p1 = _smooth_sc(xs0, src2d, dst2d, zz)
    xs1, acc1 = _combine_call(p1, a, b, x0)
    p2 = _smooth_sc(xs1, src2d, dst2d, zz)
    emb_pad = _final_call(p2, b, acc1)

    seq2d = user_seq.astype(jnp.int32).T.reshape(SEQROWS, 128)
    de_emb = _seq_gather_sc(emb_pad, seq2d)

    h = _gru_call(
        de_emb,
        W_ih0.T, W_hh0.T, b_ih0.reshape(1, H3), b_hh0.reshape(1, H3),
        W_ih1.T, b_ih1.reshape(1, H3), b_hh1.reshape(1, H3),
    )
    return (h, emb_pad[:N_NODES])

# --- scband reference (transcript-rebuilt; emitter-appended) ---
"""Pipeline reference for scband-lg2-seq-signal-56410100466020 (READ-ONLY COPY).

The authoritative reference and input builder live on the scoring server;
editing this copy changes nothing except your own understanding.
"""

import jax, jax.numpy as jnp
import numpy as np

EMB_DIM = 128
NUM_LAYERS = 2
N_USERS = 5000
N_ITEMS = 5000
N_NODES = N_USERS + N_ITEMS
N_EDGES = 320000
BATCH = 1024
SEQ_LEN = 50


def setup_inputs(seed: int = 0) -> dict:
    key = jax.random.key(seed)
    ks = jax.random.split(key, 16)
    u_embs = jax.random.normal(ks[0], (N_USERS, EMB_DIM), dtype=jnp.float32)
    i_embs = jax.random.normal(ks[1], (N_ITEMS, EMB_DIM), dtype=jnp.float32)
    edge_index = jax.random.randint(ks[2], (2, N_EDGES), 0, N_NODES, dtype=jnp.int64)
    user_seq = jax.random.randint(ks[3], (BATCH, SEQ_LEN), 0, N_NODES, dtype=jnp.int64)
    # GRU parameters (PyTorch nn.GRU layout): weight_ih [3H, in], weight_hh [3H, H], biases [3H]
    s = 1.0 / np.sqrt(EMB_DIM)
    def u(k, shape):
        return jax.random.uniform(k, shape, dtype=jnp.float32, minval=-s, maxval=s)
    W_ih0 = u(ks[4], (3 * EMB_DIM, EMB_DIM))
    W_hh0 = u(ks[5], (3 * EMB_DIM, EMB_DIM))
    b_ih0 = u(ks[6], (3 * EMB_DIM,))
    b_hh0 = u(ks[7], (3 * EMB_DIM,))
    W_ih1 = u(ks[8], (3 * EMB_DIM, EMB_DIM))
    W_hh1 = u(ks[9], (3 * EMB_DIM, EMB_DIM))
    b_ih1 = u(ks[10], (3 * EMB_DIM,))
    b_hh1 = u(ks[11], (3 * EMB_DIM,))
    return {"u_embs": u_embs, "i_embs": i_embs, "edge_index": edge_index,
            "user_seq": user_seq,
            "W_ih0": W_ih0, "W_hh0": W_hh0, "b_ih0": b_ih0, "b_hh0": b_hh0,
            "W_ih1": W_ih1, "W_hh1": W_hh1, "b_ih1": b_ih1, "b_hh1": b_hh1}


def _gcn_smooth(x, src, dst, norm, n_nodes):
    msgs = x[src] * norm[:, None]
    return jax.ops.segment_sum(msgs, dst, num_segments=n_nodes)


def _gru_layer(x_seq, W_ih, W_hh, b_ih, b_hh):
    # x_seq: [L, B, in]; returns (outputs [L,B,H], h_final [B,H])
    H = W_hh.shape[1]
    h0 = jnp.zeros((x_seq.shape[1], H), dtype=x_seq.dtype)
    def step(h, x):
        gi = x @ W_ih.T + b_ih
        gh = h @ W_hh.T + b_hh
        i_r, i_z, i_n = jnp.split(gi, 3, axis=-1)
        h_r, h_z, h_n = jnp.split(gh, 3, axis=-1)
        r = jax.nn.sigmoid(i_r + h_r)
        z = jax.nn.sigmoid(i_z + h_z)
        n = jnp.tanh(i_n + r * h_n)
        h_new = (1.0 - z) * n + z * h
        return h_new, h_new
    h_final, outs = jax.lax.scan(step, h0, x_seq)
    return outs, h_final


def reference(u_embs, i_embs, edge_index, user_seq,
              W_ih0, W_hh0, b_ih0, b_hh0, W_ih1, W_hh1, b_ih1, b_hh1):
    n_nodes = u_embs.shape[0] + i_embs.shape[0]
    src = edge_index[0]
    dst = edge_index[1]
    ones = jnp.ones((src.shape[0],), dtype=jnp.float32)
    deg_out = jax.ops.segment_sum(ones, src, num_segments=n_nodes)
    deg_in = jax.ops.segment_sum(ones, dst, num_segments=n_nodes)
    norm = 1.0 / jnp.sqrt(jnp.maximum(deg_out[src], 1.0) * jnp.maximum(deg_in[dst], 1.0))
    # GCFSignal encoder: LightGCN-style smoothing, mean over layer embeddings
    all_embs = jnp.concatenate([u_embs, i_embs], axis=0)
    embs_list = [all_embs]
    for _ in range(NUM_LAYERS):
        all_embs = _gcn_smooth(all_embs, src, dst, norm, n_nodes)
        embs_list.append(all_embs)
    embs = jnp.stack(embs_list, axis=1)
    emb = jnp.mean(embs, axis=1)
    # decoder: stacked GRUs
    de_emb = emb[user_seq]                 # [B, L, H]
    de_emb = jnp.transpose(de_emb, (1, 0, 2))  # [L, B, H]
    gru_params = [(W_ih0, W_hh0, b_ih0, b_hh0), (W_ih1, W_hh1, b_ih1, b_hh1)]
    h = None
    for (Wih, Whh, bih, bhh) in gru_params:
        o, h = _gru_layer(de_emb, Wih, Whh, bih, bhh)
        de_emb = h[None, :, :]  # next layer sees seq-len-1 input (matches torch de_emb = h)
    return (h, emb)

if __name__ == "__main__":
    import jax
    _d = setup_inputs()
    print(jax.jit(kernel)(*tuple(_d.values())))

</pallas_src>

<mosaic_0001>
#map = affine_map<(d0, d1) -> (0, 0)>
#map1 = affine_map<(d0, d1) -> (0, 0, 0)>
module attributes {stable_mosaic.version = 14 : i64} {
  func.func @_smooth_sc(%arg0: i32, %arg1: i32, %arg2: memref<10240x128xf32, #tpu.memory_space<hbm>>, %arg3: memref<2560x128xi32, #tpu.memory_space<hbm>>, %arg4: memref<2560x128xi32, #tpu.memory_space<hbm>>, %arg5: memref<640x128xf32, #tpu.memory_space<hbm>>, %arg6: memref<2x10240x128xf32, #tpu.memory_space<hbm>>, %arg7: memref<4x128xi32, #tpu.memory_space<vmem>>, %arg8: memref<4x128xi32, #tpu.memory_space<vmem>>, %arg9: memref<2x128x128xf32, #tpu.memory_space<vmem>>, %arg10: memref<10240x128xf32, #tpu.memory_space<vmem_shared>>, %arg11: memref<!tpu.dma_semaphore, #tpu.memory_space<semaphore_mem>>, %arg12: memref<!tpu.dma_semaphore, #tpu.memory_space<semaphore_mem>>, %arg13: memref<!tpu.dma_semaphore, #tpu.memory_space<semaphore_mem>>, %arg14: memref<!tpu.dma_semaphore, #tpu.memory_space<semaphore_mem>>, %arg15: memref<!tpu.dma_semaphore, #tpu.memory_space<semaphore_mem>>) attributes {dimension_semantics = [#tpu.dimension_semantics<core_parallel>, #tpu.dimension_semantics<subcore_parallel>], iteration_bounds = array<i64: 2, 16>, scalar_prefetch = 0 : i64, scratch_operands = 9 : i64, tpu.core_type = #tpu.core_type<sc_vector_subcore>, window_params = [{transform_indices = #map}, {transform_indices = #map}, {transform_indices = #map}, {transform_indices = #map}, {transform_indices = #map1}]} {
    %mul3A = arith.constant 16 : i32
    %mul3A_0 = arith.muli %arg0, %mul3A : i32
    %add3A = arith.addi %mul3A_0, %arg1 : i32
    %mul3A_1 = arith.constant 80 : i32
    %mul3A_2 = arith.muli %add3A, %mul3A_1 : i32
    %mul3A_3 = arith.constant 640 : i32
    %mul3A_4 = arith.muli %arg1, %mul3A_3 : i32
    "tpu.region"() ({
      %run_scoped3A = tpu.sem_alloc : memref<!tpu.dma_semaphore, #tpu.memory_space<semaphore_mem>>
      %dma_start3A_437 = arith.constant 0 : i32
      %dma_start3A_438 = tpu.memref_slice %arg10[%mul3A_4, %dma_start3A_437] : memref<10240x128xf32, #tpu.memory_space<vmem_shared>> -> memref<640x128xf32, #tpu.memory_space<vmem_shared>>
      tpu.enqueue_dma source(%arg5 : memref<640x128xf32, #tpu.memory_space<hbm>>) target(%dma_start3A_438 : memref<640x128xf32, #tpu.memory_space<vmem_shared>>) target_semaphore(%run_scoped3A : memref<!tpu.dma_semaphore, #tpu.memory_space<semaphore_mem>>)
      %dma_wait3A_439 = arith.constant 0 : i32
      %dma_wait3A_440 = tpu.memref_slice %arg10[%mul3A_4, %dma_wait3A_439] : memref<10240x128xf32, #tpu.memory_space<vmem_shared>> -> memref<640x128xf32, #tpu.memory_space<vmem_shared>>
      tpu.wait_dma2 semaphore(%run_scoped3A : memref<!tpu.dma_semaphore, #tpu.memory_space<semaphore_mem>>) src(%arg5 : memref<640x128xf32, #tpu.memory_space<hbm>>) dst(%dma_wait3A_440 : memref<640x128xf32, #tpu.memory_space<vmem_shared>>)
      tpu.yield
    }) : () -> ()
    %barrier3A = arith.constant 0 : index
    tpu.barrier barrier_id(%barrier3A)
    %dma_start3A = arith.constant 0 : i32
    %dma_start3A_5 = arith.constant 0 : i32
    %dma_start3A_6 = tpu.memref_slice %arg7[%dma_start3A, %dma_start3A_5] : memref<4x128xi32, #tpu.memory_space<vmem>> -> memref<1x128xi32, #tpu.memory_space<vmem>>
    %dma_start3A_7 = tpu.memref_squeeze %dma_start3A_6 : memref<1x128xi32, #tpu.memory_space<vmem>> -> memref<128xi32, #tpu.memory_space<vmem>>
    %dma_start3A_8 = arith.constant 0 : i32
    %dma_start3A_9 = tpu.memref_slice %arg3[%mul3A_2, %dma_start3A_8] : memref<2560x128xi32, #tpu.memory_space<hbm>> -> memref<1x128xi32, #tpu.memory_space<hbm>>
    %dma_start3A_10 = tpu.memref_squeeze %dma_start3A_9 : memref<1x128xi32, #tpu.memory_space<hbm>> -> memref<128xi32, #tpu.memory_space<hbm>>
    %dma_start3A_11 = arith.constant 0 : i32
    %dma_start3A_12 = tpu.memref_slice %arg7[%dma_start3A, %dma_start3A_11] : memref<4x128xi32, #tpu.memory_space<vmem>> -> memref<1x128xi32, #tpu.memory_space<vmem>>
    %dma_start3A_13 = tpu.memref_squeeze %dma_start3A_12 : memref<1x128xi32, #tpu.memory_space<vmem>> -> memref<128xi32, #tpu.memory_space<vmem>>
    %dma_start3A_14 = arith.constant 0 : i32
    %dma_start3A_15 = tpu.memref_slice %arg3[%mul3A_2, %dma_start3A_14] : memref<2560x128xi32, #tpu.memory_space<hbm>> -> memref<1x128xi32, #tpu.memory_space<hbm>>
    %dma_start3A_16 = tpu.memref_squeeze %dma_start3A_15 : memref<1x128xi32, #tpu.memory_space<hbm>> -> memref<128xi32, #tpu.memory_space<hbm>>
    tpu.enqueue_dma source(%dma_start3A_16 : memref<128xi32, #tpu.memory_space<hbm>>) target(%dma_start3A_13 : memref<128xi32, #tpu.memory_space<vmem>>) target_semaphore(%arg11 : memref<!tpu.dma_semaphore, #tpu.memory_space<semaphore_mem>>)
    %dma_start3A_17 = arith.constant 0 : i32
    %dma_start3A_18 = arith.constant 0 : i32
    %dma_start3A_19 = tpu.memref_slice %arg8[%dma_start3A_17, %dma_start3A_18] : memref<4x128xi32, #tpu.memory_space<vmem>> -> memref<1x128xi32, #tpu.memory_space<vmem>>
    %dma_start3A_20 = tpu.memref_squeeze %dma_start3A_19 : memref<1x128xi32, #tpu.memory_space<vmem>> -> memref<128xi32, #tpu.memory_space<vmem>>
    %dma_start3A_21 = arith.constant 0 : i32
    %dma_start3A_22 = tpu.memref_slice %arg4[%mul3A_2, %dma_start3A_21] : memref<2560x128xi32, #tpu.memory_space<hbm>> -> memref<1x128xi32, #tpu.memory_space<hbm>>
    %dma_start3A_23 = tpu.memref_squeeze %dma_start3A_22 : memref<1x128xi32, #tpu.memory_space<hbm>> -> memref<128xi32, #tpu.memory_space<hbm>>
    %dma_start3A_24 = arith.constant 0 : i32
    %dma_start3A_25 = tpu.memref_slice %arg8[%dma_start3A_17, %dma_start3A_24] : memref<4x128xi32, #tpu.memory_space<vmem>> -> memref<1x128xi32, #tpu.memory_space<vmem>>
    %dma_start3A_26 = tpu.memref_squeeze %dma_start3A_25 : memref<1x128xi32, #tpu.memory_space<vmem>> -> memref<128xi32, #tpu.memory_space<vmem>>
    %dma_start3A_27 = arith.constant 0 : i32
    %dma_start3A_28 = tpu.memref_slice %arg4[%mul3A_2, %dma_start3A_27] : memref<2560x128xi32, #tpu.memory_space<hbm>> -> memref<1x128xi32, #tpu.memory_space<hbm>>
    %dma_start3A_29 = tpu.memref_squeeze %dma_start3A_28 : memref<1x128xi32, #tpu.memory_space<hbm>> -> memref<128xi32, #tpu.memory_space<hbm>>
    tpu.enqueue_dma source(%dma_start3A_29 : memref<128xi32, #tpu.memory_space<hbm>>) target(%dma_start3A_26 : memref<128xi32, #tpu.memory_space<vmem>>) target_semaphore(%arg11 : memref<!tpu.dma_semaphore, #tpu.memory_space<semaphore_mem>>)
    %dma_wait3A = arith.constant 0 : i32
    %dma_wait3A_30 = arith.constant 0 : i32
    %dma_wait3A_31 = tpu.memref_slice %arg7[%dma_wait3A, %dma_wait3A_30] : memref<4x128xi32, #tpu.memory_space<vmem>> -> memref<1x128xi32, #tpu.memory_space<vmem>>
    %dma_wait3A_32 = tpu.memref_squeeze %dma_wait3A_31 : memref<1x128xi32, #tpu.memory_space<vmem>> -> memref<128xi32, #tpu.memory_space<vmem>>
    %dma_wait3A_33 = arith.constant 0 : i32
    %dma_wait3A_34 = tpu.memref_slice %arg3[%mul3A_2, %dma_wait3A_33] : memref<2560x128xi32, #tpu.memory_space<hbm>> -> memref<1x128xi32, #tpu.memory_space<hbm>>
    %dma_wait3A_35 = tpu.memref_squeeze %dma_wait3A_34 : memref<1x128xi32, #tpu.memory_space<hbm>> -> memref<128xi32, #tpu.memory_space<hbm>>
    %dma_wait3A_36 = arith.constant 0 : i32
    %dma_wait3A_37 = tpu.memref_slice %arg7[%dma_wait3A, %dma_wait3A_36] : memref<4x128xi32, #tpu.memory_space<vmem>> -> memref<1x128xi32, #tpu.memory_space<vmem>>
    %dma_wait3A_38 = tpu.memref_squeeze %dma_wait3A_37 : memref<1x128xi32, #tpu.memory_space<vmem>> -> memref<128xi32, #tpu.memory_space<vmem>>
    %dma_wait3A_39 = arith.constant 0 : i32
    %dma_wait3A_40 = tpu.memref_slice %arg3[%mul3A_2, %dma_wait3A_39] : memref<2560x128xi32, #tpu.memory_space<hbm>> -> memref<1x128xi32, #tpu.memory_space<hbm>>
    %dma_wait3A_41 = tpu.memref_squeeze %dma_wait3A_40 : memref<1x128xi32, #tpu.memory_space<hbm>> -> memref<128xi32, #tpu.memory_space<hbm>>
    tpu.wait_dma2 semaphore(%arg11 : memref<!tpu.dma_semaphore, #tpu.memory_space<semaphore_mem>>) src(%dma_wait3A_41 : memref<128xi32, #tpu.memory_space<hbm>>) dst(%dma_wait3A_38 : memref<128xi32, #tpu.memory_space<vmem>>)
    %dma_wait3A_42 = arith.constant 0 : i32
    %dma_wait3A_43 = arith.constant 0 : i32
    %dma_wait3A_44 = tpu.memref_slice %arg8[%dma_wait3A_42, %dma_wait3A_43] : memref<4x128xi32, #tpu.memory_space<vmem>> -> memref<1x128xi32, #tpu.memory_space<vmem>>
    %dma_wait3A_45 = tpu.memref_squeeze %dma_wait3A_44 : memref<1x128xi32, #tpu.memory_space<vmem>> -> memref<128xi32, #tpu.memory_space<vmem>>
    %dma_wait3A_46 = arith.constant 0 : i32
    %dma_wait3A_47 = tpu.memref_slice %arg4[%mul3A_2, %dma_wait3A_46] : memref<2560x128xi32, #tpu.memory_space<hbm>> -> memref<1x128xi32, #tpu.memory_space<hbm>>
    %dma_wait3A_48 = tpu.memref_squeeze %dma_wait3A_47 : memref<1x128xi32, #tpu.memory_space<hbm>> -> memref<128xi32, #tpu.memory_space<hbm>>
    %dma_wait3A_49 = arith.constant 0 : i32
    %dma_wait3A_50 = tpu.memref_slice %arg8[%dma_wait3A_42, %dma_wait3A_49] : memref<4x128xi32, #tpu.memory_space<vmem>> -> memref<1x128xi32, #tpu.memory_space<vmem>>
    %dma_wait3A_51 = tpu.memref_squeeze %dma_wait3A_50 : memref<1x128xi32, #tpu.memory_space<vmem>> -> memref<128xi32, #tpu.memory_space<vmem>>
    %dma_wait3A_52 = arith.constant 0 : i32
    %dma_wait3A_53 = tpu.memref_slice %arg4[%mul3A_2, %dma_wait3A_52] : memref<2560x128xi32, #tpu.memory_space<hbm>> -> memref<1x128xi32, #tpu.memory_space<hbm>>
    %dma_wait3A_54 = tpu.memref_squeeze %dma_wait3A_53 : memref<1x128xi32, #tpu.memory_space<hbm>> -> memref<128xi32, #tpu.memory_space<hbm>>
    tpu.wait_dma2 semaphore(%arg11 : memref<!tpu.dma_semaphore, #tpu.memory_space<semaphore_mem>>) src(%dma_wait3A_54 : memref<128xi32, #tpu.memory_space<hbm>>) dst(%dma_wait3A_51 : memref<128xi32, #tpu.memory_space<vmem>>)
    %add3A_55 = arith.constant 0 : i32
    %add3A_56 = arith.addi %mul3A_2, %add3A_55 : i32
    %add3A_57 = arith.constant 1 : i32
    %add3A_58 = arith.addi %add3A_56, %add3A_57 : i32
    %dma_start3A_59 = arith.constant 1 : i32
    %dma_start3A_60 = arith.constant 0 : i32
    %dma_start3A_61 = tpu.memref_slice %arg7[%dma_start3A_59, %dma_start3A_60] : memref<4x128xi32, #tpu.memory_space<vmem>> -> memref<1x128xi32, #tpu.memory_space<vmem>>
    %dma_start3A_62 = tpu.memref_squeeze %dma_start3A_61 : memref<1x128xi32, #tpu.memory_space<vmem>> -> memref<128xi32, #tpu.memory_space<vmem>>
    %dma_start3A_63 = arith.constant 0 : i32
    %dma_start3A_64 = tpu.memref_slice %arg3[%add3A_58, %dma_start3A_63] : memref<2560x128xi32, #tpu.memory_space<hbm>> -> memref<1x128xi32, #tpu.memory_space<hbm>>
    %dma_start3A_65 = tpu.memref_squeeze %dma_start3A_64 : memref<1x128xi32, #tpu.memory_space<hbm>> -> memref<128xi32, #tpu.memory_space<hbm>>
    %dma_start3A_66 = arith.constant 0 : i32
    %dma_start3A_67 = tpu.memref_slice %arg7[%dma_start3A_59, %dma_start3A_66] : memref<4x128xi32, #tpu.memory_space<vmem>> -> memref<1x128xi32, #tpu.memory_space<vmem>>
    %dma_start3A_68 = tpu.memref_squeeze %dma_start3A_67 : memref<1x128xi32, #tpu.memory_space<vmem>> -> memref<128xi32, #tpu.memory_space<vmem>>
    %dma_start3A_69 = arith.constant 0 : i32
    %dma_start3A_70 = tpu.memref_slice %arg3[%add3A_58, %dma_start3A_69] : memref<2560x128xi32, #tpu.memory_space<hbm>> -> memref<1x128xi32, #tpu.memory_space<hbm>>
    %dma_start3A_71 = tpu.memref_squeeze %dma_start3A_70 : memref<1x128xi32, #tpu.memory_space<hbm>> -> memref<128xi32, #tpu.memory_space<hbm>>
    tpu.enqueue_dma source(%dma_start3A_71 : memref<128xi32, #tpu.memory_space<hbm>>) target(%dma_start3A_68 : memref<128xi32, #tpu.memory_space<vmem>>) target_semaphore(%arg11 : memref<!tpu.dma_semaphore, #tpu.memory_space<semaphore_mem>>)
    %add3A_72 = arith.constant 0 : i32
    %add3A_73 = arith.addi %mul3A_2, %add3A_72 : i32
    %add3A_74 = arith.constant 1 : i32
    %add3A_75 = arith.addi %add3A_73, %add3A_74 : i32
    %dma_start3A_76 = arith.constant 1 : i32
    %dma_start3A_77 = arith.constant 0 : i32
    %dma_start3A_78 = tpu.memref_slice %arg8[%dma_start3A_76, %dma_start3A_77] : memref<4x128xi32, #tpu.memory_space<vmem>> -> memref<1x128xi32, #tpu.memory_space<vmem>>
    %dma_start3A_79 = tpu.memref_squeeze %dma_start3A_78 : memref<1x128xi32, #tpu.memory_space<vmem>> -> memref<128xi32, #tpu.memory_space<vmem>>
    %dma_start3A_80 = arith.constant 0 : i32
    %dma_start3A_81 = tpu.memref_slice %arg4[%add3A_75, %dma_start3A_80] : memref<2560x128xi32, #tpu.memory_space<hbm>> -> memref<1x128xi32, #tpu.memory_space<hbm>>
    %dma_start3A_82 = tpu.memref_squeeze %dma_start3A_81 : memref<1x128xi32, #tpu.memory_space<hbm>> -> memref<128xi32, #tpu.memory_space<hbm>>
    %dma_start3A_83 = arith.constant 0 : i32
    %dma_start3A_84 = tpu.memref_slice %arg8[%dma_start3A_76, %dma_start3A_83] : memref<4x128xi32, #tpu.memory_space<vmem>> -> memref<1x128xi32, #tpu.memory_space<vmem>>
    %dma_start3A_85 = tpu.memref_squeeze %dma_start3A_84 : memref<1x128xi32, #tpu.memory_space<vmem>> -> memref<128xi32, #tpu.memory_space<vmem>>
    %dma_start3A_86 = arith.constant 0 : i32
    %dma_start3A_87 = tpu.memref_slice %arg4[%add3A_75, %dma_start3A_86] : memref<2560x128xi32, #tpu.memory_space<hbm>> -> memref<1x128xi32, #tpu.memory_space<hbm>>
    %dma_start3A_88 = tpu.memref_squeeze %dma_start3A_87 : memref<1x128xi32, #tpu.memory_space<hbm>> -> memref<128xi32, #tpu.memory_space<hbm>>
    tpu.enqueue_dma source(%dma_start3A_88 : memref<128xi32, #tpu.memory_space<hbm>>) target(%dma_start3A_85 : memref<128xi32, #tpu.memory_space<vmem>>) target_semaphore(%arg11 : memref<!tpu.dma_semaphore, #tpu.memory_space<semaphore_mem>>)
    %dma_start3A_89 = arith.constant 0 : i32
    %dma_start3A_90 = arith.constant 0 : i32
    %dma_start3A_91 = arith.constant 0 : i32
    %dma_start3A_92 = arith.constant 0 : i32
    %dma_start3A_93 = tpu.memref_slice %arg9[%dma_start3A_90, %dma_start3A_91, %dma_start3A_92] : memref<2x128x128xf32, #tpu.memory_space<vmem>> -> memref<1x128x128xf32, #tpu.memory_space<vmem>>
    %dma_start3A_94 = tpu.memref_squeeze %dma_start3A_93 : memref<1x128x128xf32, #tpu.memory_space<vmem>> -> memref<128x128xf32, #tpu.memory_space<vmem>>
    %dma_start3A_95 = arith.constant 0 : i32
    %dma_start3A_96 = tpu.memref_slice %arg7[%dma_start3A_89, %dma_start3A_95] : memref<4x128xi32, #tpu.memory_space<vmem>> -> memref<1x128xi32, #tpu.memory_space<vmem>>
    %dma_start3A_97 = tpu.memref_squeeze %dma_start3A_96 : memref<1x128xi32, #tpu.memory_space<vmem>> -> memref<128xi32, #tpu.memory_space<vmem>>
    %dma_start3A_98 = arith.constant 0 : i32
    %dma_start3A_99 = arith.constant 0 : i32
    %dma_start3A_100 = tpu.memref_slice %arg2[%dma_start3A_98, %dma_start3A_99] : memref<10240x128xf32, #tpu.memory_space<hbm>> -> memref<10240x128xf32, #tpu.memory_space<hbm>>
    tpu.enqueue_indirect_dma source(%dma_start3A_100 : memref<10240x128xf32, #tpu.memory_space<hbm>>) target(%dma_start3A_94 : memref<128x128xf32, #tpu.memory_space<vmem>>) offsets(%dma_start3A_97 : memref<128xi32, #tpu.memory_space<vmem>>) semaphore(%arg12 : memref<!tpu.dma_semaphore, #tpu.memory_space<semaphore_mem>>)
    %dma_wait3A_101 = arith.constant 1 : i32
    %dma_wait3A_102 = arith.constant 0 : i32
    %dma_wait3A_103 = tpu.memref_slice %arg7[%dma_wait3A_101, %dma_wait3A_102] : memref<4x128xi32, #tpu.memory_space<vmem>> -> memref<1x128xi32, #tpu.memory_space<vmem>>
    %dma_wait3A_104 = tpu.memref_squeeze %dma_wait3A_103 : memref<1x128xi32, #tpu.memory_space<vmem>> -> memref<128xi32, #tpu.memory_space<vmem>>
    %dma_wait3A_105 = arith.constant 0 : i32
    %dma_wait3A_106 = tpu.memref_slice %arg3[%mul3A_2, %dma_wait3A_105] : memref<2560x128xi32, #tpu.memory_space<hbm>> -> memref<1x128xi32, #tpu.memory_space<hbm>>
    %dma_wait3A_107 = tpu.memref_squeeze %dma_wait3A_106 : memref<1x128xi32, #tpu.memory_space<hbm>> -> memref<128xi32, #tpu.memory_space<hbm>>
    %dma_wait3A_108 = arith.constant 0 : i32
    %dma_wait3A_109 = tpu.memref_slice %arg7[%dma_wait3A_101, %dma_wait3A_108] : memref<4x128xi32, #tpu.memory_space<vmem>> -> memref<1x128xi32, #tpu.memory_space<vmem>>
    %dma_wait3A_110 = tpu.memref_squeeze %dma_wait3A_109 : memref<1x128xi32, #tpu.memory_space<vmem>> -> memref<128xi32, #tpu.memory_space<vmem>>
    %dma_wait3A_111 = arith.constant 0 : i32
    %dma_wait3A_112 = tpu.memref_slice %arg3[%mul3A_2, %dma_wait3A_111] : memref<2560x128xi32, #tpu.memory_space<hbm>> -> memref<1x128xi32, #tpu.memory_space<hbm>>
    %dma_wait3A_113 = tpu.memref_squeeze %dma_wait3A_112 : memref<1x128xi32, #tpu.memory_space<hbm>> -> memref<128xi32, #tpu.memory_space<hbm>>
    tpu.wait_dma2 semaphore(%arg11 : memref<!tpu.dma_semaphore, #tpu.memory_space<semaphore_mem>>) src(%dma_wait3A_113 : memref<128xi32, #tpu.memory_space<hbm>>) dst(%dma_wait3A_110 : memref<128xi32, #tpu.memory_space<vmem>>)
    %dma_wait3A_114 = arith.constant 1 : i32
    %dma_wait3A_115 = arith.constant 0 : i32
    %dma_wait3A_116 = tpu.memref_slice %arg8[%dma_wait3A_114, %dma_wait3A_115] : memref<4x128xi32, #tpu.memory_space<vmem>> -> memref<1x128xi32, #tpu.memory_space<vmem>>
    %dma_wait3A_117 = tpu.memref_squeeze %dma_wait3A_116 : memref<1x128xi32, #tpu.memory_space<vmem>> -> memref<128xi32, #tpu.memory_space<vmem>>
    %dma_wait3A_118 = arith.constant 0 : i32
    %dma_wait3A_119 = tpu.memref_slice %arg4[%mul3A_2, %dma_wait3A_118] : memref<2560x128xi32, #tpu.memory_space<hbm>> -> memref<1x128xi32, #tpu.memory_space<hbm>>
    %dma_wait3A_120 = tpu.memref_squeeze %dma_wait3A_119 : memref<1x128xi32, #tpu.memory_space<hbm>> -> memref<128xi32, #tpu.memory_space<hbm>>
    %dma_wait3A_121 = arith.constant 0 : i32
    %dma_wait3A_122 = tpu.memref_slice %arg8[%dma_wait3A_114, %dma_wait3A_121] : memref<4x128xi32, #tpu.memory_space<vmem>> -> memref<1x128xi32, #tpu.memory_space<vmem>>
    %dma_wait3A_123 = tpu.memref_squeeze %dma_wait3A_122 : memref<1x128xi32, #tpu.memory_space<vmem>> -> memref<128xi32, #tpu.memory_space<vmem>>
    %dma_wait3A_124 = arith.constant 0 : i32
    %dma_wait3A_125 = tpu.memref_slice %arg4[%mul3A_2, %dma_wait3A_124] : memref<2560x128xi32, #tpu.memory_space<hbm>> -> memref<1x128xi32, #tpu.memory_space<hbm>>
    %dma_wait3A_126 = tpu.memref_squeeze %dma_wait3A_125 : memref<1x128xi32, #tpu.memory_space<hbm>> -> memref<128xi32, #tpu.memory_space<hbm>>
    tpu.wait_dma2 semaphore(%arg11 : memref<!tpu.dma_semaphore, #tpu.memory_space<semaphore_mem>>) src(%dma_wait3A_126 : memref<128xi32, #tpu.memory_space<hbm>>) dst(%dma_wait3A_123 : memref<128xi32, #tpu.memory_space<vmem>>)
    %add3A_127 = arith.constant 1 : i32
    %add3A_128 = arith.addi %mul3A_2, %add3A_127 : i32
    %add3A_129 = arith.constant 1 : i32
    %add3A_130 = arith.addi %add3A_128, %add3A_129 : i32
    %dma_start3A_131 = arith.constant 2 : i32
    %dma_start3A_132 = arith.constant 0 : i32
    %dma_start3A_133 = tpu.memref_slice %arg7[%dma_start3A_131, %dma_start3A_132] : memref<4x128xi32, #tpu.memory_space<vmem>> -> memref<1x128xi32, #tpu.memory_space<vmem>>
    %dma_start3A_134 = tpu.memref_squeeze %dma_start3A_133 : memref<1x128xi32, #tpu.memory_space<vmem>> -> memref<128xi32, #tpu.memory_space<vmem>>
    %dma_start3A_135 = arith.constant 0 : i32
    %dma_start3A_136 = tpu.memref_slice %arg3[%add3A_130, %dma_start3A_135] : memref<2560x128xi32, #tpu.memory_space<hbm>> -> memref<1x128xi32, #tpu.memory_space<hbm>>
    %dma_start3A_137 = tpu.memref_squeeze %dma_start3A_136 : memref<1x128xi32, #tpu.memory_space<hbm>> -> memref<128xi32, #tpu.memory_space<hbm>>
    %dma_start3A_138 = arith.constant 0 : i32
    %dma_start3A_139 = tpu.memref_slice %arg7[%dma_start3A_131, %dma_start3A_138] : memref<4x128xi32, #tpu.memory_space<vmem>> -> memref<1x128xi32, #tpu.memory_space<vmem>>
    %dma_start3A_140 = tpu.memref_squeeze %dma_start3A_139 : memref<1x128xi32, #tpu.memory_space<vmem>> -> memref<128xi32, #tpu.memory_space<vmem>>
    %dma_start3A_141 = arith.constant 0 : i32
    %dma_start3A_142 = tpu.memref_slice %arg3[%add3A_130, %dma_start3A_141] : memref<2560x128xi32, #tpu.memory_space<hbm>> -> memref<1x128xi32, #tpu.memory_space<hbm>>
    %dma_start3A_143 = tpu.memref_squeeze %dma_start3A_142 : memref<1x128xi32, #tpu.memory_space<hbm>> -> memref<128xi32, #tpu.memory_space<hbm>>
    tpu.enqueue_dma source(%dma_start3A_143 : memref<128xi32, #tpu.memory_space<hbm>>) target(%dma_start3A_140 : memref<128xi32, #tpu.memory_space<vmem>>) target_semaphore(%arg11 : memref<!tpu.dma_semaphore, #tpu.memory_space<semaphore_mem>>)
    %add3A_144 = arith.constant 1 : i32
    %add3A_145 = arith.addi %mul3A_2, %add3A_144 : i32
    %add3A_146 = arith.constant 1 : i32
    %add3A_147 = arith.addi %add3A_145, %add3A_146 : i32
    %dma_start3A_148 = arith.constant 2 : i32
    %dma_start3A_149 = arith.constant 0 : i32
    %dma_start3A_150 = tpu.memref_slice %arg8[%dma_start3A_148, %dma_start3A_149] : memref<4x128xi32, #tpu.memory_space<vmem>> -> memref<1x128xi32, #tpu.memory_space<vmem>>
    %dma_start3A_151 = tpu.memref_squeeze %dma_start3A_150 : memref<1x128xi32, #tpu.memory_space<vmem>> -> memref<128xi32, #tpu.memory_space<vmem>>
    %dma_start3A_152 = arith.constant 0 : i32
    %dma_start3A_153 = tpu.memref_slice %arg4[%add3A_147, %dma_start3A_152] : memref<2560x128xi32, #tpu.memory_space<hbm>> -> memref<1x128xi32, #tpu.memory_space<hbm>>
    %dma_start3A_154 = tpu.memref_squeeze %dma_start3A_153 : memref<1x128xi32, #tpu.memory_space<hbm>> -> memref<128xi32, #tpu.memory_space<hbm>>
    %dma_start3A_155 = arith.constant 0 : i32
    %dma_start3A_156 = tpu.memref_slice %arg8[%dma_start3A_148, %dma_start3A_155] : memref<4x128xi32, #tpu.memory_space<vmem>> -> memref<1x128xi32, #tpu.memory_space<vmem>>
    %dma_start3A_157 = tpu.memref_squeeze %dma_start3A_156 : memref<1x128xi32, #tpu.memory_space<vmem>> -> memref<128xi32, #tpu.memory_space<vmem>>
    %dma_start3A_158 = arith.constant 0 : i32
    %dma_start3A_159 = tpu.memref_slice %arg4[%add3A_147, %dma_start3A_158] : memref<2560x128xi32, #tpu.memory_space<hbm>> -> memref<1x128xi32, #tpu.memory_space<hbm>>
    %dma_start3A_160 = tpu.memref_squeeze %dma_start3A_159 : memref<1x128xi32, #tpu.memory_space<hbm>> -> memref<128xi32, #tpu.memory_space<hbm>>
    tpu.enqueue_dma source(%dma_start3A_160 : memref<128xi32, #tpu.memory_space<hbm>>) target(%dma_start3A_157 : memref<128xi32, #tpu.memory_space<vmem>>) target_semaphore(%arg11 : memref<!tpu.dma_semaphore, #tpu.memory_space<semaphore_mem>>)
    %dma_start3A_161 = arith.constant 1 : i32
    %dma_start3A_162 = arith.constant 1 : i32
    %dma_start3A_163 = arith.constant 0 : i32
    %dma_start3A_164 = arith.constant 0 : i32
    %dma_start3A_165 = tpu.memref_slice %arg9[%dma_start3A_162, %dma_start3A_163, %dma_start3A_164] : memref<2x128x128xf32, #tpu.memory_space<vmem>> -> memref<1x128x128xf32, #tpu.memory_space<vmem>>
    %dma_start3A_166 = tpu.memref_squeeze %dma_start3A_165 : memref<1x128x128xf32, #tpu.memory_space<vmem>> -> memref<128x128xf32, #tpu.memory_space<vmem>>
    %dma_start3A_167 = arith.constant 0 : i32
    %dma_start3A_168 = tpu.memref_slice %arg7[%dma_start3A_161, %dma_start3A_167] : memref<4x128xi32, #tpu.memory_space<vmem>> -> memref<1x128xi32, #tpu.memory_space<vmem>>
    %dma_start3A_169 = tpu.memref_squeeze %dma_start3A_168 : memref<1x128xi32, #tpu.memory_space<vmem>> -> memref<128xi32, #tpu.memory_space<vmem>>
    %dma_start3A_170 = arith.constant 0 : i32
    %dma_start3A_171 = arith.constant 0 : i32
    %dma_start3A_172 = tpu.memref_slice %arg2[%dma_start3A_170, %dma_start3A_171] : memref<10240x128xf32, #tpu.memory_space<hbm>> -> memref<10240x128xf32, #tpu.memory_space<hbm>>
    tpu.enqueue_indirect_dma source(%dma_start3A_172 : memref<10240x128xf32, #tpu.memory_space<hbm>>) target(%dma_start3A_166 : memref<128x128xf32, #tpu.memory_space<vmem>>) offsets(%dma_start3A_169 : memref<128xi32, #tpu.memory_space<vmem>>) semaphore(%arg13 : memref<!tpu.dma_semaphore, #tpu.memory_space<semaphore_mem>>)
    %dma_wait3A_173 = arith.constant 0 : i32
    %dma_wait3A_174 = arith.constant 0 : i32
    %dma_wait3A_175 = arith.constant 0 : i32
    %dma_wait3A_176 = arith.constant 0 : i32
    %dma_wait3A_177 = tpu.memref_slice %arg9[%dma_wait3A_174, %dma_wait3A_175, %dma_wait3A_176] : memref<2x128x128xf32, #tpu.memory_space<vmem>> -> memref<1x128x128xf32, #tpu.memory_space<vmem>>
    %dma_wait3A_178 = tpu.memref_squeeze %dma_wait3A_177 : memref<1x128x128xf32, #tpu.memory_space<vmem>> -> memref<128x128xf32, #tpu.memory_space<vmem>>
    %dma_wait3A_179 = arith.constant 0 : i32
    %dma_wait3A_180 = tpu.memref_slice %arg7[%dma_wait3A_173, %dma_wait3A_179] : memref<4x128xi32, #tpu.memory_space<vmem>> -> memref<1x128xi32, #tpu.memory_space<vmem>>
    %dma_wait3A_181 = tpu.memref_squeeze %dma_wait3A_180 : memref<1x128xi32, #tpu.memory_space<vmem>> -> memref<128xi32, #tpu.memory_space<vmem>>
    %dma_wait3A_182 = arith.constant 0 : i32
    %dma_wait3A_183 = arith.constant 0 : i32
    %dma_wait3A_184 = tpu.memref_slice %arg2[%dma_wait3A_182, %dma_wait3A_183] : memref<10240x128xf32, #tpu.memory_space<hbm>> -> memref<10240x128xf32, #tpu.memory_space<hbm>>
    tpu.wait_indirect_dma semaphore(%arg12 : memref<!tpu.dma_semaphore, #tpu.memory_space<semaphore_mem>>) src(%dma_wait3A_184 : memref<10240x128xf32, #tpu.memory_space<hbm>>) dst(%dma_wait3A_178 : memref<128x128xf32, #tpu.memory_space<vmem>>)
    %dma_start3A_185 = arith.constant 0 : i32
    %dma_start3A_186 = arith.constant 0 : i32
    %dma_start3A_187 = arith.constant 0 : i32
    %dma_start3A_188 = arith.constant 0 : i32
    %dma_start3A_189 = tpu.memref_slice %arg9[%dma_start3A_185, %dma_start3A_187, %dma_start3A_188] : memref<2x128x128xf32, #tpu.memory_space<vmem>> -> memref<1x128x128xf32, #tpu.memory_space<vmem>>
    %dma_start3A_190 = tpu.memref_squeeze %dma_start3A_189 : memref<1x128x128xf32, #tpu.memory_space<vmem>> -> memref<128x128xf32, #tpu.memory_space<vmem>>
    %dma_start3A_191 = arith.constant 0 : i32
    %dma_start3A_192 = tpu.memref_slice %arg8[%dma_start3A_186, %dma_start3A_191] : memref<4x128xi32, #tpu.memory_space<vmem>> -> memref<1x128xi32, #tpu.memory_space<vmem>>
    %dma_start3A_193 = tpu.memref_squeeze %dma_start3A_192 : memref<1x128xi32, #tpu.memory_space<vmem>> -> memref<128xi32, #tpu.memory_space<vmem>>
    %dma_start3A_194 = arith.constant 0 : i32
    %dma_start3A_195 = arith.constant 0 : i32
    %dma_start3A_196 = tpu.memref_slice %arg10[%dma_start3A_194, %dma_start3A_195] : memref<10240x128xf32, #tpu.memory_space<vmem_shared>> -> memref<10240x128xf32, #tpu.memory_space<vmem_shared>>
    tpu.enqueue_indirect_dma source(%dma_start3A_190 : memref<128x128xf32, #tpu.memory_space<vmem>>) target(%dma_start3A_196 : memref<10240x128xf32, #tpu.memory_space<vmem_shared>>) offsets(%dma_start3A_193 : memref<128xi32, #tpu.memory_space<vmem>>) semaphore(%arg14 : memref<!tpu.dma_semaphore, #tpu.memory_space<semaphore_mem>>) {add = true}
    %scan3A = arith.constant 0 : i32
    %scan3A_197 = arith.constant 0 : i32
    %scan3A_198 = arith.constant 19 : i32
    %scan3A_199 = arith.addi %scan3A_197, %scan3A_198 : i32
    %scan3A_200 = arith.constant 1 : i32
    scf.for %scan3A_437 = %scan3A_197 to %scan3A_199 step %scan3A_200  : i32 {
      %mul3A_438 = arith.constant 4 : i32
      %mul3A_439 = arith.muli %mul3A_438, %scan3A_437 : i32
      %add3A_440 = arith.constant 2 : i32
      %add3A_441 = arith.addi %add3A_440, %mul3A_439 : i32
      %dma_wait3A_442 = arith.constant 0 : i32
      %dma_wait3A_443 = arith.constant 0 : i32
      %dma_wait3A_444 = arith.constant 0 : i32
      %dma_wait3A_445 = arith.constant 0 : i32
      %dma_wait3A_446 = tpu.memref_slice %arg9[%dma_wait3A_442, %dma_wait3A_444, %dma_wait3A_445] : memref<2x128x128xf32, #tpu.memory_space<vmem>> -> memref<1x128x128xf32, #tpu.memory_space<vmem>>
      %dma_wait3A_447 = tpu.memref_squeeze %dma_wait3A_446 : memref<1x128x128xf32, #tpu.memory_space<vmem>> -> memref<128x128xf32, #tpu.memory_space<vmem>>
      %dma_wait3A_448 = arith.constant 0 : i32
      %dma_wait3A_449 = tpu.memref_slice %arg8[%dma_wait3A_443, %dma_wait3A_448] : memref<4x128xi32, #tpu.memory_space<vmem>> -> memref<1x128xi32, #tpu.memory_space<vmem>>
      %dma_wait3A_450 = tpu.memref_squeeze %dma_wait3A_449 : memref<1x128xi32, #tpu.memory_space<vmem>> -> memref<128xi32, #tpu.memory_space<vmem>>
      %dma_wait3A_451 = arith.constant 0 : i32
      %dma_wait3A_452 = arith.constant 0 : i32
      %dma_wait3A_453 = tpu.memref_slice %arg10[%dma_wait3A_451, %dma_wait3A_452] : memref<10240x128xf32, #tpu.memory_space<vmem_shared>> -> memref<10240x128xf32, #tpu.memory_space<vmem_shared>>
      tpu.wait_indirect_dma semaphore(%arg14 : memref<!tpu.dma_semaphore, #tpu.memory_space<semaphore_mem>>) src(%dma_wait3A_447 : memref<128x128xf32, #tpu.memory_space<vmem>>) dst(%dma_wait3A_453 : memref<10240x128xf32, #tpu.memory_space<vmem_shared>>)
      %dma_wait3A_454 = arith.constant 2 : i32
      %dma_wait3A_455 = arith.constant 0 : i32
      %dma_wait3A_456 = tpu.memref_slice %arg7[%dma_wait3A_454, %dma_wait3A_455] : memref<4x128xi32, #tpu.memory_space<vmem>> -> memref<1x128xi32, #tpu.memory_space<vmem>>
      %dma_wait3A_457 = tpu.memref_squeeze %dma_wait3A_456 : memref<1x128xi32, #tpu.memory_space<vmem>> -> memref<128xi32, #tpu.memory_space<vmem>>
      %dma_wait3A_458 = arith.constant 0 : i32
      %dma_wait3A_459 = tpu.memref_slice %arg3[%mul3A_2, %dma_wait3A_458] : memref<2560x128xi32, #tpu.memory_space<hbm>> -> memref<1x128xi32, #tpu.memory_space<hbm>>
      %dma_wait3A_460 = tpu.memref_squeeze %dma_wait3A_459 : memref<1x128xi32, #tpu.memory_space<hbm>> -> memref<128xi32, #tpu.memory_space<hbm>>
      %dma_wait3A_461 = arith.constant 0 : i32
      %dma_wait3A_462 = tpu.memref_slice %arg7[%dma_wait3A_454, %dma_wait3A_461] : memref<4x128xi32, #tpu.memory_space<vmem>> -> memref<1x128xi32, #tpu.memory_space<vmem>>
      %dma_wait3A_463 = tpu.memref_squeeze %dma_wait3A_462 : memref<1x128xi32, #tpu.memory_space<vmem>> -> memref<128xi32, #tpu.memory_space<vmem>>
      %dma_wait3A_464 = arith.constant 0 : i32
      %dma_wait3A_465 = tpu.memref_slice %arg3[%mul3A_2, %dma_wait3A_464] : memref<2560x128xi32, #tpu.memory_space<hbm>> -> memref<1x128xi32, #tpu.memory_space<hbm>>
      %dma_wait3A_466 = tpu.memref_squeeze %dma_wait3A_465 : memref<1x128xi32, #tpu.memory_space<hbm>> -> memref<128xi32, #tpu.memory_space<hbm>>
      tpu.wait_dma2 semaphore(%arg11 : memref<!tpu.dma_semaphore, #tpu.memory_space<semaphore_mem>>) src(%dma_wait3A_466 : memref<128xi32, #tpu.memory_space<hbm>>) dst(%dma_wait3A_463 : memref<128xi32, #tpu.memory_space<vmem>>)
      %dma_wait3A_467 = arith.constant 2 : i32
      %dma_wait3A_468 = arith.constant 0 : i32
      %dma_wait3A_469 = tpu.memref_slice %arg8[%dma_wait3A_467, %dma_wait3A_468] : memref<4x128xi32, #tpu.memory_space<vmem>> -> memref<1x128xi32, #tpu.memory_space<vmem>>
      %dma_wait3A_470 = tpu.memref_squeeze %dma_wait3A_469 : memref<1x128xi32, #tpu.memory_space<vmem>> -> memref<128xi32, #tpu.memory_space<vmem>>
      %dma_wait3A_471 = arith.constant 0 : i32
      %dma_wait3A_472 = tpu.memref_slice %arg4[%mul3A_2, %dma_wait3A_471] : memref<2560x128xi32, #tpu.memory_space<hbm>> -> memref<1x128xi32, #tpu.memory_space<hbm>>
      %dma_wait3A_473 = tpu.memref_squeeze %dma_wait3A_472 : memref<1x128xi32, #tpu.memory_space<hbm>> -> memref<128xi32, #tpu.memory_space<hbm>>
      %dma_wait3A_474 = arith.constant 0 : i32
      %dma_wait3A_475 = tpu.memref_slice %arg8[%dma_wait3A_467, %dma_wait3A_474] : memref<4x128xi32, #tpu.memory_space<vmem>> -> memref<1x128xi32, #tpu.memory_space<vmem>>
      %dma_wait3A_476 = tpu.memref_squeeze %dma_wait3A_475 : memref<1x128xi32, #tpu.memory_space<vmem>> -> memref<128xi32, #tpu.memory_space<vmem>>
      %dma_wait3A_477 = arith.constant 0 : i32
      %dma_wait3A_478 = tpu.memref_slice %arg4[%mul3A_2, %dma_wait3A_477] : memref<2560x128xi32, #tpu.memory_space<hbm>> -> memref<1x128xi32, #tpu.memory_space<hbm>>
      %dma_wait3A_479 = tpu.memref_squeeze %dma_wait3A_478 : memref<1x128xi32, #tpu.memory_space<hbm>> -> memref<128xi32, #tpu.memory_space<hbm>>
      tpu.wait_dma2 semaphore(%arg11 : memref<!tpu.dma_semaphore, #tpu.memory_space<semaphore_mem>>) src(%dma_wait3A_479 : memref<128xi32, #tpu.memory_space<hbm>>) dst(%dma_wait3A_476 : memref<128xi32, #tpu.memory_space<vmem>>)
      %add3A_480 = arith.addi %mul3A_2, %add3A_441 : i32
      %add3A_481 = arith.constant 1 : i32
      %add3A_482 = arith.addi %add3A_480, %add3A_481 : i32
      %dma_start3A_483 = arith.constant 3 : i32
      %dma_start3A_484 = arith.constant 0 : i32
      %dma_start3A_485 = tpu.memref_slice %arg7[%dma_start3A_483, %dma_start3A_484] : memref<4x128xi32, #tpu.memory_space<vmem>> -> memref<1x128xi32, #tpu.memory_space<vmem>>
      %dma_start3A_486 = tpu.memref_squeeze %dma_start3A_485 : memref<1x128xi32, #tpu.memory_space<vmem>> -> memref<128xi32, #tpu.memory_space<vmem>>
      %dma_start3A_487 = arith.constant 0 : i32
      %dma_start3A_488 = tpu.memref_slice %arg3[%add3A_482, %dma_start3A_487] : memref<2560x128xi32, #tpu.memory_space<hbm>> -> memref<1x128xi32, #tpu.memory_space<hbm>>
      %dma_start3A_489 = tpu.memref_squeeze %dma_start3A_488 : memref<1x128xi32, #tpu.memory_space<hbm>> -> memref<128xi32, #tpu.memory_space<hbm>>
      %dma_start3A_490 = arith.constant 0 : i32
      %dma_start3A_491 = tpu.memref_slice %arg7[%dma_start3A_483, %dma_start3A_490] : memref<4x128xi32, #tpu.memory_space<vmem>> -> memref<1x128xi32, #tpu.memory_space<vmem>>
      %dma_start3A_492 = tpu.memref_squeeze %dma_start3A_491 : memref<1x128xi32, #tpu.memory_space<vmem>> -> memref<128xi32, #tpu.memory_space<vmem>>
      %dma_start3A_493 = arith.constant 0 : i32
      %dma_start3A_494 = tpu.memref_slice %arg3[%add3A_482, %dma_start3A_493] : memref<2560x128xi32, #tpu.memory_space<hbm>> -> memref<1x128xi32, #tpu.memory_space<hbm>>
      %dma_start3A_495 = tpu.memref_squeeze %dma_start3A_494 : memref<1x128xi32, #tpu.memory_space<hbm>> -> memref<128xi32, #tpu.memory_space<hbm>>
      tpu.enqueue_dma source(%dma_start3A_495 : memref<128xi32, #tpu.memory_space<hbm>>) target(%dma_start3A_492 : memref<128xi32, #tpu.memory_space<vmem>>) target_semaphore(%arg11 : memref<!tpu.dma_semaphore, #tpu.memory_space<semaphore_mem>>)
      %add3A_496 = arith.addi %mul3A_2, %add3A_441 : i32
      %add3A_497 = arith.constant 1 : i32
      %add3A_498 = arith.addi %add3A_496, %add3A_497 : i32
      %dma_start3A_499 = arith.constant 3 : i32
      %dma_start3A_500 = arith.constant 0 : i32
      %dma_start3A_501 = tpu.memref_slice %arg8[%dma_start3A_499, %dma_start3A_500] : memref<4x128xi32, #tpu.memory_space<vmem>> -> memref<1x128xi32, #tpu.memory_space<vmem>>
      %dma_start3A_502 = tpu.memref_squeeze %dma_start3A_501 : memref<1x128xi32, #tpu.memory_space<vmem>> -> memref<128xi32, #tpu.memory_space<vmem>>
      %dma_start3A_503 = arith.constant 0 : i32
      %dma_start3A_504 = tpu.memref_slice %arg4[%add3A_498, %dma_start3A_503] : memref<2560x128xi32, #tpu.memory_space<hbm>> -> memref<1x128xi32, #tpu.memory_space<hbm>>
      %dma_start3A_505 = tpu.memref_squeeze %dma_start3A_504 : memref<1x128xi32, #tpu.memory_space<hbm>> -> memref<128xi32, #tpu.memory_space<hbm>>
      %dma_start3A_506 = arith.constant 0 : i32
      %dma_start3A_507 = tpu.memref_slice %arg8[%dma_start3A_499, %dma_start3A_506] : memref<4x128xi32, #tpu.memory_space<vmem>> -> memref<1x128xi32, #tpu.memory_space<vmem>>
      %dma_start3A_508 = tpu.memref_squeeze %dma_start3A_507 : memref<1x128xi32, #tpu.memory_space<vmem>> -> memref<128xi32, #tpu.memory_space<vmem>>
      %dma_start3A_509 = arith.constant 0 : i32
      %dma_start3A_510 = tpu.memref_slice %arg4[%add3A_498, %dma_start3A_509] : memref<2560x128xi32, #tpu.memory_space<hbm>> -> memref<1x128xi32, #tpu.memory_space<hbm>>
      %dma_start3A_511 = tpu.memref_squeeze %dma_start3A_510 : memref<1x128xi32, #tpu.memory_space<hbm>> -> memref<128xi32, #tpu.memory_space<hbm>>
      tpu.enqueue_dma source(%dma_start3A_511 : memref<128xi32, #tpu.memory_space<hbm>>) target(%dma_start3A_508 : memref<128xi32, #tpu.memory_space<vmem>>) target_semaphore(%arg11 : memref<!tpu.dma_semaphore, #tpu.memory_space<semaphore_mem>>)
      %dma_start3A_512 = arith.constant 2 : i32
      %dma_start3A_513 = arith.constant 0 : i32
      %dma_start3A_514 = arith.constant 0 : i32
      %dma_start3A_515 = arith.constant 0 : i32
      %dma_start3A_516 = tpu.memref_slice %arg9[%dma_start3A_513, %dma_start3A_514, %dma_start3A_515] : memref<2x128x128xf32, #tpu.memory_space<vmem>> -> memref<1x128x128xf32, #tpu.memory_space<vmem>>
      %dma_start3A_517 = tpu.memref_squeeze %dma_start3A_516 : memref<1x128x128xf32, #tpu.memory_space<vmem>> -> memref<128x128xf32, #tpu.memory_space<vmem>>
      %dma_start3A_518 = arith.constant 0 : i32
      %dma_start3A_519 = tpu.memref_slice %arg7[%dma_start3A_512, %dma_start3A_518] : memref<4x128xi32, #tpu.memory_space<vmem>> -> memref<1x128xi32, #tpu.memory_space<vmem>>
      %dma_start3A_520 = tpu.memref_squeeze %dma_start3A_519 : memref<1x128xi32, #tpu.memory_space<vmem>> -> memref<128xi32, #tpu.memory_space<vmem>>
      %dma_start3A_521 = arith.constant 0 : i32
      %dma_start3A_522 = arith.constant 0 : i32
      %dma_start3A_523 = tpu.memref_slice %arg2[%dma_start3A_521, %dma_start3A_522] : memref<10240x128xf32, #tpu.memory_space<hbm>> -> memref<10240x128xf32, #tpu.memory_space<hbm>>
      tpu.enqueue_indirect_dma source(%dma_start3A_523 : memref<10240x128xf32, #tpu.memory_space<hbm>>) target(%dma_start3A_517 : memref<128x128xf32, #tpu.memory_space<vmem>>) offsets(%dma_start3A_520 : memref<128xi32, #tpu.memory_space<vmem>>) semaphore(%arg12 : memref<!tpu.dma_semaphore, #tpu.memory_space<semaphore_mem>>)
      %dma_wait3A_524 = arith.constant 1 : i32
      %dma_wait3A_525 = arith.constant 1 : i32
      %dma_wait3A_526 = arith.constant 0 : i32
      %dma_wait3A_527 = arith.constant 0 : i32
      %dma_wait3A_528 = tpu.memref_slice %arg9[%dma_wait3A_525, %dma_wait3A_526, %dma_wait3A_527] : memref<2x128x128xf32, #tpu.memory_space<vmem>> -> memref<1x128x128xf32, #tpu.memory_space<vmem>>
      %dma_wait3A_529 = tpu.memref_squeeze %dma_wait3A_528 : memref<1x128x128xf32, #tpu.memory_space<vmem>> -> memref<128x128xf32, #tpu.memory_space<vmem>>
      %dma_wait3A_530 = arith.constant 0 : i32
      %dma_wait3A_531 = tpu.memref_slice %arg7[%dma_wait3A_524, %dma_wait3A_530] : memref<4x128xi32, #tpu.memory_space<vmem>> -> memref<1x128xi32, #tpu.memory_space<vmem>>
      %dma_wait3A_532 = tpu.memref_squeeze %dma_wait3A_531 : memref<1x128xi32, #tpu.memory_space<vmem>> -> memref<128xi32, #tpu.memory_space<vmem>>
      %dma_wait3A_533 = arith.constant 0 : i32
      %dma_wait3A_534 = arith.constant 0 : i32
      %dma_wait3A_535 = tpu.memref_slice %arg2[%dma_wait3A_533, %dma_wait3A_534] : memref<10240x128xf32, #tpu.memory_space<hbm>> -> memref<10240x128xf32, #tpu.memory_space<hbm>>
      tpu.wait_indirect_dma semaphore(%arg13 : memref<!tpu.dma_semaphore, #tpu.memory_space<semaphore_mem>>) src(%dma_wait3A_535 : memref<10240x128xf32, #tpu.memory_space<hbm>>) dst(%dma_wait3A_529 : memref<128x128xf32, #tpu.memory_space<vmem>>)
      %dma_start3A_536 = arith.constant 1 : i32
      %dma_start3A_537 = arith.constant 1 : i32
      %dma_start3A_538 = arith.constant 0 : i32
      %dma_start3A_539 = arith.constant 0 : i32
      %dma_start3A_540 = tpu.memref_slice %arg9[%dma_start3A_536, %dma_start3A_538, %dma_start3A_539] : memref<2x128x128xf32, #tpu.memory_space<vmem>> -> memref<1x128x128xf32, #tpu.memory_space<vmem>>
      %dma_start3A_541 = tpu.memref_squeeze %dma_start3A_540 : memref<1x128x128xf32, #tpu.memory_space<vmem>> -> memref<128x128xf32, #tpu.memory_space<vmem>>
      %dma_start3A_542 = arith.constant 0 : i32
      %dma_start3A_543 = tpu.memref_slice %arg8[%dma_start3A_537, %dma_start3A_542] : memref<4x128xi32, #tpu.memory_space<vmem>> -> memref<1x128xi32, #tpu.memory_space<vmem>>
      %dma_start3A_544 = tpu.memref_squeeze %dma_start3A_543 : memref<1x128xi32, #tpu.memory_space<vmem>> -> memref<128xi32, #tpu.memory_space<vmem>>
      %dma_start3A_545 = arith.constant 0 : i32
      %dma_start3A_546 = arith.constant 0 : i32
      %dma_start3A_547 = tpu.memref_slice %arg10[%dma_start3A_545, %dma_start3A_546] : memref<10240x128xf32, #tpu.memory_space<vmem_shared>> -> memref<10240x128xf32, #tpu.memory_space<vmem_shared>>
      tpu.enqueue_indirect_dma source(%dma_start3A_541 : memref<128x128xf32, #tpu.memory_space<vmem>>) target(%dma_start3A_547 : memref<10240x128xf32, #tpu.memory_space<vmem_shared>>) offsets(%dma_start3A_544 : memref<128xi32, #tpu.memory_space<vmem>>) semaphore(%arg15 : memref<!tpu.dma_semaphore, #tpu.memory_space<semaphore_mem>>) {add = true}
      %add3A_548 = arith.constant 1 : i32
      %add3A_549 = arith.addi %add3A_441, %add3A_548 : i32
      %dma_wait3A_550 = arith.constant 1 : i32
      %dma_wait3A_551 = arith.constant 1 : i32
      %dma_wait3A_552 = arith.constant 0 : i32
      %dma_wait3A_553 = arith.constant 0 : i32
      %dma_wait3A_554 = tpu.memref_slice %arg9[%dma_wait3A_550, %dma_wait3A_552, %dma_wait3A_553] : memref<2x128x128xf32, #tpu.memory_space<vmem>> -> memref<1x128x128xf32, #tpu.memory_space<vmem>>
      %dma_wait3A_555 = tpu.memref_squeeze %dma_wait3A_554 : memref<1x128x128xf32, #tpu.memory_space<vmem>> -> memref<128x128xf32, #tpu.memory_space<vmem>>
      %dma_wait3A_556 = arith.constant 0 : i32
      %dma_wait3A_557 = tpu.memref_slice %arg8[%dma_wait3A_551, %dma_wait3A_556] : memref<4x128xi32, #tpu.memory_space<vmem>> -> memref<1x128xi32, #tpu.memory_space<vmem>>
      %dma_wait3A_558 = tpu.memref_squeeze %dma_wait3A_557 : memref<1x128xi32, #tpu.memory_space<vmem>> -> memref<128xi32, #tpu.memory_space<vmem>>
      %dma_wait3A_559 = arith.constant 0 : i32
      %dma_wait3A_560 = arith.constant 0 : i32
      %dma_wait3A_561 = tpu.memref_slice %arg10[%dma_wait3A_559, %dma_wait3A_560] : memref<10240x128xf32, #tpu.memory_space<vmem_shared>> -> memref<10240x128xf32, #tpu.memory_space<vmem_shared>>
      tpu.wait_indirect_dma semaphore(%arg15 : memref<!tpu.dma_semaphore, #tpu.memory_space<semaphore_mem>>) src(%dma_wait3A_555 : memref<128x128xf32, #tpu.memory_space<vmem>>) dst(%dma_wait3A_561 : memref<10240x128xf32, #tpu.memory_space<vmem_shared>>)
      %dma_wait3A_562 = arith.constant 3 : i32
      %dma_wait3A_563 = arith.constant 0 : i32
      %dma_wait3A_564 = tpu.memref_slice %arg7[%dma_wait3A_562, %dma_wait3A_563] : memref<4x128xi32, #tpu.memory_space<vmem>> -> memref<1x128xi32, #tpu.memory_space<vmem>>
      %dma_wait3A_565 = tpu.memref_squeeze %dma_wait3A_564 : memref<1x128xi32, #tpu.memory_space<vmem>> -> memref<128xi32, #tpu.memory_space<vmem>>
      %dma_wait3A_566 = arith.constant 0 : i32
      %dma_wait3A_567 = tpu.memref_slice %arg3[%mul3A_2, %dma_wait3A_566] : memref<2560x128xi32, #tpu.memory_space<hbm>> -> memref<1x128xi32, #tpu.memory_space<hbm>>
      %dma_wait3A_568 = tpu.memref_squeeze %dma_wait3A_567 : memref<1x128xi32, #tpu.memory_space<hbm>> -> memref<128xi32, #tpu.memory_space<hbm>>
      %dma_wait3A_569 = arith.constant 0 : i32
      %dma_wait3A_570 = tpu.memref_slice %arg7[%dma_wait3A_562, %dma_wait3A_569] : memref<4x128xi32, #tpu.memory_space<vmem>> -> memref<1x128xi32, #tpu.memory_space<vmem>>
      %dma_wait3A_571 = tpu.memref_squeeze %dma_wait3A_570 : memref<1x128xi32, #tpu.memory_space<vmem>> -> memref<128xi32, #tpu.memory_space<vmem>>
      %dma_wait3A_572 = arith.constant 0 : i32
      %dma_wait3A_573 = tpu.memref_slice %arg3[%mul3A_2, %dma_wait3A_572] : memref<2560x128xi32, #tpu.memory_space<hbm>> -> memref<1x128xi32, #tpu.memory_space<hbm>>
      %dma_wait3A_574 = tpu.memref_squeeze %dma_wait3A_573 : memref<1x128xi32, #tpu.memory_space<hbm>> -> memref<128xi32, #tpu.memory_space<hbm>>
      tpu.wait_dma2 semaphore(%arg11 : memref<!tpu.dma_semaphore, #tpu.memory_space<semaphore_mem>>) src(%dma_wait3A_574 : memref<128xi32, #tpu.memory_space<hbm>>) dst(%dma_wait3A_571 : memref<128xi32, #tpu.memory_space<vmem>>)
      %dma_wait3A_575 = arith.constant 3 : i32
      %dma_wait3A_576 = arith.constant 0 : i32
      %dma_wait3A_577 = tpu.memref_slice %arg8[%dma_wait3A_575, %dma_wait3A_576] : memref<4x128xi32, #tpu.memory_space<vmem>> -> memref<1x128xi32, #tpu.memory_space<vmem>>
      %dma_wait3A_578 = tpu.memref_squeeze %dma_wait3A_577 : memref<1x128xi32, #tpu.memory_space<vmem>> -> memref<128xi32, #tpu.memory_space<vmem>>
      %dma_wait3A_579 = arith.constant 0 : i32
      %dma_wait3A_580 = tpu.memref_slice %arg4[%mul3A_2, %dma_wait3A_579] : memref<2560x128xi32, #tpu.memory_space<hbm>> -> memref<1x128xi32, #tpu.memory_space<hbm>>
      %dma_wait3A_581 = tpu.memref_squeeze %dma_wait3A_580 : memref<1x128xi32, #tpu.memory_space<hbm>> -> memref<128xi32, #tpu.memory_space<hbm>>
      %dma_wait3A_582 = arith.constant 0 : i32
      %dma_wait3A_583 = tpu.memref_slice %arg8[%dma_wait3A_575, %dma_wait3A_582] : memref<4x128xi32, #tpu.memory_space<vmem>> -> memref<1x128xi32, #tpu.memory_space<vmem>>
      %dma_wait3A_584 = tpu.memref_squeeze %dma_wait3A_583 : memref<1x128xi32, #tpu.memory_space<vmem>> -> memref<128xi32, #tpu.memory_space<vmem>>
      %dma_wait3A_585 = arith.constant 0 : i32
      %dma_wait3A_586 = tpu.memref_slice %arg4[%mul3A_2, %dma_wait3A_585] : memref<2560x128xi32, #tpu.memory_space<hbm>> -> memref<1x128xi32, #tpu.memory_space<hbm>>
      %dma_wait3A_587 = tpu.memref_squeeze %dma_wait3A_586 : memref<1x128xi32, #tpu.memory_space<hbm>> -> memref<128xi32, #tpu.memory_space<hbm>>
      tpu.wait_dma2 semaphore(%arg11 : memref<!tpu.dma_semaphore, #tpu.memory_space<semaphore_mem>>) src(%dma_wait3A_587 : memref<128xi32, #tpu.memory_space<hbm>>) dst(%dma_wait3A_584 : memref<128xi32, #tpu.memory_space<vmem>>)
      %add3A_588 = arith.addi %mul3A_2, %add3A_549 : i32
      %add3A_589 = arith.constant 1 : i32
      %add3A_590 = arith.addi %add3A_588, %add3A_589 : i32
      %dma_start3A_591 = arith.constant 0 : i32
      %dma_start3A_592 = arith.constant 0 : i32
      %dma_start3A_593 = tpu.memref_slice %arg7[%dma_start3A_591, %dma_start3A_592] : memref<4x128xi32, #tpu.memory_space<vmem>> -> memref<1x128xi32, #tpu.memory_space<vmem>>
      %dma_start3A_594 = tpu.memref_squeeze %dma_start3A_593 : memref<1x128xi32, #tpu.memory_space<vmem>> -> memref<128xi32, #tpu.memory_space<vmem>>
      %dma_start3A_595 = arith.constant 0 : i32
      %dma_start3A_596 = tpu.memref_slice %arg3[%add3A_590, %dma_start3A_595] : memref<2560x128xi32, #tpu.memory_space<hbm>> -> memref<1x128xi32, #tpu.memory_space<hbm>>
      %dma_start3A_597 = tpu.memref_squeeze %dma_start3A_596 : memref<1x128xi32, #tpu.memory_space<hbm>> -> memref<128xi32, #tpu.memory_space<hbm>>
      %dma_start3A_598 = arith.constant 0 : i32
      %dma_start3A_599 = tpu.memref_slice %arg7[%dma_start3A_591, %dma_start3A_598] : memref<4x128xi32, #tpu.memory_space<vmem>> -> memref<1x128xi32, #tpu.memory_space<vmem>>
      %dma_start3A_600 = tpu.memref_squeeze %dma_start3A_599 : memref<1x128xi32, #tpu.memory_space<vmem>> -> memref<128xi32, #tpu.memory_space<vmem>>
      %dma_start3A_601 = arith.constant 0 : i32
      %dma_start3A_602 = tpu.memref_slice %arg3[%add3A_590, %dma_start3A_601] : memref<2560x128xi32, #tpu.memory_space<hbm>> -> memref<1x128xi32, #tpu.memory_space<hbm>>
      %dma_start3A_603 = tpu.memref_squeeze %dma_start3A_602 : memref<1x128xi32, #tpu.memory_space<hbm>> -> memref<128xi32, #tpu.memory_space<hbm>>
      tpu.enqueue_dma source(%dma_start3A_603 : memref<128xi32, #tpu.memory_space<hbm>>) target(%dma_start3A_600 : memref<128xi32, #tpu.memory_space<vmem>>) target_semaphore(%arg11 : memref<!tpu.dma_semaphore, #tpu.memory_space<semaphore_mem>>)
      %add3A_604 = arith.addi %mul3A_2, %add3A_549 : i32
      %add3A_605 = arith.constant 1 : i32
      %add3A_606 = arith.addi %add3A_604, %add3A_605 : i32
      %dma_start3A_607 = arith.constant 0 : i32
      %dma_start3A_608 = arith.constant 0 : i32
      %dma_start3A_609 = tpu.memref_slice %arg8[%dma_start3A_607, %dma_start3A_608] : memref<4x128xi32, #tpu.memory_space<vmem>> -> memref<1x128xi32, #tpu.memory_space<vmem>>
      %dma_start3A_610 = tpu.memref_squeeze %dma_start3A_609 : memref<1x128xi32, #tpu.memory_space<vmem>> -> memref<128xi32, #tpu.memory_space<vmem>>
      %dma_start3A_611 = arith.constant 0 : i32
      %dma_start3A_612 = tpu.memref_slice %arg4[%add3A_606, %dma_start3A_611] : memref<2560x128xi32, #tpu.memory_space<hbm>> -> memref<1x128xi32, #tpu.memory_space<hbm>>
      %dma_start3A_613 = tpu.memref_squeeze %dma_start3A_612 : memref<1x128xi32, #tpu.memory_space<hbm>> -> memref<128xi32, #tpu.memory_space<hbm>>
      %dma_start3A_614 = arith.constant 0 : i32
      %dma_start3A_615 = tpu.memref_slice %arg8[%dma_start3A_607, %dma_start3A_614] : memref<4x128xi32, #tpu.memory_space<vmem>> -> memref<1x128xi32, #tpu.memory_space<vmem>>
      %dma_start3A_616 = tpu.memref_squeeze %dma_start3A_615 : memref<1x128xi32, #tpu.memory_space<vmem>> -> memref<128xi32, #tpu.memory_space<vmem>>
      %dma_start3A_617 = arith.constant 0 : i32
      %dma_start3A_618 = tpu.memref_slice %arg4[%add3A_606, %dma_start3A_617] : memref<2560x128xi32, #tpu.memory_space<hbm>> -> memref<1x128xi32, #tpu.memory_space<hbm>>
      %dma_start3A_619 = tpu.memref_squeeze %dma_start3A_618 : memref<1x128xi32, #tpu.memory_space<hbm>> -> memref<128xi32, #tpu.memory_space<hbm>>
      tpu.enqueue_dma source(%dma_start3A_619 : memref<128xi32, #tpu.memory_space<hbm>>) target(%dma_start3A_616 : memref<128xi32, #tpu.memory_space<vmem>>) target_semaphore(%arg11 : memref<!tpu.dma_semaphore, #tpu.memory_space<semaphore_mem>>)
      %dma_start3A_620 = arith.constant 3 : i32
      %dma_start3A_621 = arith.constant 1 : i32
      %dma_start3A_622 = arith.constant 0 : i32
      %dma_start3A_623 = arith.constant 0 : i32
      %dma_start3A_624 = tpu.memref_slice %arg9[%dma_start3A_621, %dma_start3A_622, %dma_start3A_623] : memref<2x128x128xf32, #tpu.memory_space<vmem>> -> memref<1x128x128xf32, #tpu.memory_space<vmem>>
      %dma_start3A_625 = tpu.memref_squeeze %dma_start3A_624 : memref<1x128x128xf32, #tpu.memory_space<vmem>> -> memref<128x128xf32, #tpu.memory_space<vmem>>
      %dma_start3A_626 = arith.constant 0 : i32
      %dma_start3A_627 = tpu.memref_slice %arg7[%dma_start3A_620, %dma_start3A_626] : memref<4x128xi32, #tpu.memory_space<vmem>> -> memref<1x128xi32, #tpu.memory_space<vmem>>
      %dma_start3A_628 = tpu.memref_squeeze %dma_start3A_627 : memref<1x128xi32, #tpu.memory_space<vmem>> -> memref<128xi32, #tpu.memory_space<vmem>>
      %dma_start3A_629 = arith.constant 0 : i32
      %dma_start3A_630 = arith.constant 0 : i32
      %dma_start3A_631 = tpu.memref_slice %arg2[%dma_start3A_629, %dma_start3A_630] : memref<10240x128xf32, #tpu.memory_space<hbm>> -> memref<10240x128xf32, #tpu.memory_space<hbm>>
      tpu.enqueue_indirect_dma source(%dma_start3A_631 : memref<10240x128xf32, #tpu.memory_space<hbm>>) target(%dma_start3A_625 : memref<128x128xf32, #tpu.memory_space<vmem>>) offsets(%dma_start3A_628 : memref<128xi32, #tpu.memory_space<vmem>>) semaphore(%arg13 : memref<!tpu.dma_semaphore, #tpu.memory_space<semaphore_mem>>)
      %dma_wait3A_632 = arith.constant 2 : i32
      %dma_wait3A_633 = arith.constant 0 : i32
      %dma_wait3A_634 = arith.constant 0 : i32
      %dma_wait3A_635 = arith.constant 0 : i32
      %dma_wait3A_636 = tpu.memref_slice %arg9[%dma_wait3A_633, %dma_wait3A_634, %dma_wait3A_635] : memref<2x128x128xf32, #tpu.memory_space<vmem>> -> memref<1x128x128xf32, #tpu.memory_space<vmem>>
      %dma_wait3A_637 = tpu.memref_squeeze %dma_wait3A_636 : memref<1x128x128xf32, #tpu.memory_space<vmem>> -> memref<128x128xf32, #tpu.memory_space<vmem>>
      %dma_wait3A_638 = arith.constant 0 : i32
      %dma_wait3A_639 = tpu.memref_slice %arg7[%dma_wait3A_632, %dma_wait3A_638] : memref<4x128xi32, #tpu.memory_space<vmem>> -> memref<1x128xi32, #tpu.memory_space<vmem>>
      %dma_wait3A_640 = tpu.memref_squeeze %dma_wait3A_639 : memref<1x128xi32, #tpu.memory_space<vmem>> -> memref<128xi32, #tpu.memory_space<vmem>>
      %dma_wait3A_641 = arith.constant 0 : i32
      %dma_wait3A_642 = arith.constant 0 : i32
      %dma_wait3A_643 = tpu.memref_slice %arg2[%dma_wait3A_641, %dma_wait3A_642] : memref<10240x128xf32, #tpu.memory_space<hbm>> -> memref<10240x128xf32, #tpu.memory_space<hbm>>
      tpu.wait_indirect_dma semaphore(%arg12 : memref<!tpu.dma_semaphore, #tpu.memory_space<semaphore_mem>>) src(%dma_wait3A_643 : memref<10240x128xf32, #tpu.memory_space<hbm>>) dst(%dma_wait3A_637 : memref<128x128xf32, #tpu.memory_space<vmem>>)
      %dma_start3A_644 = arith.constant 0 : i32
      %dma_start3A_645 = arith.constant 2 : i32
      %dma_start3A_646 = arith.constant 0 : i32
      %dma_start3A_647 = arith.constant 0 : i32
      %dma_start3A_648 = tpu.memref_slice %arg9[%dma_start3A_644, %dma_start3A_646, %dma_start3A_647] : memref<2x128x128xf32, #tpu.memory_space<vmem>> -> memref<1x128x128xf32, #tpu.memory_space<vmem>>
      %dma_start3A_649 = tpu.memref_squeeze %dma_start3A_648 : memref<1x128x128xf32, #tpu.memory_space<vmem>> -> memref<128x128xf32, #tpu.memory_space<vmem>>
      %dma_start3A_650 = arith.constant 0 : i32
      %dma_start3A_651 = tpu.memref_slice %arg8[%dma_start3A_645, %dma_start3A_650] : memref<4x128xi32, #tpu.memory_space<vmem>> -> memref<1x128xi32, #tpu.memory_space<vmem>>
      %dma_start3A_652 = tpu.memref_squeeze %dma_start3A_651 : memref<1x128xi32, #tpu.memory_space<vmem>> -> memref<128xi32, #tpu.memory_space<vmem>>
      %dma_start3A_653 = arith.constant 0 : i32
      %dma_start3A_654 = arith.constant 0 : i32
      %dma_start3A_655 = tpu.memref_slice %arg10[%dma_start3A_653, %dma_start3A_654] : memref<10240x128xf32, #tpu.memory_space<vmem_shared>> -> memref<10240x128xf32, #tpu.memory_space<vmem_shared>>
      tpu.enqueue_indirect_dma source(%dma_start3A_649 : memref<128x128xf32, #tpu.memory_space<vmem>>) target(%dma_start3A_655 : memref<10240x128xf32, #tpu.memory_space<vmem_shared>>) offsets(%dma_start3A_652 : memref<128xi32, #tpu.memory_space<vmem>>) semaphore(%arg14 : memref<!tpu.dma_semaphore, #tpu.memory_space<semaphore_mem>>) {add = true}
      %add3A_656 = arith.constant 2 : i32
      %add3A_657 = arith.addi %add3A_441, %add3A_656 : i32
      %dma_wait3A_658 = arith.constant 0 : i32
      %dma_wait3A_659 = arith.constant 2 : i32
      %dma_wait3A_660 = arith.constant 0 : i32
      %dma_wait3A_661 = arith.constant 0 : i32
      %dma_wait3A_662 = tpu.memref_slice %arg9[%dma_wait3A_658, %dma_wait3A_660, %dma_wait3A_661] : memref<2x128x128xf32, #tpu.memory_space<vmem>> -> memref<1x128x128xf32, #tpu.memory_space<vmem>>
      %dma_wait3A_663 = tpu.memref_squeeze %dma_wait3A_662 : memref<1x128x128xf32, #tpu.memory_space<vmem>> -> memref<128x128xf32, #tpu.memory_space<vmem>>
      %dma_wait3A_664 = arith.constant 0 : i32
      %dma_wait3A_665 = tpu.memref_slice %arg8[%dma_wait3A_659, %dma_wait3A_664] : memref<4x128xi32, #tpu.memory_space<vmem>> -> memref<1x128xi32, #tpu.memory_space<vmem>>
      %dma_wait3A_666 = tpu.memref_squeeze %dma_wait3A_665 : memref<1x128xi32, #tpu.memory_space<vmem>> -> memref<128xi32, #tpu.memory_space<vmem>>
      %dma_wait3A_667 = arith.constant 0 : i32
      %dma_wait3A_668 = arith.constant 0 : i32
      %dma_wait3A_669 = tpu.memref_slice %arg10[%dma_wait3A_667, %dma_wait3A_668] : memref<10240x128xf32, #tpu.memory_space<vmem_shared>> -> memref<10240x128xf32, #tpu.memory_space<vmem_shared>>
      tpu.wait_indirect_dma semaphore(%arg14 : memref<!tpu.dma_semaphore, #tpu.memory_space<semaphore_mem>>) src(%dma_wait3A_663 : memref<128x128xf32, #tpu.memory_space<vmem>>) dst(%dma_wait3A_669 : memref<10240x128xf32, #tpu.memory_space<vmem_shared>>)
      %dma_wait3A_670 = arith.constant 0 : i32
      %dma_wait3A_671 = arith.constant 0 : i32
      %dma_wait3A_672 = tpu.memref_slice %arg7[%dma_wait3A_670, %dma_wait3A_671] : memref<4x128xi32, #tpu.memory_space<vmem>> -> memref<1x128xi32, #tpu.memory_space<vmem>>
      %dma_wait3A_673 = tpu.memref_squeeze %dma_wait3A_672 : memref<1x128xi32, #tpu.memory_space<vmem>> -> memref<128xi32, #tpu.memory_space<vmem>>
      %dma_wait3A_674 = arith.constant 0 : i32
      %dma_wait3A_675 = tpu.memref_slice %arg3[%mul3A_2, %dma_wait3A_674] : memref<2560x128xi32, #tpu.memory_space<hbm>> -> memref<1x128xi32, #tpu.memory_space<hbm>>
      %dma_wait3A_676 = tpu.memref_squeeze %dma_wait3A_675 : memref<1x128xi32, #tpu.memory_space<hbm>> -> memref<128xi32, #tpu.memory_space<hbm>>
      %dma_wait3A_677 = arith.constant 0 : i32
      %dma_wait3A_678 = tpu.memref_slice %arg7[%dma_wait3A_670, %dma_wait3A_677] : memref<4x128xi32, #tpu.memory_space<vmem>> -> memref<1x128xi32, #tpu.memory_space<vmem>>
      %dma_wait3A_679 = tpu.memref_squeeze %dma_wait3A_678 : memref<1x128xi32, #tpu.memory_space<vmem>> -> memref<128xi32, #tpu.memory_space<vmem>>
      %dma_wait3A_680 = arith.constant 0 : i32
      %dma_wait3A_681 = tpu.memref_slice %arg3[%mul3A_2, %dma_wait3A_680] : memref<2560x128xi32, #tpu.memory_space<hbm>> -> memref<1x128xi32, #tpu.memory_space<hbm>>
      %dma_wait3A_682 = tpu.memref_squeeze %dma_wait3A_681 : memref<1x128xi32, #tpu.memory_space<hbm>> -> memref<128xi32, #tpu.memory_space<hbm>>
      tpu.wait_dma2 semaphore(%arg11 : memref<!tpu.dma_semaphore, #tpu.memory_space<semaphore_mem>>) src(%dma_wait3A_682 : memref<128xi32, #tpu.memory_space<hbm>>) dst(%dma_wait3A_679 : memref<128xi32, #tpu.memory_space<vmem>>)
      %dma_wait3A_683 = arith.constant 0 : i32
      %dma_wait3A_684 = arith.constant 0 : i32
      %dma_wait3A_685 = tpu.memref_slice %arg8[%dma_wait3A_683, %dma_wait3A_684] : memref<4x128xi32, #tpu.memory_space<vmem>> -> memref<1x128xi32, #tpu.memory_space<vmem>>
      %dma_wait3A_686 = tpu.memref_squeeze %dma_wait3A_685 : memref<1x128xi32, #tpu.memory_space<vmem>> -> memref<128xi32, #tpu.memory_space<vmem>>
      %dma_wait3A_687 = arith.constant 0 : i32
      %dma_wait3A_688 = tpu.memref_slice %arg4[%mul3A_2, %dma_wait3A_687] : memref<2560x128xi32, #tpu.memory_space<hbm>> -> memref<1x128xi32, #tpu.memory_space<hbm>>
      %dma_wait3A_689 = tpu.memref_squeeze %dma_wait3A_688 : memref<1x128xi32, #tpu.memory_space<hbm>> -> memref<128xi32, #tpu.memory_space<hbm>>
      %dma_wait3A_690 = arith.constant 0 : i32
      %dma_wait3A_691 = tpu.memref_slice %arg8[%dma_wait3A_683, %dma_wait3A_690] : memref<4x128xi32, #tpu.memory_space<vmem>> -> memref<1x128xi32, #tpu.memory_space<vmem>>
      %dma_wait3A_692 = tpu.memref_squeeze %dma_wait3A_691 : memref<1x128xi32, #tpu.memory_space<vmem>> -> memref<128xi32, #tpu.memory_space<vmem>>
      %dma_wait3A_693 = arith.constant 0 : i32
      %dma_wait3A_694 = tpu.memref_slice %arg4[%mul3A_2, %dma_wait3A_693] : memref<2560x128xi32, #tpu.memory_space<hbm>> -> memref<1x128xi32, #tpu.memory_space<hbm>>
      %dma_wait3A_695 = tpu.memref_squeeze %dma_wait3A_694 : memref<1x128xi32, #tpu.memory_space<hbm>> -> memref<128xi32, #tpu.memory_space<hbm>>
      tpu.wait_dma2 semaphore(%arg11 : memref<!tpu.dma_semaphore, #tpu.memory_space<semaphore_mem>>) src(%dma_wait3A_695 : memref<128xi32, #tpu.memory_space<hbm>>) dst(%dma_wait3A_692 : memref<128xi32, #tpu.memory_space<vmem>>)
      %add3A_696 = arith.addi %mul3A_2, %add3A_657 : i32
      %add3A_697 = arith.constant 1 : i32
      %add3A_698 = arith.addi %add3A_696, %add3A_697 : i32
      %dma_start3A_699 = arith.constant 1 : i32
      %dma_start3A_700 = arith.constant 0 : i32
      %dma_start3A_701 = tpu.memref_slice %arg7[%dma_start3A_699, %dma_start3A_700] : memref<4x128xi32, #tpu.memory_space<vmem>> -> memref<1x128xi32, #tpu.memory_space<vmem>>
      %dma_start3A_702 = tpu.memref_squeeze %dma_start3A_701 : memref<1x128xi32, #tpu.memory_space<vmem>> -> memref<128xi32, #tpu.memory_space<vmem>>
      %dma_start3A_703 = arith.constant 0 : i32
      %dma_start3A_704 = tpu.memref_slice %arg3[%add3A_698, %dma_start3A_703] : memref<2560x128xi32, #tpu.memory_space<hbm>> -> memref<1x128xi32, #tpu.memory_space<hbm>>
      %dma_start3A_705 = tpu.memref_squeeze %dma_start3A_704 : memref<1x128xi32, #tpu.memory_space<hbm>> -> memref<128xi32, #tpu.memory_space<hbm>>
      %dma_start3A_706 = arith.constant 0 : i32
      %dma_start3A_707 = tpu.memref_slice %arg7[%dma_start3A_699, %dma_start3A_706] : memref<4x128xi32, #tpu.memory_space<vmem>> -> memref<1x128xi32, #tpu.memory_space<vmem>>
      %dma_start3A_708 = tpu.memref_squeeze %dma_start3A_707 : memref<1x128xi32, #tpu.memory_space<vmem>> -> memref<128xi32, #tpu.memory_space<vmem>>
      %dma_start3A_709 = arith.constant 0 : i32
      %dma_start3A_710 = tpu.memref_slice %arg3[%add3A_698, %dma_start3A_709] : memref<2560x128xi32, #tpu.memory_space<hbm>> -> memref<1x128xi32, #tpu.memory_space<hbm>>
      %dma_start3A_711 = tpu.memref_squeeze %dma_start3A_710 : memref<1x128xi32, #tpu.memory_space<hbm>> -> memref<128xi32, #tpu.memory_space<hbm>>
      tpu.enqueue_dma source(%dma_start3A_711 : memref<128xi32, #tpu.memory_space<hbm>>) target(%dma_start3A_708 : memref<128xi32, #tpu.memory_space<vmem>>) target_semaphore(%arg11 : memref<!tpu.dma_semaphore, #tpu.memory_space<semaphore_mem>>)
      %add3A_712 = arith.addi %mul3A_2, %add3A_657 : i32
      %add3A_713 = arith.constant 1 : i32
      %add3A_714 = arith.addi %add3A_712, %add3A_713 : i32
      %dma_start3A_715 = arith.constant 1 : i32
      %dma_start3A_716 = arith.constant 0 : i32
      %dma_start3A_717 = tpu.memref_slice %arg8[%dma_start3A_715, %dma_start3A_716] : memref<4x128xi32, #tpu.memory_space<vmem>> -> memref<1x128xi32, #tpu.memory_space<vmem>>
      %dma_start3A_718 = tpu.memref_squeeze %dma_start3A_717 : memref<1x128xi32, #tpu.memory_space<vmem>> -> memref<128xi32, #tpu.memory_space<vmem>>
      %dma_start3A_719 = arith.constant 0 : i32
      %dma_start3A_720 = tpu.memref_slice %arg4[%add3A_714, %dma_start3A_719] : memref<2560x128xi32, #tpu.memory_space<hbm>> -> memref<1x128xi32, #tpu.memory_space<hbm>>
      %dma_start3A_721 = tpu.memref_squeeze %dma_start3A_720 : memref<1x128xi32, #tpu.memory_space<hbm>> -> memref<128xi32, #tpu.memory_space<hbm>>
      %dma_start3A_722 = arith.constant 0 : i32
      %dma_start3A_723 = tpu.memref_slice %arg8[%dma_start3A_715, %dma_start3A_722] : memref<4x128xi32, #tpu.memory_space<vmem>> -> memref<1x128xi32, #tpu.memory_space<vmem>>
      %dma_start3A_724 = tpu.memref_squeeze %dma_start3A_723 : memref<1x128xi32, #tpu.memory_space<vmem>> -> memref<128xi32, #tpu.memory_space<vmem>>
      %dma_start3A_725 = arith.constant 0 : i32
      %dma_start3A_726 = tpu.memref_slice %arg4[%add3A_714, %dma_start3A_725] : memref<2560x128xi32, #tpu.memory_space<hbm>> -> memref<1x128xi32, #tpu.memory_space<hbm>>
      %dma_start3A_727 = tpu.memref_squeeze %dma_start3A_726 : memref<1x128xi32, #tpu.memory_space<hbm>> -> memref<128xi32, #tpu.memory_space<hbm>>
      tpu.enqueue_dma source(%dma_start3A_727 : memref<128xi32, #tpu.memory_space<hbm>>) target(%dma_start3A_724 : memref<128xi32, #tpu.memory_space<vmem>>) target_semaphore(%arg11 : memref<!tpu.dma_semaphore, #tpu.memory_space<semaphore_mem>>)
      %dma_start3A_728 = arith.constant 0 : i32
      %dma_start3A_729 = arith.constant 0 : i32
      %dma_start3A_730 = arith.constant 0 : i32
      %dma_start3A_731 = arith.constant 0 : i32
      %dma_start3A_732 = tpu.memref_slice %arg9[%dma_start3A_729, %dma_start3A_730, %dma_start3A_731] : memref<2x128x128xf32, #tpu.memory_space<vmem>> -> memref<1x128x128xf32, #tpu.memory_space<vmem>>
      %dma_start3A_733 = tpu.memref_squeeze %dma_start3A_732 : memref<1x128x128xf32, #tpu.memory_space<vmem>> -> memref<128x128xf32, #tpu.memory_space<vmem>>
      %dma_start3A_734 = arith.constant 0 : i32
      %dma_start3A_735 = tpu.memref_slice %arg7[%dma_start3A_728, %dma_start3A_734] : memref<4x128xi32, #tpu.memory_space<vmem>> -> memref<1x128xi32, #tpu.memory_space<vmem>>
      %dma_start3A_736 = tpu.memref_squeeze %dma_start3A_735 : memref<1x128xi32, #tpu.memory_space<vmem>> -> memref<128xi32, #tpu.memory_space<vmem>>
      %dma_start3A_737 = arith.constant 0 : i32
      %dma_start3A_738 = arith.constant 0 : i32
      %dma_start3A_739 = tpu.memref_slice %arg2[%dma_start3A_737, %dma_start3A_738] : memref<10240x128xf32, #tpu.memory_space<hbm>> -> memref<10240x128xf32, #tpu.memory_space<hbm>>
      tpu.enqueue_indirect_dma source(%dma_start3A_739 : memref<10240x128xf32, #tpu.memory_space<hbm>>) target(%dma_start3A_733 : memref<128x128xf32, #tpu.memory_space<vmem>>) offsets(%dma_start3A_736 : memref<128xi32, #tpu.memory_space<vmem>>) semaphore(%arg12 : memref<!tpu.dma_semaphore, #tpu.memory_space<semaphore_mem>>)
      %dma_wait3A_740 = arith.constant 3 : i32
      %dma_wait3A_741 = arith.constant 1 : i32
      %dma_wait3A_742 = arith.constant 0 : i32
      %dma_wait3A_743 = arith.constant 0 : i32
      %dma_wait3A_744 = tpu.memref_slice %arg9[%dma_wait3A_741, %dma_wait3A_742, %dma_wait3A_743] : memref<2x128x128xf32, #tpu.memory_space<vmem>> -> memref<1x128x128xf32, #tpu.memory_space<vmem>>
      %dma_wait3A_745 = tpu.memref_squeeze %dma_wait3A_744 : memref<1x128x128xf32, #tpu.memory_space<vmem>> -> memref<128x128xf32, #tpu.memory_space<vmem>>
      %dma_wait3A_746 = arith.constant 0 : i32
      %dma_wait3A_747 = tpu.memref_slice %arg7[%dma_wait3A_740, %dma_wait3A_746] : memref<4x128xi32, #tpu.memory_space<vmem>> -> memref<1x128xi32, #tpu.memory_space<vmem>>
      %dma_wait3A_748 = tpu.memref_squeeze %dma_wait3A_747 : memref<1x128xi32, #tpu.memory_space<vmem>> -> memref<128xi32, #tpu.memory_space<vmem>>
      %dma_wait3A_749 = arith.constant 0 : i32
      %dma_wait3A_750 = arith.constant 0 : i32
      %dma_wait3A_751 = tpu.memref_slice %arg2[%dma_wait3A_749, %dma_wait3A_750] : memref<10240x128xf32, #tpu.memory_space<hbm>> -> memref<10240x128xf32, #tpu.memory_space<hbm>>
      tpu.wait_indirect_dma semaphore(%arg13 : memref<!tpu.dma_semaphore, #tpu.memory_space<semaphore_mem>>) src(%dma_wait3A_751 : memref<10240x128xf32, #tpu.memory_space<hbm>>) dst(%dma_wait3A_745 : memref<128x128xf32, #tpu.memory_space<vmem>>)
      %dma_start3A_752 = arith.constant 1 : i32
      %dma_start3A_753 = arith.constant 3 : i32
      %dma_start3A_754 = arith.constant 0 : i32
      %dma_start3A_755 = arith.constant 0 : i32
      %dma_start3A_756 = tpu.memref_slice %arg9[%dma_start3A_752, %dma_start3A_754, %dma_start3A_755] : memref<2x128x128xf32, #tpu.memory_space<vmem>> -> memref<1x128x128xf32, #tpu.memory_space<vmem>>
      %dma_start3A_757 = tpu.memref_squeeze %dma_start3A_756 : memref<1x128x128xf32, #tpu.memory_space<vmem>> -> memref<128x128xf32, #tpu.memory_space<vmem>>
      %dma_start3A_758 = arith.constant 0 : i32
      %dma_start3A_759 = tpu.memref_slice %arg8[%dma_start3A_753, %dma_start3A_758] : memref<4x128xi32, #tpu.memory_space<vmem>> -> memref<1x128xi32, #tpu.memory_space<vmem>>
      %dma_start3A_760 = tpu.memref_squeeze %dma_start3A_759 : memref<1x128xi32, #tpu.memory_space<vmem>> -> memref<128xi32, #tpu.memory_space<vmem>>
      %dma_start3A_761 = arith.constant 0 : i32
      %dma_start3A_762 = arith.constant 0 : i32
      %dma_start3A_763 = tpu.memref_slice %arg10[%dma_start3A_761, %dma_start3A_762] : memref<10240x128xf32, #tpu.memory_space<vmem_shared>> -> memref<10240x128xf32, #tpu.memory_space<vmem_shared>>
      tpu.enqueue_indirect_dma source(%dma_start3A_757 : memref<128x128xf32, #tpu.memory_space<vmem>>) target(%dma_start3A_763 : memref<10240x128xf32, #tpu.memory_space<vmem_shared>>) offsets(%dma_start3A_760 : memref<128xi32, #tpu.memory_space<vmem>>) semaphore(%arg15 : memref<!tpu.dma_semaphore, #tpu.memory_space<semaphore_mem>>) {add = true}
      %add3A_764 = arith.constant 3 : i32
      %add3A_765 = arith.addi %add3A_441, %add3A_764 : i32
      %dma_wait3A_766 = arith.constant 1 : i32
      %dma_wait3A_767 = arith.constant 3 : i32
      %dma_wait3A_768 = arith.constant 0 : i32
      %dma_wait3A_769 = arith.constant 0 : i32
      %dma_wait3A_770 = tpu.memref_slice %arg9[%dma_wait3A_766, %dma_wait3A_768, %dma_wait3A_769] : memref<2x128x128xf32, #tpu.memory_space<vmem>> -> memref<1x128x128xf32, #tpu.memory_space<vmem>>
      %dma_wait3A_771 = tpu.memref_squeeze %dma_wait3A_770 : memref<1x128x128xf32, #tpu.memory_space<vmem>> -> memref<128x128xf32, #tpu.memory_space<vmem>>
      %dma_wait3A_772 = arith.constant 0 : i32
      %dma_wait3A_773 = tpu.memref_slice %arg8[%dma_wait3A_767, %dma_wait3A_772] : memref<4x128xi32, #tpu.memory_space<vmem>> -> memref<1x128xi32, #tpu.memory_space<vmem>>
      %dma_wait3A_774 = tpu.memref_squeeze %dma_wait3A_773 : memref<1x128xi32, #tpu.memory_space<vmem>> -> memref<128xi32, #tpu.memory_space<vmem>>
      %dma_wait3A_775 = arith.constant 0 : i32
      %dma_wait3A_776 = arith.constant 0 : i32
      %dma_wait3A_777 = tpu.memref_slice %arg10[%dma_wait3A_775, %dma_wait3A_776] : memref<10240x128xf32, #tpu.memory_space<vmem_shared>> -> memref<10240x128xf32, #tpu.memory_space<vmem_shared>>
      tpu.wait_indirect_dma semaphore(%arg15 : memref<!tpu.dma_semaphore, #tpu.memory_space<semaphore_mem>>) src(%dma_wait3A_771 : memref<128x128xf32, #tpu.memory_space<vmem>>) dst(%dma_wait3A_777 : memref<10240x128xf32, #tpu.memory_space<vmem_shared>>)
      %dma_wait3A_778 = arith.constant 1 : i32
      %dma_wait3A_779 = arith.constant 0 : i32
      %dma_wait3A_780 = tpu.memref_slice %arg7[%dma_wait3A_778, %dma_wait3A_779] : memref<4x128xi32, #tpu.memory_space<vmem>> -> memref<1x128xi32, #tpu.memory_space<vmem>>
      %dma_wait3A_781 = tpu.memref_squeeze %dma_wait3A_780 : memref<1x128xi32, #tpu.memory_space<vmem>> -> memref<128xi32, #tpu.memory_space<vmem>>
      %dma_wait3A_782 = arith.constant 0 : i32
      %dma_wait3A_783 = tpu.memref_slice %arg3[%mul3A_2, %dma_wait3A_782] : memref<2560x128xi32, #tpu.memory_space<hbm>> -> memref<1x128xi32, #tpu.memory_space<hbm>>
      %dma_wait3A_784 = tpu.memref_squeeze %dma_wait3A_783 : memref<1x128xi32, #tpu.memory_space<hbm>> -> memref<128xi32, #tpu.memory_space<hbm>>
      %dma_wait3A_785 = arith.constant 0 : i32
      %dma_wait3A_786 = tpu.memref_slice %arg7[%dma_wait3A_778, %dma_wait3A_785] : memref<4x128xi32, #tpu.memory_space<vmem>> -> memref<1x128xi32, #tpu.memory_space<vmem>>
      %dma_wait3A_787 = tpu.memref_squeeze %dma_wait3A_786 : memref<1x128xi32, #tpu.memory_space<vmem>> -> memref<128xi32, #tpu.memory_space<vmem>>
      %dma_wait3A_788 = arith.constant 0 : i32
      %dma_wait3A_789 = tpu.memref_slice %arg3[%mul3A_2, %dma_wait3A_788] : memref<2560x128xi32, #tpu.memory_space<hbm>> -> memref<1x128xi32, #tpu.memory_space<hbm>>
      %dma_wait3A_790 = tpu.memref_squeeze %dma_wait3A_789 : memref<1x128xi32, #tpu.memory_space<hbm>> -> memref<128xi32, #tpu.memory_space<hbm>>
      tpu.wait_dma2 semaphore(%arg11 : memref<!tpu.dma_semaphore, #tpu.memory_space<semaphore_mem>>) src(%dma_wait3A_790 : memref<128xi32, #tpu.memory_space<hbm>>) dst(%dma_wait3A_787 : memref<128xi32, #tpu.memory_space<vmem>>)
      %dma_wait3A_791 = arith.constant 1 : i32
      %dma_wait3A_792 = arith.constant 0 : i32
      %dma_wait3A_793 = tpu.memref_slice %arg8[%dma_wait3A_791, %dma_wait3A_792] : memref<4x128xi32, #tpu.memory_space<vmem>> -> memref<1x128xi32, #tpu.memory_space<vmem>>
      %dma_wait3A_794 = tpu.memref_squeeze %dma_wait3A_793 : memref<1x128xi32, #tpu.memory_space<vmem>> -> memref<128xi32, #tpu.memory_space<vmem>>
      %dma_wait3A_795 = arith.constant 0 : i32
      %dma_wait3A_796 = tpu.memref_slice %arg4[%mul3A_2, %dma_wait3A_795] : memref<2560x128xi32, #tpu.memory_space<hbm>> -> memref<1x128xi32, #tpu.memory_space<hbm>>
      %dma_wait3A_797 = tpu.memref_squeeze %dma_wait3A_796 : memref<1x128xi32, #tpu.memory_space<hbm>> -> memref<128xi32, #tpu.memory_space<hbm>>
      %dma_wait3A_798 = arith.constant 0 : i32
      %dma_wait3A_799 = tpu.memref_slice %arg8[%dma_wait3A_791, %dma_wait3A_798] : memref<4x128xi32, #tpu.memory_space<vmem>> -> memref<1x128xi32, #tpu.memory_space<vmem>>
      %dma_wait3A_800 = tpu.memref_squeeze %dma_wait3A_799 : memref<1x128xi32, #tpu.memory_space<vmem>> -> memref<128xi32, #tpu.memory_space<vmem>>
      %dma_wait3A_801 = arith.constant 0 : i32
      %dma_wait3A_802 = tpu.memref_slice %arg4[%mul3A_2, %dma_wait3A_801] : memref<2560x128xi32, #tpu.memory_space<hbm>> -> memref<1x128xi32, #tpu.memory_space<hbm>>
      %dma_wait3A_803 = tpu.memref_squeeze %dma_wait3A_802 : memref<1x128xi32, #tpu.memory_space<hbm>> -> memref<128xi32, #tpu.memory_space<hbm>>
      tpu.wait_dma2 semaphore(%arg11 : memref<!tpu.dma_semaphore, #tpu.memory_space<semaphore_mem>>) src(%dma_wait3A_803 : memref<128xi32, #tpu.memory_space<hbm>>) dst(%dma_wait3A_800 : memref<128xi32, #tpu.memory_space<vmem>>)
      %add3A_804 = arith.addi %mul3A_2, %add3A_765 : i32
      %add3A_805 = arith.constant 1 : i32
      %add3A_806 = arith.addi %add3A_804, %add3A_805 : i32
      %dma_start3A_807 = arith.constant 2 : i32
      %dma_start3A_808 = arith.constant 0 : i32
      %dma_start3A_809 = tpu.memref_slice %arg7[%dma_start3A_807, %dma_start3A_808] : memref<4x128xi32, #tpu.memory_space<vmem>> -> memref<1x128xi32, #tpu.memory_space<vmem>>
      %dma_start3A_810 = tpu.memref_squeeze %dma_start3A_809 : memref<1x128xi32, #tpu.memory_space<vmem>> -> memref<128xi32, #tpu.memory_space<vmem>>
      %dma_start3A_811 = arith.constant 0 : i32
      %dma_start3A_812 = tpu.memref_slice %arg3[%add3A_806, %dma_start3A_811] : memref<2560x128xi32, #tpu.memory_space<hbm>> -> memref<1x128xi32, #tpu.memory_space<hbm>>
      %dma_start3A_813 = tpu.memref_squeeze %dma_start3A_812 : memref<1x128xi32, #tpu.memory_space<hbm>> -> memref<128xi32, #tpu.memory_space<hbm>>
      %dma_start3A_814 = arith.constant 0 : i32
      %dma_start3A_815 = tpu.memref_slice %arg7[%dma_start3A_807, %dma_start3A_814] : memref<4x128xi32, #tpu.memory_space<vmem>> -> memref<1x128xi32, #tpu.memory_space<vmem>>
      %dma_start3A_816 = tpu.memref_squeeze %dma_start3A_815 : memref<1x128xi32, #tpu.memory_space<vmem>> -> memref<128xi32, #tpu.memory_space<vmem>>
      %dma_start3A_817 = arith.constant 0 : i32
      %dma_start3A_818 = tpu.memref_slice %arg3[%add3A_806, %dma_start3A_817] : memref<2560x128xi32, #tpu.memory_space<hbm>> -> memref<1x128xi32, #tpu.memory_space<hbm>>
      %dma_start3A_819 = tpu.memref_squeeze %dma_start3A_818 : memref<1x128xi32, #tpu.memory_space<hbm>> -> memref<128xi32, #tpu.memory_space<hbm>>
      tpu.enqueue_dma source(%dma_start3A_819 : memref<128xi32, #tpu.memory_space<hbm>>) target(%dma_start3A_816 : memref<128xi32, #tpu.memory_space<vmem>>) target_semaphore(%arg11 : memref<!tpu.dma_semaphore, #tpu.memory_space<semaphore_mem>>)
      %add3A_820 = arith.addi %mul3A_2, %add3A_765 : i32
      %add3A_821 = arith.constant 1 : i32
      %add3A_822 = arith.addi %add3A_820, %add3A_821 : i32
      %dma_start3A_823 = arith.constant 2 : i32
      %dma_start3A_824 = arith.constant 0 : i32
      %dma_start3A_825 = tpu.memref_slice %arg8[%dma_start3A_823, %dma_start3A_824] : memref<4x128xi32, #tpu.memory_space<vmem>> -> memref<1x128xi32, #tpu.memory_space<vmem>>
      %dma_start3A_826 = tpu.memref_squeeze %dma_start3A_825 : memref<1x128xi32, #tpu.memory_space<vmem>> -> memref<128xi32, #tpu.memory_space<vmem>>
      %dma_start3A_827 = arith.constant 0 : i32
      %dma_start3A_828 = tpu.memref_slice %arg4[%add3A_822, %dma_start3A_827] : memref<2560x128xi32, #tpu.memory_space<hbm>> -> memref<1x128xi32, #tpu.memory_space<hbm>>
      %dma_start3A_829 = tpu.memref_squeeze %dma_start3A_828 : memref<1x128xi32, #tpu.memory_space<hbm>> -> memref<128xi32, #tpu.memory_space<hbm>>
      %dma_start3A_830 = arith.constant 0 : i32
      %dma_start3A_831 = tpu.memref_slice %arg8[%dma_start3A_823, %dma_start3A_830] : memref<4x128xi32, #tpu.memory_space<vmem>> -> memref<1x128xi32, #tpu.memory_space<vmem>>
      %dma_start3A_832 = tpu.memref_squeeze %dma_start3A_831 : memref<1x128xi32, #tpu.memory_space<vmem>> -> memref<128xi32, #tpu.memory_space<vmem>>
      %dma_start3A_833 = arith.constant 0 : i32
      %dma_start3A_834 = tpu.memref_slice %arg4[%add3A_822, %dma_start3A_833] : memref<2560x128xi32, #tpu.memory_space<hbm>> -> memref<1x128xi32, #tpu.memory_space<hbm>>
      %dma_start3A_835 = tpu.memref_squeeze %dma_start3A_834 : memref<1x128xi32, #tpu.memory_space<hbm>> -> memref<128xi32, #tpu.memory_space<hbm>>
      tpu.enqueue_dma source(%dma_start3A_835 : memref<128xi32, #tpu.memory_space<hbm>>) target(%dma_start3A_832 : memref<128xi32, #tpu.memory_space<vmem>>) target_semaphore(%arg11 : memref<!tpu.dma_semaphore, #tpu.memory_space<semaphore_mem>>)
      %dma_start3A_836 = arith.constant 1 : i32
      %dma_start3A_837 = arith.constant 1 : i32
      %dma_start3A_838 = arith.constant 0 : i32
      %dma_start3A_839 = arith.constant 0 : i32
      %dma_start3A_840 = tpu.memref_slice %arg9[%dma_start3A_837, %dma_start3A_838, %dma_start3A_839] : memref<2x128x128xf32, #tpu.memory_space<vmem>> -> memref<1x128x128xf32, #tpu.memory_space<vmem>>
      %dma_start3A_841 = tpu.memref_squeeze %dma_start3A_840 : memref<1x128x128xf32, #tpu.memory_space<vmem>> -> memref<128x128xf32, #tpu.memory_space<vmem>>
      %dma_start3A_842 = arith.constant 0 : i32
      %dma_start3A_843 = tpu.memref_slice %arg7[%dma_start3A_836, %dma_start3A_842] : memref<4x128xi32, #tpu.memory_space<vmem>> -> memref<1x128xi32, #tpu.memory_space<vmem>>
      %dma_start3A_844 = tpu.memref_squeeze %dma_start3A_843 : memref<1x128xi32, #tpu.memory_space<vmem>> -> memref<128xi32, #tpu.memory_space<vmem>>
      %dma_start3A_845 = arith.constant 0 : i32
      %dma_start3A_846 = arith.constant 0 : i32
      %dma_start3A_847 = tpu.memref_slice %arg2[%dma_start3A_845, %dma_start3A_846] : memref<10240x128xf32, #tpu.memory_space<hbm>> -> memref<10240x128xf32, #tpu.memory_space<hbm>>
      tpu.enqueue_indirect_dma source(%dma_start3A_847 : memref<10240x128xf32, #tpu.memory_space<hbm>>) target(%dma_start3A_841 : memref<128x128xf32, #tpu.memory_space<vmem>>) offsets(%dma_start3A_844 : memref<128xi32, #tpu.memory_space<vmem>>) semaphore(%arg13 : memref<!tpu.dma_semaphore, #tpu.memory_space<semaphore_mem>>)
      %dma_wait3A_848 = arith.constant 0 : i32
      %dma_wait3A_849 = arith.constant 0 : i32
      %dma_wait3A_850 = arith.constant 0 : i32
      %dma_wait3A_851 = arith.constant 0 : i32
      %dma_wait3A_852 = tpu.memref_slice %arg9[%dma_wait3A_849, %dma_wait3A_850, %dma_wait3A_851] : memref<2x128x128xf32, #tpu.memory_space<vmem>> -> memref<1x128x128xf32, #tpu.memory_space<vmem>>
      %dma_wait3A_853 = tpu.memref_squeeze %dma_wait3A_852 : memref<1x128x128xf32, #tpu.memory_space<vmem>> -> memref<128x128xf32, #tpu.memory_space<vmem>>
      %dma_wait3A_854 = arith.constant 0 : i32
      %dma_wait3A_855 = tpu.memref_slice %arg7[%dma_wait3A_848, %dma_wait3A_854] : memref<4x128xi32, #tpu.memory_space<vmem>> -> memref<1x128xi32, #tpu.memory_space<vmem>>
      %dma_wait3A_856 = tpu.memref_squeeze %dma_wait3A_855 : memref<1x128xi32, #tpu.memory_space<vmem>> -> memref<128xi32, #tpu.memory_space<vmem>>
      %dma_wait3A_857 = arith.constant 0 : i32
      %dma_wait3A_858 = arith.constant 0 : i32
      %dma_wait3A_859 = tpu.memref_slice %arg2[%dma_wait3A_857, %dma_wait3A_858] : memref<10240x128xf32, #tpu.memory_space<hbm>> -> memref<10240x128xf32, #tpu.memory_space<hbm>>
      tpu.wait_indirect_dma semaphore(%arg12 : memref<!tpu.dma_semaphore, #tpu.memory_space<semaphore_mem>>) src(%dma_wait3A_859 : memref<10240x128xf32, #tpu.memory_space<hbm>>) dst(%dma_wait3A_853 : memref<128x128xf32, #tpu.memory_space<vmem>>)
      %dma_start3A_860 = arith.constant 0 : i32
      %dma_start3A_861 = arith.constant 0 : i32
      %dma_start3A_862 = arith.constant 0 : i32
      %dma_start3A_863 = arith.constant 0 : i32
      %dma_start3A_864 = tpu.memref_slice %arg9[%dma_start3A_860, %dma_start3A_862, %dma_start3A_863] : memref<2x128x128xf32, #tpu.memory_space<vmem>> -> memref<1x128x128xf32, #tpu.memory_space<vmem>>
      %dma_start3A_865 = tpu.memref_squeeze %dma_start3A_864 : memref<1x128x128xf32, #tpu.memory_space<vmem>> -> memref<128x128xf32, #tpu.memory_space<vmem>>
      %dma_start3A_866 = arith.constant 0 : i32
      %dma_start3A_867 = tpu.memref_slice %arg8[%dma_start3A_861, %dma_start3A_866] : memref<4x128xi32, #tpu.memory_space<vmem>> -> memref<1x128xi32, #tpu.memory_space<vmem>>
      %dma_start3A_868 = tpu.memref_squeeze %dma_start3A_867 : memref<1x128xi32, #tpu.memory_space<vmem>> -> memref<128xi32, #tpu.memory_space<vmem>>
      %dma_start3A_869 = arith.constant 0 : i32
      %dma_start3A_870 = arith.constant 0 : i32
      %dma_start3A_871 = tpu.memref_slice %arg10[%dma_start3A_869, %dma_start3A_870] : memref<10240x128xf32, #tpu.memory_space<vmem_shared>> -> memref<10240x128xf32, #tpu.memory_space<vmem_shared>>
      tpu.enqueue_indirect_dma source(%dma_start3A_865 : memref<128x128xf32, #tpu.memory_space<vmem>>) target(%dma_start3A_871 : memref<10240x128xf32, #tpu.memory_space<vmem_shared>>) offsets(%dma_start3A_868 : memref<128xi32, #tpu.memory_space<vmem>>) semaphore(%arg14 : memref<!tpu.dma_semaphore, #tpu.memory_space<semaphore_mem>>) {add = true}
    }
    %scan3A_201 = arith.constant 19 : i32
    %dma_wait3A_202 = arith.constant 0 : i32
    %dma_wait3A_203 = arith.constant 0 : i32
    %dma_wait3A_204 = arith.constant 0 : i32
    %dma_wait3A_205 = arith.constant 0 : i32
    %dma_wait3A_206 = tpu.memref_slice %arg9[%dma_wait3A_202, %dma_wait3A_204, %dma_wait3A_205] : memref<2x128x128xf32, #tpu.memory_space<vmem>> -> memref<1x128x128xf32, #tpu.memory_space<vmem>>
    %dma_wait3A_207 = tpu.memref_squeeze %dma_wait3A_206 : memref<1x128x128xf32, #tpu.memory_space<vmem>> -> memref<128x128xf32, #tpu.memory_space<vmem>>
    %dma_wait3A_208 = arith.constant 0 : i32
    %dma_wait3A_209 = tpu.memref_slice %arg8[%dma_wait3A_203, %dma_wait3A_208] : memref<4x128xi32, #tpu.memory_space<vmem>> -> memref<1x128xi32, #tpu.memory_space<vmem>>
    %dma_wait3A_210 = tpu.memref_squeeze %dma_wait3A_209 : memref<1x128xi32, #tpu.memory_space<vmem>> -> memref<128xi32, #tpu.memory_space<vmem>>
    %dma_wait3A_211 = arith.constant 0 : i32
    %dma_wait3A_212 = arith.constant 0 : i32
    %dma_wait3A_213 = tpu.memref_slice %arg10[%dma_wait3A_211, %dma_wait3A_212] : memref<10240x128xf32, #tpu.memory_space<vmem_shared>> -> memref<10240x128xf32, #tpu.memory_space<vmem_shared>>
    tpu.wait_indirect_dma semaphore(%arg14 : memref<!tpu.dma_semaphore, #tpu.memory_space<semaphore_mem>>) src(%dma_wait3A_207 : memref<128x128xf32, #tpu.memory_space<vmem>>) dst(%dma_wait3A_213 : memref<10240x128xf32, #tpu.memory_space<vmem_shared>>)
    %dma_wait3A_214 = arith.constant 2 : i32
    %dma_wait3A_215 = arith.constant 0 : i32
    %dma_wait3A_216 = tpu.memref_slice %arg7[%dma_wait3A_214, %dma_wait3A_215] : memref<4x128xi32, #tpu.memory_space<vmem>> -> memref<1x128xi32, #tpu.memory_space<vmem>>
    %dma_wait3A_217 = tpu.memref_squeeze %dma_wait3A_216 : memref<1x128xi32, #tpu.memory_space<vmem>> -> memref<128xi32, #tpu.memory_space<vmem>>
    %dma_wait3A_218 = arith.constant 0 : i32
    %dma_wait3A_219 = tpu.memref_slice %arg3[%mul3A_2, %dma_wait3A_218] : memref<2560x128xi32, #tpu.memory_space<hbm>> -> memref<1x128xi32, #tpu.memory_space<hbm>>
    %dma_wait3A_220 = tpu.memref_squeeze %dma_wait3A_219 : memref<1x128xi32, #tpu.memory_space<hbm>> -> memref<128xi32, #tpu.memory_space<hbm>>
    %dma_wait3A_221 = arith.constant 0 : i32
    %dma_wait3A_222 = tpu.memref_slice %arg7[%dma_wait3A_214, %dma_wait3A_221] : memref<4x128xi32, #tpu.memory_space<vmem>> -> memref<1x128xi32, #tpu.memory_space<vmem>>
    %dma_wait3A_223 = tpu.memref_squeeze %dma_wait3A_222 : memref<1x128xi32, #tpu.memory_space<vmem>> -> memref<128xi32, #tpu.memory_space<vmem>>
    %dma_wait3A_224 = arith.constant 0 : i32
    %dma_wait3A_225 = tpu.memref_slice %arg3[%mul3A_2, %dma_wait3A_224] : memref<2560x128xi32, #tpu.memory_space<hbm>> -> memref<1x128xi32, #tpu.memory_space<hbm>>
    %dma_wait3A_226 = tpu.memref_squeeze %dma_wait3A_225 : memref<1x128xi32, #tpu.memory_space<hbm>> -> memref<128xi32, #tpu.memory_space<hbm>>
    tpu.wait_dma2 semaphore(%arg11 : memref<!tpu.dma_semaphore, #tpu.memory_space<semaphore_mem>>) src(%dma_wait3A_226 : memref<128xi32, #tpu.memory_space<hbm>>) dst(%dma_wait3A_223 : memref<128xi32, #tpu.memory_space<vmem>>)
    %dma_wait3A_227 = arith.constant 2 : i32
    %dma_wait3A_228 = arith.constant 0 : i32
    %dma_wait3A_229 = tpu.memref_slice %arg8[%dma_wait3A_227, %dma_wait3A_228] : memref<4x128xi32, #tpu.memory_space<vmem>> -> memref<1x128xi32, #tpu.memory_space<vmem>>
    %dma_wait3A_230 = tpu.memref_squeeze %dma_wait3A_229 : memref<1x128xi32, #tpu.memory_space<vmem>> -> memref<128xi32, #tpu.memory_space<vmem>>
    %dma_wait3A_231 = arith.constant 0 : i32
    %dma_wait3A_232 = tpu.memref_slice %arg4[%mul3A_2, %dma_wait3A_231] : memref<2560x128xi32, #tpu.memory_space<hbm>> -> memref<1x128xi32, #tpu.memory_space<hbm>>
    %dma_wait3A_233 = tpu.memref_squeeze %dma_wait3A_232 : memref<1x128xi32, #tpu.memory_space<hbm>> -> memref<128xi32, #tpu.memory_space<hbm>>
    %dma_wait3A_234 = arith.constant 0 : i32
    %dma_wait3A_235 = tpu.memref_slice %arg8[%dma_wait3A_227, %dma_wait3A_234] : memref<4x128xi32, #tpu.memory_space<vmem>> -> memref<1x128xi32, #tpu.memory_space<vmem>>
    %dma_wait3A_236 = tpu.memref_squeeze %dma_wait3A_235 : memref<1x128xi32, #tpu.memory_space<vmem>> -> memref<128xi32, #tpu.memory_space<vmem>>
    %dma_wait3A_237 = arith.constant 0 : i32
    %dma_wait3A_238 = tpu.memref_slice %arg4[%mul3A_2, %dma_wait3A_237] : memref<2560x128xi32, #tpu.memory_space<hbm>> -> memref<1x128xi32, #tpu.memory_space<hbm>>
    %dma_wait3A_239 = tpu.memref_squeeze %dma_wait3A_238 : memref<1x128xi32, #tpu.memory_space<hbm>> -> memref<128xi32, #tpu.memory_space<hbm>>
    tpu.wait_dma2 semaphore(%arg11 : memref<!tpu.dma_semaphore, #tpu.memory_space<semaphore_mem>>) src(%dma_wait3A_239 : memref<128xi32, #tpu.memory_space<hbm>>) dst(%dma_wait3A_236 : memref<128xi32, #tpu.memory_space<vmem>>)
    %add3A_240 = arith.constant 78 : i32
    %add3A_241 = arith.addi %mul3A_2, %add3A_240 : i32
    %add3A_242 = arith.constant 1 : i32
    %add3A_243 = arith.addi %add3A_241, %add3A_242 : i32
    %dma_start3A_244 = arith.constant 3 : i32
    %dma_start3A_245 = arith.constant 0 : i32
    %dma_start3A_246 = tpu.memref_slice %arg7[%dma_start3A_244, %dma_start3A_245] : memref<4x128xi32, #tpu.memory_space<vmem>> -> memref<1x128xi32, #tpu.memory_space<vmem>>
    %dma_start3A_247 = tpu.memref_squeeze %dma_start3A_246 : memref<1x128xi32, #tpu.memory_space<vmem>> -> memref<128xi32, #tpu.memory_space<vmem>>
    %dma_start3A_248 = arith.constant 0 : i32
    %dma_start3A_249 = tpu.memref_slice %arg3[%add3A_243, %dma_start3A_248] : memref<2560x128xi32, #tpu.memory_space<hbm>> -> memref<1x128xi32, #tpu.memory_space<hbm>>
    %dma_start3A_250 = tpu.memref_squeeze %dma_start3A_249 : memref<1x128xi32, #tpu.memory_space<hbm>> -> memref<128xi32, #tpu.memory_space<hbm>>
    %dma_start3A_251 = arith.constant 0 : i32
    %dma_start3A_252 = tpu.memref_slice %arg7[%dma_start3A_244, %dma_start3A_251] : memref<4x128xi32, #tpu.memory_space<vmem>> -> memref<1x128xi32, #tpu.memory_space<vmem>>
    %dma_start3A_253 = tpu.memref_squeeze %dma_start3A_252 : memref<1x128xi32, #tpu.memory_space<vmem>> -> memref<128xi32, #tpu.memory_space<vmem>>
    %dma_start3A_254 = arith.constant 0 : i32
    %dma_start3A_255 = tpu.memref_slice %arg3[%add3A_243, %dma_start3A_254] : memref<2560x128xi32, #tpu.memory_space<hbm>> -> memref<1x128xi32, #tpu.memory_space<hbm>>
    %dma_start3A_256 = tpu.memref_squeeze %dma_start3A_255 : memref<1x128xi32, #tpu.memory_space<hbm>> -> memref<128xi32, #tpu.memory_space<hbm>>
    tpu.enqueue_dma source(%dma_start3A_256 : memref<128xi32, #tpu.memory_space<hbm>>) target(%dma_start3A_253 : memref<128xi32, #tpu.memory_space<vmem>>) target_semaphore(%arg11 : memref<!tpu.dma_semaphore, #tpu.memory_space<semaphore_mem>>)
    %add3A_257 = arith.constant 78 : i32
    %add3A_258 = arith.addi %mul3A_2, %add3A_257 : i32
    %add3A_259 = arith.constant 1 : i32
    %add3A_260 = arith.addi %add3A_258, %add3A_259 : i32
    %dma_start3A_261 = arith.constant 3 : i32
    %dma_start3A_262 = arith.constant 0 : i32
    %dma_start3A_263 = tpu.memref_slice %arg8[%dma_start3A_261, %dma_start3A_262] : memref<4x128xi32, #tpu.memory_space<vmem>> -> memref<1x128xi32, #tpu.memory_space<vmem>>
    %dma_start3A_264 = tpu.memref_squeeze %dma_start3A_263 : memref<1x128xi32, #tpu.memory_space<vmem>> -> memref<128xi32, #tpu.memory_space<vmem>>
    %dma_start3A_265 = arith.constant 0 : i32
    %dma_start3A_266 = tpu.memref_slice %arg4[%add3A_260, %dma_start3A_265] : memref<2560x128xi32, #tpu.memory_space<hbm>> -> memref<1x128xi32, #tpu.memory_space<hbm>>
    %dma_start3A_267 = tpu.memref_squeeze %dma_start3A_266 : memref<1x128xi32, #tpu.memory_space<hbm>> -> memref<128xi32, #tpu.memory_space<hbm>>
    %dma_start3A_268 = arith.constant 0 : i32
    %dma_start3A_269 = tpu.memref_slice %arg8[%dma_start3A_261, %dma_start3A_268] : memref<4x128xi32, #tpu.memory_space<vmem>> -> memref<1x128xi32, #tpu.memory_space<vmem>>
    %dma_start3A_270 = tpu.memref_squeeze %dma_start3A_269 : memref<1x128xi32, #tpu.memory_space<vmem>> -> memref<128xi32, #tpu.memory_space<vmem>>
    %dma_start3A_271 = arith.constant 0 : i32
    %dma_start3A_272 = tpu.memref_slice %arg4[%add3A_260, %dma_start3A_271] : memref<2560x128xi32, #tpu.memory_space<hbm>> -> memref<1x128xi32, #tpu.memory_space<hbm>>
    %dma_start3A_273 = tpu.memref_squeeze %dma_start3A_272 : memref<1x128xi32, #tpu.memory_space<hbm>> -> memref<128xi32, #tpu.memory_space<hbm>>
    tpu.enqueue_dma source(%dma_start3A_273 : memref<128xi32, #tpu.memory_space<hbm>>) target(%dma_start3A_270 : memref<128xi32, #tpu.memory_space<vmem>>) target_semaphore(%arg11 : memref<!tpu.dma_semaphore, #tpu.memory_space<semaphore_mem>>)
    %dma_start3A_274 = arith.constant 2 : i32
    %dma_start3A_275 = arith.constant 0 : i32
    %dma_start3A_276 = arith.constant 0 : i32
    %dma_start3A_277 = arith.constant 0 : i32
    %dma_start3A_278 = tpu.memref_slice %arg9[%dma_start3A_275, %dma_start3A_276, %dma_start3A_277] : memref<2x128x128xf32, #tpu.memory_space<vmem>> -> memref<1x128x128xf32, #tpu.memory_space<vmem>>
    %dma_start3A_279 = tpu.memref_squeeze %dma_start3A_278 : memref<1x128x128xf32, #tpu.memory_space<vmem>> -> memref<128x128xf32, #tpu.memory_space<vmem>>
    %dma_start3A_280 = arith.constant 0 : i32
    %dma_start3A_281 = tpu.memref_slice %arg7[%dma_start3A_274, %dma_start3A_280] : memref<4x128xi32, #tpu.memory_space<vmem>> -> memref<1x128xi32, #tpu.memory_space<vmem>>
    %dma_start3A_282 = tpu.memref_squeeze %dma_start3A_281 : memref<1x128xi32, #tpu.memory_space<vmem>> -> memref<128xi32, #tpu.memory_space<vmem>>
    %dma_start3A_283 = arith.constant 0 : i32
    %dma_start3A_284 = arith.constant 0 : i32
    %dma_start3A_285 = tpu.memref_slice %arg2[%dma_start3A_283, %dma_start3A_284] : memref<10240x128xf32, #tpu.memory_space<hbm>> -> memref<10240x128xf32, #tpu.memory_space<hbm>>
    tpu.enqueue_indirect_dma source(%dma_start3A_285 : memref<10240x128xf32, #tpu.memory_space<hbm>>) target(%dma_start3A_279 : memref<128x128xf32, #tpu.memory_space<vmem>>) offsets(%dma_start3A_282 : memref<128xi32, #tpu.memory_space<vmem>>) semaphore(%arg12 : memref<!tpu.dma_semaphore, #tpu.memory_space<semaphore_mem>>)
    %dma_wait3A_286 = arith.constant 1 : i32
    %dma_wait3A_287 = arith.constant 1 : i32
    %dma_wait3A_288 = arith.constant 0 : i32
    %dma_wait3A_289 = arith.constant 0 : i32
    %dma_wait3A_290 = tpu.memref_slice %arg9[%dma_wait3A_287, %dma_wait3A_288, %dma_wait3A_289] : memref<2x128x128xf32, #tpu.memory_space<vmem>> -> memref<1x128x128xf32, #tpu.memory_space<vmem>>
    %dma_wait3A_291 = tpu.memref_squeeze %dma_wait3A_290 : memref<1x128x128xf32, #tpu.memory_space<vmem>> -> memref<128x128xf32, #tpu.memory_space<vmem>>
    %dma_wait3A_292 = arith.constant 0 : i32
    %dma_wait3A_293 = tpu.memref_slice %arg7[%dma_wait3A_286, %dma_wait3A_292] : memref<4x128xi32, #tpu.memory_space<vmem>> -> memref<1x128xi32, #tpu.memory_space<vmem>>
    %dma_wait3A_294 = tpu.memref_squeeze %dma_wait3A_293 : memref<1x128xi32, #tpu.memory_space<vmem>> -> memref<128xi32, #tpu.memory_space<vmem>>
    %dma_wait3A_295 = arith.constant 0 : i32
    %dma_wait3A_296 = arith.constant 0 : i32
    %dma_wait3A_297 = tpu.memref_slice %arg2[%dma_wait3A_295, %dma_wait3A_296] : memref<10240x128xf32, #tpu.memory_space<hbm>> -> memref<10240x128xf32, #tpu.memory_space<hbm>>
    tpu.wait_indirect_dma semaphore(%arg13 : memref<!tpu.dma_semaphore, #tpu.memory_space<semaphore_mem>>) src(%dma_wait3A_297 : memref<10240x128xf32, #tpu.memory_space<hbm>>) dst(%dma_wait3A_291 : memref<128x128xf32, #tpu.memory_space<vmem>>)
    %dma_start3A_298 = arith.constant 1 : i32
    %dma_start3A_299 = arith.constant 1 : i32
    %dma_start3A_300 = arith.constant 0 : i32
    %dma_start3A_301 = arith.constant 0 : i32
    %dma_start3A_302 = tpu.memref_slice %arg9[%dma_start3A_298, %dma_start3A_300, %dma_start3A_301] : memref<2x128x128xf32, #tpu.memory_space<vmem>> -> memref<1x128x128xf32, #tpu.memory_space<vmem>>
    %dma_start3A_303 = tpu.memref_squeeze %dma_start3A_302 : memref<1x128x128xf32, #tpu.memory_space<vmem>> -> memref<128x128xf32, #tpu.memory_space<vmem>>
    %dma_start3A_304 = arith.constant 0 : i32
    %dma_start3A_305 = tpu.memref_slice %arg8[%dma_start3A_299, %dma_start3A_304] : memref<4x128xi32, #tpu.memory_space<vmem>> -> memref<1x128xi32, #tpu.memory_space<vmem>>
    %dma_start3A_306 = tpu.memref_squeeze %dma_start3A_305 : memref<1x128xi32, #tpu.memory_space<vmem>> -> memref<128xi32, #tpu.memory_space<vmem>>
    %dma_start3A_307 = arith.constant 0 : i32
    %dma_start3A_308 = arith.constant 0 : i32
    %dma_start3A_309 = tpu.memref_slice %arg10[%dma_start3A_307, %dma_start3A_308] : memref<10240x128xf32, #tpu.memory_space<vmem_shared>> -> memref<10240x128xf32, #tpu.memory_space<vmem_shared>>
    tpu.enqueue_indirect_dma source(%dma_start3A_303 : memref<128x128xf32, #tpu.memory_space<vmem>>) target(%dma_start3A_309 : memref<10240x128xf32, #tpu.memory_space<vmem_shared>>) offsets(%dma_start3A_306 : memref<128xi32, #tpu.memory_space<vmem>>) semaphore(%arg15 : memref<!tpu.dma_semaphore, #tpu.memory_space<semaphore_mem>>) {add = true}
    %dma_wait3A_310 = arith.constant 1 : i32
    %dma_wait3A_311 = arith.constant 1 : i32
    %dma_wait3A_312 = arith.constant 0 : i32
    %dma_wait3A_313 = arith.constant 0 : i32
    %dma_wait3A_314 = tpu.memref_slice %arg9[%dma_wait3A_310, %dma_wait3A_312, %dma_wait3A_313] : memref<2x128x128xf32, #tpu.memory_space<vmem>> -> memref<1x128x128xf32, #tpu.memory_space<vmem>>
    %dma_wait3A_315 = tpu.memref_squeeze %dma_wait3A_314 : memref<1x128x128xf32, #tpu.memory_space<vmem>> -> memref<128x128xf32, #tpu.memory_space<vmem>>
    %dma_wait3A_316 = arith.constant 0 : i32
    %dma_wait3A_317 = tpu.memref_slice %arg8[%dma_wait3A_311, %dma_wait3A_316] : memref<4x128xi32, #tpu.memory_space<vmem>> -> memref<1x128xi32, #tpu.memory_space<vmem>>
    %dma_wait3A_318 = tpu.memref_squeeze %dma_wait3A_317 : memref<1x128xi32, #tpu.memory_space<vmem>> -> memref<128xi32, #tpu.memory_space<vmem>>
    %dma_wait3A_319 = arith.constant 0 : i32
    %dma_wait3A_320 = arith.constant 0 : i32
    %dma_wait3A_321 = tpu.memref_slice %arg10[%dma_wait3A_319, %dma_wait3A_320] : memref<10240x128xf32, #tpu.memory_space<vmem_shared>> -> memref<10240x128xf32, #tpu.memory_space<vmem_shared>>
    tpu.wait_indirect_dma semaphore(%arg15 : memref<!tpu.dma_semaphore, #tpu.memory_space<semaphore_mem>>) src(%dma_wait3A_315 : memref<128x128xf32, #tpu.memory_space<vmem>>) dst(%dma_wait3A_321 : memref<10240x128xf32, #tpu.memory_space<vmem_shared>>)
    %dma_wait3A_322 = arith.constant 3 : i32
    %dma_wait3A_323 = arith.constant 0 : i32
    %dma_wait3A_324 = tpu.memref_slice %arg7[%dma_wait3A_322, %dma_wait3A_323] : memref<4x128xi32, #tpu.memory_space<vmem>> -> memref<1x128xi32, #tpu.memory_space<vmem>>
    %dma_wait3A_325 = tpu.memref_squeeze %dma_wait3A_324 : memref<1x128xi32, #tpu.memory_space<vmem>> -> memref<128xi32, #tpu.memory_space<vmem>>
    %dma_wait3A_326 = arith.constant 0 : i32
    %dma_wait3A_327 = tpu.memref_slice %arg3[%mul3A_2, %dma_wait3A_326] : memref<2560x128xi32, #tpu.memory_space<hbm>> -> memref<1x128xi32, #tpu.memory_space<hbm>>
    %dma_wait3A_328 = tpu.memref_squeeze %dma_wait3A_327 : memref<1x128xi32, #tpu.memory_space<hbm>> -> memref<128xi32, #tpu.memory_space<hbm>>
    %dma_wait3A_329 = arith.constant 0 : i32
    %dma_wait3A_330 = tpu.memref_slice %arg7[%dma_wait3A_322, %dma_wait3A_329] : memref<4x128xi32, #tpu.memory_space<vmem>> -> memref<1x128xi32, #tpu.memory_space<vmem>>
    %dma_wait3A_331 = tpu.memref_squeeze %dma_wait3A_330 : memref<1x128xi32, #tpu.memory_space<vmem>> -> memref<128xi32, #tpu.memory_space<vmem>>
    %dma_wait3A_332 = arith.constant 0 : i32
    %dma_wait3A_333 = tpu.memref_slice %arg3[%mul3A_2, %dma_wait3A_332] : memref<2560x128xi32, #tpu.memory_space<hbm>> -> memref<1x128xi32, #tpu.memory_space<hbm>>
    %dma_wait3A_334 = tpu.memref_squeeze %dma_wait3A_333 : memref<1x128xi32, #tpu.memory_space<hbm>> -> memref<128xi32, #tpu.memory_space<hbm>>
    tpu.wait_dma2 semaphore(%arg11 : memref<!tpu.dma_semaphore, #tpu.memory_space<semaphore_mem>>) src(%dma_wait3A_334 : memref<128xi32, #tpu.memory_space<hbm>>) dst(%dma_wait3A_331 : memref<128xi32, #tpu.memory_space<vmem>>)
    %dma_wait3A_335 = arith.constant 3 : i32
    %dma_wait3A_336 = arith.constant 0 : i32
    %dma_wait3A_337 = tpu.memref_slice %arg8[%dma_wait3A_335, %dma_wait3A_336] : memref<4x128xi32, #tpu.memory_space<vmem>> -> memref<1x128xi32, #tpu.memory_space<vmem>>
    %dma_wait3A_338 = tpu.memref_squeeze %dma_wait3A_337 : memref<1x128xi32, #tpu.memory_space<vmem>> -> memref<128xi32, #tpu.memory_space<vmem>>
    %dma_wait3A_339 = arith.constant 0 : i32
    %dma_wait3A_340 = tpu.memref_slice %arg4[%mul3A_2, %dma_wait3A_339] : memref<2560x128xi32, #tpu.memory_space<hbm>> -> memref<1x128xi32, #tpu.memory_space<hbm>>
    %dma_wait3A_341 = tpu.memref_squeeze %dma_wait3A_340 : memref<1x128xi32, #tpu.memory_space<hbm>> -> memref<128xi32, #tpu.memory_space<hbm>>
    %dma_wait3A_342 = arith.constant 0 : i32
    %dma_wait3A_343 = tpu.memref_slice %arg8[%dma_wait3A_335, %dma_wait3A_342] : memref<4x128xi32, #tpu.memory_space<vmem>> -> memref<1x128xi32, #tpu.memory_space<vmem>>
    %dma_wait3A_344 = tpu.memref_squeeze %dma_wait3A_343 : memref<1x128xi32, #tpu.memory_space<vmem>> -> memref<128xi32, #tpu.memory_space<vmem>>
    %dma_wait3A_345 = arith.constant 0 : i32
    %dma_wait3A_346 = tpu.memref_slice %arg4[%mul3A_2, %dma_wait3A_345] : memref<2560x128xi32, #tpu.memory_space<hbm>> -> memref<1x128xi32, #tpu.memory_space<hbm>>
    %dma_wait3A_347 = tpu.memref_squeeze %dma_wait3A_346 : memref<1x128xi32, #tpu.memory_space<hbm>> -> memref<128xi32, #tpu.memory_space<hbm>>
    tpu.wait_dma2 semaphore(%arg11 : memref<!tpu.dma_semaphore, #tpu.memory_space<semaphore_mem>>) src(%dma_wait3A_347 : memref<128xi32, #tpu.memory_space<hbm>>) dst(%dma_wait3A_344 : memref<128xi32, #tpu.memory_space<vmem>>)
    %dma_start3A_348 = arith.constant 3 : i32
    %dma_start3A_349 = arith.constant 1 : i32
    %dma_start3A_350 = arith.constant 0 : i32
    %dma_start3A_351 = arith.constant 0 : i32
    %dma_start3A_352 = tpu.memref_slice %arg9[%dma_start3A_349, %dma_start3A_350, %dma_start3A_351] : memref<2x128x128xf32, #tpu.memory_space<vmem>> -> memref<1x128x128xf32, #tpu.memory_space<vmem>>
    %dma_start3A_353 = tpu.memref_squeeze %dma_start3A_352 : memref<1x128x128xf32, #tpu.memory_space<vmem>> -> memref<128x128xf32, #tpu.memory_space<vmem>>
    %dma_start3A_354 = arith.constant 0 : i32
    %dma_start3A_355 = tpu.memref_slice %arg7[%dma_start3A_348, %dma_start3A_354] : memref<4x128xi32, #tpu.memory_space<vmem>> -> memref<1x128xi32, #tpu.memory_space<vmem>>
    %dma_start3A_356 = tpu.memref_squeeze %dma_start3A_355 : memref<1x128xi32, #tpu.memory_space<vmem>> -> memref<128xi32, #tpu.memory_space<vmem>>
    %dma_start3A_357 = arith.constant 0 : i32
    %dma_start3A_358 = arith.constant 0 : i32
    %dma_start3A_359 = tpu.memref_slice %arg2[%dma_start3A_357, %dma_start3A_358] : memref<10240x128xf32, #tpu.memory_space<hbm>> -> memref<10240x128xf32, #tpu.memory_space<hbm>>
    tpu.enqueue_indirect_dma source(%dma_start3A_359 : memref<10240x128xf32, #tpu.memory_space<hbm>>) target(%dma_start3A_353 : memref<128x128xf32, #tpu.memory_space<vmem>>) offsets(%dma_start3A_356 : memref<128xi32, #tpu.memory_space<vmem>>) semaphore(%arg13 : memref<!tpu.dma_semaphore, #tpu.memory_space<semaphore_mem>>)
    %dma_wait3A_360 = arith.constant 2 : i32
    %dma_wait3A_361 = arith.constant 0 : i32
    %dma_wait3A_362 = arith.constant 0 : i32
    %dma_wait3A_363 = arith.constant 0 : i32
    %dma_wait3A_364 = tpu.memref_slice %arg9[%dma_wait3A_361, %dma_wait3A_362, %dma_wait3A_363] : memref<2x128x128xf32, #tpu.memory_space<vmem>> -> memref<1x128x128xf32, #tpu.memory_space<vmem>>
    %dma_wait3A_365 = tpu.memref_squeeze %dma_wait3A_364 : memref<1x128x128xf32, #tpu.memory_space<vmem>> -> memref<128x128xf32, #tpu.memory_space<vmem>>
    %dma_wait3A_366 = arith.constant 0 : i32
    %dma_wait3A_367 = tpu.memref_slice %arg7[%dma_wait3A_360, %dma_wait3A_366] : memref<4x128xi32, #tpu.memory_space<vmem>> -> memref<1x128xi32, #tpu.memory_space<vmem>>
    %dma_wait3A_368 = tpu.memref_squeeze %dma_wait3A_367 : memref<1x128xi32, #tpu.memory_space<vmem>> -> memref<128xi32, #tpu.memory_space<vmem>>
    %dma_wait3A_369 = arith.constant 0 : i32
    %dma_wait3A_370 = arith.constant 0 : i32
    %dma_wait3A_371 = tpu.memref_slice %arg2[%dma_wait3A_369, %dma_wait3A_370] : memref<10240x128xf32, #tpu.memory_space<hbm>> -> memref<10240x128xf32, #tpu.memory_space<hbm>>
    tpu.wait_indirect_dma semaphore(%arg12 : memref<!tpu.dma_semaphore, #tpu.memory_space<semaphore_mem>>) src(%dma_wait3A_371 : memref<10240x128xf32, #tpu.memory_space<hbm>>) dst(%dma_wait3A_365 : memref<128x128xf32, #tpu.memory_space<vmem>>)
    %dma_start3A_372 = arith.constant 0 : i32
    %dma_start3A_373 = arith.constant 2 : i32
    %dma_start3A_374 = arith.constant 0 : i32
    %dma_start3A_375 = arith.constant 0 : i32
    %dma_start3A_376 = tpu.memref_slice %arg9[%dma_start3A_372, %dma_start3A_374, %dma_start3A_375] : memref<2x128x128xf32, #tpu.memory_space<vmem>> -> memref<1x128x128xf32, #tpu.memory_space<vmem>>
    %dma_start3A_377 = tpu.memref_squeeze %dma_start3A_376 : memref<1x128x128xf32, #tpu.memory_space<vmem>> -> memref<128x128xf32, #tpu.memory_space<vmem>>
    %dma_start3A_378 = arith.constant 0 : i32
    %dma_start3A_379 = tpu.memref_slice %arg8[%dma_start3A_373, %dma_start3A_378] : memref<4x128xi32, #tpu.memory_space<vmem>> -> memref<1x128xi32, #tpu.memory_space<vmem>>
    %dma_start3A_380 = tpu.memref_squeeze %dma_start3A_379 : memref<1x128xi32, #tpu.memory_space<vmem>> -> memref<128xi32, #tpu.memory_space<vmem>>
    %dma_start3A_381 = arith.constant 0 : i32
    %dma_start3A_382 = arith.constant 0 : i32
    %dma_start3A_383 = tpu.memref_slice %arg10[%dma_start3A_381, %dma_start3A_382] : memref<10240x128xf32, #tpu.memory_space<vmem_shared>> -> memref<10240x128xf32, #tpu.memory_space<vmem_shared>>
    tpu.enqueue_indirect_dma source(%dma_start3A_377 : memref<128x128xf32, #tpu.memory_space<vmem>>) target(%dma_start3A_383 : memref<10240x128xf32, #tpu.memory_space<vmem_shared>>) offsets(%dma_start3A_380 : memref<128xi32, #tpu.memory_space<vmem>>) semaphore(%arg14 : memref<!tpu.dma_semaphore, #tpu.memory_space<semaphore_mem>>) {add = true}
    %dma_wait3A_384 = arith.constant 3 : i32
    %dma_wait3A_385 = arith.constant 1 : i32
    %dma_wait3A_386 = arith.constant 0 : i32
    %dma_wait3A_387 = arith.constant 0 : i32
    %dma_wait3A_388 = tpu.memref_slice %arg9[%dma_wait3A_385, %dma_wait3A_386, %dma_wait3A_387] : memref<2x128x128xf32, #tpu.memory_space<vmem>> -> memref<1x128x128xf32, #tpu.memory_space<vmem>>
    %dma_wait3A_389 = tpu.memref_squeeze %dma_wait3A_388 : memref<1x128x128xf32, #tpu.memory_space<vmem>> -> memref<128x128xf32, #tpu.memory_space<vmem>>
    %dma_wait3A_390 = arith.constant 0 : i32
    %dma_wait3A_391 = tpu.memref_slice %arg7[%dma_wait3A_384, %dma_wait3A_390] : memref<4x128xi32, #tpu.memory_space<vmem>> -> memref<1x128xi32, #tpu.memory_space<vmem>>
    %dma_wait3A_392 = tpu.memref_squeeze %dma_wait3A_391 : memref<1x128xi32, #tpu.memory_space<vmem>> -> memref<128xi32, #tpu.memory_space<vmem>>
    %dma_wait3A_393 = arith.constant 0 : i32
    %dma_wait3A_394 = arith.constant 0 : i32
    %dma_wait3A_395 = tpu.memref_slice %arg2[%dma_wait3A_393, %dma_wait3A_394] : memref<10240x128xf32, #tpu.memory_space<hbm>> -> memref<10240x128xf32, #tpu.memory_space<hbm>>
    tpu.wait_indirect_dma semaphore(%arg13 : memref<!tpu.dma_semaphore, #tpu.memory_space<semaphore_mem>>) src(%dma_wait3A_395 : memref<10240x128xf32, #tpu.memory_space<hbm>>) dst(%dma_wait3A_389 : memref<128x128xf32, #tpu.memory_space<vmem>>)
    %dma_start3A_396 = arith.constant 1 : i32
    %dma_start3A_397 = arith.constant 3 : i32
    %dma_start3A_398 = arith.constant 0 : i32
    %dma_start3A_399 = arith.constant 0 : i32
    %dma_start3A_400 = tpu.memref_slice %arg9[%dma_start3A_396, %dma_start3A_398, %dma_start3A_399] : memref<2x128x128xf32, #tpu.memory_space<vmem>> -> memref<1x128x128xf32, #tpu.memory_space<vmem>>
    %dma_start3A_401 = tpu.memref_squeeze %dma_start3A_400 : memref<1x128x128xf32, #tpu.memory_space<vmem>> -> memref<128x128xf32, #tpu.memory_space<vmem>>
    %dma_start3A_402 = arith.constant 0 : i32
    %dma_start3A_403 = tpu.memref_slice %arg8[%dma_start3A_397, %dma_start3A_402] : memref<4x128xi32, #tpu.memory_space<vmem>> -> memref<1x128xi32, #tpu.memory_space<vmem>>
    %dma_start3A_404 = tpu.memref_squeeze %dma_start3A_403 : memref<1x128xi32, #tpu.memory_space<vmem>> -> memref<128xi32, #tpu.memory_space<vmem>>
    %dma_start3A_405 = arith.constant 0 : i32
    %dma_start3A_406 = arith.constant 0 : i32
    %dma_start3A_407 = tpu.memref_slice %arg10[%dma_start3A_405, %dma_start3A_406] : memref<10240x128xf32, #tpu.memory_space<vmem_shared>> -> memref<10240x128xf32, #tpu.memory_space<vmem_shared>>
    tpu.enqueue_indirect_dma source(%dma_start3A_401 : memref<128x128xf32, #tpu.memory_space<vmem>>) target(%dma_start3A_407 : memref<10240x128xf32, #tpu.memory_space<vmem_shared>>) offsets(%dma_start3A_404 : memref<128xi32, #tpu.memory_space<vmem>>) semaphore(%arg15 : memref<!tpu.dma_semaphore, #tpu.memory_space<semaphore_mem>>) {add = true}
    %dma_wait3A_408 = arith.constant 0 : i32
    %dma_wait3A_409 = arith.constant 2 : i32
    %dma_wait3A_410 = arith.constant 0 : i32
    %dma_wait3A_411 = arith.constant 0 : i32
    %dma_wait3A_412 = tpu.memref_slice %arg9[%dma_wait3A_408, %dma_wait3A_410, %dma_wait3A_411] : memref<2x128x128xf32, #tpu.memory_space<vmem>> -> memref<1x128x128xf32, #tpu.memory_space<vmem>>
    %dma_wait3A_413 = tpu.memref_squeeze %dma_wait3A_412 : memref<1x128x128xf32, #tpu.memory_space<vmem>> -> memref<128x128xf32, #tpu.memory_space<vmem>>
    %dma_wait3A_414 = arith.constant 0 : i32
    %dma_wait3A_415 = tpu.memref_slice %arg8[%dma_wait3A_409, %dma_wait3A_414] : memref<4x128xi32, #tpu.memory_space<vmem>> -> memref<1x128xi32, #tpu.memory_space<vmem>>
    %dma_wait3A_416 = tpu.memref_squeeze %dma_wait3A_415 : memref<1x128xi32, #tpu.memory_space<vmem>> -> memref<128xi32, #tpu.memory_space<vmem>>
    %dma_wait3A_417 = arith.constant 0 : i32
    %dma_wait3A_418 = arith.constant 0 : i32
    %dma_wait3A_419 = tpu.memref_slice %arg10[%dma_wait3A_417, %dma_wait3A_418] : memref<10240x128xf32, #tpu.memory_space<vmem_shared>> -> memref<10240x128xf32, #tpu.memory_space<vmem_shared>>
    tpu.wait_indirect_dma semaphore(%arg14 : memref<!tpu.dma_semaphore, #tpu.memory_space<semaphore_mem>>) src(%dma_wait3A_413 : memref<128x128xf32, #tpu.memory_space<vmem>>) dst(%dma_wait3A_419 : memref<10240x128xf32, #tpu.memory_space<vmem_shared>>)
    %dma_wait3A_420 = arith.constant 1 : i32
    %dma_wait3A_421 = arith.constant 3 : i32
    %dma_wait3A_422 = arith.constant 0 : i32
    %dma_wait3A_423 = arith.constant 0 : i32
    %dma_wait3A_424 = tpu.memref_slice %arg9[%dma_wait3A_420, %dma_wait3A_422, %dma_wait3A_423] : memref<2x128x128xf32, #tpu.memory_space<vmem>> -> memref<1x128x128xf32, #tpu.memory_space<vmem>>
    %dma_wait3A_425 = tpu.memref_squeeze %dma_wait3A_424 : memref<1x128x128xf32, #tpu.memory_space<vmem>> -> memref<128x128xf32, #tpu.memory_space<vmem>>
    %dma_wait3A_426 = arith.constant 0 : i32
    %dma_wait3A_427 = tpu.memref_slice %arg8[%dma_wait3A_421, %dma_wait3A_426] : memref<4x128xi32, #tpu.memory_space<vmem>> -> memref<1x128xi32, #tpu.memory_space<vmem>>
    %dma_wait3A_428 = tpu.memref_squeeze %dma_wait3A_427 : memref<1x128xi32, #tpu.memory_space<vmem>> -> memref<128xi32, #tpu.memory_space<vmem>>
    %dma_wait3A_429 = arith.constant 0 : i32
    %dma_wait3A_430 = arith.constant 0 : i32
    %dma_wait3A_431 = tpu.memref_slice %arg10[%dma_wait3A_429, %dma_wait3A_430] : memref<10240x128xf32, #tpu.memory_space<vmem_shared>> -> memref<10240x128xf32, #tpu.memory_space<vmem_shared>>
    tpu.wait_indirect_dma semaphore(%arg15 : memref<!tpu.dma_semaphore, #tpu.memory_space<semaphore_mem>>) src(%dma_wait3A_425 : memref<128x128xf32, #tpu.memory_space<vmem>>) dst(%dma_wait3A_431 : memref<10240x128xf32, #tpu.memory_space<vmem_shared>>)
    %barrier3A_432 = arith.constant 0 : index
    tpu.barrier barrier_id(%barrier3A_432)
    %mul3A_433 = arith.constant 640 : i32
    %mul3A_434 = arith.muli %arg1, %mul3A_433 : i32
    %mul3A_435 = arith.constant 640 : i32
    %mul3A_436 = arith.muli %arg1, %mul3A_435 : i32
    "tpu.region"() ({
      %run_scoped3A = tpu.sem_alloc : memref<!tpu.dma_semaphore, #tpu.memory_space<semaphore_mem>>
      %dma_start3A_437 = arith.constant 0 : i32
      %dma_start3A_438 = tpu.memref_slice %arg6[%arg0, %mul3A_436, %dma_start3A_437] : memref<2x10240x128xf32, #tpu.memory_space<hbm>> -> memref<1x640x128xf32, #tpu.memory_space<hbm>>
      %dma_start3A_439 = tpu.memref_squeeze %dma_start3A_438 : memref<1x640x128xf32, #tpu.memory_space<hbm>> -> memref<640x128xf32, #tpu.memory_space<hbm>>
      %dma_start3A_440 = arith.constant 0 : i32
      %dma_start3A_441 = tpu.memref_slice %arg10[%mul3A_434, %dma_start3A_440] : memref<10240x128xf32, #tpu.memory_space<vmem_shared>> -> memref<640x128xf32, #tpu.memory_space<vmem_shared>>
      tpu.enqueue_dma source(%dma_start3A_441 : memref<640x128xf32, #tpu.memory_space<vmem_shared>>) target(%dma_start3A_439 : memref<640x128xf32, #tpu.memory_space<hbm>>) target_semaphore(%run_scoped3A : memref<!tpu.dma_semaphore, #tpu.memory_space<semaphore_mem>>)
      %dma_wait3A_442 = arith.constant 0 : i32
      %dma_wait3A_443 = tpu.memref_slice %arg6[%arg0, %mul3A_436, %dma_wait3A_442] : memref<2x10240x128xf32, #tpu.memory_space<hbm>> -> memref<1x640x128xf32, #tpu.memory_space<hbm>>
      %dma_wait3A_444 = tpu.memref_squeeze %dma_wait3A_443 : memref<1x640x128xf32, #tpu.memory_space<hbm>> -> memref<640x128xf32, #tpu.memory_space<hbm>>
      %dma_wait3A_445 = arith.constant 0 : i32
      %dma_wait3A_446 = tpu.memref_slice %arg10[%mul3A_434, %dma_wait3A_445] : memref<10240x128xf32, #tpu.memory_space<vmem_shared>> -> memref<640x128xf32, #tpu.memory_space<vmem_shared>>
      tpu.wait_dma2 semaphore(%run_scoped3A : memref<!tpu.dma_semaphore, #tpu.memory_space<semaphore_mem>>) src(%dma_wait3A_446 : memref<640x128xf32, #tpu.memory_space<vmem_shared>>) dst(%dma_wait3A_444 : memref<640x128xf32, #tpu.memory_space<hbm>>)
      tpu.yield
    }) : () -> ()
    return
  }
}

#map = affine_map<(d0, d1) -> (0, 0)>
#map1 = affine_map<(d0, d1) -> (0)>
#map2 = affine_map<(d0, d1) -> (0, 0, 0)>
module attributes {stable_mosaic.version = 14 : i64} {
  func.func @_degrees_sc(%arg0: i32, %arg1: i32, %arg2: memref<2560x128xi32, #tpu.memory_space<hbm>>, %arg3: memref<2560x128xi32, #tpu.memory_space<hbm>>, %arg4: memref<81936xf32, #tpu.memory_space<hbm>>, %arg5: memref<32x2x10240xf32, #tpu.memory_space<hbm>>, %arg6: memref<80x128xi32, #tpu.memory_space<vmem>>, %arg7: memref<81936xf32, #tpu.memory_space<vmem>>, %arg8: memref<5120xf32, #tpu.memory_space<vmem>>) attributes {dimension_semantics = [#tpu.dimension_semantics<core_parallel>, #tpu.dimension_semantics<subcore_parallel>], iteration_bounds = array<i64: 2, 16>, scalar_prefetch = 0 : i64, scratch_operands = 3 : i64, tpu.core_type = #tpu.core_type<sc_vector_subcore>, window_params = [{transform_indices = #map}, {transform_indices = #map}, {transform_indices = #map1}, {transform_indices = #map2}]} {
    %mul3A = arith.constant 16 : i32
    %mul3A_0 = arith.muli %arg0, %mul3A : i32
    %add3A = arith.addi %mul3A_0, %arg1 : i32
    %mul3A_1 = arith.constant 80 : i32
    %mul3A_2 = arith.muli %add3A, %mul3A_1 : i32
    %broadcast_in_dim3A = arith.constant 1.000000e+00 : f32
    %broadcast_in_dim3A_3 = vector.broadcast %broadcast_in_dim3A : f32 to vector<16xf32>
    %iota3A = tpu.iota {dimensions = array<i32: 0>} : vector<16xi32>
    %mul3A_4 = arith.constant 5120 : i32
    %mul3A_5 = vector.broadcast %mul3A_4 : i32 to vector<16xi32>
    %mul3A_6 = arith.muli %iota3A, %mul3A_5 : vector<16xi32>
    "tpu.region"() ({
      %run_scoped3A_57 = tpu.sem_alloc : memref<!tpu.dma_semaphore, #tpu.memory_space<semaphore_mem>>
      %dma_start3A = arith.constant 0 : i32
      %dma_start3A_58 = tpu.memref_slice %arg2[%mul3A_2, %dma_start3A] : memref<2560x128xi32, #tpu.memory_space<hbm>> -> memref<80x128xi32, #tpu.memory_space<hbm>>
      %dma_start3A_59 = arith.constant 0 : i32
      %dma_start3A_60 = tpu.memref_slice %arg2[%mul3A_2, %dma_start3A_59] : memref<2560x128xi32, #tpu.memory_space<hbm>> -> memref<80x128xi32, #tpu.memory_space<hbm>>
      tpu.enqueue_dma source(%dma_start3A_60 : memref<80x128xi32, #tpu.memory_space<hbm>>) target(%arg6 : memref<80x128xi32, #tpu.memory_space<vmem>>) target_semaphore(%run_scoped3A_57 : memref<!tpu.dma_semaphore, #tpu.memory_space<semaphore_mem>>)
      %dma_wait3A = arith.constant 0 : i32
      %dma_wait3A_61 = tpu.memref_slice %arg2[%mul3A_2, %dma_wait3A] : memref<2560x128xi32, #tpu.memory_space<hbm>> -> memref<80x128xi32, #tpu.memory_space<hbm>>
      %dma_wait3A_62 = arith.constant 0 : i32
      %dma_wait3A_63 = tpu.memref_slice %arg2[%mul3A_2, %dma_wait3A_62] : memref<2560x128xi32, #tpu.memory_space<hbm>> -> memref<80x128xi32, #tpu.memory_space<hbm>>
      tpu.wait_dma2 semaphore(%run_scoped3A_57 : memref<!tpu.dma_semaphore, #tpu.memory_space<semaphore_mem>>) src(%dma_wait3A_63 : memref<80x128xi32, #tpu.memory_space<hbm>>) dst(%arg6 : memref<80x128xi32, #tpu.memory_space<vmem>>)
      tpu.yield
    }) : () -> ()
    "tpu.region"() ({
      %run_scoped3A_57 = tpu.sem_alloc : memref<!tpu.dma_semaphore, #tpu.memory_space<semaphore_mem>>
      tpu.enqueue_dma source(%arg4 : memref<81936xf32, #tpu.memory_space<hbm>>) target(%arg7 : memref<81936xf32, #tpu.memory_space<vmem>>) target_semaphore(%run_scoped3A_57 : memref<!tpu.dma_semaphore, #tpu.memory_space<semaphore_mem>>)
      tpu.wait_dma2 semaphore(%run_scoped3A_57 : memref<!tpu.dma_semaphore, #tpu.memory_space<semaphore_mem>>) src(%arg4 : memref<81936xf32, #tpu.memory_space<hbm>>) dst(%arg7 : memref<81936xf32, #tpu.memory_space<vmem>>)
      tpu.yield
    }) : () -> ()
    %scan3A = arith.constant 0 : i32
    %scan3A_7 = arith.constant 0 : i32
    %scan3A_8 = arith.constant 80 : i32
    %scan3A_9 = arith.addi %scan3A_7, %scan3A_8 : i32
    %scan3A_10 = arith.constant 1 : i32
    scf.for %scan3A_57 = %scan3A_7 to %scan3A_9 step %scan3A_10  : i32 {
      %get3A = arith.index_cast %scan3A_57 : i32 to index
      %get3A_58 = arith.constant 0 : index
      %get3A_59 = tpu.vector_load %arg6[%get3A, %get3A_58] {strides = array<i32>} : memref<80x128xi32, #tpu.memory_space<vmem>>, vector<16xi32>,
      %sub3A = arith.constant 0 : i32
      %sub3A_60 = vector.broadcast %sub3A : i32 to vector<16xi32>
      %sub3A_61 = arith.subi %get3A_59, %sub3A_60 : vector<16xi32>
      %ge3A = arith.constant 0 : i32
      %ge3A_62 = vector.broadcast %ge3A : i32 to vector<16xi32>
      %ge3A_63 = arith.cmpi sge, %sub3A_61, %ge3A_62 : vector<16xi32>
      %lt3A = arith.constant 5120 : i32
      %lt3A_64 = vector.broadcast %lt3A : i32 to vector<16xi32>
      %lt3A_65 = arith.cmpi slt, %sub3A_61, %lt3A_64 : vector<16xi32>
      %and3A = arith.andi %ge3A_63, %lt3A_65 : vector<16xi1>
      %add3A_66 = arith.addi %sub3A_61, %mul3A_6 : vector<16xi32>
      %add3A_67 = arith.constant 81920 : i32
      %add3A_68 = vector.broadcast %add3A_67 : i32 to vector<16xi32>
      %add3A_69 = arith.addi %add3A_68, %iota3A : vector<16xi32>
      %select_n3A = arith.select %and3A, %add3A_66, %add3A_69 : vector<16xi1>, vector<16xi32>
      tpu.vector_store_idx %arg7[%select_n3A], %broadcast_in_dim3A_3 {add = true} : memref<81936xf32, #tpu.memory_space<vmem>>[vector<16xi32>], vector<16xf32>,
      %get3A_70 = arith.index_cast %scan3A_57 : i32 to index
      %get3A_71 = arith.constant 16 : index
      %get3A_72 = tpu.vector_load %arg6[%get3A_70, %get3A_71] {strides = array<i32>} : memref<80x128xi32, #tpu.memory_space<vmem>>, vector<16xi32>,
      %sub3A_73 = arith.constant 0 : i32
      %sub3A_74 = vector.broadcast %sub3A_73 : i32 to vector<16xi32>
      %sub3A_75 = arith.subi %get3A_72, %sub3A_74 : vector<16xi32>
      %ge3A_76 = arith.constant 0 : i32
      %ge3A_77 = vector.broadcast %ge3A_76 : i32 to vector<16xi32>
      %ge3A_78 = arith.cmpi sge, %sub3A_75, %ge3A_77 : vector<16xi32>
      %lt3A_79 = arith.constant 5120 : i32
      %lt3A_80 = vector.broadcast %lt3A_79 : i32 to vector<16xi32>
      %lt3A_81 = arith.cmpi slt, %sub3A_75, %lt3A_80 : vector<16xi32>
      %and3A_82 = arith.andi %ge3A_78, %lt3A_81 : vector<16xi1>
      %add3A_83 = arith.addi %sub3A_75, %mul3A_6 : vector<16xi32>
      %add3A_84 = arith.constant 81920 : i32
      %add3A_85 = vector.broadcast %add3A_84 : i32 to vector<16xi32>
      %add3A_86 = arith.addi %add3A_85, %iota3A : vector<16xi32>
      %select_n3A_87 = arith.select %and3A_82, %add3A_83, %add3A_86 : vector<16xi1>, vector<16xi32>
      tpu.vector_store_idx %arg7[%select_n3A_87], %broadcast_in_dim3A_3 {add = true} : memref<81936xf32, #tpu.memory_space<vmem>>[vector<16xi32>], vector<16xf32>,
      %get3A_88 = arith.index_cast %scan3A_57 : i32 to index
      %get3A_89 = arith.constant 32 : index
      %get3A_90 = tpu.vector_load %arg6[%get3A_88, %get3A_89] {strides = array<i32>} : memref<80x128xi32, #tpu.memory_space<vmem>>, vector<16xi32>,
      %sub3A_91 = arith.constant 0 : i32
      %sub3A_92 = vector.broadcast %sub3A_91 : i32 to vector<16xi32>
      %sub3A_93 = arith.subi %get3A_90, %sub3A_92 : vector<16xi32>
      %ge3A_94 = arith.constant 0 : i32
      %ge3A_95 = vector.broadcast %ge3A_94 : i32 to vector<16xi32>
      %ge3A_96 = arith.cmpi sge, %sub3A_93, %ge3A_95 : vector<16xi32>
      %lt3A_97 = arith.constant 5120 : i32
      %lt3A_98 = vector.broadcast %lt3A_97 : i32 to vector<16xi32>
      %lt3A_99 = arith.cmpi slt, %sub3A_93, %lt3A_98 : vector<16xi32>
      %and3A_100 = arith.andi %ge3A_96, %lt3A_99 : vector<16xi1>
      %add3A_101 = arith.addi %sub3A_93, %mul3A_6 : vector<16xi32>
      %add3A_102 = arith.constant 81920 : i32
      %add3A_103 = vector.broadcast %add3A_102 : i32 to vector<16xi32>
      %add3A_104 = arith.addi %add3A_103, %iota3A : vector<16xi32>
      %select_n3A_105 = arith.select %and3A_100, %add3A_101, %add3A_104 : vector<16xi1>, vector<16xi32>
      tpu.vector_store_idx %arg7[%select_n3A_105], %broadcast_in_dim3A_3 {add = true} : memref<81936xf32, #tpu.memory_space<vmem>>[vector<16xi32>], vector<16xf32>,
      %get3A_106 = arith.index_cast %scan3A_57 : i32 to index
      %get3A_107 = arith.constant 48 : index
      %get3A_108 = tpu.vector_load %arg6[%get3A_106, %get3A_107] {strides = array<i32>} : memref<80x128xi32, #tpu.memory_space<vmem>>, vector<16xi32>,
      %sub3A_109 = arith.constant 0 : i32
      %sub3A_110 = vector.broadcast %sub3A_109 : i32 to vector<16xi32>
      %sub3A_111 = arith.subi %get3A_108, %sub3A_110 : vector<16xi32>
      %ge3A_112 = arith.constant 0 : i32
      %ge3A_113 = vector.broadcast %ge3A_112 : i32 to vector<16xi32>
      %ge3A_114 = arith.cmpi sge, %sub3A_111, %ge3A_113 : vector<16xi32>
      %lt3A_115 = arith.constant 5120 : i32
      %lt3A_116 = vector.broadcast %lt3A_115 : i32 to vector<16xi32>
      %lt3A_117 = arith.cmpi slt, %sub3A_111, %lt3A_116 : vector<16xi32>
      %and3A_118 = arith.andi %ge3A_114, %lt3A_117 : vector<16xi1>
      %add3A_119 = arith.addi %sub3A_111, %mul3A_6 : vector<16xi32>
      %add3A_120 = arith.constant 81920 : i32
      %add3A_121 = vector.broadcast %add3A_120 : i32 to vector<16xi32>
      %add3A_122 = arith.addi %add3A_121, %iota3A : vector<16xi32>
      %select_n3A_123 = arith.select %and3A_118, %add3A_119, %add3A_122 : vector<16xi1>, vector<16xi32>
      tpu.vector_store_idx %arg7[%select_n3A_123], %broadcast_in_dim3A_3 {add = true} : memref<81936xf32, #tpu.memory_space<vmem>>[vector<16xi32>], vector<16xf32>,
      %get3A_124 = arith.index_cast %scan3A_57 : i32 to index
      %get3A_125 = arith.constant 64 : index
      %get3A_126 = tpu.vector_load %arg6[%get3A_124, %get3A_125] {strides = array<i32>} : memref<80x128xi32, #tpu.memory_space<vmem>>, vector<16xi32>,
      %sub3A_127 = arith.constant 0 : i32
      %sub3A_128 = vector.broadcast %sub3A_127 : i32 to vector<16xi32>
      %sub3A_129 = arith.subi %get3A_126, %sub3A_128 : vector<16xi32>
      %ge3A_130 = arith.constant 0 : i32
      %ge3A_131 = vector.broadcast %ge3A_130 : i32 to vector<16xi32>
      %ge3A_132 = arith.cmpi sge, %sub3A_129, %ge3A_131 : vector<16xi32>
      %lt3A_133 = arith.constant 5120 : i32
      %lt3A_134 = vector.broadcast %lt3A_133 : i32 to vector<16xi32>
      %lt3A_135 = arith.cmpi slt, %sub3A_129, %lt3A_134 : vector<16xi32>
      %and3A_136 = arith.andi %ge3A_132, %lt3A_135 : vector<16xi1>
      %add3A_137 = arith.addi %sub3A_129, %mul3A_6 : vector<16xi32>
      %add3A_138 = arith.constant 81920 : i32
      %add3A_139 = vector.broadcast %add3A_138 : i32 to vector<16xi32>
      %add3A_140 = arith.addi %add3A_139, %iota3A : vector<16xi32>
      %select_n3A_141 = arith.select %and3A_136, %add3A_137, %add3A_140 : vector<16xi1>, vector<16xi32>
      tpu.vector_store_idx %arg7[%select_n3A_141], %broadcast_in_dim3A_3 {add = true} : memref<81936xf32, #tpu.memory_space<vmem>>[vector<16xi32>], vector<16xf32>,
      %get3A_142 = arith.index_cast %scan3A_57 : i32 to index
      %get3A_143 = arith.constant 80 : index
      %get3A_144 = tpu.vector_load %arg6[%get3A_142, %get3A_143] {strides = array<i32>} : memref<80x128xi32, #tpu.memory_space<vmem>>, vector<16xi32>,
      %sub3A_145 = arith.constant 0 : i32
      %sub3A_146 = vector.broadcast %sub3A_145 : i32 to vector<16xi32>
      %sub3A_147 = arith.subi %get3A_144, %sub3A_146 : vector<16xi32>
      %ge3A_148 = arith.constant 0 : i32
      %ge3A_149 = vector.broadcast %ge3A_148 : i32 to vector<16xi32>
      %ge3A_150 = arith.cmpi sge, %sub3A_147, %ge3A_149 : vector<16xi32>
      %lt3A_151 = arith.constant 5120 : i32
      %lt3A_152 = vector.broadcast %lt3A_151 : i32 to vector<16xi32>
      %lt3A_153 = arith.cmpi slt, %sub3A_147, %lt3A_152 : vector<16xi32>
      %and3A_154 = arith.andi %ge3A_150, %lt3A_153 : vector<16xi1>
      %add3A_155 = arith.addi %sub3A_147, %mul3A_6 : vector<16xi32>
      %add3A_156 = arith.constant 81920 : i32
      %add3A_157 = vector.broadcast %add3A_156 : i32 to vector<16xi32>
      %add3A_158 = arith.addi %add3A_157, %iota3A : vector<16xi32>
      %select_n3A_159 = arith.select %and3A_154, %add3A_155, %add3A_158 : vector<16xi1>, vector<16xi32>
      tpu.vector_store_idx %arg7[%select_n3A_159], %broadcast_in_dim3A_3 {add = true} : memref<81936xf32, #tpu.memory_space<vmem>>[vector<16xi32>], vector<16xf32>,
      %get3A_160 = arith.index_cast %scan3A_57 : i32 to index
      %get3A_161 = arith.constant 96 : index
      %get3A_162 = tpu.vector_load %arg6[%get3A_160, %get3A_161] {strides = array<i32>} : memref<80x128xi32, #tpu.memory_space<vmem>>, vector<16xi32>,
      %sub3A_163 = arith.constant 0 : i32
      %sub3A_164 = vector.broadcast %sub3A_163 : i32 to vector<16xi32>
      %sub3A_165 = arith.subi %get3A_162, %sub3A_164 : vector<16xi32>
      %ge3A_166 = arith.constant 0 : i32
      %ge3A_167 = vector.broadcast %ge3A_166 : i32 to vector<16xi32>
      %ge3A_168 = arith.cmpi sge, %sub3A_165, %ge3A_167 : vector<16xi32>
      %lt3A_169 = arith.constant 5120 : i32
      %lt3A_170 = vector.broadcast %lt3A_169 : i32 to vector<16xi32>
      %lt3A_171 = arith.cmpi slt, %sub3A_165, %lt3A_170 : vector<16xi32>
      %and3A_172 = arith.andi %ge3A_168, %lt3A_171 : vector<16xi1>
      %add3A_173 = arith.addi %sub3A_165, %mul3A_6 : vector<16xi32>
      %add3A_174 = arith.constant 81920 : i32
      %add3A_175 = vector.broadcast %add3A_174 : i32 to vector<16xi32>
      %add3A_176 = arith.addi %add3A_175, %iota3A : vector<16xi32>
      %select_n3A_177 = arith.select %and3A_172, %add3A_173, %add3A_176 : vector<16xi1>, vector<16xi32>
      tpu.vector_store_idx %arg7[%select_n3A_177], %broadcast_in_dim3A_3 {add = true} : memref<81936xf32, #tpu.memory_space<vmem>>[vector<16xi32>], vector<16xf32>,
      %get3A_178 = arith.index_cast %scan3A_57 : i32 to index
      %get3A_179 = arith.constant 112 : index
      %get3A_180 = tpu.vector_load %arg6[%get3A_178, %get3A_179] {strides = array<i32>} : memref<80x128xi32, #tpu.memory_space<vmem>>, vector<16xi32>,
      %sub3A_181 = arith.constant 0 : i32
      %sub3A_182 = vector.broadcast %sub3A_181 : i32 to vector<16xi32>
      %sub3A_183 = arith.subi %get3A_180, %sub3A_182 : vector<16xi32>
      %ge3A_184 = arith.constant 0 : i32
      %ge3A_185 = vector.broadcast %ge3A_184 : i32 to vector<16xi32>
      %ge3A_186 = arith.cmpi sge, %sub3A_183, %ge3A_185 : vector<16xi32>
      %lt3A_187 = arith.constant 5120 : i32
      %lt3A_188 = vector.broadcast %lt3A_187 : i32 to vector<16xi32>
      %lt3A_189 = arith.cmpi slt, %sub3A_183, %lt3A_188 : vector<16xi32>
      %and3A_190 = arith.andi %ge3A_186, %lt3A_189 : vector<16xi1>
      %add3A_191 = arith.addi %sub3A_183, %mul3A_6 : vector<16xi32>
      %add3A_192 = arith.constant 81920 : i32
      %add3A_193 = vector.broadcast %add3A_192 : i32 to vector<16xi32>
      %add3A_194 = arith.addi %add3A_193, %iota3A : vector<16xi32>
      %select_n3A_195 = arith.select %and3A_190, %add3A_191, %add3A_194 : vector<16xi1>, vector<16xi32>
      tpu.vector_store_idx %arg7[%select_n3A_195], %broadcast_in_dim3A_3 {add = true} : memref<81936xf32, #tpu.memory_space<vmem>>[vector<16xi32>], vector<16xf32>,
    }
    %scan3A_11 = arith.constant 80 : i32
    %scan3A_12 = arith.constant 0 : i32
    %scan3A_13 = arith.constant 0 : i32
    %scan3A_14 = arith.constant 320 : i32
    %scan3A_15 = arith.addi %scan3A_13, %scan3A_14 : i32
    %scan3A_16 = arith.constant 1 : i32
    scf.for %scan3A_57 = %scan3A_13 to %scan3A_15 step %scan3A_16  : i32 {
      %mul3A_58 = arith.constant 16 : i32
      %mul3A_59 = arith.muli %scan3A_57, %mul3A_58 : i32
      %get3A = arith.index_cast %mul3A_59 : i32 to index
      %get3A_60 = tpu.vector_load %arg7[%get3A] {strides = array<i32>} : memref<81936xf32, #tpu.memory_space<vmem>>, vector<16xf32>,
      %mul3A_61 = arith.constant 16 : i32
      %mul3A_62 = arith.muli %scan3A_57, %mul3A_61 : i32
      %add3A_63 = arith.constant 5120 : i32
      %add3A_64 = arith.addi %add3A_63, %mul3A_62 : i32
      %get3A_65 = arith.index_cast %add3A_64 : i32 to index
      %get3A_66 = tpu.vector_load %arg7[%get3A_65] {strides = array<i32>} : memref<81936xf32, #tpu.memory_space<vmem>>, vector<16xf32>,
      %add3A_67 = arith.addf %get3A_60, %get3A_66 : vector<16xf32>
      %mul3A_68 = arith.constant 16 : i32
      %mul3A_69 = arith.muli %scan3A_57, %mul3A_68 : i32
      %add3A_70 = arith.constant 10240 : i32
      %add3A_71 = arith.addi %add3A_70, %mul3A_69 : i32
      %get3A_72 = arith.index_cast %add3A_71 : i32 to index
      %get3A_73 = tpu.vector_load %arg7[%get3A_72] {strides = array<i32>} : memref<81936xf32, #tpu.memory_space<vmem>>, vector<16xf32>,
      %add3A_74 = arith.addf %add3A_67, %get3A_73 : vector<16xf32>
      %mul3A_75 = arith.constant 16 : i32
      %mul3A_76 = arith.muli %scan3A_57, %mul3A_75 : i32
      %add3A_77 = arith.constant 15360 : i32
      %add3A_78 = arith.addi %add3A_77, %mul3A_76 : i32
      %get3A_79 = arith.index_cast %add3A_78 : i32 to index
      %get3A_80 = tpu.vector_load %arg7[%get3A_79] {strides = array<i32>} : memref<81936xf32, #tpu.memory_space<vmem>>, vector<16xf32>,
      %add3A_81 = arith.addf %add3A_74, %get3A_80 : vector<16xf32>
      %mul3A_82 = arith.constant 16 : i32
      %mul3A_83 = arith.muli %scan3A_57, %mul3A_82 : i32
      %add3A_84 = arith.constant 20480 : i32
      %add3A_85 = arith.addi %add3A_84, %mul3A_83 : i32
      %get3A_86 = arith.index_cast %add3A_85 : i32 to index
      %get3A_87 = tpu.vector_load %arg7[%get3A_86] {strides = array<i32>} : memref<81936xf32, #tpu.memory_space<vmem>>, vector<16xf32>,
      %add3A_88 = arith.addf %add3A_81, %get3A_87 : vector<16xf32>
      %mul3A_89 = arith.constant 16 : i32
      %mul3A_90 = arith.muli %scan3A_57, %mul3A_89 : i32
      %add3A_91 = arith.constant 25600 : i32
      %add3A_92 = arith.addi %add3A_91, %mul3A_90 : i32
      %get3A_93 = arith.index_cast %add3A_92 : i32 to index
      %get3A_94 = tpu.vector_load %arg7[%get3A_93] {strides = array<i32>} : memref<81936xf32, #tpu.memory_space<vmem>>, vector<16xf32>,
      %add3A_95 = arith.addf %add3A_88, %get3A_94 : vector<16xf32>
      %mul3A_96 = arith.constant 16 : i32
      %mul3A_97 = arith.muli %scan3A_57, %mul3A_96 : i32
      %add3A_98 = arith.constant 30720 : i32
      %add3A_99 = arith.addi %add3A_98, %mul3A_97 : i32
      %get3A_100 = arith.index_cast %add3A_99 : i32 to index
      %get3A_101 = tpu.vector_load %arg7[%get3A_100] {strides = array<i32>} : memref<81936xf32, #tpu.memory_space<vmem>>, vector<16xf32>,
      %add3A_102 = arith.addf %add3A_95, %get3A_101 : vector<16xf32>
      %mul3A_103 = arith.constant 16 : i32
      %mul3A_104 = arith.muli %scan3A_57, %mul3A_103 : i32
      %add3A_105 = arith.constant 35840 : i32
      %add3A_106 = arith.addi %add3A_105, %mul3A_104 : i32
      %get3A_107 = arith.index_cast %add3A_106 : i32 to index
      %get3A_108 = tpu.vector_load %arg7[%get3A_107] {strides = array<i32>} : memref<81936xf32, #tpu.memory_space<vmem>>, vector<16xf32>,
      %add3A_109 = arith.addf %add3A_102, %get3A_108 : vector<16xf32>
      %mul3A_110 = arith.constant 16 : i32
      %mul3A_111 = arith.muli %scan3A_57, %mul3A_110 : i32
      %add3A_112 = arith.constant 40960 : i32
      %add3A_113 = arith.addi %add3A_112, %mul3A_111 : i32
      %get3A_114 = arith.index_cast %add3A_113 : i32 to index
      %get3A_115 = tpu.vector_load %arg7[%get3A_114] {strides = array<i32>} : memref<81936xf32, #tpu.memory_space<vmem>>, vector<16xf32>,
      %add3A_116 = arith.addf %add3A_109, %get3A_115 : vector<16xf32>
      %mul3A_117 = arith.constant 16 : i32
      %mul3A_118 = arith.muli %scan3A_57, %mul3A_117 : i32
      %add3A_119 = arith.constant 46080 : i32
      %add3A_120 = arith.addi %add3A_119, %mul3A_118 : i32
      %get3A_121 = arith.index_cast %add3A_120 : i32 to index
      %get3A_122 = tpu.vector_load %arg7[%get3A_121] {strides = array<i32>} : memref<81936xf32, #tpu.memory_space<vmem>>, vector<16xf32>,
      %add3A_123 = arith.addf %add3A_116, %get3A_122 : vector<16xf32>
      %mul3A_124 = arith.constant 16 : i32
      %mul3A_125 = arith.muli %scan3A_57, %mul3A_124 : i32
      %add3A_126 = arith.constant 51200 : i32
      %add3A_127 = arith.addi %add3A_126, %mul3A_125 : i32
      %get3A_128 = arith.index_cast %add3A_127 : i32 to index
      %get3A_129 = tpu.vector_load %arg7[%get3A_128] {strides = array<i32>} : memref<81936xf32, #tpu.memory_space<vmem>>, vector<16xf32>,
      %add3A_130 = arith.addf %add3A_123, %get3A_129 : vector<16xf32>
      %mul3A_131 = arith.constant 16 : i32
      %mul3A_132 = arith.muli %scan3A_57, %mul3A_131 : i32
      %add3A_133 = arith.constant 56320 : i32
      %add3A_134 = arith.addi %add3A_133, %mul3A_132 : i32
      %get3A_135 = arith.index_cast %add3A_134 : i32 to index
      %get3A_136 = tpu.vector_load %arg7[%get3A_135] {strides = array<i32>} : memref<81936xf32, #tpu.memory_space<vmem>>, vector<16xf32>,
      %add3A_137 = arith.addf %add3A_130, %get3A_136 : vector<16xf32>
      %mul3A_138 = arith.constant 16 : i32
      %mul3A_139 = arith.muli %scan3A_57, %mul3A_138 : i32
      %add3A_140 = arith.constant 61440 : i32
      %add3A_141 = arith.addi %add3A_140, %mul3A_139 : i32
      %get3A_142 = arith.index_cast %add3A_141 : i32 to index
      %get3A_143 = tpu.vector_load %arg7[%get3A_142] {strides = array<i32>} : memref<81936xf32, #tpu.memory_space<vmem>>, vector<16xf32>,
      %add3A_144 = arith.addf %add3A_137, %get3A_143 : vector<16xf32>
      %mul3A_145 = arith.constant 16 : i32
      %mul3A_146 = arith.muli %scan3A_57, %mul3A_145 : i32
      %add3A_147 = arith.constant 66560 : i32
      %add3A_148 = arith.addi %add3A_147, %mul3A_146 : i32
      %get3A_149 = arith.index_cast %add3A_148 : i32 to index
      %get3A_150 = tpu.vector_load %arg7[%get3A_149] {strides = array<i32>} : memref<81936xf32, #tpu.memory_space<vmem>>, vector<16xf32>,
      %add3A_151 = arith.addf %add3A_144, %get3A_150 : vector<16xf32>
      %mul3A_152 = arith.constant 16 : i32
      %mul3A_153 = arith.muli %scan3A_57, %mul3A_152 : i32
      %add3A_154 = arith.constant 71680 : i32
      %add3A_155 = arith.addi %add3A_154, %mul3A_153 : i32
      %get3A_156 = arith.index_cast %add3A_155 : i32 to index
      %get3A_157 = tpu.vector_load %arg7[%get3A_156] {strides = array<i32>} : memref<81936xf32, #tpu.memory_space<vmem>>, vector<16xf32>,
      %add3A_158 = arith.addf %add3A_151, %get3A_157 : vector<16xf32>
      %mul3A_159 = arith.constant 16 : i32
      %mul3A_160 = arith.muli %scan3A_57, %mul3A_159 : i32
      %add3A_161 = arith.constant 76800 : i32
      %add3A_162 = arith.addi %add3A_161, %mul3A_160 : i32
      %get3A_163 = arith.index_cast %add3A_162 : i32 to index
      %get3A_164 = tpu.vector_load %arg7[%get3A_163] {strides = array<i32>} : memref<81936xf32, #tpu.memory_space<vmem>>, vector<16xf32>,
      %add3A_165 = arith.addf %add3A_158, %get3A_164 : vector<16xf32>
      %mul3A_166 = arith.constant 16 : i32
      %mul3A_167 = arith.muli %scan3A_57, %mul3A_166 : i32
      %swap3A = arith.index_cast %mul3A_167 : i32 to index
      %swap3A_168 = tpu.vector_load %arg8[%swap3A] {strides = array<i32>} : memref<5120xf32, #tpu.memory_space<vmem>>, vector<16xf32>,
      tpu.vector_store %arg8[%swap3A], %add3A_165 {strides = array<i32>} : memref<5120xf32, #tpu.memory_space<vmem>>, vector<16xf32>,
    }
    %scan3A_17 = arith.constant 320 : i32
    %run_scoped3A = arith.constant 0 : i32
    "tpu.region"() ({
      %run_scoped3A_57 = tpu.sem_alloc : memref<!tpu.dma_semaphore, #tpu.memory_space<semaphore_mem>>
      %dma_start3A = arith.constant 0 : i32
      %dma_start3A_58 = tpu.memref_slice %arg5[%add3A, %run_scoped3A, %dma_start3A] : memref<32x2x10240xf32, #tpu.memory_space<hbm>> -> memref<1x1x5120xf32, #tpu.memory_space<hbm>>
      %dma_start3A_59 = tpu.memref_squeeze %dma_start3A_58 : memref<1x1x5120xf32, #tpu.memory_space<hbm>> -> memref<5120xf32, #tpu.memory_space<hbm>>
      %dma_start3A_60 = arith.constant 0 : i32
      %dma_start3A_61 = tpu.memref_slice %arg5[%add3A, %run_scoped3A, %dma_start3A_60] : memref<32x2x10240xf32, #tpu.memory_space<hbm>> -> memref<1x1x5120xf32, #tpu.memory_space<hbm>>
      %dma_start3A_62 = tpu.memref_squeeze %dma_start3A_61 : memref<1x1x5120xf32, #tpu.memory_space<hbm>> -> memref<5120xf32, #tpu.memory_space<hbm>>
      tpu.enqueue_dma source(%arg8 : memref<5120xf32, #tpu.memory_space<vmem>>) target(%dma_start3A_62 : memref<5120xf32, #tpu.memory_space<hbm>>) target_semaphore(%run_scoped3A_57 : memref<!tpu.dma_semaphore, #tpu.memory_space<semaphore_mem>>)
      %dma_wait3A = arith.constant 0 : i32
      %dma_wait3A_63 = tpu.memref_slice %arg5[%add3A, %run_scoped3A, %dma_wait3A] : memref<32x2x10240xf32, #tpu.memory_space<hbm>> -> memref<1x1x5120xf32, #tpu.memory_space<hbm>>
      %dma_wait3A_64 = tpu.memref_squeeze %dma_wait3A_63 : memref<1x1x5120xf32, #tpu.memory_space<hbm>> -> memref<5120xf32, #tpu.memory_space<hbm>>
      %dma_wait3A_65 = arith.constant 0 : i32
      %dma_wait3A_66 = tpu.memref_slice %arg5[%add3A, %run_scoped3A, %dma_wait3A_65] : memref<32x2x10240xf32, #tpu.memory_space<hbm>> -> memref<1x1x5120xf32, #tpu.memory_space<hbm>>
      %dma_wait3A_67 = tpu.memref_squeeze %dma_wait3A_66 : memref<1x1x5120xf32, #tpu.memory_space<hbm>> -> memref<5120xf32, #tpu.memory_space<hbm>>
      tpu.wait_dma2 semaphore(%run_scoped3A_57 : memref<!tpu.dma_semaphore, #tpu.memory_space<semaphore_mem>>) src(%arg8 : memref<5120xf32, #tpu.memory_space<vmem>>) dst(%dma_wait3A_67 : memref<5120xf32, #tpu.memory_space<hbm>>)
      tpu.yield
    }) : () -> ()
    "tpu.region"() ({
      %run_scoped3A_57 = tpu.sem_alloc : memref<!tpu.dma_semaphore, #tpu.memory_space<semaphore_mem>>
      tpu.enqueue_dma source(%arg4 : memref<81936xf32, #tpu.memory_space<hbm>>) target(%arg7 : memref<81936xf32, #tpu.memory_space<vmem>>) target_semaphore(%run_scoped3A_57 : memref<!tpu.dma_semaphore, #tpu.memory_space<semaphore_mem>>)
      tpu.wait_dma2 semaphore(%run_scoped3A_57 : memref<!tpu.dma_semaphore, #tpu.memory_space<semaphore_mem>>) src(%arg4 : memref<81936xf32, #tpu.memory_space<hbm>>) dst(%arg7 : memref<81936xf32, #tpu.memory_space<vmem>>)
      tpu.yield
    }) : () -> ()
    %scan3A_18 = arith.constant 0 : i32
    %scan3A_19 = arith.constant 0 : i32
    %scan3A_20 = arith.constant 80 : i32
    %scan3A_21 = arith.addi %scan3A_19, %scan3A_20 : i32
    %scan3A_22 = arith.constant 1 : i32
    scf.for %scan3A_57 = %scan3A_19 to %scan3A_21 step %scan3A_22  : i32 {
      %get3A = arith.index_cast %scan3A_57 : i32 to index
      %get3A_58 = arith.constant 0 : index
      %get3A_59 = tpu.vector_load %arg6[%get3A, %get3A_58] {strides = array<i32>} : memref<80x128xi32, #tpu.memory_space<vmem>>, vector<16xi32>,
      %sub3A = arith.constant 5120 : i32
      %sub3A_60 = vector.broadcast %sub3A : i32 to vector<16xi32>
      %sub3A_61 = arith.subi %get3A_59, %sub3A_60 : vector<16xi32>
      %ge3A = arith.constant 0 : i32
      %ge3A_62 = vector.broadcast %ge3A : i32 to vector<16xi32>
      %ge3A_63 = arith.cmpi sge, %sub3A_61, %ge3A_62 : vector<16xi32>
      %lt3A = arith.constant 5120 : i32
      %lt3A_64 = vector.broadcast %lt3A : i32 to vector<16xi32>
      %lt3A_65 = arith.cmpi slt, %sub3A_61, %lt3A_64 : vector<16xi32>
      %and3A = arith.andi %ge3A_63, %lt3A_65 : vector<16xi1>
      %add3A_66 = arith.addi %sub3A_61, %mul3A_6 : vector<16xi32>
      %add3A_67 = arith.constant 81920 : i32
      %add3A_68 = vector.broadcast %add3A_67 : i32 to vector<16xi32>
      %add3A_69 = arith.addi %add3A_68, %iota3A : vector<16xi32>
      %select_n3A = arith.select %and3A, %add3A_66, %add3A_69 : vector<16xi1>, vector<16xi32>
      tpu.vector_store_idx %arg7[%select_n3A], %broadcast_in_dim3A_3 {add = true} : memref<81936xf32, #tpu.memory_space<vmem>>[vector<16xi32>], vector<16xf32>,
      %get3A_70 = arith.index_cast %scan3A_57 : i32 to index
      %get3A_71 = arith.constant 16 : index
      %get3A_72 = tpu.vector_load %arg6[%get3A_70, %get3A_71] {strides = array<i32>} : memref<80x128xi32, #tpu.memory_space<vmem>>, vector<16xi32>,
      %sub3A_73 = arith.constant 5120 : i32
      %sub3A_74 = vector.broadcast %sub3A_73 : i32 to vector<16xi32>
      %sub3A_75 = arith.subi %get3A_72, %sub3A_74 : vector<16xi32>
      %ge3A_76 = arith.constant 0 : i32
      %ge3A_77 = vector.broadcast %ge3A_76 : i32 to vector<16xi32>
      %ge3A_78 = arith.cmpi sge, %sub3A_75, %ge3A_77 : vector<16xi32>
      %lt3A_79 = arith.constant 5120 : i32
      %lt3A_80 = vector.broadcast %lt3A_79 : i32 to vector<16xi32>
      %lt3A_81 = arith.cmpi slt, %sub3A_75, %lt3A_80 : vector<16xi32>
      %and3A_82 = arith.andi %ge3A_78, %lt3A_81 : vector<16xi1>
      %add3A_83 = arith.addi %sub3A_75, %mul3A_6 : vector<16xi32>
      %add3A_84 = arith.constant 81920 : i32
      %add3A_85 = vector.broadcast %add3A_84 : i32 to vector<16xi32>
      %add3A_86 = arith.addi %add3A_85, %iota3A : vector<16xi32>
      %select_n3A_87 = arith.select %and3A_82, %add3A_83, %add3A_86 : vector<16xi1>, vector<16xi32>
      tpu.vector_store_idx %arg7[%select_n3A_87], %broadcast_in_dim3A_3 {add = true} : memref<81936xf32, #tpu.memory_space<vmem>>[vector<16xi32>], vector<16xf32>,
      %get3A_88 = arith.index_cast %scan3A_57 : i32 to index
      %get3A_89 = arith.constant 32 : index
      %get3A_90 = tpu.vector_load %arg6[%get3A_88, %get3A_89] {strides = array<i32>} : memref<80x128xi32, #tpu.memory_space<vmem>>, vector<16xi32>,
      %sub3A_91 = arith.constant 5120 : i32
      %sub3A_92 = vector.broadcast %sub3A_91 : i32 to vector<16xi32>
      %sub3A_93 = arith.subi %get3A_90, %sub3A_92 : vector<16xi32>
      %ge3A_94 = arith.constant 0 : i32
      %ge3A_95 = vector.broadcast %ge3A_94 : i32 to vector<16xi32>
      %ge3A_96 = arith.cmpi sge, %sub3A_93, %ge3A_95 : vector<16xi32>
      %lt3A_97 = arith.constant 5120 : i32
      %lt3A_98 = vector.broadcast %lt3A_97 : i32 to vector<16xi32>
      %lt3A_99 = arith.cmpi slt, %sub3A_93, %lt3A_98 : vector<16xi32>
      %and3A_100 = arith.andi %ge3A_96, %lt3A_99 : vector<16xi1>
      %add3A_101 = arith.addi %sub3A_93, %mul3A_6 : vector<16xi32>
      %add3A_102 = arith.constant 81920 : i32
      %add3A_103 = vector.broadcast %add3A_102 : i32 to vector<16xi32>
      %add3A_104 = arith.addi %add3A_103, %iota3A : vector<16xi32>
      %select_n3A_105 = arith.select %and3A_100, %add3A_101, %add3A_104 : vector<16xi1>, vector<16xi32>
      tpu.vector_store_idx %arg7[%select_n3A_105], %broadcast_in_dim3A_3 {add = true} : memref<81936xf32, #tpu.memory_space<vmem>>[vector<16xi32>], vector<16xf32>,
      %get3A_106 = arith.index_cast %scan3A_57 : i32 to index
      %get3A_107 = arith.constant 48 : index
      %get3A_108 = tpu.vector_load %arg6[%get3A_106, %get3A_107] {strides = array<i32>} : memref<80x128xi32, #tpu.memory_space<vmem>>, vector<16xi32>,
      %sub3A_109 = arith.constant 5120 : i32
      %sub3A_110 = vector.broadcast %sub3A_109 : i32 to vector<16xi32>
      %sub3A_111 = arith.subi %get3A_108, %sub3A_110 : vector<16xi32>
      %ge3A_112 = arith.constant 0 : i32
      %ge3A_113 = vector.broadcast %ge3A_112 : i32 to vector<16xi32>
      %ge3A_114 = arith.cmpi sge, %sub3A_111, %ge3A_113 : vector<16xi32>
      %lt3A_115 = arith.constant 5120 : i32
      %lt3A_116 = vector.broadcast %lt3A_115 : i32 to vector<16xi32>
      %lt3A_117 = arith.cmpi slt, %sub3A_111, %lt3A_116 : vector<16xi32>
      %and3A_118 = arith.andi %ge3A_114, %lt3A_117 : vector<16xi1>
      %add3A_119 = arith.addi %sub3A_111, %mul3A_6 : vector<16xi32>
      %add3A_120 = arith.constant 81920 : i32
      %add3A_121 = vector.broadcast %add3A_120 : i32 to vector<16xi32>
      %add3A_122 = arith.addi %add3A_121, %iota3A : vector<16xi32>
      %select_n3A_123 = arith.select %and3A_118, %add3A_119, %add3A_122 : vector<16xi1>, vector<16xi32>
      tpu.vector_store_idx %arg7[%select_n3A_123], %broadcast_in_dim3A_3 {add = true} : memref<81936xf32, #tpu.memory_space<vmem>>[vector<16xi32>], vector<16xf32>,
      %get3A_124 = arith.index_cast %scan3A_57 : i32 to index
      %get3A_125 = arith.constant 64 : index
      %get3A_126 = tpu.vector_load %arg6[%get3A_124, %get3A_125] {strides = array<i32>} : memref<80x128xi32, #tpu.memory_space<vmem>>, vector<16xi32>,
      %sub3A_127 = arith.constant 5120 : i32
      %sub3A_128 = vector.broadcast %sub3A_127 : i32 to vector<16xi32>
      %sub3A_129 = arith.subi %get3A_126, %sub3A_128 : vector<16xi32>
      %ge3A_130 = arith.constant 0 : i32
      %ge3A_131 = vector.broadcast %ge3A_130 : i32 to vector<16xi32>
      %ge3A_132 = arith.cmpi sge, %sub3A_129, %ge3A_131 : vector<16xi32>
      %lt3A_133 = arith.constant 5120 : i32
      %lt3A_134 = vector.broadcast %lt3A_133 : i32 to vector<16xi32>
      %lt3A_135 = arith.cmpi slt, %sub3A_129, %lt3A_134 : vector<16xi32>
      %and3A_136 = arith.andi %ge3A_132, %lt3A_135 : vector<16xi1>
      %add3A_137 = arith.addi %sub3A_129, %mul3A_6 : vector<16xi32>
      %add3A_138 = arith.constant 81920 : i32
      %add3A_139 = vector.broadcast %add3A_138 : i32 to vector<16xi32>
      %add3A_140 = arith.addi %add3A_139, %iota3A : vector<16xi32>
      %select_n3A_141 = arith.select %and3A_136, %add3A_137, %add3A_140 : vector<16xi1>, vector<16xi32>
      tpu.vector_store_idx %arg7[%select_n3A_141], %broadcast_in_dim3A_3 {add = true} : memref<81936xf32, #tpu.memory_space<vmem>>[vector<16xi32>], vector<16xf32>,
      %get3A_142 = arith.index_cast %scan3A_57 : i32 to index
      %get3A_143 = arith.constant 80 : index
      %get3A_144 = tpu.vector_load %arg6[%get3A_142, %get3A_143] {strides = array<i32>} : memref<80x128xi32, #tpu.memory_space<vmem>>, vector<16xi32>,
      %sub3A_145 = arith.constant 5120 : i32
      %sub3A_146 = vector.broadcast %sub3A_145 : i32 to vector<16xi32>
      %sub3A_147 = arith.subi %get3A_144, %sub3A_146 : vector<16xi32>
      %ge3A_148 = arith.constant 0 : i32
      %ge3A_149 = vector.broadcast %ge3A_148 : i32 to vector<16xi32>
      %ge3A_150 = arith.cmpi sge, %sub3A_147, %ge3A_149 : vector<16xi32>
      %lt3A_151 = arith.constant 5120 : i32
      %lt3A_152 = vector.broadcast %lt3A_151 : i32 to vector<16xi32>
      %lt3A_153 = arith.cmpi slt, %sub3A_147, %lt3A_152 : vector<16xi32>
      %and3A_154 = arith.andi %ge3A_150, %lt3A_153 : vector<16xi1>
      %add3A_155 = arith.addi %sub3A_147, %mul3A_6 : vector<16xi32>
      %add3A_156 = arith.constant 81920 : i32
      %add3A_157 = vector.broadcast %add3A_156 : i32 to vector<16xi32>
      %add3A_158 = arith.addi %add3A_157, %iota3A : vector<16xi32>
      %select_n3A_159 = arith.select %and3A_154, %add3A_155, %add3A_158 : vector<16xi1>, vector<16xi32>
      tpu.vector_store_idx %arg7[%select_n3A_159], %broadcast_in_dim3A_3 {add = true} : memref<81936xf32, #tpu.memory_space<vmem>>[vector<16xi32>], vector<16xf32>,
      %get3A_160 = arith.index_cast %scan3A_57 : i32 to index
      %get3A_161 = arith.constant 96 : index
      %get3A_162 = tpu.vector_load %arg6[%get3A_160, %get3A_161] {strides = array<i32>} : memref<80x128xi32, #tpu.memory_space<vmem>>, vector<16xi32>,
      %sub3A_163 = arith.constant 5120 : i32
      %sub3A_164 = vector.broadcast %sub3A_163 : i32 to vector<16xi32>
      %sub3A_165 = arith.subi %get3A_162, %sub3A_164 : vector<16xi32>
      %ge3A_166 = arith.constant 0 : i32
      %ge3A_167 = vector.broadcast %ge3A_166 : i32 to vector<16xi32>
      %ge3A_168 = arith.cmpi sge, %sub3A_165, %ge3A_167 : vector<16xi32>
      %lt3A_169 = arith.constant 5120 : i32
      %lt3A_170 = vector.broadcast %lt3A_169 : i32 to vector<16xi32>
      %lt3A_171 = arith.cmpi slt, %sub3A_165, %lt3A_170 : vector<16xi32>
      %and3A_172 = arith.andi %ge3A_168, %lt3A_171 : vector<16xi1>
      %add3A_173 = arith.addi %sub3A_165, %mul3A_6 : vector<16xi32>
      %add3A_174 = arith.constant 81920 : i32
      %add3A_175 = vector.broadcast %add3A_174 : i32 to vector<16xi32>
      %add3A_176 = arith.addi %add3A_175, %iota3A : vector<16xi32>
      %select_n3A_177 = arith.select %and3A_172, %add3A_173, %add3A_176 : vector<16xi1>, vector<16xi32>
      tpu.vector_store_idx %arg7[%select_n3A_177], %broadcast_in_dim3A_3 {add = true} : memref<81936xf32, #tpu.memory_space<vmem>>[vector<16xi32>], vector<16xf32>,
      %get3A_178 = arith.index_cast %scan3A_57 : i32 to index
      %get3A_179 = arith.constant 112 : index
      %get3A_180 = tpu.vector_load %arg6[%get3A_178, %get3A_179] {strides = array<i32>} : memref<80x128xi32, #tpu.memory_space<vmem>>, vector<16xi32>,
      %sub3A_181 = arith.constant 5120 : i32
      %sub3A_182 = vector.broadcast %sub3A_181 : i32 to vector<16xi32>
      %sub3A_183 = arith.subi %get3A_180, %sub3A_182 : vector<16xi32>
      %ge3A_184 = arith.constant 0 : i32
      %ge3A_185 = vector.broadcast %ge3A_184 : i32 to vector<16xi32>
      %ge3A_186 = arith.cmpi sge, %sub3A_183, %ge3A_185 : vector<16xi32>
      %lt3A_187 = arith.constant 5120 : i32
      %lt3A_188 = vector.broadcast %lt3A_187 : i32 to vector<16xi32>
      %lt3A_189 = arith.cmpi slt, %sub3A_183, %lt3A_188 : vector<16xi32>
      %and3A_190 = arith.andi %ge3A_186, %lt3A_189 : vector<16xi1>
      %add3A_191 = arith.addi %sub3A_183, %mul3A_6 : vector<16xi32>
      %add3A_192 = arith.constant 81920 : i32
      %add3A_193 = vector.broadcast %add3A_192 : i32 to vector<16xi32>
      %add3A_194 = arith.addi %add3A_193, %iota3A : vector<16xi32>
      %select_n3A_195 = arith.select %and3A_190, %add3A_191, %add3A_194 : vector<16xi1>, vector<16xi32>
      tpu.vector_store_idx %arg7[%select_n3A_195], %broadcast_in_dim3A_3 {add = true} : memref<81936xf32, #tpu.memory_space<vmem>>[vector<16xi32>], vector<16xf32>,
    }
    %scan3A_23 = arith.constant 80 : i32
    %scan3A_24 = arith.constant 0 : i32
    %scan3A_25 = arith.constant 0 : i32
    %scan3A_26 = arith.constant 320 : i32
    %scan3A_27 = arith.addi %scan3A_25, %scan3A_26 : i32
    %scan3A_28 = arith.constant 1 : i32
    scf.for %scan3A_57 = %scan3A_25 to %scan3A_27 step %scan3A_28  : i32 {
      %mul3A_58 = arith.constant 16 : i32
      %mul3A_59 = arith.muli %scan3A_57, %mul3A_58 : i32
      %get3A = arith.index_cast %mul3A_59 : i32 to index
      %get3A_60 = tpu.vector_load %arg7[%get3A] {strides = array<i32>} : memref<81936xf32, #tpu.memory_space<vmem>>, vector<16xf32>,
      %mul3A_61 = arith.constant 16 : i32
      %mul3A_62 = arith.muli %scan3A_57, %mul3A_61 : i32
      %add3A_63 = arith.constant 5120 : i32
      %add3A_64 = arith.addi %add3A_63, %mul3A_62 : i32
      %get3A_65 = arith.index_cast %add3A_64 : i32 to index
      %get3A_66 = tpu.vector_load %arg7[%get3A_65] {strides = array<i32>} : memref<81936xf32, #tpu.memory_space<vmem>>, vector<16xf32>,
      %add3A_67 = arith.addf %get3A_60, %get3A_66 : vector<16xf32>
      %mul3A_68 = arith.constant 16 : i32
      %mul3A_69 = arith.muli %scan3A_57, %mul3A_68 : i32
      %add3A_70 = arith.constant 10240 : i32
      %add3A_71 = arith.addi %add3A_70, %mul3A_69 : i32
      %get3A_72 = arith.index_cast %add3A_71 : i32 to index
      %get3A_73 = tpu.vector_load %arg7[%get3A_72] {strides = array<i32>} : memref<81936xf32, #tpu.memory_space<vmem>>, vector<16xf32>,
      %add3A_74 = arith.addf %add3A_67, %get3A_73 : vector<16xf32>
      %mul3A_75 = arith.constant 16 : i32
      %mul3A_76 = arith.muli %scan3A_57, %mul3A_75 : i32
      %add3A_77 = arith.constant 15360 : i32
      %add3A_78 = arith.addi %add3A_77, %mul3A_76 : i32
      %get3A_79 = arith.index_cast %add3A_78 : i32 to index
      %get3A_80 = tpu.vector_load %arg7[%get3A_79] {strides = array<i32>} : memref<81936xf32, #tpu.memory_space<vmem>>, vector<16xf32>,
      %add3A_81 = arith.addf %add3A_74, %get3A_80 : vector<16xf32>
      %mul3A_82 = arith.constant 16 : i32
      %mul3A_83 = arith.muli %scan3A_57, %mul3A_82 : i32
      %add3A_84 = arith.constant 20480 : i32
      %add3A_85 = arith.addi %add3A_84, %mul3A_83 : i32
      %get3A_86 = arith.index_cast %add3A_85 : i32 to index
      %get3A_87 = tpu.vector_load %arg7[%get3A_86] {strides = array<i32>} : memref<81936xf32, #tpu.memory_space<vmem>>, vector<16xf32>,
      %add3A_88 = arith.addf %add3A_81, %get3A_87 : vector<16xf32>
      %mul3A_89 = arith.constant 16 : i32
      %mul3A_90 = arith.muli %scan3A_57, %mul3A_89 : i32
      %add3A_91 = arith.constant 25600 : i32
      %add3A_92 = arith.addi %add3A_91, %mul3A_90 : i32
      %get3A_93 = arith.index_cast %add3A_92 : i32 to index
      %get3A_94 = tpu.vector_load %arg7[%get3A_93] {strides = array<i32>} : memref<81936xf32, #tpu.memory_space<vmem>>, vector<16xf32>,
      %add3A_95 = arith.addf %add3A_88, %get3A_94 : vector<16xf32>
      %mul3A_96 = arith.constant 16 : i32
      %mul3A_97 = arith.muli %scan3A_57, %mul3A_96 : i32
      %add3A_98 = arith.constant 30720 : i32
      %add3A_99 = arith.addi %add3A_98, %mul3A_97 : i32
      %get3A_100 = arith.index_cast %add3A_99 : i32 to index
      %get3A_101 = tpu.vector_load %arg7[%get3A_100] {strides = array<i32>} : memref<81936xf32, #tpu.memory_space<vmem>>, vector<16xf32>,
      %add3A_102 = arith.addf %add3A_95, %get3A_101 : vector<16xf32>
      %mul3A_103 = arith.constant 16 : i32
      %mul3A_104 = arith.muli %scan3A_57, %mul3A_103 : i32
      %add3A_105 = arith.constant 35840 : i32
      %add3A_106 = arith.addi %add3A_105, %mul3A_104 : i32
      %get3A_107 = arith.index_cast %add3A_106 : i32 to index
      %get3A_108 = tpu.vector_load %arg7[%get3A_107] {strides = array<i32>} : memref<81936xf32, #tpu.memory_space<vmem>>, vector<16xf32>,
      %add3A_109 = arith.addf %add3A_102, %get3A_108 : vector<16xf32>
      %mul3A_110 = arith.constant 16 : i32
      %mul3A_111 = arith.muli %scan3A_57, %mul3A_110 : i32
      %add3A_112 = arith.constant 40960 : i32
      %add3A_113 = arith.addi %add3A_112, %mul3A_111 : i32
      %get3A_114 = arith.index_cast %add3A_113 : i32 to index
      %get3A_115 = tpu.vector_load %arg7[%get3A_114] {strides = array<i32>} : memref<81936xf32, #tpu.memory_space<vmem>>, vector<16xf32>,
      %add3A_116 = arith.addf %add3A_109, %get3A_115 : vector<16xf32>
      %mul3A_117 = arith.constant 16 : i32
      %mul3A_118 = arith.muli %scan3A_57, %mul3A_117 : i32
      %add3A_119 = arith.constant 46080 : i32
      %add3A_120 = arith.addi %add3A_119, %mul3A_118 : i32
      %get3A_121 = arith.index_cast %add3A_120 : i32 to index
      %get3A_122 = tpu.vector_load %arg7[%get3A_121] {strides = array<i32>} : memref<81936xf32, #tpu.memory_space<vmem>>, vector<16xf32>,
      %add3A_123 = arith.addf %add3A_116, %get3A_122 : vector<16xf32>
      %mul3A_124 = arith.constant 16 : i32
      %mul3A_125 = arith.muli %scan3A_57, %mul3A_124 : i32
      %add3A_126 = arith.constant 51200 : i32
      %add3A_127 = arith.addi %add3A_126, %mul3A_125 : i32
      %get3A_128 = arith.index_cast %add3A_127 : i32 to index
      %get3A_129 = tpu.vector_load %arg7[%get3A_128] {strides = array<i32>} : memref<81936xf32, #tpu.memory_space<vmem>>, vector<16xf32>,
      %add3A_130 = arith.addf %add3A_123, %get3A_129 : vector<16xf32>
      %mul3A_131 = arith.constant 16 : i32
      %mul3A_132 = arith.muli %scan3A_57, %mul3A_131 : i32
      %add3A_133 = arith.constant 56320 : i32
      %add3A_134 = arith.addi %add3A_133, %mul3A_132 : i32
      %get3A_135 = arith.index_cast %add3A_134 : i32 to index
      %get3A_136 = tpu.vector_load %arg7[%get3A_135] {strides = array<i32>} : memref<81936xf32, #tpu.memory_space<vmem>>, vector<16xf32>,
      %add3A_137 = arith.addf %add3A_130, %get3A_136 : vector<16xf32>
      %mul3A_138 = arith.constant 16 : i32
      %mul3A_139 = arith.muli %scan3A_57, %mul3A_138 : i32
      %add3A_140 = arith.constant 61440 : i32
      %add3A_141 = arith.addi %add3A_140, %mul3A_139 : i32
      %get3A_142 = arith.index_cast %add3A_141 : i32 to index
      %get3A_143 = tpu.vector_load %arg7[%get3A_142] {strides = array<i32>} : memref<81936xf32, #tpu.memory_space<vmem>>, vector<16xf32>,
      %add3A_144 = arith.addf %add3A_137, %get3A_143 : vector<16xf32>
      %mul3A_145 = arith.constant 16 : i32
      %mul3A_146 = arith.muli %scan3A_57, %mul3A_145 : i32
      %add3A_147 = arith.constant 66560 : i32
      %add3A_148 = arith.addi %add3A_147, %mul3A_146 : i32
      %get3A_149 = arith.index_cast %add3A_148 : i32 to index
      %get3A_150 = tpu.vector_load %arg7[%get3A_149] {strides = array<i32>} : memref<81936xf32, #tpu.memory_space<vmem>>, vector<16xf32>,
      %add3A_151 = arith.addf %add3A_144, %get3A_150 : vector<16xf32>
      %mul3A_152 = arith.constant 16 : i32
      %mul3A_153 = arith.muli %scan3A_57, %mul3A_152 : i32
      %add3A_154 = arith.constant 71680 : i32
      %add3A_155 = arith.addi %add3A_154, %mul3A_153 : i32
      %get3A_156 = arith.index_cast %add3A_155 : i32 to index
      %get3A_157 = tpu.vector_load %arg7[%get3A_156] {strides = array<i32>} : memref<81936xf32, #tpu.memory_space<vmem>>, vector<16xf32>,
      %add3A_158 = arith.addf %add3A_151, %get3A_157 : vector<16xf32>
      %mul3A_159 = arith.constant 16 : i32
      %mul3A_160 = arith.muli %scan3A_57, %mul3A_159 : i32
      %add3A_161 = arith.constant 76800 : i32
      %add3A_162 = arith.addi %add3A_161, %mul3A_160 : i32
      %get3A_163 = arith.index_cast %add3A_162 : i32 to index
      %get3A_164 = tpu.vector_load %arg7[%get3A_163] {strides = array<i32>} : memref<81936xf32, #tpu.memory_space<vmem>>, vector<16xf32>,
      %add3A_165 = arith.addf %add3A_158, %get3A_164 : vector<16xf32>
      %mul3A_166 = arith.constant 16 : i32
      %mul3A_167 = arith.muli %scan3A_57, %mul3A_166 : i32
      %swap3A = arith.index_cast %mul3A_167 : i32 to index
      %swap3A_168 = tpu.vector_load %arg8[%swap3A] {strides = array<i32>} : memref<5120xf32, #tpu.memory_space<vmem>>, vector<16xf32>,
      tpu.vector_store %arg8[%swap3A], %add3A_165 {strides = array<i32>} : memref<5120xf32, #tpu.memory_space<vmem>>, vector<16xf32>,
    }
    %scan3A_29 = arith.constant 320 : i32
    %run_scoped3A_30 = arith.constant 0 : i32
    "tpu.region"() ({
      %run_scoped3A_57 = tpu.sem_alloc : memref<!tpu.dma_semaphore, #tpu.memory_space<semaphore_mem>>
      %dma_start3A = arith.constant 5120 : i32
      %dma_start3A_58 = tpu.memref_slice %arg5[%add3A, %run_scoped3A_30, %dma_start3A] : memref<32x2x10240xf32, #tpu.memory_space<hbm>> -> memref<1x1x5120xf32, #tpu.memory_space<hbm>>
      %dma_start3A_59 = tpu.memref_squeeze %dma_start3A_58 : memref<1x1x5120xf32, #tpu.memory_space<hbm>> -> memref<5120xf32, #tpu.memory_space<hbm>>
      %dma_start3A_60 = arith.constant 5120 : i32
      %dma_start3A_61 = tpu.memref_slice %arg5[%add3A, %run_scoped3A_30, %dma_start3A_60] : memref<32x2x10240xf32, #tpu.memory_space<hbm>> -> memref<1x1x5120xf32, #tpu.memory_space<hbm>>
      %dma_start3A_62 = tpu.memref_squeeze %dma_start3A_61 : memref<1x1x5120xf32, #tpu.memory_space<hbm>> -> memref<5120xf32, #tpu.memory_space<hbm>>
      tpu.enqueue_dma source(%arg8 : memref<5120xf32, #tpu.memory_space<vmem>>) target(%dma_start3A_62 : memref<5120xf32, #tpu.memory_space<hbm>>) target_semaphore(%run_scoped3A_57 : memref<!tpu.dma_semaphore, #tpu.memory_space<semaphore_mem>>)
      %dma_wait3A = arith.constant 5120 : i32
      %dma_wait3A_63 = tpu.memref_slice %arg5[%add3A, %run_scoped3A_30, %dma_wait3A] : memref<32x2x10240xf32, #tpu.memory_space<hbm>> -> memref<1x1x5120xf32, #tpu.memory_space<hbm>>
      %dma_wait3A_64 = tpu.memref_squeeze %dma_wait3A_63 : memref<1x1x5120xf32, #tpu.memory_space<hbm>> -> memref<5120xf32, #tpu.memory_space<hbm>>
      %dma_wait3A_65 = arith.constant 5120 : i32
      %dma_wait3A_66 = tpu.memref_slice %arg5[%add3A, %run_scoped3A_30, %dma_wait3A_65] : memref<32x2x10240xf32, #tpu.memory_space<hbm>> -> memref<1x1x5120xf32, #tpu.memory_space<hbm>>
      %dma_wait3A_67 = tpu.memref_squeeze %dma_wait3A_66 : memref<1x1x5120xf32, #tpu.memory_space<hbm>> -> memref<5120xf32, #tpu.memory_space<hbm>>
      tpu.wait_dma2 semaphore(%run_scoped3A_57 : memref<!tpu.dma_semaphore, #tpu.memory_space<semaphore_mem>>) src(%arg8 : memref<5120xf32, #tpu.memory_space<vmem>>) dst(%dma_wait3A_67 : memref<5120xf32, #tpu.memory_space<hbm>>)
      tpu.yield
    }) : () -> ()
    "tpu.region"() ({
      %run_scoped3A_57 = tpu.sem_alloc : memref<!tpu.dma_semaphore, #tpu.memory_space<semaphore_mem>>
      %dma_start3A = arith.constant 0 : i32
      %dma_start3A_58 = tpu.memref_slice %arg3[%mul3A_2, %dma_start3A] : memref<2560x128xi32, #tpu.memory_space<hbm>> -> memref<80x128xi32, #tpu.memory_space<hbm>>
      %dma_start3A_59 = arith.constant 0 : i32
      %dma_start3A_60 = tpu.memref_slice %arg3[%mul3A_2, %dma_start3A_59] : memref<2560x128xi32, #tpu.memory_space<hbm>> -> memref<80x128xi32, #tpu.memory_space<hbm>>
      tpu.enqueue_dma source(%dma_start3A_60 : memref<80x128xi32, #tpu.memory_space<hbm>>) target(%arg6 : memref<80x128xi32, #tpu.memory_space<vmem>>) target_semaphore(%run_scoped3A_57 : memref<!tpu.dma_semaphore, #tpu.memory_space<semaphore_mem>>)
      %dma_wait3A = arith.constant 0 : i32
      %dma_wait3A_61 = tpu.memref_slice %arg3[%mul3A_2, %dma_wait3A] : memref<2560x128xi32, #tpu.memory_space<hbm>> -> memref<80x128xi32, #tpu.memory_space<hbm>>
      %dma_wait3A_62 = arith.constant 0 : i32
      %dma_wait3A_63 = tpu.memref_slice %arg3[%mul3A_2, %dma_wait3A_62] : memref<2560x128xi32, #tpu.memory_space<hbm>> -> memref<80x128xi32, #tpu.memory_space<hbm>>
      tpu.wait_dma2 semaphore(%run_scoped3A_57 : memref<!tpu.dma_semaphore, #tpu.memory_space<semaphore_mem>>) src(%dma_wait3A_63 : memref<80x128xi32, #tpu.memory_space<hbm>>) dst(%arg6 : memref<80x128xi32, #tpu.memory_space<vmem>>)
      tpu.yield
    }) : () -> ()
    "tpu.region"() ({
      %run_scoped3A_57 = tpu.sem_alloc : memref<!tpu.dma_semaphore, #tpu.memory_space<semaphore_mem>>
      tpu.enqueue_dma source(%arg4 : memref<81936xf32, #tpu.memory_space<hbm>>) target(%arg7 : memref<81936xf32, #tpu.memory_space<vmem>>) target_semaphore(%run_scoped3A_57 : memref<!tpu.dma_semaphore, #tpu.memory_space<semaphore_mem>>)
      tpu.wait_dma2 semaphore(%run_scoped3A_57 : memref<!tpu.dma_semaphore, #tpu.memory_space<semaphore_mem>>) src(%arg4 : memref<81936xf32, #tpu.memory_space<hbm>>) dst(%arg7 : memref<81936xf32, #tpu.memory_space<vmem>>)
      tpu.yield
    }) : () -> ()
    %scan3A_31 = arith.constant 0 : i32
    %scan3A_32 = arith.constant 0 : i32
    %scan3A_33 = arith.constant 80 : i32
    %scan3A_34 = arith.addi %scan3A_32, %scan3A_33 : i32
    %scan3A_35 = arith.constant 1 : i32
    scf.for %scan3A_57 = %scan3A_32 to %scan3A_34 step %scan3A_35  : i32 {
      %get3A = arith.index_cast %scan3A_57 : i32 to index
      %get3A_58 = arith.constant 0 : index
      %get3A_59 = tpu.vector_load %arg6[%get3A, %get3A_58] {strides = array<i32>} : memref<80x128xi32, #tpu.memory_space<vmem>>, vector<16xi32>,
      %sub3A = arith.constant 0 : i32
      %sub3A_60 = vector.broadcast %sub3A : i32 to vector<16xi32>
      %sub3A_61 = arith.subi %get3A_59, %sub3A_60 : vector<16xi32>
      %ge3A = arith.constant 0 : i32
      %ge3A_62 = vector.broadcast %ge3A : i32 to vector<16xi32>
      %ge3A_63 = arith.cmpi sge, %sub3A_61, %ge3A_62 : vector<16xi32>
      %lt3A = arith.constant 5120 : i32
      %lt3A_64 = vector.broadcast %lt3A : i32 to vector<16xi32>
      %lt3A_65 = arith.cmpi slt, %sub3A_61, %lt3A_64 : vector<16xi32>
      %and3A = arith.andi %ge3A_63, %lt3A_65 : vector<16xi1>
      %add3A_66 = arith.addi %sub3A_61, %mul3A_6 : vector<16xi32>
      %add3A_67 = arith.constant 81920 : i32
      %add3A_68 = vector.broadcast %add3A_67 : i32 to vector<16xi32>
      %add3A_69 = arith.addi %add3A_68, %iota3A : vector<16xi32>
      %select_n3A = arith.select %and3A, %add3A_66, %add3A_69 : vector<16xi1>, vector<16xi32>
      tpu.vector_store_idx %arg7[%select_n3A], %broadcast_in_dim3A_3 {add = true} : memref<81936xf32, #tpu.memory_space<vmem>>[vector<16xi32>], vector<16xf32>,
      %get3A_70 = arith.index_cast %scan3A_57 : i32 to index
      %get3A_71 = arith.constant 16 : index
      %get3A_72 = tpu.vector_load %arg6[%get3A_70, %get3A_71] {strides = array<i32>} : memref<80x128xi32, #tpu.memory_space<vmem>>, vector<16xi32>,
      %sub3A_73 = arith.constant 0 : i32
      %sub3A_74 = vector.broadcast %sub3A_73 : i32 to vector<16xi32>
      %sub3A_75 = arith.subi %get3A_72, %sub3A_74 : vector<16xi32>
      %ge3A_76 = arith.constant 0 : i32
      %ge3A_77 = vector.broadcast %ge3A_76 : i32 to vector<16xi32>
      %ge3A_78 = arith.cmpi sge, %sub3A_75, %ge3A_77 : vector<16xi32>
      %lt3A_79 = arith.constant 5120 : i32
      %lt3A_80 = vector.broadcast %lt3A_79 : i32 to vector<16xi32>
      %lt3A_81 = arith.cmpi slt, %sub3A_75, %lt3A_80 : vector<16xi32>
      %and3A_82 = arith.andi %ge3A_78, %lt3A_81 : vector<16xi1>
      %add3A_83 = arith.addi %sub3A_75, %mul3A_6 : vector<16xi32>
      %add3A_84 = arith.constant 81920 : i32
      %add3A_85 = vector.broadcast %add3A_84 : i32 to vector<16xi32>
      %add3A_86 = arith.addi %add3A_85, %iota3A : vector<16xi32>
      %select_n3A_87 = arith.select %and3A_82, %add3A_83, %add3A_86 : vector<16xi1>, vector<16xi32>
      tpu.vector_store_idx %arg7[%select_n3A_87], %broadcast_in_dim3A_3 {add = true} : memref<81936xf32, #tpu.memory_space<vmem>>[vector<16xi32>], vector<16xf32>,
      %get3A_88 = arith.index_cast %scan3A_57 : i32 to index
      %get3A_89 = arith.constant 32 : index
      %get3A_90 = tpu.vector_load %arg6[%get3A_88, %get3A_89] {strides = array<i32>} : memref<80x128xi32, #tpu.memory_space<vmem>>, vector<16xi32>,
      %sub3A_91 = arith.constant 0 : i32
      %sub3A_92 = vector.broadcast %sub3A_91 : i32 to vector<16xi32>
      %sub3A_93 = arith.subi %get3A_90, %sub3A_92 : vector<16xi32>
      %ge3A_94 = arith.constant 0 : i32
      %ge3A_95 = vector.broadcast %ge3A_94 : i32 to vector<16xi32>
      %ge3A_96 = arith.cmpi sge, %sub3A_93, %ge3A_95 : vector<16xi32>
      %lt3A_97 = arith.constant 5120 : i32
      %lt3A_98 = vector.broadcast %lt3A_97 : i32 to vector<16xi32>
      %lt3A_99 = arith.cmpi slt, %sub3A_93, %lt3A_98 : vector<16xi32>
      %and3A_100 = arith.andi %ge3A_96, %lt3A_99 : vector<16xi1>
      %add3A_101 = arith.addi %sub3A_93, %mul3A_6 : vector<16xi32>
      %add3A_102 = arith.constant 81920 : i32
      %add3A_103 = vector.broadcast %add3A_102 : i32 to vector<16xi32>
      %add3A_104 = arith.addi %add3A_103, %iota3A : vector<16xi32>
      %select_n3A_105 = arith.select %and3A_100, %add3A_101, %add3A_104 : vector<16xi1>, vector<16xi32>
      tpu.vector_store_idx %arg7[%select_n3A_105], %broadcast_in_dim3A_3 {add = true} : memref<81936xf32, #tpu.memory_space<vmem>>[vector<16xi32>], vector<16xf32>,
      %get3A_106 = arith.index_cast %scan3A_57 : i32 to index
      %get3A_107 = arith.constant 48 : index
      %get3A_108 = tpu.vector_load %arg6[%get3A_106, %get3A_107] {strides = array<i32>} : memref<80x128xi32, #tpu.memory_space<vmem>>, vector<16xi32>,
      %sub3A_109 = arith.constant 0 : i32
      %sub3A_110 = vector.broadcast %sub3A_109 : i32 to vector<16xi32>
      %sub3A_111 = arith.subi %get3A_108, %sub3A_110 : vector<16xi32>
      %ge3A_112 = arith.constant 0 : i32
      %ge3A_113 = vector.broadcast %ge3A_112 : i32 to vector<16xi32>
      %ge3A_114 = arith.cmpi sge, %sub3A_111, %ge3A_113 : vector<16xi32>
      %lt3A_115 = arith.constant 5120 : i32
      %lt3A_116 = vector.broadcast %lt3A_115 : i32 to vector<16xi32>
      %lt3A_117 = arith.cmpi slt, %sub3A_111, %lt3A_116 : vector<16xi32>
      %and3A_118 = arith.andi %ge3A_114, %lt3A_117 : vector<16xi1>
      %add3A_119 = arith.addi %sub3A_111, %mul3A_6 : vector<16xi32>
      %add3A_120 = arith.constant 81920 : i32
      %add3A_121 = vector.broadcast %add3A_120 : i32 to vector<16xi32>
      %add3A_122 = arith.addi %add3A_121, %iota3A : vector<16xi32>
      %select_n3A_123 = arith.select %and3A_118, %add3A_119, %add3A_122 : vector<16xi1>, vector<16xi32>
      tpu.vector_store_idx %arg7[%select_n3A_123], %broadcast_in_dim3A_3 {add = true} : memref<81936xf32, #tpu.memory_space<vmem>>[vector<16xi32>], vector<16xf32>,
      %get3A_124 = arith.index_cast %scan3A_57 : i32 to index
      %get3A_125 = arith.constant 64 : index
      %get3A_126 = tpu.vector_load %arg6[%get3A_124, %get3A_125] {strides = array<i32>} : memref<80x128xi32, #tpu.memory_space<vmem>>, vector<16xi32>,
      %sub3A_127 = arith.constant 0 : i32
      %sub3A_128 = vector.broadcast %sub3A_127 : i32 to vector<16xi32>
      %sub3A_129 = arith.subi %get3A_126, %sub3A_128 : vector<16xi32>
      %ge3A_130 = arith.constant 0 : i32
      %ge3A_131 = vector.broadcast %ge3A_130 : i32 to vector<16xi32>
      %ge3A_132 = arith.cmpi sge, %sub3A_129, %ge3A_131 : vector<16xi32>
      %lt3A_133 = arith.constant 5120 : i32
      %lt3A_134 = vector.broadcast %lt3A_133 : i32 to vector<16xi32>
      %lt3A_135 = arith.cmpi slt, %sub3A_129, %lt3A_134 : vector<16xi32>
      %and3A_136 = arith.andi %ge3A_132, %lt3A_135 : vector<16xi1>
      %add3A_137 = arith.addi %sub3A_129, %mul3A_6 : vector<16xi32>
      %add3A_138 = arith.constant 81920 : i32
      %add3A_139 = vector.broadcast %add3A_138 : i32 to vector<16xi32>
      %add3A_140 = arith.addi %add3A_139, %iota3A : vector<16xi32>
      %select_n3A_141 = arith.select %and3A_136, %add3A_137, %add3A_140 : vector<16xi1>, vector<16xi32>
      tpu.vector_store_idx %arg7[%select_n3A_141], %broadcast_in_dim3A_3 {add = true} : memref<81936xf32, #tpu.memory_space<vmem>>[vector<16xi32>], vector<16xf32>,
      %get3A_142 = arith.index_cast %scan3A_57 : i32 to index
      %get3A_143 = arith.constant 80 : index
      %get3A_144 = tpu.vector_load %arg6[%get3A_142, %get3A_143] {strides = array<i32>} : memref<80x128xi32, #tpu.memory_space<vmem>>, vector<16xi32>,
      %sub3A_145 = arith.constant 0 : i32
      %sub3A_146 = vector.broadcast %sub3A_145 : i32 to vector<16xi32>
      %sub3A_147 = arith.subi %get3A_144, %sub3A_146 : vector<16xi32>
      %ge3A_148 = arith.constant 0 : i32
      %ge3A_149 = vector.broadcast %ge3A_148 : i32 to vector<16xi32>
      %ge3A_150 = arith.cmpi sge, %sub3A_147, %ge3A_149 : vector<16xi32>
      %lt3A_151 = arith.constant 5120 : i32
      %lt3A_152 = vector.broadcast %lt3A_151 : i32 to vector<16xi32>
      %lt3A_153 = arith.cmpi slt, %sub3A_147, %lt3A_152 : vector<16xi32>
      %and3A_154 = arith.andi %ge3A_150, %lt3A_153 : vector<16xi1>
      %add3A_155 = arith.addi %sub3A_147, %mul3A_6 : vector<16xi32>
      %add3A_156 = arith.constant 81920 : i32
      %add3A_157 = vector.broadcast %add3A_156 : i32 to vector<16xi32>
      %add3A_158 = arith.addi %add3A_157, %iota3A : vector<16xi32>
      %select_n3A_159 = arith.select %and3A_154, %add3A_155, %add3A_158 : vector<16xi1>, vector<16xi32>
      tpu.vector_store_idx %arg7[%select_n3A_159], %broadcast_in_dim3A_3 {add = true} : memref<81936xf32, #tpu.memory_space<vmem>>[vector<16xi32>], vector<16xf32>,
      %get3A_160 = arith.index_cast %scan3A_57 : i32 to index
      %get3A_161 = arith.constant 96 : index
      %get3A_162 = tpu.vector_load %arg6[%get3A_160, %get3A_161] {strides = array<i32>} : memref<80x128xi32, #tpu.memory_space<vmem>>, vector<16xi32>,
      %sub3A_163 = arith.constant 0 : i32
      %sub3A_164 = vector.broadcast %sub3A_163 : i32 to vector<16xi32>
      %sub3A_165 = arith.subi %get3A_162, %sub3A_164 : vector<16xi32>
      %ge3A_166 = arith.constant 0 : i32
      %ge3A_167 = vector.broadcast %ge3A_166 : i32 to vector<16xi32>
      %ge3A_168 = arith.cmpi sge, %sub3A_165, %ge3A_167 : vector<16xi32>
      %lt3A_169 = arith.constant 5120 : i32
      %lt3A_170 = vector.broadcast %lt3A_169 : i32 to vector<16xi32>
      %lt3A_171 = arith.cmpi slt, %sub3A_165, %lt3A_170 : vector<16xi32>
      %and3A_172 = arith.andi %ge3A_168, %lt3A_171 : vector<16xi1>
      %add3A_173 = arith.addi %sub3A_165, %mul3A_6 : vector<16xi32>
      %add3A_174 = arith.constant 81920 : i32
      %add3A_175 = vector.broadcast %add3A_174 : i32 to vector<16xi32>
      %add3A_176 = arith.addi %add3A_175, %iota3A : vector<16xi32>
      %select_n3A_177 = arith.select %and3A_172, %add3A_173, %add3A_176 : vector<16xi1>, vector<16xi32>
      tpu.vector_store_idx %arg7[%select_n3A_177], %broadcast_in_dim3A_3 {add = true} : memref<81936xf32, #tpu.memory_space<vmem>>[vector<16xi32>], vector<16xf32>,
      %get3A_178 = arith.index_cast %scan3A_57 : i32 to index
      %get3A_179 = arith.constant 112 : index
      %get3A_180 = tpu.vector_load %arg6[%get3A_178, %get3A_179] {strides = array<i32>} : memref<80x128xi32, #tpu.memory_space<vmem>>, vector<16xi32>,
      %sub3A_181 = arith.constant 0 : i32
      %sub3A_182 = vector.broadcast %sub3A_181 : i32 to vector<16xi32>
      %sub3A_183 = arith.subi %get3A_180, %sub3A_182 : vector<16xi32>
      %ge3A_184 = arith.constant 0 : i32
      %ge3A_185 = vector.broadcast %ge3A_184 : i32 to vector<16xi32>
      %ge3A_186 = arith.cmpi sge, %sub3A_183, %ge3A_185 : vector<16xi32>
      %lt3A_187 = arith.constant 5120 : i32
      %lt3A_188 = vector.broadcast %lt3A_187 : i32 to vector<16xi32>
      %lt3A_189 = arith.cmpi slt, %sub3A_183, %lt3A_188 : vector<16xi32>
      %and3A_190 = arith.andi %ge3A_186, %lt3A_189 : vector<16xi1>
      %add3A_191 = arith.addi %sub3A_183, %mul3A_6 : vector<16xi32>
      %add3A_192 = arith.constant 81920 : i32
      %add3A_193 = vector.broadcast %add3A_192 : i32 to vector<16xi32>
      %add3A_194 = arith.addi %add3A_193, %iota3A : vector<16xi32>
      %select_n3A_195 = arith.select %and3A_190, %add3A_191, %add3A_194 : vector<16xi1>, vector<16xi32>
      tpu.vector_store_idx %arg7[%select_n3A_195], %broadcast_in_dim3A_3 {add = true} : memref<81936xf32, #tpu.memory_space<vmem>>[vector<16xi32>], vector<16xf32>,
    }
    %scan3A_36 = arith.constant 80 : i32
    %scan3A_37 = arith.constant 0 : i32
    %scan3A_38 = arith.constant 0 : i32
    %scan3A_39 = arith.constant 320 : i32
    %scan3A_40 = arith.addi %scan3A_38, %scan3A_39 : i32
    %scan3A_41 = arith.constant 1 : i32
    scf.for %scan3A_57 = %scan3A_38 to %scan3A_40 step %scan3A_41  : i32 {
      %mul3A_58 = arith.constant 16 : i32
      %mul3A_59 = arith.muli %scan3A_57, %mul3A_58 : i32
      %get3A = arith.index_cast %mul3A_59 : i32 to index
      %get3A_60 = tpu.vector_load %arg7[%get3A] {strides = array<i32>} : memref<81936xf32, #tpu.memory_space<vmem>>, vector<16xf32>,
      %mul3A_61 = arith.constant 16 : i32
      %mul3A_62 = arith.muli %scan3A_57, %mul3A_61 : i32
      %add3A_63 = arith.constant 5120 : i32
      %add3A_64 = arith.addi %add3A_63, %mul3A_62 : i32
      %get3A_65 = arith.index_cast %add3A_64 : i32 to index
      %get3A_66 = tpu.vector_load %arg7[%get3A_65] {strides = array<i32>} : memref<81936xf32, #tpu.memory_space<vmem>>, vector<16xf32>,
      %add3A_67 = arith.addf %get3A_60, %get3A_66 : vector<16xf32>
      %mul3A_68 = arith.constant 16 : i32
      %mul3A_69 = arith.muli %scan3A_57, %mul3A_68 : i32
      %add3A_70 = arith.constant 10240 : i32
      %add3A_71 = arith.addi %add3A_70, %mul3A_69 : i32
      %get3A_72 = arith.index_cast %add3A_71 : i32 to index
      %get3A_73 = tpu.vector_load %arg7[%get3A_72] {strides = array<i32>} : memref<81936xf32, #tpu.memory_space<vmem>>, vector<16xf32>,
      %add3A_74 = arith.addf %add3A_67, %get3A_73 : vector<16xf32>
      %mul3A_75 = arith.constant 16 : i32
      %mul3A_76 = arith.muli %scan3A_57, %mul3A_75 : i32
      %add3A_77 = arith.constant 15360 : i32
      %add3A_78 = arith.addi %add3A_77, %mul3A_76 : i32
      %get3A_79 = arith.index_cast %add3A_78 : i32 to index
      %get3A_80 = tpu.vector_load %arg7[%get3A_79] {strides = array<i32>} : memref<81936xf32, #tpu.memory_space<vmem>>, vector<16xf32>,
      %add3A_81 = arith.addf %add3A_74, %get3A_80 : vector<16xf32>
      %mul3A_82 = arith.constant 16 : i32
      %mul3A_83 = arith.muli %scan3A_57, %mul3A_82 : i32
      %add3A_84 = arith.constant 20480 : i32
      %add3A_85 = arith.addi %add3A_84, %mul3A_83 : i32
      %get3A_86 = arith.index_cast %add3A_85 : i32 to index
      %get3A_87 = tpu.vector_load %arg7[%get3A_86] {strides = array<i32>} : memref<81936xf32, #tpu.memory_space<vmem>>, vector<16xf32>,
      %add3A_88 = arith.addf %add3A_81, %get3A_87 : vector<16xf32>
      %mul3A_89 = arith.constant 16 : i32
      %mul3A_90 = arith.muli %scan3A_57, %mul3A_89 : i32
      %add3A_91 = arith.constant 25600 : i32
      %add3A_92 = arith.addi %add3A_91, %mul3A_90 : i32
      %get3A_93 = arith.index_cast %add3A_92 : i32 to index
      %get3A_94 = tpu.vector_load %arg7[%get3A_93] {strides = array<i32>} : memref<81936xf32, #tpu.memory_space<vmem>>, vector<16xf32>,
      %add3A_95 = arith.addf %add3A_88, %get3A_94 : vector<16xf32>
      %mul3A_96 = arith.constant 16 : i32
      %mul3A_97 = arith.muli %scan3A_57, %mul3A_96 : i32
      %add3A_98 = arith.constant 30720 : i32
      %add3A_99 = arith.addi %add3A_98, %mul3A_97 : i32
      %get3A_100 = arith.index_cast %add3A_99 : i32 to index
      %get3A_101 = tpu.vector_load %arg7[%get3A_100] {strides = array<i32>} : memref<81936xf32, #tpu.memory_space<vmem>>, vector<16xf32>,
      %add3A_102 = arith.addf %add3A_95, %get3A_101 : vector<16xf32>
      %mul3A_103 = arith.constant 16 : i32
      %mul3A_104 = arith.muli %scan3A_57, %mul3A_103 : i32
      %add3A_105 = arith.constant 35840 : i32
      %add3A_106 = arith.addi %add3A_105, %mul3A_104 : i32
      %get3A_107 = arith.index_cast %add3A_106 : i32 to index
      %get3A_108 = tpu.vector_load %arg7[%get3A_107] {strides = array<i32>} : memref<81936xf32, #tpu.memory_space<vmem>>, vector<16xf32>,
      %add3A_109 = arith.addf %add3A_102, %get3A_108 : vector<16xf32>
      %mul3A_110 = arith.constant 16 : i32
      %mul3A_111 = arith.muli %scan3A_57, %mul3A_110 : i32
      %add3A_112 = arith.constant 40960 : i32
      %add3A_113 = arith.addi %add3A_112, %mul3A_111 : i32
      %get3A_114 = arith.index_cast %add3A_113 : i32 to index
      %get3A_115 = tpu.vector_load %arg7[%get3A_114] {strides = array<i32>} : memref<81936xf32, #tpu.memory_space<vmem>>, vector<16xf32>,
      %add3A_116 = arith.addf %add3A_109, %get3A_115 : vector<16xf32>
      %mul3A_117 = arith.constant 16 : i32
      %mul3A_118 = arith.muli %scan3A_57, %mul3A_117 : i32
      %add3A_119 = arith.constant 46080 : i32
      %add3A_120 = arith.addi %add3A_119, %mul3A_118 : i32
      %get3A_121 = arith.index_cast %add3A_120 : i32 to index
      %get3A_122 = tpu.vector_load %arg7[%get3A_121] {strides = array<i32>} : memref<81936xf32, #tpu.memory_space<vmem>>, vector<16xf32>,
      %add3A_123 = arith.addf %add3A_116, %get3A_122 : vector<16xf32>
      %mul3A_124 = arith.constant 16 : i32
      %mul3A_125 = arith.muli %scan3A_57, %mul3A_124 : i32
      %add3A_126 = arith.constant 51200 : i32
      %add3A_127 = arith.addi %add3A_126, %mul3A_125 : i32
      %get3A_128 = arith.index_cast %add3A_127 : i32 to index
      %get3A_129 = tpu.vector_load %arg7[%get3A_128] {strides = array<i32>} : memref<81936xf32, #tpu.memory_space<vmem>>, vector<16xf32>,
      %add3A_130 = arith.addf %add3A_123, %get3A_129 : vector<16xf32>
      %mul3A_131 = arith.constant 16 : i32
      %mul3A_132 = arith.muli %scan3A_57, %mul3A_131 : i32
      %add3A_133 = arith.constant 56320 : i32
      %add3A_134 = arith.addi %add3A_133, %mul3A_132 : i32
      %get3A_135 = arith.index_cast %add3A_134 : i32 to index
      %get3A_136 = tpu.vector_load %arg7[%get3A_135] {strides = array<i32>} : memref<81936xf32, #tpu.memory_space<vmem>>, vector<16xf32>,
      %add3A_137 = arith.addf %add3A_130, %get3A_136 : vector<16xf32>
      %mul3A_138 = arith.constant 16 : i32
      %mul3A_139 = arith.muli %scan3A_57, %mul3A_138 : i32
      %add3A_140 = arith.constant 61440 : i32
      %add3A_141 = arith.addi %add3A_140, %mul3A_139 : i32
      %get3A_142 = arith.index_cast %add3A_141 : i32 to index
      %get3A_143 = tpu.vector_load %arg7[%get3A_142] {strides = array<i32>} : memref<81936xf32, #tpu.memory_space<vmem>>, vector<16xf32>,
      %add3A_144 = arith.addf %add3A_137, %get3A_143 : vector<16xf32>
      %mul3A_145 = arith.constant 16 : i32
      %mul3A_146 = arith.muli %scan3A_57, %mul3A_145 : i32
      %add3A_147 = arith.constant 66560 : i32
      %add3A_148 = arith.addi %add3A_147, %mul3A_146 : i32
      %get3A_149 = arith.index_cast %add3A_148 : i32 to index
      %get3A_150 = tpu.vector_load %arg7[%get3A_149] {strides = array<i32>} : memref<81936xf32, #tpu.memory_space<vmem>>, vector<16xf32>,
      %add3A_151 = arith.addf %add3A_144, %get3A_150 : vector<16xf32>
      %mul3A_152 = arith.constant 16 : i32
      %mul3A_153 = arith.muli %scan3A_57, %mul3A_152 : i32
      %add3A_154 = arith.constant 71680 : i32
      %add3A_155 = arith.addi %add3A_154, %mul3A_153 : i32
      %get3A_156 = arith.index_cast %add3A_155 : i32 to index
      %get3A_157 = tpu.vector_load %arg7[%get3A_156] {strides = array<i32>} : memref<81936xf32, #tpu.memory_space<vmem>>, vector<16xf32>,
      %add3A_158 = arith.addf %add3A_151, %get3A_157 : vector<16xf32>
      %mul3A_159 = arith.constant 16 : i32
      %mul3A_160 = arith.muli %scan3A_57, %mul3A_159 : i32
      %add3A_161 = arith.constant 76800 : i32
      %add3A_162 = arith.addi %add3A_161, %mul3A_160 : i32
      %get3A_163 = arith.index_cast %add3A_162 : i32 to index
      %get3A_164 = tpu.vector_load %arg7[%get3A_163] {strides = array<i32>} : memref<81936xf32, #tpu.memory_space<vmem>>, vector<16xf32>,
      %add3A_165 = arith.addf %add3A_158, %get3A_164 : vector<16xf32>
      %mul3A_166 = arith.constant 16 : i32
      %mul3A_167 = arith.muli %scan3A_57, %mul3A_166 : i32
      %swap3A = arith.index_cast %mul3A_167 : i32 to index
      %swap3A_168 = tpu.vector_load %arg8[%swap3A] {strides = array<i32>} : memref<5120xf32, #tpu.memory_space<vmem>>, vector<16xf32>,
      tpu.vector_store %arg8[%swap3A], %add3A_165 {strides = array<i32>} : memref<5120xf32, #tpu.memory_space<vmem>>, vector<16xf32>,
    }
    %scan3A_42 = arith.constant 320 : i32
    %run_scoped3A_43 = arith.constant 1 : i32
    "tpu.region"() ({
      %run_scoped3A_57 = tpu.sem_alloc : memref<!tpu.dma_semaphore, #tpu.memory_space<semaphore_mem>>
      %dma_start3A = arith.constant 0 : i32
      %dma_start3A_58 = tpu.memref_slice %arg5[%add3A, %run_scoped3A_43, %dma_start3A] : memref<32x2x10240xf32, #tpu.memory_space<hbm>> -> memref<1x1x5120xf32, #tpu.memory_space<hbm>>
      %dma_start3A_59 = tpu.memref_squeeze %dma_start3A_58 : memref<1x1x5120xf32, #tpu.memory_space<hbm>> -> memref<5120xf32, #tpu.memory_space<hbm>>
      %dma_start3A_60 = arith.constant 0 : i32
      %dma_start3A_61 = tpu.memref_slice %arg5[%add3A, %run_scoped3A_43, %dma_start3A_60] : memref<32x2x10240xf32, #tpu.memory_space<hbm>> -> memref<1x1x5120xf32, #tpu.memory_space<hbm>>
      %dma_start3A_62 = tpu.memref_squeeze %dma_start3A_61 : memref<1x1x5120xf32, #tpu.memory_space<hbm>> -> memref<5120xf32, #tpu.memory_space<hbm>>
      tpu.enqueue_dma source(%arg8 : memref<5120xf32, #tpu.memory_space<vmem>>) target(%dma_start3A_62 : memref<5120xf32, #tpu.memory_space<hbm>>) target_semaphore(%run_scoped3A_57 : memref<!tpu.dma_semaphore, #tpu.memory_space<semaphore_mem>>)
      %dma_wait3A = arith.constant 0 : i32
      %dma_wait3A_63 = tpu.memref_slice %arg5[%add3A, %run_scoped3A_43, %dma_wait3A] : memref<32x2x10240xf32, #tpu.memory_space<hbm>> -> memref<1x1x5120xf32, #tpu.memory_space<hbm>>
      %dma_wait3A_64 = tpu.memref_squeeze %dma_wait3A_63 : memref<1x1x5120xf32, #tpu.memory_space<hbm>> -> memref<5120xf32, #tpu.memory_space<hbm>>
      %dma_wait3A_65 = arith.constant 0 : i32
      %dma_wait3A_66 = tpu.memref_slice %arg5[%add3A, %run_scoped3A_43, %dma_wait3A_65] : memref<32x2x10240xf32, #tpu.memory_space<hbm>> -> memref<1x1x5120xf32, #tpu.memory_space<hbm>>
      %dma_wait3A_67 = tpu.memref_squeeze %dma_wait3A_66 : memref<1x1x5120xf32, #tpu.memory_space<hbm>> -> memref<5120xf32, #tpu.memory_space<hbm>>
      tpu.wait_dma2 semaphore(%run_scoped3A_57 : memref<!tpu.dma_semaphore, #tpu.memory_space<semaphore_mem>>) src(%arg8 : memref<5120xf32, #tpu.memory_space<vmem>>) dst(%dma_wait3A_67 : memref<5120xf32, #tpu.memory_space<hbm>>)
      tpu.yield
    }) : () -> ()
    "tpu.region"() ({
      %run_scoped3A_57 = tpu.sem_alloc : memref<!tpu.dma_semaphore, #tpu.memory_space<semaphore_mem>>
      tpu.enqueue_dma source(%arg4 : memref<81936xf32, #tpu.memory_space<hbm>>) target(%arg7 : memref<81936xf32, #tpu.memory_space<vmem>>) target_semaphore(%run_scoped3A_57 : memref<!tpu.dma_semaphore, #tpu.memory_space<semaphore_mem>>)
      tpu.wait_dma2 semaphore(%run_scoped3A_57 : memref<!tpu.dma_semaphore, #tpu.memory_space<semaphore_mem>>) src(%arg4 : memref<81936xf32, #tpu.memory_space<hbm>>) dst(%arg7 : memref<81936xf32, #tpu.memory_space<vmem>>)
      tpu.yield
    }) : () -> ()
    %scan3A_44 = arith.constant 0 : i32
    %scan3A_45 = arith.constant 0 : i32
    %scan3A_46 = arith.constant 80 : i32
    %scan3A_47 = arith.addi %scan3A_45, %scan3A_46 : i32
    %scan3A_48 = arith.constant 1 : i32
    scf.for %scan3A_57 = %scan3A_45 to %scan3A_47 step %scan3A_48  : i32 {
      %get3A = arith.index_cast %scan3A_57 : i32 to index
      %get3A_58 = arith.constant 0 : index
      %get3A_59 = tpu.vector_load %arg6[%get3A, %get3A_58] {strides = array<i32>} : memref<80x128xi32, #tpu.memory_space<vmem>>, vector<16xi32>,
      %sub3A = arith.constant 5120 : i32
      %sub3A_60 = vector.broadcast %sub3A : i32 to vector<16xi32>
      %sub3A_61 = arith.subi %get3A_59, %sub3A_60 : vector<16xi32>
      %ge3A = arith.constant 0 : i32
      %ge3A_62 = vector.broadcast %ge3A : i32 to vector<16xi32>
      %ge3A_63 = arith.cmpi sge, %sub3A_61, %ge3A_62 : vector<16xi32>
      %lt3A = arith.constant 5120 : i32
      %lt3A_64 = vector.broadcast %lt3A : i32 to vector<16xi32>
      %lt3A_65 = arith.cmpi slt, %sub3A_61, %lt3A_64 : vector<16xi32>
      %and3A = arith.andi %ge3A_63, %lt3A_65 : vector<16xi1>
      %add3A_66 = arith.addi %sub3A_61, %mul3A_6 : vector<16xi32>
      %add3A_67 = arith.constant 81920 : i32
      %add3A_68 = vector.broadcast %add3A_67 : i32 to vector<16xi32>
      %add3A_69 = arith.addi %add3A_68, %iota3A : vector<16xi32>
      %select_n3A = arith.select %and3A, %add3A_66, %add3A_69 : vector<16xi1>, vector<16xi32>
      tpu.vector_store_idx %arg7[%select_n3A], %broadcast_in_dim3A_3 {add = true} : memref<81936xf32, #tpu.memory_space<vmem>>[vector<16xi32>], vector<16xf32>,
      %get3A_70 = arith.index_cast %scan3A_57 : i32 to index
      %get3A_71 = arith.constant 16 : index
      %get3A_72 = tpu.vector_load %arg6[%get3A_70, %get3A_71] {strides = array<i32>} : memref<80x128xi32, #tpu.memory_space<vmem>>, vector<16xi32>,
      %sub3A_73 = arith.constant 5120 : i32
      %sub3A_74 = vector.broadcast %sub3A_73 : i32 to vector<16xi32>
      %sub3A_75 = arith.subi %get3A_72, %sub3A_74 : vector<16xi32>
      %ge3A_76 = arith.constant 0 : i32
      %ge3A_77 = vector.broadcast %ge3A_76 : i32 to vector<16xi32>
      %ge3A_78 = arith.cmpi sge, %sub3A_75, %ge3A_77 : vector<16xi32>
      %lt3A_79 = arith.constant 5120 : i32
      %lt3A_80 = vector.broadcast %lt3A_79 : i32 to vector<16xi32>
      %lt3A_81 = arith.cmpi slt, %sub3A_75, %lt3A_80 : vector<16xi32>
      %and3A_82 = arith.andi %ge3A_78, %lt3A_81 : vector<16xi1>
      %add3A_83 = arith.addi %sub3A_75, %mul3A_6 : vector<16xi32>
      %add3A_84 = arith.constant 81920 : i32
      %add3A_85 = vector.broadcast %add3A_84 : i32 to vector<16xi32>
      %add3A_86 = arith.addi %add3A_85, %iota3A : vector<16xi32>
      %select_n3A_87 = arith.select %and3A_82, %add3A_83, %add3A_86 : vector<16xi1>, vector<16xi32>
      tpu.vector_store_idx %arg7[%select_n3A_87], %broadcast_in_dim3A_3 {add = true} : memref<81936xf32, #tpu.memory_space<vmem>>[vector<16xi32>], vector<16xf32>,
      %get3A_88 = arith.index_cast %scan3A_57 : i32 to index
      %get3A_89 = arith.constant 32 : index
      %get3A_90 = tpu.vector_load %arg6[%get3A_88, %get3A_89] {strides = array<i32>} : memref<80x128xi32, #tpu.memory_space<vmem>>, vector<16xi32>,
      %sub3A_91 = arith.constant 5120 : i32
      %sub3A_92 = vector.broadcast %sub3A_91 : i32 to vector<16xi32>
      %sub3A_93 = arith.subi %get3A_90, %sub3A_92 : vector<16xi32>
      %ge3A_94 = arith.constant 0 : i32
      %ge3A_95 = vector.broadcast %ge3A_94 : i32 to vector<16xi32>
      %ge3A_96 = arith.cmpi sge, %sub3A_93, %ge3A_95 : vector<16xi32>
      %lt3A_97 = arith.constant 5120 : i32
      %lt3A_98 = vector.broadcast %lt3A_97 : i32 to vector<16xi32>
      %lt3A_99 = arith.cmpi slt, %sub3A_93, %lt3A_98 : vector<16xi32>
      %and3A_100 = arith.andi %ge3A_96, %lt3A_99 : vector<16xi1>
      %add3A_101 = arith.addi %sub3A_93, %mul3A_6 : vector<16xi32>
      %add3A_102 = arith.constant 81920 : i32
      %add3A_103 = vector.broadcast %add3A_102 : i32 to vector<16xi32>
      %add3A_104 = arith.addi %add3A_103, %iota3A : vector<16xi32>
      %select_n3A_105 = arith.select %and3A_100, %add3A_101, %add3A_104 : vector<16xi1>, vector<16xi32>
      tpu.vector_store_idx %arg7[%select_n3A_105], %broadcast_in_dim3A_3 {add = true} : memref<81936xf32, #tpu.memory_space<vmem>>[vector<16xi32>], vector<16xf32>,
      %get3A_106 = arith.index_cast %scan3A_57 : i32 to index
      %get3A_107 = arith.constant 48 : index
      %get3A_108 = tpu.vector_load %arg6[%get3A_106, %get3A_107] {strides = array<i32>} : memref<80x128xi32, #tpu.memory_space<vmem>>, vector<16xi32>,
      %sub3A_109 = arith.constant 5120 : i32
      %sub3A_110 = vector.broadcast %sub3A_109 : i32 to vector<16xi32>
      %sub3A_111 = arith.subi %get3A_108, %sub3A_110 : vector<16xi32>
      %ge3A_112 = arith.constant 0 : i32
      %ge3A_113 = vector.broadcast %ge3A_112 : i32 to vector<16xi32>
      %ge3A_114 = arith.cmpi sge, %sub3A_111, %ge3A_113 : vector<16xi32>
      %lt3A_115 = arith.constant 5120 : i32
      %lt3A_116 = vector.broadcast %lt3A_115 : i32 to vector<16xi32>
      %lt3A_117 = arith.cmpi slt, %sub3A_111, %lt3A_116 : vector<16xi32>
      %and3A_118 = arith.andi %ge3A_114, %lt3A_117 : vector<16xi1>
      %add3A_119 = arith.addi %sub3A_111, %mul3A_6 : vector<16xi32>
      %add3A_120 = arith.constant 81920 : i32
      %add3A_121 = vector.broadcast %add3A_120 : i32 to vector<16xi32>
      %add3A_122 = arith.addi %add3A_121, %iota3A : vector<16xi32>
      %select_n3A_123 = arith.select %and3A_118, %add3A_119, %add3A_122 : vector<16xi1>, vector<16xi32>
      tpu.vector_store_idx %arg7[%select_n3A_123], %broadcast_in_dim3A_3 {add = true} : memref<81936xf32, #tpu.memory_space<vmem>>[vector<16xi32>], vector<16xf32>,
      %get3A_124 = arith.index_cast %scan3A_57 : i32 to index
      %get3A_125 = arith.constant 64 : index
      %get3A_126 = tpu.vector_load %arg6[%get3A_124, %get3A_125] {strides = array<i32>} : memref<80x128xi32, #tpu.memory_space<vmem>>, vector<16xi32>,
      %sub3A_127 = arith.constant 5120 : i32
      %sub3A_128 = vector.broadcast %sub3A_127 : i32 to vector<16xi32>
      %sub3A_129 = arith.subi %get3A_126, %sub3A_128 : vector<16xi32>
      %ge3A_130 = arith.constant 0 : i32
      %ge3A_131 = vector.broadcast %ge3A_130 : i32 to vector<16xi32>
      %ge3A_132 = arith.cmpi sge, %sub3A_129, %ge3A_131 : vector<16xi32>
      %lt3A_133 = arith.constant 5120 : i32
      %lt3A_134 = vector.broadcast %lt3A_133 : i32 to vector<16xi32>
      %lt3A_135 = arith.cmpi slt, %sub3A_129, %lt3A_134 : vector<16xi32>
      %and3A_136 = arith.andi %ge3A_132, %lt3A_135 : vector<16xi1>
      %add3A_137 = arith.addi %sub3A_129, %mul3A_6 : vector<16xi32>
      %add3A_138 = arith.constant 81920 : i32
      %add3A_139 = vector.broadcast %add3A_138 : i32 to vector<16xi32>
      %add3A_140 = arith.addi %add3A_139, %iota3A : vector<16xi32>
      %select_n3A_141 = arith.select %and3A_136, %add3A_137, %add3A_140 : vector<16xi1>, vector<16xi32>
      tpu.vector_store_idx %arg7[%select_n3A_141], %broadcast_in_dim3A_3 {add = true} : memref<81936xf32, #tpu.memory_space<vmem>>[vector<16xi32>], vector<16xf32>,
      %get3A_142 = arith.index_cast %scan3A_57 : i32 to index
      %get3A_143 = arith.constant 80 : index
      %get3A_144 = tpu.vector_load %arg6[%get3A_142, %get3A_143] {strides = array<i32>} : memref<80x128xi32, #tpu.memory_space<vmem>>, vector<16xi32>,
      %sub3A_145 = arith.constant 5120 : i32
      %sub3A_146 = vector.broadcast %sub3A_145 : i32 to vector<16xi32>
      %sub3A_147 = arith.subi %get3A_144, %sub3A_146 : vector<16xi32>
      %ge3A_148 = arith.constant 0 : i32
      %ge3A_149 = vector.broadcast %ge3A_148 : i32 to vector<16xi32>
      %ge3A_150 = arith.cmpi sge, %sub3A_147, %ge3A_149 : vector<16xi32>
      %lt3A_151 = arith.constant 5120 : i32
      %lt3A_152 = vector.broadcast %lt3A_151 : i32 to vector<16xi32>
      %lt3A_153 = arith.cmpi slt, %sub3A_147, %lt3A_152 : vector<16xi32>
      %and3A_154 = arith.andi %ge3A_150, %lt3A_153 : vector<16xi1>
      %add3A_155 = arith.addi %sub3A_147, %mul3A_6 : vector<16xi32>
      %add3A_156 = arith.constant 81920 : i32
      %add3A_157 = vector.broadcast %add3A_156 : i32 to vector<16xi32>
      %add3A_158 = arith.addi %add3A_157, %iota3A : vector<16xi32>
      %select_n3A_159 = arith.select %and3A_154, %add3A_155, %add3A_158 : vector<16xi1>, vector<16xi32>
      tpu.vector_store_idx %arg7[%select_n3A_159], %broadcast_in_dim3A_3 {add = true} : memref<81936xf32, #tpu.memory_space<vmem>>[vector<16xi32>], vector<16xf32>,
      %get3A_160 = arith.index_cast %scan3A_57 : i32 to index
      %get3A_161 = arith.constant 96 : index
      %get3A_162 = tpu.vector_load %arg6[%get3A_160, %get3A_161] {strides = array<i32>} : memref<80x128xi32, #tpu.memory_space<vmem>>, vector<16xi32>,
      %sub3A_163 = arith.constant 5120 : i32
      %sub3A_164 = vector.broadcast %sub3A_163 : i32 to vector<16xi32>
      %sub3A_165 = arith.subi %get3A_162, %sub3A_164 : vector<16xi32>
      %ge3A_166 = arith.constant 0 : i32
      %ge3A_167 = vector.broadcast %ge3A_166 : i32 to vector<16xi32>
      %ge3A_168 = arith.cmpi sge, %sub3A_165, %ge3A_167 : vector<16xi32>
      %lt3A_169 = arith.constant 5120 : i32
      %lt3A_170 = vector.broadcast %lt3A_169 : i32 to vector<16xi32>
      %lt3A_171 = arith.cmpi slt, %sub3A_165, %lt3A_170 : vector<16xi32>
      %and3A_172 = arith.andi %ge3A_168, %lt3A_171 : vector<16xi1>
      %add3A_173 = arith.addi %sub3A_165, %mul3A_6 : vector<16xi32>
      %add3A_174 = arith.constant 81920 : i32
      %add3A_175 = vector.broadcast %add3A_174 : i32 to vector<16xi32>
      %add3A_176 = arith.addi %add3A_175, %iota3A : vector<16xi32>
      %select_n3A_177 = arith.select %and3A_172, %add3A_173, %add3A_176 : vector<16xi1>, vector<16xi32>
      tpu.vector_store_idx %arg7[%select_n3A_177], %broadcast_in_dim3A_3 {add = true} : memref<81936xf32, #tpu.memory_space<vmem>>[vector<16xi32>], vector<16xf32>,
      %get3A_178 = arith.index_cast %scan3A_57 : i32 to index
      %get3A_179 = arith.constant 112 : index
      %get3A_180 = tpu.vector_load %arg6[%get3A_178, %get3A_179] {strides = array<i32>} : memref<80x128xi32, #tpu.memory_space<vmem>>, vector<16xi32>,
      %sub3A_181 = arith.constant 5120 : i32
      %sub3A_182 = vector.broadcast %sub3A_181 : i32 to vector<16xi32>
      %sub3A_183 = arith.subi %get3A_180, %sub3A_182 : vector<16xi32>
      %ge3A_184 = arith.constant 0 : i32
      %ge3A_185 = vector.broadcast %ge3A_184 : i32 to vector<16xi32>
      %ge3A_186 = arith.cmpi sge, %sub3A_183, %ge3A_185 : vector<16xi32>
      %lt3A_187 = arith.constant 5120 : i32
      %lt3A_188 = vector.broadcast %lt3A_187 : i32 to vector<16xi32>
      %lt3A_189 = arith.cmpi slt, %sub3A_183, %lt3A_188 : vector<16xi32>
      %and3A_190 = arith.andi %ge3A_186, %lt3A_189 : vector<16xi1>
      %add3A_191 = arith.addi %sub3A_183, %mul3A_6 : vector<16xi32>
      %add3A_192 = arith.constant 81920 : i32
      %add3A_193 = vector.broadcast %add3A_192 : i32 to vector<16xi32>
      %add3A_194 = arith.addi %add3A_193, %iota3A : vector<16xi32>
      %select_n3A_195 = arith.select %and3A_190, %add3A_191, %add3A_194 : vector<16xi1>, vector<16xi32>
      tpu.vector_store_idx %arg7[%select_n3A_195], %broadcast_in_dim3A_3 {add = true} : memref<81936xf32, #tpu.memory_space<vmem>>[vector<16xi32>], vector<16xf32>,
    }
    %scan3A_49 = arith.constant 80 : i32
    %scan3A_50 = arith.constant 0 : i32
    %scan3A_51 = arith.constant 0 : i32
    %scan3A_52 = arith.constant 320 : i32
    %scan3A_53 = arith.addi %scan3A_51, %scan3A_52 : i32
    %scan3A_54 = arith.constant 1 : i32
    scf.for %scan3A_57 = %scan3A_51 to %scan3A_53 step %scan3A_54  : i32 {
      %mul3A_58 = arith.constant 16 : i32
      %mul3A_59 = arith.muli %scan3A_57, %mul3A_58 : i32
      %get3A = arith.index_cast %mul3A_59 : i32 to index
      %get3A_60 = tpu.vector_load %arg7[%get3A] {strides = array<i32>} : memref<81936xf32, #tpu.memory_space<vmem>>, vector<16xf32>,
      %mul3A_61 = arith.constant 16 : i32
      %mul3A_62 = arith.muli %scan3A_57, %mul3A_61 : i32
      %add3A_63 = arith.constant 5120 : i32
      %add3A_64 = arith.addi %add3A_63, %mul3A_62 : i32
      %get3A_65 = arith.index_cast %add3A_64 : i32 to index
      %get3A_66 = tpu.vector_load %arg7[%get3A_65] {strides = array<i32>} : memref<81936xf32, #tpu.memory_space<vmem>>, vector<16xf32>,
      %add3A_67 = arith.addf %get3A_60, %get3A_66 : vector<16xf32>
      %mul3A_68 = arith.constant 16 : i32
      %mul3A_69 = arith.muli %scan3A_57, %mul3A_68 : i32
      %add3A_70 = arith.constant 10240 : i32
      %add3A_71 = arith.addi %add3A_70, %mul3A_69 : i32
      %get3A_72 = arith.index_cast %add3A_71 : i32 to index
      %get3A_73 = tpu.vector_load %arg7[%get3A_72] {strides = array<i32>} : memref<81936xf32, #tpu.memory_space<vmem>>, vector<16xf32>,
      %add3A_74 = arith.addf %add3A_67, %get3A_73 : vector<16xf32>
      %mul3A_75 = arith.constant 16 : i32
      %mul3A_76 = arith.muli %scan3A_57, %mul3A_75 : i32
      %add3A_77 = arith.constant 15360 : i32
      %add3A_78 = arith.addi %add3A_77, %mul3A_76 : i32
      %get3A_79 = arith.index_cast %add3A_78 : i32 to index
      %get3A_80 = tpu.vector_load %arg7[%get3A_79] {strides = array<i32>} : memref<81936xf32, #tpu.memory_space<vmem>>, vector<16xf32>,
      %add3A_81 = arith.addf %add3A_74, %get3A_80 : vector<16xf32>
      %mul3A_82 = arith.constant 16 : i32
      %mul3A_83 = arith.muli %scan3A_57, %mul3A_82 : i32
      %add3A_84 = arith.constant 20480 : i32
      %add3A_85 = arith.addi %add3A_84, %mul3A_83 : i32
      %get3A_86 = arith.index_cast %add3A_85 : i32 to index
      %get3A_87 = tpu.vector_load %arg7[%get3A_86] {strides = array<i32>} : memref<81936xf32, #tpu.memory_space<vmem>>, vector<16xf32>,
      %add3A_88 = arith.addf %add3A_81, %get3A_87 : vector<16xf32>
      %mul3A_89 = arith.constant 16 : i32
      %mul3A_90 = arith.muli %scan3A_57, %mul3A_89 : i32
      %add3A_91 = arith.constant 25600 : i32
      %add3A_92 = arith.addi %add3A_91, %mul3A_90 : i32
      %get3A_93 = arith.index_cast %add3A_92 : i32 to index
      %get3A_94 = tpu.vector_load %arg7[%get3A_93] {strides = array<i32>} : memref<81936xf32, #tpu.memory_space<vmem>>, vector<16xf32>,
      %add3A_95 = arith.addf %add3A_88, %get3A_94 : vector<16xf32>
      %mul3A_96 = arith.constant 16 : i32
      %mul3A_97 = arith.muli %scan3A_57, %mul3A_96 : i32
      %add3A_98 = arith.constant 30720 : i32
      %add3A_99 = arith.addi %add3A_98, %mul3A_97 : i32
      %get3A_100 = arith.index_cast %add3A_99 : i32 to index
      %get3A_101 = tpu.vector_load %arg7[%get3A_100] {strides = array<i32>} : memref<81936xf32, #tpu.memory_space<vmem>>, vector<16xf32>,
      %add3A_102 = arith.addf %add3A_95, %get3A_101 : vector<16xf32>
      %mul3A_103 = arith.constant 16 : i32
      %mul3A_104 = arith.muli %scan3A_57, %mul3A_103 : i32
      %add3A_105 = arith.constant 35840 : i32
      %add3A_106 = arith.addi %add3A_105, %mul3A_104 : i32
      %get3A_107 = arith.index_cast %add3A_106 : i32 to index
      %get3A_108 = tpu.vector_load %arg7[%get3A_107] {strides = array<i32>} : memref<81936xf32, #tpu.memory_space<vmem>>, vector<16xf32>,
      %add3A_109 = arith.addf %add3A_102, %get3A_108 : vector<16xf32>
      %mul3A_110 = arith.constant 16 : i32
      %mul3A_111 = arith.muli %scan3A_57, %mul3A_110 : i32
      %add3A_112 = arith.constant 40960 : i32
      %add3A_113 = arith.addi %add3A_112, %mul3A_111 : i32
      %get3A_114 = arith.index_cast %add3A_113 : i32 to index
      %get3A_115 = tpu.vector_load %arg7[%get3A_114] {strides = array<i32>} : memref<81936xf32, #tpu.memory_space<vmem>>, vector<16xf32>,
      %add3A_116 = arith.addf %add3A_109, %get3A_115 : vector<16xf32>
      %mul3A_117 = arith.constant 16 : i32
      %mul3A_118 = arith.muli %scan3A_57, %mul3A_117 : i32
      %add3A_119 = arith.constant 46080 : i32
      %add3A_120 = arith.addi %add3A_119, %mul3A_118 : i32
      %get3A_121 = arith.index_cast %add3A_120 : i32 to index
      %get3A_122 = tpu.vector_load %arg7[%get3A_121] {strides = array<i32>} : memref<81936xf32, #tpu.memory_space<vmem>>, vector<16xf32>,
      %add3A_123 = arith.addf %add3A_116, %get3A_122 : vector<16xf32>
      %mul3A_124 = arith.constant 16 : i32
      %mul3A_125 = arith.muli %scan3A_57, %mul3A_124 : i32
      %add3A_126 = arith.constant 51200 : i32
      %add3A_127 = arith.addi %add3A_126, %mul3A_125 : i32
      %get3A_128 = arith.index_cast %add3A_127 : i32 to index
      %get3A_129 = tpu.vector_load %arg7[%get3A_128] {strides = array<i32>} : memref<81936xf32, #tpu.memory_space<vmem>>, vector<16xf32>,
      %add3A_130 = arith.addf %add3A_123, %get3A_129 : vector<16xf32>
      %mul3A_131 = arith.constant 16 : i32
      %mul3A_132 = arith.muli %scan3A_57, %mul3A_131 : i32
      %add3A_133 = arith.constant 56320 : i32
      %add3A_134 = arith.addi %add3A_133, %mul3A_132 : i32
      %get3A_135 = arith.index_cast %add3A_134 : i32 to index
      %get3A_136 = tpu.vector_load %arg7[%get3A_135] {strides = array<i32>} : memref<81936xf32, #tpu.memory_space<vmem>>, vector<16xf32>,
      %add3A_137 = arith.addf %add3A_130, %get3A_136 : vector<16xf32>
      %mul3A_138 = arith.constant 16 : i32
      %mul3A_139 = arith.muli %scan3A_57, %mul3A_138 : i32
      %add3A_140 = arith.constant 61440 : i32
      %add3A_141 = arith.addi %add3A_140, %mul3A_139 : i32
      %get3A_142 = arith.index_cast %add3A_141 : i32 to index
      %get3A_143 = tpu.vector_load %arg7[%get3A_142] {strides = array<i32>} : memref<81936xf32, #tpu.memory_space<vmem>>, vector<16xf32>,
      %add3A_144 = arith.addf %add3A_137, %get3A_143 : vector<16xf32>
      %mul3A_145 = arith.constant 16 : i32
      %mul3A_146 = arith.muli %scan3A_57, %mul3A_145 : i32
      %add3A_147 = arith.constant 66560 : i32
      %add3A_148 = arith.addi %add3A_147, %mul3A_146 : i32
      %get3A_149 = arith.index_cast %add3A_148 : i32 to index
      %get3A_150 = tpu.vector_load %arg7[%get3A_149] {strides = array<i32>} : memref<81936xf32, #tpu.memory_space<vmem>>, vector<16xf32>,
      %add3A_151 = arith.addf %add3A_144, %get3A_150 : vector<16xf32>
      %mul3A_152 = arith.constant 16 : i32
      %mul3A_153 = arith.muli %scan3A_57, %mul3A_152 : i32
      %add3A_154 = arith.constant 71680 : i32
      %add3A_155 = arith.addi %add3A_154, %mul3A_153 : i32
      %get3A_156 = arith.index_cast %add3A_155 : i32 to index
      %get3A_157 = tpu.vector_load %arg7[%get3A_156] {strides = array<i32>} : memref<81936xf32, #tpu.memory_space<vmem>>, vector<16xf32>,
      %add3A_158 = arith.addf %add3A_151, %get3A_157 : vector<16xf32>
      %mul3A_159 = arith.constant 16 : i32
      %mul3A_160 = arith.muli %scan3A_57, %mul3A_159 : i32
      %add3A_161 = arith.constant 76800 : i32
      %add3A_162 = arith.addi %add3A_161, %mul3A_160 : i32
      %get3A_163 = arith.index_cast %add3A_162 : i32 to index
      %get3A_164 = tpu.vector_load %arg7[%get3A_163] {strides = array<i32>} : memref<81936xf32, #tpu.memory_space<vmem>>, vector<16xf32>,
      %add3A_165 = arith.addf %add3A_158, %get3A_164 : vector<16xf32>
      %mul3A_166 = arith.constant 16 : i32
      %mul3A_167 = arith.muli %scan3A_57, %mul3A_166 : i32
      %swap3A = arith.index_cast %mul3A_167 : i32 to index
      %swap3A_168 = tpu.vector_load %arg8[%swap3A] {strides = array<i32>} : memref<5120xf32, #tpu.memory_space<vmem>>, vector<16xf32>,
      tpu.vector_store %arg8[%swap3A], %add3A_165 {strides = array<i32>} : memref<5120xf32, #tpu.memory_space<vmem>>, vector<16xf32>,
    }
    %scan3A_55 = arith.constant 320 : i32
    %run_scoped3A_56 = arith.constant 1 : i32
    "tpu.region"() ({
      %run_scoped3A_57 = tpu.sem_alloc : memref<!tpu.dma_semaphore, #tpu.memory_space<semaphore_mem>>
      %dma_start3A = arith.constant 5120 : i32
      %dma_start3A_58 = tpu.memref_slice %arg5[%add3A, %run_scoped3A_56, %dma_start3A] : memref<32x2x10240xf32, #tpu.memory_space<hbm>> -> memref<1x1x5120xf32, #tpu.memory_space<hbm>>
      %dma_start3A_59 = tpu.memref_squeeze %dma_start3A_58 : memref<1x1x5120xf32, #tpu.memory_space<hbm>> -> memref<5120xf32, #tpu.memory_space<hbm>>
      %dma_start3A_60 = arith.constant 5120 : i32
      %dma_start3A_61 = tpu.memref_slice %arg5[%add3A, %run_scoped3A_56, %dma_start3A_60] : memref<32x2x10240xf32, #tpu.memory_space<hbm>> -> memref<1x1x5120xf32, #tpu.memory_space<hbm>>
      %dma_start3A_62 = tpu.memref_squeeze %dma_start3A_61 : memref<1x1x5120xf32, #tpu.memory_space<hbm>> -> memref<5120xf32, #tpu.memory_space<hbm>>
      tpu.enqueue_dma source(%arg8 : memref<5120xf32, #tpu.memory_space<vmem>>) target(%dma_start3A_62 : memref<5120xf32, #tpu.memory_space<hbm>>) target_semaphore(%run_scoped3A_57 : memref<!tpu.dma_semaphore, #tpu.memory_space<semaphore_mem>>)
      %dma_wait3A = arith.constant 5120 : i32
      %dma_wait3A_63 = tpu.memref_slice %arg5[%add3A, %run_scoped3A_56, %dma_wait3A] : memref<32x2x10240xf32, #tpu.memory_space<hbm>> -> memref<1x1x5120xf32, #tpu.memory_space<hbm>>
      %dma_wait3A_64 = tpu.memref_squeeze %dma_wait3A_63 : memref<1x1x5120xf32, #tpu.memory_space<hbm>> -> memref<5120xf32, #tpu.memory_space<hbm>>
      %dma_wait3A_65 = arith.constant 5120 : i32
      %dma_wait3A_66 = tpu.memref_slice %arg5[%add3A, %run_scoped3A_56, %dma_wait3A_65] : memref<32x2x10240xf32, #tpu.memory_space<hbm>> -> memref<1x1x5120xf32, #tpu.memory_space<hbm>>
      %dma_wait3A_67 = tpu.memref_squeeze %dma_wait3A_66 : memref<1x1x5120xf32, #tpu.memory_space<hbm>> -> memref<5120xf32, #tpu.memory_space<hbm>>
      tpu.wait_dma2 semaphore(%run_scoped3A_57 : memref<!tpu.dma_semaphore, #tpu.memory_space<semaphore_mem>>) src(%arg8 : memref<5120xf32, #tpu.memory_space<vmem>>) dst(%dma_wait3A_67 : memref<5120xf32, #tpu.memory_space<hbm>>)
      tpu.yield
    }) : () -> ()
    return
  }
}

#map = affine_map<(d0, d1) -> (0, 0)>
#map1 = affine_map<(d0, d1) -> (0, 0, 0)>
module attributes {stable_mosaic.version = 14 : i64} {
  func.func @_smooth_sc(%arg0: i32, %arg1: i32, %arg2: memref<10240x128xf32, #tpu.memory_space<hbm>>, %arg3: memref<2560x128xi32, #tpu.memory_space<hbm>>, %arg4: memref<2560x128xi32, #tpu.memory_space<hbm>>, %arg5: memref<640x128xf32, #tpu.memory_space<hbm>>, %arg6: memref<2x10240x128xf32, #tpu.memory_space<hbm>>, %arg7: memref<4x128xi32, #tpu.memory_space<vmem>>, %arg8: memref<4x128xi32, #tpu.memory_space<vmem>>, %arg9: memref<2x128x128xf32, #tpu.memory_space<vmem>>, %arg10: memref<10240x128xf32, #tpu.memory_space<vmem_shared>>, %arg11: memref<!tpu.dma_semaphore, #tpu.memory_space<semaphore_mem>>, %arg12: memref<!tpu.dma_semaphore, #tpu.memory_space<semaphore_mem>>, %arg13: memref<!tpu.dma_semaphore, #tpu.memory_space<semaphore_mem>>, %arg14: memref<!tpu.dma_semaphore, #tpu.memory_space<semaphore_mem>>, %arg15: memref<!tpu.dma_semaphore, #tpu.memory_space<semaphore_mem>>) attributes {dimension_semantics = [#tpu.dimension_semantics<core_parallel>, #tpu.dimension_semantics<subcore_parallel>], iteration_bounds = array<i64: 2, 16>, scalar_prefetch = 0 : i64, scratch_operands = 9 : i64, tpu.core_type = #tpu.core_type<sc_vector_subcore>, window_params = [{transform_indices = #map}, {transform_indices = #map}, {transform_indices = #map}, {transform_indices = #map}, {transform_indices = #map1}]} {
    %mul3A = arith.constant 16 : i32
    %mul3A_0 = arith.muli %arg0, %mul3A : i32
    %add3A = arith.addi %mul3A_0, %arg1 : i32
    %mul3A_1 = arith.constant 80 : i32
    %mul3A_2 = arith.muli %add3A, %mul3A_1 : i32
    %mul3A_3 = arith.constant 640 : i32
    %mul3A_4 = arith.muli %arg1, %mul3A_3 : i32
    "tpu.region"() ({
      %run_scoped3A = tpu.sem_alloc : memref<!tpu.dma_semaphore, #tpu.memory_space<semaphore_mem>>
      %dma_start3A_437 = arith.constant 0 : i32
      %dma_start3A_438 = tpu.memref_slice %arg10[%mul3A_4, %dma_start3A_437] : memref<10240x128xf32, #tpu.memory_space<vmem_shared>> -> memref<640x128xf32, #tpu.memory_space<vmem_shared>>
      tpu.enqueue_dma source(%arg5 : memref<640x128xf32, #tpu.memory_space<hbm>>) target(%dma_start3A_438 : memref<640x128xf32, #tpu.memory_space<vmem_shared>>) target_semaphore(%run_scoped3A : memref<!tpu.dma_semaphore, #tpu.memory_space<semaphore_mem>>)
      %dma_wait3A_439 = arith.constant 0 : i32
      %dma_wait3A_440 = tpu.memref_slice %arg10[%mul3A_4, %dma_wait3A_439] : memref<10240x128xf32, #tpu.memory_space<vmem_shared>> -> memref<640x128xf32, #tpu.memory_space<vmem_shared>>
      tpu.wait_dma2 semaphore(%run_scoped3A : memref<!tpu.dma_semaphore, #tpu.memory_space<semaphore_mem>>) src(%arg5 : memref<640x128xf32, #tpu.memory_space<hbm>>) dst(%dma_wait3A_440 : memref<640x128xf32, #tpu.memory_space<vmem_shared>>)
      tpu.yield
    }) : () -> ()
    %barrier3A = arith.constant 0 : index
    tpu.barrier barrier_id(%barrier3A)
    %dma_start3A = arith.constant 0 : i32
    %dma_start3A_5 = arith.constant 0 : i32
    %dma_start3A_6 = tpu.memref_slice %arg7[%dma_start3A, %dma_start3A_5] : memref<4x128xi32, #tpu.memory_space<vmem>> -> memref<1x128xi32, #tpu.memory_space<vmem>>
    %dma_start3A_7 = tpu.memref_squeeze %dma_start3A_6 : memref<1x128xi32, #tpu.memory_space<vmem>> -> memref<128xi32, #tpu.memory_space<vmem>>
    %dma_start3A_8 = arith.constant 0 : i32
    %dma_start3A_9 = tpu.memref_slice %arg3[%mul3A_2, %dma_start3A_8] : memref<2560x128xi32, #tpu.memory_space<hbm>> -> memref<1x128xi32, #tpu.memory_space<hbm>>
    %dma_start3A_10 = tpu.memref_squeeze %dma_start3A_9 : memref<1x128xi32, #tpu.memory_space<hbm>> -> memref<128xi32, #tpu.memory_space<hbm>>
    %dma_start3A_11 = arith.constant 0 : i32
    %dma_start3A_12 = tpu.memref_slice %arg7[%dma_start3A, %dma_start3A_11] : memref<4x128xi32, #tpu.memory_space<vmem>> -> memref<1x128xi32, #tpu.memory_space<vmem>>
    %dma_start3A_13 = tpu.memref_squeeze %dma_start3A_12 : memref<1x128xi32, #tpu.memory_space<vmem>> -> memref<128xi32, #tpu.memory_space<vmem>>
    %dma_start3A_14 = arith.constant 0 : i32
    %dma_start3A_15 = tpu.memref_slice %arg3[%mul3A_2, %dma_start3A_14] : memref<2560x128xi32, #tpu.memory_space<hbm>> -> memref<1x128xi32, #tpu.memory_space<hbm>>
    %dma_start3A_16 = tpu.memref_squeeze %dma_start3A_15 : memref<1x128xi32, #tpu.memory_space<hbm>> -> memref<128xi32, #tpu.memory_space<hbm>>
    tpu.enqueue_dma source(%dma_start3A_16 : memref<128xi32, #tpu.memory_space<hbm>>) target(%dma_start3A_13 : memref<128xi32, #tpu.memory_space<vmem>>) target_semaphore(%arg11 : memref<!tpu.dma_semaphore, #tpu.memory_space<semaphore_mem>>)
    %dma_start3A_17 = arith.constant 0 : i32
    %dma_start3A_18 = arith.constant 0 : i32
    %dma_start3A_19 = tpu.memref_slice %arg8[%dma_start3A_17, %dma_start3A_18] : memref<4x128xi32, #tpu.memory_space<vmem>> -> memref<1x128xi32, #tpu.memory_space<vmem>>
    %dma_start3A_20 = tpu.memref_squeeze %dma_start3A_19 : memref<1x128xi32, #tpu.memory_space<vmem>> -> memref<128xi32, #tpu.memory_space<vmem>>
    %dma_start3A_21 = arith.constant 0 : i32
    %dma_start3A_22 = tpu.memref_slice %arg4[%mul3A_2, %dma_start3A_21] : memref<2560x128xi32, #tpu.memory_space<hbm>> -> memref<1x128xi32, #tpu.memory_space<hbm>>
    %dma_start3A_23 = tpu.memref_squeeze %dma_start3A_22 : memref<1x128xi32, #tpu.memory_space<hbm>> -> memref<128xi32, #tpu.memory_space<hbm>>
    %dma_start3A_24 = arith.constant 0 : i32
    %dma_start3A_25 = tpu.memref_slice %arg8[%dma_start3A_17, %dma_start3A_24] : memref<4x128xi32, #tpu.memory_space<vmem>> -> memref<1x128xi32, #tpu.memory_space<vmem>>
    %dma_start3A_26 = tpu.memref_squeeze %dma_start3A_25 : memref<1x128xi32, #tpu.memory_space<vmem>> -> memref<128xi32, #tpu.memory_space<vmem>>
    %dma_start3A_27 = arith.constant 0 : i32
    %dma_start3A_28 = tpu.memref_slice %arg4[%mul3A_2, %dma_start3A_27] : memref<2560x128xi32, #tpu.memory_space<hbm>> -> memref<1x128xi32, #tpu.memory_space<hbm>>
    %dma_start3A_29 = tpu.memref_squeeze %dma_start3A_28 : memref<1x128xi32, #tpu.memory_space<hbm>> -> memref<128xi32, #tpu.memory_space<hbm>>
    tpu.enqueue_dma source(%dma_start3A_29 : memref<128xi32, #tpu.memory_space<hbm>>) target(%dma_start3A_26 : memref<128xi32, #tpu.memory_space<vmem>>) target_semaphore(%arg11 : memref<!tpu.dma_semaphore, #tpu.memory_space<semaphore_mem>>)
    %dma_wait3A = arith.constant 0 : i32
    %dma_wait3A_30 = arith.constant 0 : i32
    %dma_wait3A_31 = tpu.memref_slice %arg7[%dma_wait3A, %dma_wait3A_30] : memref<4x128xi32, #tpu.memory_space<vmem>> -> memref<1x128xi32, #tpu.memory_space<vmem>>
    %dma_wait3A_32 = tpu.memref_squeeze %dma_wait3A_31 : memref<1x128xi32, #tpu.memory_space<vmem>> -> memref<128xi32, #tpu.memory_space<vmem>>
    %dma_wait3A_33 = arith.constant 0 : i32
    %dma_wait3A_34 = tpu.memref_slice %arg3[%mul3A_2, %dma_wait3A_33] : memref<2560x128xi32, #tpu.memory_space<hbm>> -> memref<1x128xi32, #tpu.memory_space<hbm>>
    %dma_wait3A_35 = tpu.memref_squeeze %dma_wait3A_34 : memref<1x128xi32, #tpu.memory_space<hbm>> -> memref<128xi32, #tpu.memory_space<hbm>>
    %dma_wait3A_36 = arith.constant 0 : i32
    %dma_wait3A_37 = tpu.memref_slice %arg7[%dma_wait3A, %dma_wait3A_36] : memref<4x128xi32, #tpu.memory_space<vmem>> -> memref<1x128xi32, #tpu.memory_space<vmem>>
    %dma_wait3A_38 = tpu.memref_squeeze %dma_wait3A_37 : memref<1x128xi32, #tpu.memory_space<vmem>> -> memref<128xi32, #tpu.memory_space<vmem>>
    %dma_wait3A_39 = arith.constant 0 : i32
    %dma_wait3A_40 = tpu.memref_slice %arg3[%mul3A_2, %dma_wait3A_39] : memref<2560x128xi32, #tpu.memory_space<hbm>> -> memref<1x128xi32, #tpu.memory_space<hbm>>
    %dma_wait3A_41 = tpu.memref_squeeze %dma_wait3A_40 : memref<1x128xi32, #tpu.memory_space<hbm>> -> memref<128xi32, #tpu.memory_space<hbm>>
    tpu.wait_dma2 semaphore(%arg11 : memref<!tpu.dma_semaphore, #tpu.memory_space<semaphore_mem>>) src(%dma_wait3A_41 : memref<128xi32, #tpu.memory_space<hbm>>) dst(%dma_wait3A_38 : memref<128xi32, #tpu.memory_space<vmem>>)
    %dma_wait3A_42 = arith.constant 0 : i32
    %dma_wait3A_43 = arith.constant 0 : i32
    %dma_wait3A_44 = tpu.memref_slice %arg8[%dma_wait3A_42, %dma_wait3A_43] : memref<4x128xi32, #tpu.memory_space<vmem>> -> memref<1x128xi32, #tpu.memory_space<vmem>>
    %dma_wait3A_45 = tpu.memref_squeeze %dma_wait3A_44 : memref<1x128xi32, #tpu.memory_space<vmem>> -> memref<128xi32, #tpu.memory_space<vmem>>
    %dma_wait3A_46 = arith.constant 0 : i32
    %dma_wait3A_47 = tpu.memref_slice %arg4[%mul3A_2, %dma_wait3A_46] : memref<2560x128xi32, #tpu.memory_space<hbm>> -> memref<1x128xi32, #tpu.memory_space<hbm>>
    %dma_wait3A_48 = tpu.memref_squeeze %dma_wait3A_47 : memref<1x128xi32, #tpu.memory_space<hbm>> -> memref<128xi32, #tpu.memory_space<hbm>>
    %dma_wait3A_49 = arith.constant 0 : i32
    %dma_wait3A_50 = tpu.memref_slice %arg8[%dma_wait3A_42, %dma_wait3A_49] : memref<4x128xi32, #tpu.memory_space<vmem>> -> memref<1x128xi32, #tpu.memory_space<vmem>>
    %dma_wait3A_51 = tpu.memref_squeeze %dma_wait3A_50 : memref<1x128xi32, #tpu.memory_space<vmem>> -> memref<128xi32, #tpu.memory_space<vmem>>
    %dma_wait3A_52 = arith.constant 0 : i32
    %dma_wait3A_53 = tpu.memref_slice %arg4[%mul3A_2, %dma_wait3A_52] : memref<2560x128xi32, #tpu.memory_space<hbm>> -> memref<1x128xi32, #tpu.memory_space<hbm>>
    %dma_wait3A_54 = tpu.memref_squeeze %dma_wait3A_53 : memref<1x128xi32, #tpu.memory_space<hbm>> -> memref<128xi32, #tpu.memory_space<hbm>>
    tpu.wait_dma2 semaphore(%arg11 : memref<!tpu.dma_semaphore, #tpu.memory_space<semaphore_mem>>) src(%dma_wait3A_54 : memref<128xi32, #tpu.memory_space<hbm>>) dst(%dma_wait3A_51 : memref<128xi32, #tpu.memory_space<vmem>>)
    %add3A_55 = arith.constant 0 : i32
    %add3A_56 = arith.addi %mul3A_2, %add3A_55 : i32
    %add3A_57 = arith.constant 1 : i32
    %add3A_58 = arith.addi %add3A_56, %add3A_57 : i32
    %dma_start3A_59 = arith.constant 1 : i32
    %dma_start3A_60 = arith.constant 0 : i32
    %dma_start3A_61 = tpu.memref_slice %arg7[%dma_start3A_59, %dma_start3A_60] : memref<4x128xi32, #tpu.memory_space<vmem>> -> memref<1x128xi32, #tpu.memory_space<vmem>>
    %dma_start3A_62 = tpu.memref_squeeze %dma_start3A_61 : memref<1x128xi32, #tpu.memory_space<vmem>> -> memref<128xi32, #tpu.memory_space<vmem>>
    %dma_start3A_63 = arith.constant 0 : i32
    %dma_start3A_64 = tpu.memref_slice %arg3[%add3A_58, %dma_start3A_63] : memref<2560x128xi32, #tpu.memory_space<hbm>> -> memref<1x128xi32, #tpu.memory_space<hbm>>
    %dma_start3A_65 = tpu.memref_squeeze %dma_start3A_64 : memref<1x128xi32, #tpu.memory_space<hbm>> -> memref<128xi32, #tpu.memory_space<hbm>>
    %dma_start3A_66 = arith.constant 0 : i32
    %dma_start3A_67 = tpu.memref_slice %arg7[%dma_start3A_59, %dma_start3A_66] : memref<4x128xi32, #tpu.memory_space<vmem>> -> memref<1x128xi32, #tpu.memory_space<vmem>>
    %dma_start3A_68 = tpu.memref_squeeze %dma_start3A_67 : memref<1x128xi32, #tpu.memory_space<vmem>> -> memref<128xi32, #tpu.memory_space<vmem>>
    %dma_start3A_69 = arith.constant 0 : i32
    %dma_start3A_70 = tpu.memref_slice %arg3[%add3A_58, %dma_start3A_69] : memref<2560x128xi32, #tpu.memory_space<hbm>> -> memref<1x128xi32, #tpu.memory_space<hbm>>
    %dma_start3A_71 = tpu.memref_squeeze %dma_start3A_70 : memref<1x128xi32, #tpu.memory_space<hbm>> -> memref<128xi32, #tpu.memory_space<hbm>>
    tpu.enqueue_dma source(%dma_start3A_71 : memref<128xi32, #tpu.memory_space<hbm>>) target(%dma_start3A_68 : memref<128xi32, #tpu.memory_space<vmem>>) target_semaphore(%arg11 : memref<!tpu.dma_semaphore, #tpu.memory_space<semaphore_mem>>)
    %add3A_72 = arith.constant 0 : i32
    %add3A_73 = arith.addi %mul3A_2, %add3A_72 : i32
    %add3A_74 = arith.constant 1 : i32
    %add3A_75 = arith.addi %add3A_73, %add3A_74 : i32
    %dma_start3A_76 = arith.constant 1 : i32
    %dma_start3A_77 = arith.constant 0 : i32
    %dma_start3A_78 = tpu.memref_slice %arg8[%dma_start3A_76, %dma_start3A_77] : memref<4x128xi32, #tpu.memory_space<vmem>> -> memref<1x128xi32, #tpu.memory_space<vmem>>
    %dma_start3A_79 = tpu.memref_squeeze %dma_start3A_78 : memref<1x128xi32, #tpu.memory_space<vmem>> -> memref<128xi32, #tpu.memory_space<vmem>>
    %dma_start3A_80 = arith.constant 0 : i32
    %dma_start3A_81 = tpu.memref_slice %arg4[%add3A_75, %dma_start3A_80] : memref<2560x128xi32, #tpu.memory_space<hbm>> -> memref<1x128xi32, #tpu.memory_space<hbm>>
    %dma_start3A_82 = tpu.memref_squeeze %dma_start3A_81 : memref<1x128xi32, #tpu.memory_space<hbm>> -> memref<128xi32, #tpu.memory_space<hbm>>
    %dma_start3A_83 = arith.constant 0 : i32
    %dma_start3A_84 = tpu.memref_slice %arg8[%dma_start3A_76, %dma_start3A_83] : memref<4x128xi32, #tpu.memory_space<vmem>> -> memref<1x128xi32, #tpu.memory_space<vmem>>
    %dma_start3A_85 = tpu.memref_squeeze %dma_start3A_84 : memref<1x128xi32, #tpu.memory_space<vmem>> -> memref<128xi32, #tpu.memory_space<vmem>>
    %dma_start3A_86 = arith.constant 0 : i32
    %dma_start3A_87 = tpu.memref_slice %arg4[%add3A_75, %dma_start3A_86] : memref<2560x128xi32, #tpu.memory_space<hbm>> -> memref<1x128xi32, #tpu.memory_space<hbm>>
    %dma_start3A_88 = tpu.memref_squeeze %dma_start3A_87 : memref<1x128xi32, #tpu.memory_space<hbm>> -> memref<128xi32, #tpu.memory_space<hbm>>
    tpu.enqueue_dma source(%dma_start3A_88 : memref<128xi32, #tpu.memory_space<hbm>>) target(%dma_start3A_85 : memref<128xi32, #tpu.memory_space<vmem>>) target_semaphore(%arg11 : memref<!tpu.dma_semaphore, #tpu.memory_space<semaphore_mem>>)
    %dma_start3A_89 = arith.constant 0 : i32
    %dma_start3A_90 = arith.constant 0 : i32
    %dma_start3A_91 = arith.constant 0 : i32
    %dma_start3A_92 = arith.constant 0 : i32
    %dma_start3A_93 = tpu.memref_slice %arg9[%dma_start3A_90, %dma_start3A_91, %dma_start3A_92] : memref<2x128x128xf32, #tpu.memory_space<vmem>> -> memref<1x128x128xf32, #tpu.memory_space<vmem>>
    %dma_start3A_94 = tpu.memref_squeeze %dma_start3A_93 : memref<1x128x128xf32, #tpu.memory_space<vmem>> -> memref<128x128xf32, #tpu.memory_space<vmem>>
    %dma_start3A_95 = arith.constant 0 : i32
    %dma_start3A_96 = tpu.memref_slice %arg7[%dma_start3A_89, %dma_start3A_95] : memref<4x128xi32, #tpu.memory_space<vmem>> -> memref<1x128xi32, #tpu.memory_space<vmem>>
    %dma_start3A_97 = tpu.memref_squeeze %dma_start3A_96 : memref<1x128xi32, #tpu.memory_space<vmem>> -> memref<128xi32, #tpu.memory_space<vmem>>
    %dma_start3A_98 = arith.constant 0 : i32
    %dma_start3A_99 = arith.constant 0 : i32
    %dma_start3A_100 = tpu.memref_slice %arg2[%dma_start3A_98, %dma_start3A_99] : memref<10240x128xf32, #tpu.memory_space<hbm>> -> memref<10240x128xf32, #tpu.memory_space<hbm>>
    tpu.enqueue_indirect_dma source(%dma_start3A_100 : memref<10240x128xf32, #tpu.memory_space<hbm>>) target(%dma_start3A_94 : memref<128x128xf32, #tpu.memory_space<vmem>>) offsets(%dma_start3A_97 : memref<128xi32, #tpu.memory_space<vmem>>) semaphore(%arg12 : memref<!tpu.dma_semaphore, #tpu.memory_space<semaphore_mem>>)
    %dma_wait3A_101 = arith.constant 1 : i32
    %dma_wait3A_102 = arith.constant 0 : i32
    %dma_wait3A_103 = tpu.memref_slice %arg7[%dma_wait3A_101, %dma_wait3A_102] : memref<4x128xi32, #tpu.memory_space<vmem>> -> memref<1x128xi32, #tpu.memory_space<vmem>>
    %dma_wait3A_104 = tpu.memref_squeeze %dma_wait3A_103 : memref<1x128xi32, #tpu.memory_space<vmem>> -> memref<128xi32, #tpu.memory_space<vmem>>
    %dma_wait3A_105 = arith.constant 0 : i32
    %dma_wait3A_106 = tpu.memref_slice %arg3[%mul3A_2, %dma_wait3A_105] : memref<2560x128xi32, #tpu.memory_space<hbm>> -> memref<1x128xi32, #tpu.memory_space<hbm>>
    %dma_wait3A_107 = tpu.memref_squeeze %dma_wait3A_106 : memref<1x128xi32, #tpu.memory_space<hbm>> -> memref<128xi32, #tpu.memory_space<hbm>>
    %dma_wait3A_108 = arith.constant 0 : i32
    %dma_wait3A_109 = tpu.memref_slice %arg7[%dma_wait3A_101, %dma_wait3A_108] : memref<4x128xi32, #tpu.memory_space<vmem>> -> memref<1x128xi32, #tpu.memory_space<vmem>>
    %dma_wait3A_110 = tpu.memref_squeeze %dma_wait3A_109 : memref<1x128xi32, #tpu.memory_space<vmem>> -> memref<128xi32, #tpu.memory_space<vmem>>
    %dma_wait3A_111 = arith.constant 0 : i32
    %dma_wait3A_112 = tpu.memref_slice %arg3[%mul3A_2, %dma_wait3A_111] : memref<2560x128xi32, #tpu.memory_space<hbm>> -> memref<1x128xi32, #tpu.memory_space<hbm>>
    %dma_wait3A_113 = tpu.memref_squeeze %dma_wait3A_112 : memref<1x128xi32, #tpu.memory_space<hbm>> -> memref<128xi32, #tpu.memory_space<hbm>>
    tpu.wait_dma2 semaphore(%arg11 : memref<!tpu.dma_semaphore, #tpu.memory_space<semaphore_mem>>) src(%dma_wait3A_113 : memref<128xi32, #tpu.memory_space<hbm>>) dst(%dma_wait3A_110 : memref<128xi32, #tpu.memory_space<vmem>>)
    %dma_wait3A_114 = arith.constant 1 : i32
    %dma_wait3A_115 = arith.constant 0 : i32
    %dma_wait3A_116 = tpu.memref_slice %arg8[%dma_wait3A_114, %dma_wait3A_115] : memref<4x128xi32, #tpu.memory_space<vmem>> -> memref<1x128xi32, #tpu.memory_space<vmem>>
    %dma_wait3A_117 = tpu.memref_squeeze %dma_wait3A_116 : memref<1x128xi32, #tpu.memory_space<vmem>> -> memref<128xi32, #tpu.memory_space<vmem>>
    %dma_wait3A_118 = arith.constant 0 : i32
    %dma_wait3A_119 = tpu.memref_slice %arg4[%mul3A_2, %dma_wait3A_118] : memref<2560x128xi32, #tpu.memory_space<hbm>> -> memref<1x128xi32, #tpu.memory_space<hbm>>
    %dma_wait3A_120 = tpu.memref_squeeze %dma_wait3A_119 : memref<1x128xi32, #tpu.memory_space<hbm>> -> memref<128xi32, #tpu.memory_space<hbm>>
    %dma_wait3A_121 = arith.constant 0 : i32
    %dma_wait3A_122 = tpu.memref_slice %arg8[%dma_wait3A_114, %dma_wait3A_121] : memref<4x128xi32, #tpu.memory_space<vmem>> -> memref<1x128xi32, #tpu.memory_space<vmem>>
    %dma_wait3A_123 = tpu.memref_squeeze %dma_wait3A_122 : memref<1x128xi32, #tpu.memory_space<vmem>> -> memref<128xi32, #tpu.memory_space<vmem>>
    %dma_wait3A_124 = arith.constant 0 : i32
    %dma_wait3A_125 = tpu.memref_slice %arg4[%mul3A_2, %dma_wait3A_124] : memref<2560x128xi32, #tpu.memory_space<hbm>> -> memref<1x128xi32, #tpu.memory_space<hbm>>
    %dma_wait3A_126 = tpu.memref_squeeze %dma_wait3A_125 : memref<1x128xi32, #tpu.memory_space<hbm>> -> memref<128xi32, #tpu.memory_space<hbm>>
    tpu.wait_dma2 semaphore(%arg11 : memref<!tpu.dma_semaphore, #tpu.memory_space<semaphore_mem>>) src(%dma_wait3A_126 : memref<128xi32, #tpu.memory_space<hbm>>) dst(%dma_wait3A_123 : memref<128xi32, #tpu.memory_space<vmem>>)
    %add3A_127 = arith.constant 1 : i32
    %add3A_128 = arith.addi %mul3A_2, %add3A_127 : i32
    %add3A_129 = arith.constant 1 : i32
    %add3A_130 = arith.addi %add3A_128, %add3A_129 : i32
    %dma_start3A_131 = arith.constant 2 : i32
    %dma_start3A_132 = arith.constant 0 : i32
    %dma_start3A_133 = tpu.memref_slice %arg7[%dma_start3A_131, %dma_start3A_132] : memref<4x128xi32, #tpu.memory_space<vmem>> -> memref<1x128xi32, #tpu.memory_space<vmem>>
    %dma_start3A_134 = tpu.memref_squeeze %dma_start3A_133 : memref<1x128xi32, #tpu.memory_space<vmem>> -> memref<128xi32, #tpu.memory_space<vmem>>
    %dma_start3A_135 = arith.constant 0 : i32
    %dma_start3A_136 = tpu.memref_slice %arg3[%add3A_130, %dma_start3A_135] : memref<2560x128xi32, #tpu.memory_space<hbm>> -> memref<1x128xi32, #tpu.memory_space<hbm>>
    %dma_start3A_137 = tpu.memref_squeeze %dma_start3A_136 : memref<1x128xi32, #tpu.memory_space<hbm>> -> memref<128xi32, #tpu.memory_space<hbm>>
    %dma_start3A_138 = arith.constant 0 : i32
    %dma_start3A_139 = tpu.memref_slice %arg7[%dma_start3A_131, %dma_start3A_138] : memref<4x128xi32, #tpu.memory_space<vmem>> -> memref<1x128xi32, #tpu.memory_space<vmem>>
    %dma_start3A_140 = tpu.memref_squeeze %dma_start3A_139 : memref<1x128xi32, #tpu.memory_space<vmem>> -> memref<128xi32, #tpu.memory_space<vmem>>
    %dma_start3A_141 = arith.constant 0 : i32
    %dma_start3A_142 = tpu.memref_slice %arg3[%add3A_130, %dma_start3A_141] : memref<2560x128xi32, #tpu.memory_space<hbm>> -> memref<1x128xi32, #tpu.memory_space<hbm>>
    %dma_start3A_143 = tpu.memref_squeeze %dma_start3A_142 : memref<1x128xi32, #tpu.memory_space<hbm>> -> memref<128xi32, #tpu.memory_space<hbm>>
    tpu.enqueue_dma source(%dma_start3A_143 : memref<128xi32, #tpu.memory_space<hbm>>) target(%dma_start3A_140 : memref<128xi32, #tpu.memory_space<vmem>>) target_semaphore(%arg11 : memref<!tpu.dma_semaphore, #tpu.memory_space<semaphore_mem>>)
    %add3A_144 = arith.constant 1 : i32
    %add3A_145 = arith.addi %mul3A_2, %add3A_144 : i32
    %add3A_146 = arith.constant 1 : i32
    %add3A_147 = arith.addi %add3A_145, %add3A_146 : i32
    %dma_start3A_148 = arith.constant 2 : i32
    %dma_start3A_149 = arith.constant 0 : i32
    %dma_start3A_150 = tpu.memref_slice %arg8[%dma_start3A_148, %dma_start3A_149] : memref<4x128xi32, #tpu.memory_space<vmem>> -> memref<1x128xi32, #tpu.memory_space<vmem>>
    %dma_start3A_151 = tpu.memref_squeeze %dma_start3A_150 : memref<1x128xi32, #tpu.memory_space<vmem>> -> memref<128xi32, #tpu.memory_space<vmem>>
    %dma_start3A_152 = arith.constant 0 : i32
    %dma_start3A_153 = tpu.memref_slice %arg4[%add3A_147, %dma_start3A_152] : memref<2560x128xi32, #tpu.memory_space<hbm>> -> memref<1x128xi32, #tpu.memory_space<hbm>>
    %dma_start3A_154 = tpu.memref_squeeze %dma_start3A_153 : memref<1x128xi32, #tpu.memory_space<hbm>> -> memref<128xi32, #tpu.memory_space<hbm>>
    %dma_start3A_155 = arith.constant 0 : i32
    %dma_start3A_156 = tpu.memref_slice %arg8[%dma_start3A_148, %dma_start3A_155] : memref<4x128xi32, #tpu.memory_space<vmem>> -> memref<1x128xi32, #tpu.memory_space<vmem>>
    %dma_start3A_157 = tpu.memref_squeeze %dma_start3A_156 : memref<1x128xi32, #tpu.memory_space<vmem>> -> memref<128xi32, #tpu.memory_space<vmem>>
    %dma_start3A_158 = arith.constant 0 : i32
    %dma_start3A_159 = tpu.memref_slice %arg4[%add3A_147, %dma_start3A_158] : memref<2560x128xi32, #tpu.memory_space<hbm>> -> memref<1x128xi32, #tpu.memory_space<hbm>>
    %dma_start3A_160 = tpu.memref_squeeze %dma_start3A_159 : memref<1x128xi32, #tpu.memory_space<hbm>> -> memref<128xi32, #tpu.memory_space<hbm>>
    tpu.enqueue_dma source(%dma_start3A_160 : memref<128xi32, #tpu.memory_space<hbm>>) target(%dma_start3A_157 : memref<128xi32, #tpu.memory_space<vmem>>) target_semaphore(%arg11 : memref<!tpu.dma_semaphore, #tpu.memory_space<semaphore_mem>>)
    %dma_start3A_161 = arith.constant 1 : i32
    %dma_start3A_162 = arith.constant 1 : i32
    %dma_start3A_163 = arith.constant 0 : i32
    %dma_start3A_164 = arith.constant 0 : i32
    %dma_start3A_165 = tpu.memref_slice %arg9[%dma_start3A_162, %dma_start3A_163, %dma_start3A_164] : memref<2x128x128xf32, #tpu.memory_space<vmem>> -> memref<1x128x128xf32, #tpu.memory_space<vmem>>
    %dma_start3A_166 = tpu.memref_squeeze %dma_start3A_165 : memref<1x128x128xf32, #tpu.memory_space<vmem>> -> memref<128x128xf32, #tpu.memory_space<vmem>>
    %dma_start3A_167 = arith.constant 0 : i32
    %dma_start3A_168 = tpu.memref_slice %arg7[%dma_start3A_161, %dma_start3A_167] : memref<4x128xi32, #tpu.memory_space<vmem>> -> memref<1x128xi32, #tpu.memory_space<vmem>>
    %dma_start3A_169 = tpu.memref_squeeze %dma_start3A_168 : memref<1x128xi32, #tpu.memory_space<vmem>> -> memref<128xi32, #tpu.memory_space<vmem>>
    %dma_start3A_170 = arith.constant 0 : i32
    %dma_start3A_171 = arith.constant 0 : i32
    %dma_start3A_172 = tpu.memref_slice %arg2[%dma_start3A_170, %dma_start3A_171] : memref<10240x128xf32, #tpu.memory_space<hbm>> -> memref<10240x128xf32, #tpu.memory_space<hbm>>
    tpu.enqueue_indirect_dma source(%dma_start3A_172 : memref<10240x128xf32, #tpu.memory_space<hbm>>) target(%dma_start3A_166 : memref<128x128xf32, #tpu.memory_space<vmem>>) offsets(%dma_start3A_169 : memref<128xi32, #tpu.memory_space<vmem>>) semaphore(%arg13 : memref<!tpu.dma_semaphore, #tpu.memory_space<semaphore_mem>>)
    %dma_wait3A_173 = arith.constant 0 : i32
    %dma_wait3A_174 = arith.constant 0 : i32
    %dma_wait3A_175 = arith.constant 0 : i32
    %dma_wait3A_176 = arith.constant 0 : i32
    %dma_wait3A_177 = tpu.memref_slice %arg9[%dma_wait3A_174, %dma_wait3A_175, %dma_wait3A_176] : memref<2x128x128xf32, #tpu.memory_space<vmem>> -> memref<1x128x128xf32, #tpu.memory_space<vmem>>
    %dma_wait3A_178 = tpu.memref_squeeze %dma_wait3A_177 : memref<1x128x128xf32, #tpu.memory_space<vmem>> -> memref<128x128xf32, #tpu.memory_space<vmem>>
    %dma_wait3A_179 = arith.constant 0 : i32
    %dma_wait3A_180 = tpu.memref_slice %arg7[%dma_wait3A_173, %dma_wait3A_179] : memref<4x128xi32, #tpu.memory_space<vmem>> -> memref<1x128xi32, #tpu.memory_space<vmem>>
    %dma_wait3A_181 = tpu.memref_squeeze %dma_wait3A_180 : memref<1x128xi32, #tpu.memory_space<vmem>> -> memref<128xi32, #tpu.memory_space<vmem>>
    %dma_wait3A_182 = arith.constant 0 : i32
    %dma_wait3A_183 = arith.constant 0 : i32
    %dma_wait3A_184 = tpu.memref_slice %arg2[%dma_wait3A_182, %dma_wait3A_183] : memref<10240x128xf32, #tpu.memory_space<hbm>> -> memref<10240x128xf32, #tpu.memory_space<hbm>>
    tpu.wait_indirect_dma semaphore(%arg12 : memref<!tpu.dma_semaphore, #tpu.memory_space<semaphore_mem>>) src(%dma_wait3A_184 : memref<10240x128xf32, #tpu.memory_space<hbm>>) dst(%dma_wait3A_178 : memref<128x128xf32, #tpu.memory_space<vmem>>)
    %dma_start3A_185 = arith.constant 0 : i32
    %dma_start3A_186 = arith.constant 0 : i32
    %dma_start3A_187 = arith.constant 0 : i32
    %dma_start3A_188 = arith.constant 0 : i32
    %dma_start3A_189 = tpu.memref_slice %arg9[%dma_start3A_185, %dma_start3A_187, %dma_start3A_188] : memref<2x128x128xf32, #tpu.memory_space<vmem>> -> memref<1x128x128xf32, #tpu.memory_space<vmem>>
    %dma_start3A_190 = tpu.memref_squeeze %dma_start3A_189 : memref<1x128x128xf32, #tpu.memory_space<vmem>> -> memref<128x128xf32, #tpu.memory_space<vmem>>
    %dma_start3A_191 = arith.constant 0 : i32
    %dma_start3A_192 = tpu.memref_slice %arg8[%dma_start3A_186, %dma_start3A_191] : memref<4x128xi32, #tpu.memory_space<vmem>> -> memref<1x128xi32, #tpu.memory_space<vmem>>
    %dma_start3A_193 = tpu.memref_squeeze %dma_start3A_192 : memref<1x128xi32, #tpu.memory_space<vmem>> -> memref<128xi32, #tpu.memory_space<vmem>>
    %dma_start3A_194 = arith.constant 0 : i32
    %dma_start3A_195 = arith.constant 0 : i32
    %dma_start3A_196 = tpu.memref_slice %arg10[%dma_start3A_194, %dma_start3A_195] : memref<10240x128xf32, #tpu.memory_space<vmem_shared>> -> memref<10240x128xf32, #tpu.memory_space<vmem_shared>>
    tpu.enqueue_indirect_dma source(%dma_start3A_190 : memref<128x128xf32, #tpu.memory_space<vmem>>) target(%dma_start3A_196 : memref<10240x128xf32, #tpu.memory_space<vmem_shared>>) offsets(%dma_start3A_193 : memref<128xi32, #tpu.memory_space<vmem>>) semaphore(%arg14 : memref<!tpu.dma_semaphore, #tpu.memory_space<semaphore_mem>>) {add = true}
    %scan3A = arith.constant 0 : i32
    %scan3A_197 = arith.constant 0 : i32
    %scan3A_198 = arith.constant 19 : i32
    %scan3A_199 = arith.addi %scan3A_197, %scan3A_198 : i32
    %scan3A_200 = arith.constant 1 : i32
    scf.for %scan3A_437 = %scan3A_197 to %scan3A_199 step %scan3A_200  : i32 {
      %mul3A_438 = arith.constant 4 : i32
      %mul3A_439 = arith.muli %mul3A_438, %scan3A_437 : i32
      %add3A_440 = arith.constant 2 : i32
      %add3A_441 = arith.addi %add3A_440, %mul3A_439 : i32
      %dma_wait3A_442 = arith.constant 0 : i32
      %dma_wait3A_443 = arith.constant 0 : i32
      %dma_wait3A_444 = arith.constant 0 : i32
      %dma_wait3A_445 = arith.constant 0 : i32
      %dma_wait3A_446 = tpu.memref_slice %arg9[%dma_wait3A_442, %dma_wait3A_444, %dma_wait3A_445] : memref<2x128x128xf32, #tpu.memory_space<vmem>> -> memref<1x128x128xf32, #tpu.memory_space<vmem>>
      %dma_wait3A_447 = tpu.memref_squeeze %dma_wait3A_446 : memref<1x128x128xf32, #tpu.memory_space<vmem>> -> memref<128x128xf32, #tpu.memory_space<vmem>>
      %dma_wait3A_448 = arith.constant 0 : i32
      %dma_wait3A_449 = tpu.memref_slice %arg8[%dma_wait3A_443, %dma_wait3A_448] : memref<4x128xi32, #tpu.memory_space<vmem>> -> memref<1x128xi32, #tpu.memory_space<vmem>>
      %dma_wait3A_450 = tpu.memref_squeeze %dma_wait3A_449 : memref<1x128xi32, #tpu.memory_space<vmem>> -> memref<128xi32, #tpu.memory_space<vmem>>
      %dma_wait3A_451 = arith.constant 0 : i32
      %dma_wait3A_452 = arith.constant 0 : i32
      %dma_wait3A_453 = tpu.memref_slice %arg10[%dma_wait3A_451, %dma_wait3A_452] : memref<10240x128xf32, #tpu.memory_space<vmem_shared>> -> memref<10240x128xf32, #tpu.memory_space<vmem_shared>>
      tpu.wait_indirect_dma semaphore(%arg14 : memref<!tpu.dma_semaphore, #tpu.memory_space<semaphore_mem>>) src(%dma_wait3A_447 : memref<128x128xf32, #tpu.memory_space<vmem>>) dst(%dma_wait3A_453 : memref<10240x128xf32, #tpu.memory_space<vmem_shared>>)
      %dma_wait3A_454 = arith.constant 2 : i32
      %dma_wait3A_455 = arith.constant 0 : i32
      %dma_wait3A_456 = tpu.memref_slice %arg7[%dma_wait3A_454, %dma_wait3A_455] : memref<4x128xi32, #tpu.memory_space<vmem>> -> memref<1x128xi32, #tpu.memory_space<vmem>>
      %dma_wait3A_457 = tpu.memref_squeeze %dma_wait3A_456 : memref<1x128xi32, #tpu.memory_space<vmem>> -> memref<128xi32, #tpu.memory_space<vmem>>
      %dma_wait3A_458 = arith.constant 0 : i32
      %dma_wait3A_459 = tpu.memref_slice %arg3[%mul3A_2, %dma_wait3A_458] : memref<2560x128xi32, #tpu.memory_space<hbm>> -> memref<1x128xi32, #tpu.memory_space<hbm>>
      %dma_wait3A_460 = tpu.memref_squeeze %dma_wait3A_459 : memref<1x128xi32, #tpu.memory_space<hbm>> -> memref<128xi32, #tpu.memory_space<hbm>>
      %dma_wait3A_461 = arith.constant 0 : i32
      %dma_wait3A_462 = tpu.memref_slice %arg7[%dma_wait3A_454, %dma_wait3A_461] : memref<4x128xi32, #tpu.memory_space<vmem>> -> memref<1x128xi32, #tpu.memory_space<vmem>>
      %dma_wait3A_463 = tpu.memref_squeeze %dma_wait3A_462 : memref<1x128xi32, #tpu.memory_space<vmem>> -> memref<128xi32, #tpu.memory_space<vmem>>
      %dma_wait3A_464 = arith.constant 0 : i32
      %dma_wait3A_465 = tpu.memref_slice %arg3[%mul3A_2, %dma_wait3A_464] : memref<2560x128xi32, #tpu.memory_space<hbm>> -> memref<1x128xi32, #tpu.memory_space<hbm>>
      %dma_wait3A_466 = tpu.memref_squeeze %dma_wait3A_465 : memref<1x128xi32, #tpu.memory_space<hbm>> -> memref<128xi32, #tpu.memory_space<hbm>>
      tpu.wait_dma2 semaphore(%arg11 : memref<!tpu.dma_semaphore, #tpu.memory_space<semaphore_mem>>) src(%dma_wait3A_466 : memref<128xi32, #tpu.memory_space<hbm>>) dst(%dma_wait3A_463 : memref<128xi32, #tpu.memory_space<vmem>>)
      %dma_wait3A_467 = arith.constant 2 : i32
      %dma_wait3A_468 = arith.constant 0 : i32
      %dma_wait3A_469 = tpu.memref_slice %arg8[%dma_wait3A_467, %dma_wait3A_468] : memref<4x128xi32, #tpu.memory_space<vmem>> -> memref<1x128xi32, #tpu.memory_space<vmem>>
      %dma_wait3A_470 = tpu.memref_squeeze %dma_wait3A_469 : memref<1x128xi32, #tpu.memory_space<vmem>> -> memref<128xi32, #tpu.memory_space<vmem>>
      %dma_wait3A_471 = arith.constant 0 : i32
      %dma_wait3A_472 = tpu.memref_slice %arg4[%mul3A_2, %dma_wait3A_471] : memref<2560x128xi32, #tpu.memory_space<hbm>> -> memref<1x128xi32, #tpu.memory_space<hbm>>
      %dma_wait3A_473 = tpu.memref_squeeze %dma_wait3A_472 : memref<1x128xi32, #tpu.memory_space<hbm>> -> memref<128xi32, #tpu.memory_space<hbm>>
      %dma_wait3A_474 = arith.constant 0 : i32
      %dma_wait3A_475 = tpu.memref_slice %arg8[%dma_wait3A_467, %dma_wait3A_474] : memref<4x128xi32, #tpu.memory_space<vmem>> -> memref<1x128xi32, #tpu.memory_space<vmem>>
      %dma_wait3A_476 = tpu.memref_squeeze %dma_wait3A_475 : memref<1x128xi32, #tpu.memory_space<vmem>> -> memref<128xi32, #tpu.memory_space<vmem>>
      %dma_wait3A_477 = arith.constant 0 : i32
      %dma_wait3A_478 = tpu.memref_slice %arg4[%mul3A_2, %dma_wait3A_477] : memref<2560x128xi32, #tpu.memory_space<hbm>> -> memref<1x128xi32, #tpu.memory_space<hbm>>
      %dma_wait3A_479 = tpu.memref_squeeze %dma_wait3A_478 : memref<1x128xi32, #tpu.memory_space<hbm>> -> memref<128xi32, #tpu.memory_space<hbm>>
      tpu.wait_dma2 semaphore(%arg11 : memref<!tpu.dma_semaphore, #tpu.memory_space<semaphore_mem>>) src(%dma_wait3A_479 : memref<128xi32, #tpu.memory_space<hbm>>) dst(%dma_wait3A_476 : memref<128xi32, #tpu.memory_space<vmem>>)
      %add3A_480 = arith.addi %mul3A_2, %add3A_441 : i32
      %add3A_481 = arith.constant 1 : i32
      %add3A_482 = arith.addi %add3A_480, %add3A_481 : i32
      %dma_start3A_483 = arith.constant 3 : i32
      %dma_start3A_484 = arith.constant 0 : i32
      %dma_start3A_485 = tpu.memref_slice %arg7[%dma_start3A_483, %dma_start3A_484] : memref<4x128xi32, #tpu.memory_space<vmem>> -> memref<1x128xi32, #tpu.memory_space<vmem>>
      %dma_start3A_486 = tpu.memref_squeeze %dma_start3A_485 : memref<1x128xi32, #tpu.memory_space<vmem>> -> memref<128xi32, #tpu.memory_space<vmem>>
      %dma_start3A_487 = arith.constant 0 : i32
      %dma_start3A_488 = tpu.memref_slice %arg3[%add3A_482, %dma_start3A_487] : memref<2560x128xi32, #tpu.memory_space<hbm>> -> memref<1x128xi32, #tpu.memory_space<hbm>>
      %dma_start3A_489 = tpu.memref_squeeze %dma_start3A_488 : memref<1x128xi32, #tpu.memory_space<hbm>> -> memref<128xi32, #tpu.memory_space<hbm>>
      %dma_start3A_490 = arith.constant 0 : i32
      %dma_start3A_491 = tpu.memref_slice %arg7[%dma_start3A_483, %dma_start3A_490] : memref<4x128xi32, #tpu.memory_space<vmem>> -> memref<1x128xi32, #tpu.memory_space<vmem>>
      %dma_start3A_492 = tpu.memref_squeeze %dma_start3A_491 : memref<1x128xi32, #tpu.memory_space<vmem>> -> memref<128xi32, #tpu.memory_space<vmem>>
      %dma_start3A_493 = arith.constant 0 : i32
      %dma_start3A_494 = tpu.memref_slice %arg3[%add3A_482, %dma_start3A_493] : memref<2560x128xi32, #tpu.memory_space<hbm>> -> memref<1x128xi32, #tpu.memory_space<hbm>>
      %dma_start3A_495 = tpu.memref_squeeze %dma_start3A_494 : memref<1x128xi32, #tpu.memory_space<hbm>> -> memref<128xi32, #tpu.memory_space<hbm>>
      tpu.enqueue_dma source(%dma_start3A_495 : memref<128xi32, #tpu.memory_space<hbm>>) target(%dma_start3A_492 : memref<128xi32, #tpu.memory_space<vmem>>) target_semaphore(%arg11 : memref<!tpu.dma_semaphore, #tpu.memory_space<semaphore_mem>>)
      %add3A_496 = arith.addi %mul3A_2, %add3A_441 : i32
      %add3A_497 = arith.constant 1 : i32
      %add3A_498 = arith.addi %add3A_496, %add3A_497 : i32
      %dma_start3A_499 = arith.constant 3 : i32
      %dma_start3A_500 = arith.constant 0 : i32
      %dma_start3A_501 = tpu.memref_slice %arg8[%dma_start3A_499, %dma_start3A_500] : memref<4x128xi32, #tpu.memory_space<vmem>> -> memref<1x128xi32, #tpu.memory_space<vmem>>
      %dma_start3A_502 = tpu.memref_squeeze %dma_start3A_501 : memref<1x128xi32, #tpu.memory_space<vmem>> -> memref<128xi32, #tpu.memory_space<vmem>>
      %dma_start3A_503 = arith.constant 0 : i32
      %dma_start3A_504 = tpu.memref_slice %arg4[%add3A_498, %dma_start3A_503] : memref<2560x128xi32, #tpu.memory_space<hbm>> -> memref<1x128xi32, #tpu.memory_space<hbm>>
      %dma_start3A_505 = tpu.memref_squeeze %dma_start3A_504 : memref<1x128xi32, #tpu.memory_space<hbm>> -> memref<128xi32, #tpu.memory_space<hbm>>
      %dma_start3A_506 = arith.constant 0 : i32
      %dma_start3A_507 = tpu.memref_slice %arg8[%dma_start3A_499, %dma_start3A_506] : memref<4x128xi32, #tpu.memory_space<vmem>> -> memref<1x128xi32, #tpu.memory_space<vmem>>
      %dma_start3A_508 = tpu.memref_squeeze %dma_start3A_507 : memref<1x128xi32, #tpu.memory_space<vmem>> -> memref<128xi32, #tpu.memory_space<vmem>>
      %dma_start3A_509 = arith.constant 0 : i32
      %dma_start3A_510 = tpu.memref_slice %arg4[%add3A_498, %dma_start3A_509] : memref<2560x128xi32, #tpu.memory_space<hbm>> -> memref<1x128xi32, #tpu.memory_space<hbm>>
      %dma_start3A_511 = tpu.memref_squeeze %dma_start3A_510 : memref<1x128xi32, #tpu.memory_space<hbm>> -> memref<128xi32, #tpu.memory_space<hbm>>
      tpu.enqueue_dma source(%dma_start3A_511 : memref<128xi32, #tpu.memory_space<hbm>>) target(%dma_start3A_508 : memref<128xi32, #tpu.memory_space<vmem>>) target_semaphore(%arg11 : memref<!tpu.dma_semaphore, #tpu.memory_space<semaphore_mem>>)
      %dma_start3A_512 = arith.constant 2 : i32
      %dma_start3A_513 = arith.constant 0 : i32
      %dma_start3A_514 = arith.constant 0 : i32
      %dma_start3A_515 = arith.constant 0 : i32
      %dma_start3A_516 = tpu.memref_slice %arg9[%dma_start3A_513, %dma_start3A_514, %dma_start3A_515] : memref<2x128x128xf32, #tpu.memory_space<vmem>> -> memref<1x128x128xf32, #tpu.memory_space<vmem>>
      %dma_start3A_517 = tpu.memref_squeeze %dma_start3A_516 : memref<1x128x128xf32, #tpu.memory_space<vmem>> -> memref<128x128xf32, #tpu.memory_space<vmem>>
      %dma_start3A_518 = arith.constant 0 : i32
      %dma_start3A_519 = tpu.memref_slice %arg7[%dma_start3A_512, %dma_start3A_518] : memref<4x128xi32, #tpu.memory_space<vmem>> -> memref<1x128xi32, #tpu.memory_space<vmem>>
      %dma_start3A_520 = tpu.memref_squeeze %dma_start3A_519 : memref<1x128xi32, #tpu.memory_space<vmem>> -> memref<128xi32, #tpu.memory_space<vmem>>
      %dma_start3A_521 = arith.constant 0 : i32
      %dma_start3A_522 = arith.constant 0 : i32
      %dma_start3A_523 = tpu.memref_slice %arg2[%dma_start3A_521, %dma_start3A_522] : memref<10240x128xf32, #tpu.memory_space<hbm>> -> memref<10240x128xf32, #tpu.memory_space<hbm>>
      tpu.enqueue_indirect_dma source(%dma_start3A_523 : memref<10240x128xf32, #tpu.memory_space<hbm>>) target(%dma_start3A_517 : memref<128x128xf32, #tpu.memory_space<vmem>>) offsets(%dma_start3A_520 : memref<128xi32, #tpu.memory_space<vmem>>) semaphore(%arg12 : memref<!tpu.dma_semaphore, #tpu.memory_space<semaphore_mem>>)
      %dma_wait3A_524 = arith.constant 1 : i32
      %dma_wait3A_525 = arith.constant 1 : i32
      %dma_wait3A_526 = arith.constant 0 : i32
      %dma_wait3A_527 = arith.constant 0 : i32
      %dma_wait3A_528 = tpu.memref_slice %arg9[%dma_wait3A_525, %dma_wait3A_526, %dma_wait3A_527] : memref<2x128x128xf32, #tpu.memory_space<vmem>> -> memref<1x128x128xf32, #tpu.memory_space<vmem>>
      %dma_wait3A_529 = tpu.memref_squeeze %dma_wait3A_528 : memref<1x128x128xf32, #tpu.memory_space<vmem>> -> memref<128x128xf32, #tpu.memory_space<vmem>>
      %dma_wait3A_530 = arith.constant 0 : i32
      %dma_wait3A_531 = tpu.memref_slice %arg7[%dma_wait3A_524, %dma_wait3A_530] : memref<4x128xi32, #tpu.memory_space<vmem>> -> memref<1x128xi32, #tpu.memory_space<vmem>>
      %dma_wait3A_532 = tpu.memref_squeeze %dma_wait3A_531 : memref<1x128xi32, #tpu.memory_space<vmem>> -> memref<128xi32, #tpu.memory_space<vmem>>
      %dma_wait3A_533 = arith.constant 0 : i32
      %dma_wait3A_534 = arith.constant 0 : i32
      %dma_wait3A_535 = tpu.memref_slice %arg2[%dma_wait3A_533, %dma_wait3A_534] : memref<10240x128xf32, #tpu.memory_space<hbm>> -> memref<10240x128xf32, #tpu.memory_space<hbm>>
      tpu.wait_indirect_dma semaphore(%arg13 : memref<!tpu.dma_semaphore, #tpu.memory_space<semaphore_mem>>) src(%dma_wait3A_535 : memref<10240x128xf32, #tpu.memory_space<hbm>>) dst(%dma_wait3A_529 : memref<128x128xf32, #tpu.memory_space<vmem>>)
      %dma_start3A_536 = arith.constant 1 : i32
      %dma_start3A_537 = arith.constant 1 : i32
      %dma_start3A_538 = arith.constant 0 : i32
      %dma_start3A_539 = arith.constant 0 : i32
      %dma_start3A_540 = tpu.memref_slice %arg9[%dma_start3A_536, %dma_start3A_538, %dma_start3A_539] : memref<2x128x128xf32, #tpu.memory_space<vmem>> -> memref<1x128x128xf32, #tpu.memory_space<vmem>>
      %dma_start3A_541 = tpu.memref_squeeze %dma_start3A_540 : memref<1x128x128xf32, #tpu.memory_space<vmem>> -> memref<128x128xf32, #tpu.memory_space<vmem>>
      %dma_start3A_542 = arith.constant 0 : i32
      %dma_start3A_543 = tpu.memref_slice %arg8[%dma_start3A_537, %dma_start3A_542] : memref<4x128xi32, #tpu.memory_space<vmem>> -> memref<1x128xi32, #tpu.memory_space<vmem>>
      %dma_start3A_544 = tpu.memref_squeeze %dma_start3A_543 : memref<1x128xi32, #tpu.memory_space<vmem>> -> memref<128xi32, #tpu.memory_space<vmem>>
      %dma_start3A_545 = arith.constant 0 : i32
      %dma_start3A_546 = arith.constant 0 : i32
      %dma_start3A_547 = tpu.memref_slice %arg10[%dma_start3A_545, %dma_start3A_546] : memref<10240x128xf32, #tpu.memory_space<vmem_shared>> -> memref<10240x128xf32, #tpu.memory_space<vmem_shared>>
      tpu.enqueue_indirect_dma source(%dma_start3A_541 : memref<128x128xf32, #tpu.memory_space<vmem>>) target(%dma_start3A_547 : memref<10240x128xf32, #tpu.memory_space<vmem_shared>>) offsets(%dma_start3A_544 : memref<128xi32, #tpu.memory_space<vmem>>) semaphore(%arg15 : memref<!tpu.dma_semaphore, #tpu.memory_space<semaphore_mem>>) {add = true}
      %add3A_548 = arith.constant 1 : i32
      %add3A_549 = arith.addi %add3A_441, %add3A_548 : i32
      %dma_wait3A_550 = arith.constant 1 : i32
      %dma_wait3A_551 = arith.constant 1 : i32
      %dma_wait3A_552 = arith.constant 0 : i32
      %dma_wait3A_553 = arith.constant 0 : i32
      %dma_wait3A_554 = tpu.memref_slice %arg9[%dma_wait3A_550, %dma_wait3A_552, %dma_wait3A_553] : memref<2x128x128xf32, #tpu.memory_space<vmem>> -> memref<1x128x128xf32, #tpu.memory_space<vmem>>
      %dma_wait3A_555 = tpu.memref_squeeze %dma_wait3A_554 : memref<1x128x128xf32, #tpu.memory_space<vmem>> -> memref<128x128xf32, #tpu.memory_space<vmem>>
      %dma_wait3A_556 = arith.constant 0 : i32
      %dma_wait3A_557 = tpu.memref_slice %arg8[%dma_wait3A_551, %dma_wait3A_556] : memref<4x128xi32, #tpu.memory_space<vmem>> -> memref<1x128xi32, #tpu.memory_space<vmem>>
      %dma_wait3A_558 = tpu.memref_squeeze %dma_wait3A_557 : memref<1x128xi32, #tpu.memory_space<vmem>> -> memref<128xi32, #tpu.memory_space<vmem>>
      %dma_wait3A_559 = arith.constant 0 : i32
      %dma_wait3A_560 = arith.constant 0 : i32
      %dma_wait3A_561 = tpu.memref_slice %arg10[%dma_wait3A_559, %dma_wait3A_560] : memref<10240x128xf32, #tpu.memory_space<vmem_shared>> -> memref<10240x128xf32, #tpu.memory_space<vmem_shared>>
      tpu.wait_indirect_dma semaphore(%arg15 : memref<!tpu.dma_semaphore, #tpu.memory_space<semaphore_mem>>) src(%dma_wait3A_555 : memref<128x128xf32, #tpu.memory_space<vmem>>) dst(%dma_wait3A_561 : memref<10240x128xf32, #tpu.memory_space<vmem_shared>>)
      %dma_wait3A_562 = arith.constant 3 : i32
      %dma_wait3A_563 = arith.constant 0 : i32
      %dma_wait3A_564 = tpu.memref_slice %arg7[%dma_wait3A_562, %dma_wait3A_563] : memref<4x128xi32, #tpu.memory_space<vmem>> -> memref<1x128xi32, #tpu.memory_space<vmem>>
      %dma_wait3A_565 = tpu.memref_squeeze %dma_wait3A_564 : memref<1x128xi32, #tpu.memory_space<vmem>> -> memref<128xi32, #tpu.memory_space<vmem>>
      %dma_wait3A_566 = arith.constant 0 : i32
      %dma_wait3A_567 = tpu.memref_slice %arg3[%mul3A_2, %dma_wait3A_566] : memref<2560x128xi32, #tpu.memory_space<hbm>> -> memref<1x128xi32, #tpu.memory_space<hbm>>
      %dma_wait3A_568 = tpu.memref_squeeze %dma_wait3A_567 : memref<1x128xi32, #tpu.memory_space<hbm>> -> memref<128xi32, #tpu.memory_space<hbm>>
      %dma_wait3A_569 = arith.constant 0 : i32
      %dma_wait3A_570 = tpu.memref_slice %arg7[%dma_wait3A_562, %dma_wait3A_569] : memref<4x128xi32, #tpu.memory_space<vmem>> -> memref<1x128xi32, #tpu.memory_space<vmem>>
      %dma_wait3A_571 = tpu.memref_squeeze %dma_wait3A_570 : memref<1x128xi32, #tpu.memory_space<vmem>> -> memref<128xi32, #tpu.memory_space<vmem>>
      %dma_wait3A_572 = arith.constant 0 : i32
      %dma_wait3A_573 = tpu.memref_slice %arg3[%mul3A_2, %dma_wait3A_572] : memref<2560x128xi32, #tpu.memory_space<hbm>> -> memref<1x128xi32, #tpu.memory_space<hbm>>
      %dma_wait3A_574 = tpu.memref_squeeze %dma_wait3A_573 : memref<1x128xi32, #tpu.memory_space<hbm>> -> memref<128xi32, #tpu.memory_space<hbm>>
      tpu.wait_dma2 semaphore(%arg11 : memref<!tpu.dma_semaphore, #tpu.memory_space<semaphore_mem>>) src(%dma_wait3A_574 : memref<128xi32, #tpu.memory_space<hbm>>) dst(%dma_wait3A_571 : memref<128xi32, #tpu.memory_space<vmem>>)
      %dma_wait3A_575 = arith.constant 3 : i32
      %dma_wait3A_576 = arith.constant 0 : i32
      %dma_wait3A_577 = tpu.memref_slice %arg8[%dma_wait3A_575, %dma_wait3A_576] : memref<4x128xi32, #tpu.memory_space<vmem>> -> memref<1x128xi32, #tpu.memory_space<vmem>>
      %dma_wait3A_578 = tpu.memref_squeeze %dma_wait3A_577 : memref<1x128xi32, #tpu.memory_space<vmem>> -> memref<128xi32, #tpu.memory_space<vmem>>
      %dma_wait3A_579 = arith.constant 0 : i32
      %dma_wait3A_580 = tpu.memref_slice %arg4[%mul3A_2, %dma_wait3A_579] : memref<2560x128xi32, #tpu.memory_space<hbm>> -> memref<1x128xi32, #tpu.memory_space<hbm>>
      %dma_wait3A_581 = tpu.memref_squeeze %dma_wait3A_580 : memref<1x128xi32, #tpu.memory_space<hbm>> -> memref<128xi32, #tpu.memory_space<hbm>>
      %dma_wait3A_582 = arith.constant 0 : i32
      %dma_wait3A_583 = tpu.memref_slice %arg8[%dma_wait3A_575, %dma_wait3A_582] : memref<4x128xi32, #tpu.memory_space<vmem>> -> memref<1x128xi32, #tpu.memory_space<vmem>>
      %dma_wait3A_584 = tpu.memref_squeeze %dma_wait3A_583 : memref<1x128xi32, #tpu.memory_space<vmem>> -> memref<128xi32, #tpu.memory_space<vmem>>
      %dma_wait3A_585 = arith.constant 0 : i32
      %dma_wait3A_586 = tpu.memref_slice %arg4[%mul3A_2, %dma_wait3A_585] : memref<2560x128xi32, #tpu.memory_space<hbm>> -> memref<1x128xi32, #tpu.memory_space<hbm>>
      %dma_wait3A_587 = tpu.memref_squeeze %dma_wait3A_586 : memref<1x128xi32, #tpu.memory_space<hbm>> -> memref<128xi32, #tpu.memory_space<hbm>>
      tpu.wait_dma2 semaphore(%arg11 : memref<!tpu.dma_semaphore, #tpu.memory_space<semaphore_mem>>) src(%dma_wait3A_587 : memref<128xi32, #tpu.memory_space<hbm>>) dst(%dma_wait3A_584 : memref<128xi32, #tpu.memory_space<vmem>>)
      %add3A_588 = arith.addi %mul3A_2, %add3A_549 : i32
      %add3A_589 = arith.constant 1 : i32
      %add3A_590 = arith.addi %add3A_588, %add3A_589 : i32
      %dma_start3A_591 = arith.constant 0 : i32
      %dma_start3A_592 = arith.constant 0 : i32
      %dma_start3A_593 = tpu.memref_slice %arg7[%dma_start3A_591, %dma_start3A_592] : memref<4x128xi32, #tpu.memory_space<vmem>> -> memref<1x128xi32, #tpu.memory_space<vmem>>
      %dma_start3A_594 = tpu.memref_squeeze %dma_start3A_593 : memref<1x128xi32, #tpu.memory_space<vmem>> -> memref<128xi32, #tpu.memory_space<vmem>>
      %dma_start3A_595 = arith.constant 0 : i32
      %dma_start3A_596 = tpu.memref_slice %arg3[%add3A_590, %dma_start3A_595] : memref<2560x128xi32, #tpu.memory_space<hbm>> -> memref<1x128xi32, #tpu.memory_space<hbm>>
      %dma_start3A_597 = tpu.memref_squeeze %dma_start3A_596 : memref<1x128xi32, #tpu.memory_space<hbm>> -> memref<128xi32, #tpu.memory_space<hbm>>
      %dma_start3A_598 = arith.constant 0 : i32
      %dma_start3A_599 = tpu.memref_slice %arg7[%dma_start3A_591, %dma_start3A_598] : memref<4x128xi32, #tpu.memory_space<vmem>> -> memref<1x128xi32, #tpu.memory_space<vmem>>
      %dma_start3A_600 = tpu.memref_squeeze %dma_start3A_599 : memref<1x128xi32, #tpu.memory_space<vmem>> -> memref<128xi32, #tpu.memory_space<vmem>>
      %dma_start3A_601 = arith.constant 0 : i32
      %dma_start3A_602 = tpu.memref_slice %arg3[%add3A_590, %dma_start3A_601] : memref<2560x128xi32, #tpu.memory_space<hbm>> -> memref<1x128xi32, #tpu.memory_space<hbm>>
      %dma_start3A_603 = tpu.memref_squeeze %dma_start3A_602 : memref<1x128xi32, #tpu.memory_space<hbm>> -> memref<128xi32, #tpu.memory_space<hbm>>
      tpu.enqueue_dma source(%dma_start3A_603 : memref<128xi32, #tpu.memory_space<hbm>>) target(%dma_start3A_600 : memref<128xi32, #tpu.memory_space<vmem>>) target_semaphore(%arg11 : memref<!tpu.dma_semaphore, #tpu.memory_space<semaphore_mem>>)
      %add3A_604 = arith.addi %mul3A_2, %add3A_549 : i32
      %add3A_605 = arith.constant 1 : i32
      %add3A_606 = arith.addi %add3A_604, %add3A_605 : i32
      %dma_start3A_607 = arith.constant 0 : i32
      %dma_start3A_608 = arith.constant 0 : i32
      %dma_start3A_609 = tpu.memref_slice %arg8[%dma_start3A_607, %dma_start3A_608] : memref<4x128xi32, #tpu.memory_space<vmem>> -> memref<1x128xi32, #tpu.memory_space<vmem>>
      %dma_start3A_610 = tpu.memref_squeeze %dma_start3A_609 : memref<1x128xi32, #tpu.memory_space<vmem>> -> memref<128xi32, #tpu.memory_space<vmem>>
      %dma_start3A_611 = arith.constant 0 : i32
      %dma_start3A_612 = tpu.memref_slice %arg4[%add3A_606, %dma_start3A_611] : memref<2560x128xi32, #tpu.memory_space<hbm>> -> memref<1x128xi32, #tpu.memory_space<hbm>>
      %dma_start3A_613 = tpu.memref_squeeze %dma_start3A_612 : memref<1x128xi32, #tpu.memory_space<hbm>> -> memref<128xi32, #tpu.memory_space<hbm>>
      %dma_start3A_614 = arith.constant 0 : i32
      %dma_start3A_615 = tpu.memref_slice %arg8[%dma_start3A_607, %dma_start3A_614] : memref<4x128xi32, #tpu.memory_space<vmem>> -> memref<1x128xi32, #tpu.memory_space<vmem>>
      %dma_start3A_616 = tpu.memref_squeeze %dma_start3A_615 : memref<1x128xi32, #tpu.memory_space<vmem>> -> memref<128xi32, #tpu.memory_space<vmem>>
      %dma_start3A_617 = arith.constant 0 : i32
      %dma_start3A_618 = tpu.memref_slice %arg4[%add3A_606, %dma_start3A_617] : memref<2560x128xi32, #tpu.memory_space<hbm>> -> memref<1x128xi32, #tpu.memory_space<hbm>>
      %dma_start3A_619 = tpu.memref_squeeze %dma_start3A_618 : memref<1x128xi32, #tpu.memory_space<hbm>> -> memref<128xi32, #tpu.memory_space<hbm>>
      tpu.enqueue_dma source(%dma_start3A_619 : memref<128xi32, #tpu.memory_space<hbm>>) target(%dma_start3A_616 : memref<128xi32, #tpu.memory_space<vmem>>) target_semaphore(%arg11 : memref<!tpu.dma_semaphore, #tpu.memory_space<semaphore_mem>>)
      %dma_start3A_620 = arith.constant 3 : i32
      %dma_start3A_621 = arith.constant 1 : i32
      %dma_start3A_622 = arith.constant 0 : i32
      %dma_start3A_623 = arith.constant 0 : i32
      %dma_start3A_624 = tpu.memref_slice %arg9[%dma_start3A_621, %dma_start3A_622, %dma_start3A_623] : memref<2x128x128xf32, #tpu.memory_space<vmem>> -> memref<1x128x128xf32, #tpu.memory_space<vmem>>
      %dma_start3A_625 = tpu.memref_squeeze %dma_start3A_624 : memref<1x128x128xf32, #tpu.memory_space<vmem>> -> memref<128x128xf32, #tpu.memory_space<vmem>>
      %dma_start3A_626 = arith.constant 0 : i32
      %dma_start3A_627 = tpu.memref_slice %arg7[%dma_start3A_620, %dma_start3A_626] : memref<4x128xi32, #tpu.memory_space<vmem>> -> memref<1x128xi32, #tpu.memory_space<vmem>>
      %dma_start3A_628 = tpu.memref_squeeze %dma_start3A_627 : memref<1x128xi32, #tpu.memory_space<vmem>> -> memref<128xi32, #tpu.memory_space<vmem>>
      %dma_start3A_629 = arith.constant 0 : i32
      %dma_start3A_630 = arith.constant 0 : i32
      %dma_start3A_631 = tpu.memref_slice %arg2[%dma_start3A_629, %dma_start3A_630] : memref<10240x128xf32, #tpu.memory_space<hbm>> -> memref<10240x128xf32, #tpu.memory_space<hbm>>
      tpu.enqueue_indirect_dma source(%dma_start3A_631 : memref<10240x128xf32, #tpu.memory_space<hbm>>) target(%dma_start3A_625 : memref<128x128xf32, #tpu.memory_space<vmem>>) offsets(%dma_start3A_628 : memref<128xi32, #tpu.memory_space<vmem>>) semaphore(%arg13 : memref<!tpu.dma_semaphore, #tpu.memory_space<semaphore_mem>>)
      %dma_wait3A_632 = arith.constant 2 : i32
      %dma_wait3A_633 = arith.constant 0 : i32
      %dma_wait3A_634 = arith.constant 0 : i32
      %dma_wait3A_635 = arith.constant 0 : i32
      %dma_wait3A_636 = tpu.memref_slice %arg9[%dma_wait3A_633, %dma_wait3A_634, %dma_wait3A_635] : memref<2x128x128xf32, #tpu.memory_space<vmem>> -> memref<1x128x128xf32, #tpu.memory_space<vmem>>
      %dma_wait3A_637 = tpu.memref_squeeze %dma_wait3A_636 : memref<1x128x128xf32, #tpu.memory_space<vmem>> -> memref<128x128xf32, #tpu.memory_space<vmem>>
      %dma_wait3A_638 = arith.constant 0 : i32
      %dma_wait3A_639 = tpu.memref_slice %arg7[%dma_wait3A_632, %dma_wait3A_638] : memref<4x128xi32, #tpu.memory_space<vmem>> -> memref<1x128xi32, #tpu.memory_space<vmem>>
      %dma_wait3A_640 = tpu.memref_squeeze %dma_wait3A_639 : memref<1x128xi32, #tpu.memory_space<vmem>> -> memref<128xi32, #tpu.memory_space<vmem>>
      %dma_wait3A_641 = arith.constant 0 : i32
      %dma_wait3A_642 = arith.constant 0 : i32
      %dma_wait3A_643 = tpu.memref_slice %arg2[%dma_wait3A_641, %dma_wait3A_642] : memref<10240x128xf32, #tpu.memory_space<hbm>> -> memref<10240x128xf32, #tpu.memory_space<hbm>>
      tpu.wait_indirect_dma semaphore(%arg12 : memref<!tpu.dma_semaphore, #tpu.memory_space<semaphore_mem>>) src(%dma_wait3A_643 : memref<10240x128xf32, #tpu.memory_space<hbm>>) dst(%dma_wait3A_637 : memref<128x128xf32, #tpu.memory_space<vmem>>)
      %dma_start3A_644 = arith.constant 0 : i32
      %dma_start3A_645 = arith.constant 2 : i32
      %dma_start3A_646 = arith.constant 0 : i32
      %dma_start3A_647 = arith.constant 0 : i32
      %dma_start3A_648 = tpu.memref_slice %arg9[%dma_start3A_644, %dma_start3A_646, %dma_start3A_647] : memref<2x128x128xf32, #tpu.memory_space<vmem>> -> memref<1x128x128xf32, #tpu.memory_space<vmem>>
      %dma_start3A_649 = tpu.memref_squeeze %dma_start3A_648 : memref<1x128x128xf32, #tpu.memory_space<vmem>> -> memref<128x128xf32, #tpu.memory_space<vmem>>
      %dma_start3A_650 = arith.constant 0 : i32
      %dma_start3A_651 = tpu.memref_slice %arg8[%dma_start3A_645, %dma_start3A_650] : memref<4x128xi32, #tpu.memory_space<vmem>> -> memref<1x128xi32, #tpu.memory_space<vmem>>
      %dma_start3A_652 = tpu.memref_squeeze %dma_start3A_651 : memref<1x128xi32, #tpu.memory_space<vmem>> -> memref<128xi32, #tpu.memory_space<vmem>>
      %dma_start3A_653 = arith.constant 0 : i32
      %dma_start3A_654 = arith.constant 0 : i32
      %dma_start3A_655 = tpu.memref_slice %arg10[%dma_start3A_653, %dma_start3A_654] : memref<10240x128xf32, #tpu.memory_space<vmem_shared>> -> memref<10240x128xf32, #tpu.memory_space<vmem_shared>>
      tpu.enqueue_indirect_dma source(%dma_start3A_649 : memref<128x128xf32, #tpu.memory_space<vmem>>) target(%dma_start3A_655 : memref<10240x128xf32, #tpu.memory_space<vmem_shared>>) offsets(%dma_start3A_652 : memref<128xi32, #tpu.memory_space<vmem>>) semaphore(%arg14 : memref<!tpu.dma_semaphore, #tpu.memory_space<semaphore_mem>>) {add = true}
      %add3A_656 = arith.constant 2 : i32
      %add3A_657 = arith.addi %add3A_441, %add3A_656 : i32
      %dma_wait3A_658 = arith.constant 0 : i32
      %dma_wait3A_659 = arith.constant 2 : i32
      %dma_wait3A_660 = arith.constant 0 : i32
      %dma_wait3A_661 = arith.constant 0 : i32
      %dma_wait3A_662 = tpu.memref_slice %arg9[%dma_wait3A_658, %dma_wait3A_660, %dma_wait3A_661] : memref<2x128x128xf32, #tpu.memory_space<vmem>> -> memref<1x128x128xf32, #tpu.memory_space<vmem>>
      %dma_wait3A_663 = tpu.memref_squeeze %dma_wait3A_662 : memref<1x128x128xf32, #tpu.memory_space<vmem>> -> memref<128x128xf32, #tpu.memory_space<vmem>>
      %dma_wait3A_664 = arith.constant 0 : i32
      %dma_wait3A_665 = tpu.memref_slice %arg8[%dma_wait3A_659, %dma_wait3A_664] : memref<4x128xi32, #tpu.memory_space<vmem>> -> memref<1x128xi32, #tpu.memory_space<vmem>>
      %dma_wait3A_666 = tpu.memref_squeeze %dma_wait3A_665 : memref<1x128xi32, #tpu.memory_space<vmem>> -> memref<128xi32, #tpu.memory_space<vmem>>
      %dma_wait3A_667 = arith.constant 0 : i32
      %dma_wait3A_668 = arith.constant 0 : i32
      %dma_wait3A_669 = tpu.memref_slice %arg10[%dma_wait3A_667, %dma_wait3A_668] : memref<10240x128xf32, #tpu.memory_space<vmem_shared>> -> memref<10240x128xf32, #tpu.memory_space<vmem_shared>>
      tpu.wait_indirect_dma semaphore(%arg14 : memref<!tpu.dma_semaphore, #tpu.memory_space<semaphore_mem>>) src(%dma_wait3A_663 : memref<128x128xf32, #tpu.memory_space<vmem>>) dst(%dma_wait3A_669 : memref<10240x128xf32, #tpu.memory_space<vmem_shared>>)
      %dma_wait3A_670 = arith.constant 0 : i32
      %dma_wait3A_671 = arith.constant 0 : i32
      %dma_wait3A_672 = tpu.memref_slice %arg7[%dma_wait3A_670, %dma_wait3A_671] : memref<4x128xi32, #tpu.memory_space<vmem>> -> memref<1x128xi32, #tpu.memory_space<vmem>>
      %dma_wait3A_673 = tpu.memref_squeeze %dma_wait3A_672 : memref<1x128xi32, #tpu.memory_space<vmem>> -> memref<128xi32, #tpu.memory_space<vmem>>
      %dma_wait3A_674 = arith.constant 0 : i32
      %dma_wait3A_675 = tpu.memref_slice %arg3[%mul3A_2, %dma_wait3A_674] : memref<2560x128xi32, #tpu.memory_space<hbm>> -> memref<1x128xi32, #tpu.memory_space<hbm>>
      %dma_wait3A_676 = tpu.memref_squeeze %dma_wait3A_675 : memref<1x128xi32, #tpu.memory_space<hbm>> -> memref<128xi32, #tpu.memory_space<hbm>>
      %dma_wait3A_677 = arith.constant 0 : i32
      %dma_wait3A_678 = tpu.memref_slice %arg7[%dma_wait3A_670, %dma_wait3A_677] : memref<4x128xi32, #tpu.memory_space<vmem>> -> memref<1x128xi32, #tpu.memory_space<vmem>>
      %dma_wait3A_679 = tpu.memref_squeeze %dma_wait3A_678 : memref<1x128xi32, #tpu.memory_space<vmem>> -> memref<128xi32, #tpu.memory_space<vmem>>
      %dma_wait3A_680 = arith.constant 0 : i32
      %dma_wait3A_681 = tpu.memref_slice %arg3[%mul3A_2, %dma_wait3A_680] : memref<2560x128xi32, #tpu.memory_space<hbm>> -> memref<1x128xi32, #tpu.memory_space<hbm>>
      %dma_wait3A_682 = tpu.memref_squeeze %dma_wait3A_681 : memref<1x128xi32, #tpu.memory_space<hbm>> -> memref<128xi32, #tpu.memory_space<hbm>>
      tpu.wait_dma2 semaphore(%arg11 : memref<!tpu.dma_semaphore, #tpu.memory_space<semaphore_mem>>) src(%dma_wait3A_682 : memref<128xi32, #tpu.memory_space<hbm>>) dst(%dma_wait3A_679 : memref<128xi32, #tpu.memory_space<vmem>>)
      %dma_wait3A_683 = arith.constant 0 : i32
      %dma_wait3A_684 = arith.constant 0 : i32
      %dma_wait3A_685 = tpu.memref_slice %arg8[%dma_wait3A_683, %dma_wait3A_684] : memref<4x128xi32, #tpu.memory_space<vmem>> -> memref<1x128xi32, #tpu.memory_space<vmem>>
      %dma_wait3A_686 = tpu.memref_squeeze %dma_wait3A_685 : memref<1x128xi32, #tpu.memory_space<vmem>> -> memref<128xi32, #tpu.memory_space<vmem>>
      %dma_wait3A_687 = arith.constant 0 : i32
      %dma_wait3A_688 = tpu.memref_slice %arg4[%mul3A_2, %dma_wait3A_687] : memref<2560x128xi32, #tpu.memory_space<hbm>> -> memref<1x128xi32, #tpu.memory_space<hbm>>
      %dma_wait3A_689 = tpu.memref_squeeze %dma_wait3A_688 : memref<1x128xi32, #tpu.memory_space<hbm>> -> memref<128xi32, #tpu.memory_space<hbm>>
      %dma_wait3A_690 = arith.constant 0 : i32
      %dma_wait3A_691 = tpu.memref_slice %arg8[%dma_wait3A_683, %dma_wait3A_690] : memref<4x128xi32, #tpu.memory_space<vmem>> -> memref<1x128xi32, #tpu.memory_space<vmem>>
      %dma_wait3A_692 = tpu.memref_squeeze %dma_wait3A_691 : memref<1x128xi32, #tpu.memory_space<vmem>> -> memref<128xi32, #tpu.memory_space<vmem>>
      %dma_wait3A_693 = arith.constant 0 : i32
      %dma_wait3A_694 = tpu.memref_slice %arg4[%mul3A_2, %dma_wait3A_693] : memref<2560x128xi32, #tpu.memory_space<hbm>> -> memref<1x128xi32, #tpu.memory_space<hbm>>
      %dma_wait3A_695 = tpu.memref_squeeze %dma_wait3A_694 : memref<1x128xi32, #tpu.memory_space<hbm>> -> memref<128xi32, #tpu.memory_space<hbm>>
      tpu.wait_dma2 semaphore(%arg11 : memref<!tpu.dma_semaphore, #tpu.memory_space<semaphore_mem>>) src(%dma_wait3A_695 : memref<128xi32, #tpu.memory_space<hbm>>) dst(%dma_wait3A_692 : memref<128xi32, #tpu.memory_space<vmem>>)
      %add3A_696 = arith.addi %mul3A_2, %add3A_657 : i32
      %add3A_697 = arith.constant 1 : i32
      %add3A_698 = arith.addi %add3A_696, %add3A_697 : i32
      %dma_start3A_699 = arith.constant 1 : i32
      %dma_start3A_700 = arith.constant 0 : i32
      %dma_start3A_701 = tpu.memref_slice %arg7[%dma_start3A_699, %dma_start3A_700] : memref<4x128xi32, #tpu.memory_space<vmem>> -> memref<1x128xi32, #tpu.memory_space<vmem>>
      %dma_start3A_702 = tpu.memref_squeeze %dma_start3A_701 : memref<1x128xi32, #tpu.memory_space<vmem>> -> memref<128xi32, #tpu.memory_space<vmem>>
      %dma_start3A_703 = arith.constant 0 : i32
      %dma_start3A_704 = tpu.memref_slice %arg3[%add3A_698, %dma_start3A_703] : memref<2560x128xi32, #tpu.memory_space<hbm>> -> memref<1x128xi32, #tpu.memory_space<hbm>>
      %dma_start3A_705 = tpu.memref_squeeze %dma_start3A_704 : memref<1x128xi32, #tpu.memory_space<hbm>> -> memref<128xi32, #tpu.memory_space<hbm>>
      %dma_start3A_706 = arith.constant 0 : i32
      %dma_start3A_707 = tpu.memref_slice %arg7[%dma_start3A_699, %dma_start3A_706] : memref<4x128xi32, #tpu.memory_space<vmem>> -> memref<1x128xi32, #tpu.memory_space<vmem>>
      %dma_start3A_708 = tpu.memref_squeeze %dma_start3A_707 : memref<1x128xi32, #tpu.memory_space<vmem>> -> memref<128xi32, #tpu.memory_space<vmem>>
      %dma_start3A_709 = arith.constant 0 : i32
      %dma_start3A_710 = tpu.memref_slice %arg3[%add3A_698, %dma_start3A_709] : memref<2560x128xi32, #tpu.memory_space<hbm>> -> memref<1x128xi32, #tpu.memory_space<hbm>>
      %dma_start3A_711 = tpu.memref_squeeze %dma_start3A_710 : memref<1x128xi32, #tpu.memory_space<hbm>> -> memref<128xi32, #tpu.memory_space<hbm>>
      tpu.enqueue_dma source(%dma_start3A_711 : memref<128xi32, #tpu.memory_space<hbm>>) target(%dma_start3A_708 : memref<128xi32, #tpu.memory_space<vmem>>) target_semaphore(%arg11 : memref<!tpu.dma_semaphore, #tpu.memory_space<semaphore_mem>>)
      %add3A_712 = arith.addi %mul3A_2, %add3A_657 : i32
      %add3A_713 = arith.constant 1 : i32
      %add3A_714 = arith.addi %add3A_712, %add3A_713 : i32
      %dma_start3A_715 = arith.constant 1 : i32
      %dma_start3A_716 = arith.constant 0 : i32
      %dma_start3A_717 = tpu.memref_slice %arg8[%dma_start3A_715, %dma_start3A_716] : memref<4x128xi32, #tpu.memory_space<vmem>> -> memref<1x128xi32, #tpu.memory_space<vmem>>
      %dma_start3A_718 = tpu.memref_squeeze %dma_start3A_717 : memref<1x128xi32, #tpu.memory_space<vmem>> -> memref<128xi32, #tpu.memory_space<vmem>>
      %dma_start3A_719 = arith.constant 0 : i32
      %dma_start3A_720 = tpu.memref_slice %arg4[%add3A_714, %dma_start3A_719] : memref<2560x128xi32, #tpu.memory_space<hbm>> -> memref<1x128xi32, #tpu.memory_space<hbm>>
      %dma_start3A_721 = tpu.memref_squeeze %dma_start3A_720 : memref<1x128xi32, #tpu.memory_space<hbm>> -> memref<128xi32, #tpu.memory_space<hbm>>
      %dma_start3A_722 = arith.constant 0 : i32
      %dma_start3A_723 = tpu.memref_slice %arg8[%dma_start3A_715, %dma_start3A_722] : memref<4x128xi32, #tpu.memory_space<vmem>> -> memref<1x128xi32, #tpu.memory_space<vmem>>
      %dma_start3A_724 = tpu.memref_squeeze %dma_start3A_723 : memref<1x128xi32, #tpu.memory_space<vmem>> -> memref<128xi32, #tpu.memory_space<vmem>>
      %dma_start3A_725 = arith.constant 0 : i32
      %dma_start3A_726 = tpu.memref_slice %arg4[%add3A_714, %dma_start3A_725] : memref<2560x128xi32, #tpu.memory_space<hbm>> -> memref<1x128xi32, #tpu.memory_space<hbm>>
      %dma_start3A_727 = tpu.memref_squeeze %dma_start3A_726 : memref<1x128xi32, #tpu.memory_space<hbm>> -> memref<128xi32, #tpu.memory_space<hbm>>
      tpu.enqueue_dma source(%dma_start3A_727 : memref<128xi32, #tpu.memory_space<hbm>>) target(%dma_start3A_724 : memref<128xi32, #tpu.memory_space<vmem>>) target_semaphore(%arg11 : memref<!tpu.dma_semaphore, #tpu.memory_space<semaphore_mem>>)
      %dma_start3A_728 = arith.constant 0 : i32
      %dma_start3A_729 = arith.constant 0 : i32
      %dma_start3A_730 = arith.constant 0 : i32
      %dma_start3A_731 = arith.constant 0 : i32
      %dma_start3A_732 = tpu.memref_slice %arg9[%dma_start3A_729, %dma_start3A_730, %dma_start3A_731] : memref<2x128x128xf32, #tpu.memory_space<vmem>> -> memref<1x128x128xf32, #tpu.memory_space<vmem>>
      %dma_start3A_733 = tpu.memref_squeeze %dma_start3A_732 : memref<1x128x128xf32, #tpu.memory_space<vmem>> -> memref<128x128xf32, #tpu.memory_space<vmem>>
      %dma_start3A_734 = arith.constant 0 : i32
      %dma_start3A_735 = tpu.memref_slice %arg7[%dma_start3A_728, %dma_start3A_734] : memref<4x128xi32, #tpu.memory_space<vmem>> -> memref<1x128xi32, #tpu.memory_space<vmem>>
      %dma_start3A_736 = tpu.memref_squeeze %dma_start3A_735 : memref<1x128xi32, #tpu.memory_space<vmem>> -> memref<128xi32, #tpu.memory_space<vmem>>
      %dma_start3A_737 = arith.constant 0 : i32
      %dma_start3A_738 = arith.constant 0 : i32
      %dma_start3A_739 = tpu.memref_slice %arg2[%dma_start3A_737, %dma_start3A_738] : memref<10240x128xf32, #tpu.memory_space<hbm>> -> memref<10240x128xf32, #tpu.memory_space<hbm>>
      tpu.enqueue_indirect_dma source(%dma_start3A_739 : memref<10240x128xf32, #tpu.memory_space<hbm>>) target(%dma_start3A_733 : memref<128x128xf32, #tpu.memory_space<vmem>>) offsets(%dma_start3A_736 : memref<128xi32, #tpu.memory_space<vmem>>) semaphore(%arg12 : memref<!tpu.dma_semaphore, #tpu.memory_space<semaphore_mem>>)
      %dma_wait3A_740 = arith.constant 3 : i32
      %dma_wait3A_741 = arith.constant 1 : i32
      %dma_wait3A_742 = arith.constant 0 : i32
      %dma_wait3A_743 = arith.constant 0 : i32
      %dma_wait3A_744 = tpu.memref_slice %arg9[%dma_wait3A_741, %dma_wait3A_742, %dma_wait3A_743] : memref<2x128x128xf32, #tpu.memory_space<vmem>> -> memref<1x128x128xf32, #tpu.memory_space<vmem>>
      %dma_wait3A_745 = tpu.memref_squeeze %dma_wait3A_744 : memref<1x128x128xf32, #tpu.memory_space<vmem>> -> memref<128x128xf32, #tpu.memory_space<vmem>>
      %dma_wait3A_746 = arith.constant 0 : i32
      %dma_wait3A_747 = tpu.memref_slice %arg7[%dma_wait3A_740, %dma_wait3A_746] : memref<4x128xi32, #tpu.memory_space<vmem>> -> memref<1x128xi32, #tpu.memory_space<vmem>>
      %dma_wait3A_748 = tpu.memref_squeeze %dma_wait3A_747 : memref<1x128xi32, #tpu.memory_space<vmem>> -> memref<128xi32, #tpu.memory_space<vmem>>
      %dma_wait3A_749 = arith.constant 0 : i32
      %dma_wait3A_750 = arith.constant 0 : i32
      %dma_wait3A_751 = tpu.memref_slice %arg2[%dma_wait3A_749, %dma_wait3A_750] : memref<10240x128xf32, #tpu.memory_space<hbm>> -> memref<10240x128xf32, #tpu.memory_space<hbm>>
      tpu.wait_indirect_dma semaphore(%arg13 : memref<!tpu.dma_semaphore, #tpu.memory_space<semaphore_mem>>) src(%dma_wait3A_751 : memref<10240x128xf32, #tpu.memory_space<hbm>>) dst(%dma_wait3A_745 : memref<128x128xf32, #tpu.memory_space<vmem>>)
      %dma_start3A_752 = arith.constant 1 : i32
      %dma_start3A_753 = arith.constant 3 : i32
      %dma_start3A_754 = arith.constant 0 : i32
      %dma_start3A_755 = arith.constant 0 : i32
      %dma_start3A_756 = tpu.memref_slice %arg9[%dma_start3A_752, %dma_start3A_754, %dma_start3A_755] : memref<2x128x128xf32, #tpu.memory_space<vmem>> -> memref<1x128x128xf32, #tpu.memory_space<vmem>>
      %dma_start3A_757 = tpu.memref_squeeze %dma_start3A_756 : memref<1x128x128xf32, #tpu.memory_space<vmem>> -> memref<128x128xf32, #tpu.memory_space<vmem>>
      %dma_start3A_758 = arith.constant 0 : i32
      %dma_start3A_759 = tpu.memref_slice %arg8[%dma_start3A_753, %dma_start3A_758] : memref<4x128xi32, #tpu.memory_space<vmem>> -> memref<1x128xi32, #tpu.memory_space<vmem>>
      %dma_start3A_760 = tpu.memref_squeeze %dma_start3A_759 : memref<1x128xi32, #tpu.memory_space<vmem>> -> memref<128xi32, #tpu.memory_space<vmem>>
      %dma_start3A_761 = arith.constant 0 : i32
      %dma_start3A_762 = arith.constant 0 : i32
      %dma_start3A_763 = tpu.memref_slice %arg10[%dma_start3A_761, %dma_start3A_762] : memref<10240x128xf32, #tpu.memory_space<vmem_shared>> -> memref<10240x128xf32, #tpu.memory_space<vmem_shared>>
      tpu.enqueue_indirect_dma source(%dma_start3A_757 : memref<128x128xf32, #tpu.memory_space<vmem>>) target(%dma_start3A_763 : memref<10240x128xf32, #tpu.memory_space<vmem_shared>>) offsets(%dma_start3A_760 : memref<128xi32, #tpu.memory_space<vmem>>) semaphore(%arg15 : memref<!tpu.dma_semaphore, #tpu.memory_space<semaphore_mem>>) {add = true}
      %add3A_764 = arith.constant 3 : i32
      %add3A_765 = arith.addi %add3A_441, %add3A_764 : i32
      %dma_wait3A_766 = arith.constant 1 : i32
      %dma_wait3A_767 = arith.constant 3 : i32
      %dma_wait3A_768 = arith.constant 0 : i32
      %dma_wait3A_769 = arith.constant 0 : i32
      %dma_wait3A_770 = tpu.memref_slice %arg9[%dma_wait3A_766, %dma_wait3A_768, %dma_wait3A_769] : memref<2x128x128xf32, #tpu.memory_space<vmem>> -> memref<1x128x128xf32, #tpu.memory_space<vmem>>
      %dma_wait3A_771 = tpu.memref_squeeze %dma_wait3A_770 : memref<1x128x128xf32, #tpu.memory_space<vmem>> -> memref<128x128xf32, #tpu.memory_space<vmem>>
      %dma_wait3A_772 = arith.constant 0 : i32
      %dma_wait3A_773 = tpu.memref_slice %arg8[%dma_wait3A_767, %dma_wait3A_772] : memref<4x128xi32, #tpu.memory_space<vmem>> -> memref<1x128xi32, #tpu.memory_space<vmem>>
      %dma_wait3A_774 = tpu.memref_squeeze %dma_wait3A_773 : memref<1x128xi32, #tpu.memory_space<vmem>> -> memref<128xi32, #tpu.memory_space<vmem>>
      %dma_wait3A_775 = arith.constant 0 : i32
      %dma_wait3A_776 = arith.constant 0 : i32
      %dma_wait3A_777 = tpu.memref_slice %arg10[%dma_wait3A_775, %dma_wait3A_776] : memref<10240x128xf32, #tpu.memory_space<vmem_shared>> -> memref<10240x128xf32, #tpu.memory_space<vmem_shared>>
      tpu.wait_indirect_dma semaphore(%arg15 : memref<!tpu.dma_semaphore, #tpu.memory_space<semaphore_mem>>) src(%dma_wait3A_771 : memref<128x128xf32, #tpu.memory_space<vmem>>) dst(%dma_wait3A_777 : memref<10240x128xf32, #tpu.memory_space<vmem_shared>>)
      %dma_wait3A_778 = arith.constant 1 : i32
      %dma_wait3A_779 = arith.constant 0 : i32
      %dma_wait3A_780 = tpu.memref_slice %arg7[%dma_wait3A_778, %dma_wait3A_779] : memref<4x128xi32, #tpu.memory_space<vmem>> -> memref<1x128xi32, #tpu.memory_space<vmem>>
      %dma_wait3A_781 = tpu.memref_squeeze %dma_wait3A_780 : memref<1x128xi32, #tpu.memory_space<vmem>> -> memref<128xi32, #tpu.memory_space<vmem>>
      %dma_wait3A_782 = arith.constant 0 : i32
      %dma_wait3A_783 = tpu.memref_slice %arg3[%mul3A_2, %dma_wait3A_782] : memref<2560x128xi32, #tpu.memory_space<hbm>> -> memref<1x128xi32, #tpu.memory_space<hbm>>
      %dma_wait3A_784 = tpu.memref_squeeze %dma_wait3A_783 : memref<1x128xi32, #tpu.memory_space<hbm>> -> memref<128xi32, #tpu.memory_space<hbm>>
      %dma_wait3A_785 = arith.constant 0 : i32
      %dma_wait3A_786 = tpu.memref_slice %arg7[%dma_wait3A_778, %dma_wait3A_785] : memref<4x128xi32, #tpu.memory_space<vmem>> -> memref<1x128xi32, #tpu.memory_space<vmem>>
      %dma_wait3A_787 = tpu.memref_squeeze %dma_wait3A_786 : memref<1x128xi32, #tpu.memory_space<vmem>> -> memref<128xi32, #tpu.memory_space<vmem>>
      %dma_wait3A_788 = arith.constant 0 : i32
      %dma_wait3A_789 = tpu.memref_slice %arg3[%mul3A_2, %dma_wait3A_788] : memref<2560x128xi32, #tpu.memory_space<hbm>> -> memref<1x128xi32, #tpu.memory_space<hbm>>
      %dma_wait3A_790 = tpu.memref_squeeze %dma_wait3A_789 : memref<1x128xi32, #tpu.memory_space<hbm>> -> memref<128xi32, #tpu.memory_space<hbm>>
      tpu.wait_dma2 semaphore(%arg11 : memref<!tpu.dma_semaphore, #tpu.memory_space<semaphore_mem>>) src(%dma_wait3A_790 : memref<128xi32, #tpu.memory_space<hbm>>) dst(%dma_wait3A_787 : memref<128xi32, #tpu.memory_space<vmem>>)
      %dma_wait3A_791 = arith.constant 1 : i32
      %dma_wait3A_792 = arith.constant 0 : i32
      %dma_wait3A_793 = tpu.memref_slice %arg8[%dma_wait3A_791, %dma_wait3A_792] : memref<4x128xi32, #tpu.memory_space<vmem>> -> memref<1x128xi32, #tpu.memory_space<vmem>>
      %dma_wait3A_794 = tpu.memref_squeeze %dma_wait3A_793 : memref<1x128xi32, #tpu.memory_space<vmem>> -> memref<128xi32, #tpu.memory_space<vmem>>
      %dma_wait3A_795 = arith.constant 0 : i32
      %dma_wait3A_796 = tpu.memref_slice %arg4[%mul3A_2, %dma_wait3A_795] : memref<2560x128xi32, #tpu.memory_space<hbm>> -> memref<1x128xi32, #tpu.memory_space<hbm>>
      %dma_wait3A_797 = tpu.memref_squeeze %dma_wait3A_796 : memref<1x128xi32, #tpu.memory_space<hbm>> -> memref<128xi32, #tpu.memory_space<hbm>>
      %dma_wait3A_798 = arith.constant 0 : i32
      %dma_wait3A_799 = tpu.memref_slice %arg8[%dma_wait3A_791, %dma_wait3A_798] : memref<4x128xi32, #tpu.memory_space<vmem>> -> memref<1x128xi32, #tpu.memory_space<vmem>>
      %dma_wait3A_800 = tpu.memref_squeeze %dma_wait3A_799 : memref<1x128xi32, #tpu.memory_space<vmem>> -> memref<128xi32, #tpu.memory_space<vmem>>
      %dma_wait3A_801 = arith.constant 0 : i32
      %dma_wait3A_802 = tpu.memref_slice %arg4[%mul3A_2, %dma_wait3A_801] : memref<2560x128xi32, #tpu.memory_space<hbm>> -> memref<1x128xi32, #tpu.memory_space<hbm>>
      %dma_wait3A_803 = tpu.memref_squeeze %dma_wait3A_802 : memref<1x128xi32, #tpu.memory_space<hbm>> -> memref<128xi32, #tpu.memory_space<hbm>>
      tpu.wait_dma2 semaphore(%arg11 : memref<!tpu.dma_semaphore, #tpu.memory_space<semaphore_mem>>) src(%dma_wait3A_803 : memref<128xi32, #tpu.memory_space<hbm>>) dst(%dma_wait3A_800 : memref<128xi32, #tpu.memory_space<vmem>>)
      %add3A_804 = arith.addi %mul3A_2, %add3A_765 : i32
      %add3A_805 = arith.constant 1 : i32
      %add3A_806 = arith.addi %add3A_804, %add3A_805 : i32
      %dma_start3A_807 = arith.constant 2 : i32
      %dma_start3A_808 = arith.constant 0 : i32
      %dma_start3A_809 = tpu.memref_slice %arg7[%dma_start3A_807, %dma_start3A_808] : memref<4x128xi32, #tpu.memory_space<vmem>> -> memref<1x128xi32, #tpu.memory_space<vmem>>
      %dma_start3A_810 = tpu.memref_squeeze %dma_start3A_809 : memref<1x128xi32, #tpu.memory_space<vmem>> -> memref<128xi32, #tpu.memory_space<vmem>>
      %dma_start3A_811 = arith.constant 0 : i32
      %dma_start3A_812 = tpu.memref_slice %arg3[%add3A_806, %dma_start3A_811] : memref<2560x128xi32, #tpu.memory_space<hbm>> -> memref<1x128xi32, #tpu.memory_space<hbm>>
      %dma_start3A_813 = tpu.memref_squeeze %dma_start3A_812 : memref<1x128xi32, #tpu.memory_space<hbm>> -> memref<128xi32, #tpu.memory_space<hbm>>
      %dma_start3A_814 = arith.constant 0 : i32
      %dma_start3A_815 = tpu.memref_slice %arg7[%dma_start3A_807, %dma_start3A_814] : memref<4x128xi32, #tpu.memory_space<vmem>> -> memref<1x128xi32, #tpu.memory_space<vmem>>
      %dma_start3A_816 = tpu.memref_squeeze %dma_start3A_815 : memref<1x128xi32, #tpu.memory_space<vmem>> -> memref<128xi32, #tpu.memory_space<vmem>>
      %dma_start3A_817 = arith.constant 0 : i32
      %dma_start3A_818 = tpu.memref_slice %arg3[%add3A_806, %dma_start3A_817] : memref<2560x128xi32, #tpu.memory_space<hbm>> -> memref<1x128xi32, #tpu.memory_space<hbm>>
      %dma_start3A_819 = tpu.memref_squeeze %dma_start3A_818 : memref<1x128xi32, #tpu.memory_space<hbm>> -> memref<128xi32, #tpu.memory_space<hbm>>
      tpu.enqueue_dma source(%dma_start3A_819 : memref<128xi32, #tpu.memory_space<hbm>>) target(%dma_start3A_816 : memref<128xi32, #tpu.memory_space<vmem>>) target_semaphore(%arg11 : memref<!tpu.dma_semaphore, #tpu.memory_space<semaphore_mem>>)
      %add3A_820 = arith.addi %mul3A_2, %add3A_765 : i32
      %add3A_821 = arith.constant 1 : i32
      %add3A_822 = arith.addi %add3A_820, %add3A_821 : i32
      %dma_start3A_823 = arith.constant 2 : i32
      %dma_start3A_824 = arith.constant 0 : i32
      %dma_start3A_825 = tpu.memref_slice %arg8[%dma_start3A_823, %dma_start3A_824] : memref<4x128xi32, #tpu.memory_space<vmem>> -> memref<1x128xi32, #tpu.memory_space<vmem>>
      %dma_start3A_826 = tpu.memref_squeeze %dma_start3A_825 : memref<1x128xi32, #tpu.memory_space<vmem>> -> memref<128xi32, #tpu.memory_space<vmem>>
      %dma_start3A_827 = arith.constant 0 : i32
      %dma_start3A_828 = tpu.memref_slice %arg4[%add3A_822, %dma_start3A_827] : memref<2560x128xi32, #tpu.memory_space<hbm>> -> memref<1x128xi32, #tpu.memory_space<hbm>>
      %dma_start3A_829 = tpu.memref_squeeze %dma_start3A_828 : memref<1x128xi32, #tpu.memory_space<hbm>> -> memref<128xi32, #tpu.memory_space<hbm>>
      %dma_start3A_830 = arith.constant 0 : i32
      %dma_start3A_831 = tpu.memref_slice %arg8[%dma_start3A_823, %dma_start3A_830] : memref<4x128xi32, #tpu.memory_space<vmem>> -> memref<1x128xi32, #tpu.memory_space<vmem>>
      %dma_start3A_832 = tpu.memref_squeeze %dma_start3A_831 : memref<1x128xi32, #tpu.memory_space<vmem>> -> memref<128xi32, #tpu.memory_space<vmem>>
      %dma_start3A_833 = arith.constant 0 : i32
      %dma_start3A_834 = tpu.memref_slice %arg4[%add3A_822, %dma_start3A_833] : memref<2560x128xi32, #tpu.memory_space<hbm>> -> memref<1x128xi32, #tpu.memory_space<hbm>>
      %dma_start3A_835 = tpu.memref_squeeze %dma_start3A_834 : memref<1x128xi32, #tpu.memory_space<hbm>> -> memref<128xi32, #tpu.memory_space<hbm>>
      tpu.enqueue_dma source(%dma_start3A_835 : memref<128xi32, #tpu.memory_space<hbm>>) target(%dma_start3A_832 : memref<128xi32, #tpu.memory_space<vmem>>) target_semaphore(%arg11 : memref<!tpu.dma_semaphore, #tpu.memory_space<semaphore_mem>>)
      %dma_start3A_836 = arith.constant 1 : i32
      %dma_start3A_837 = arith.constant 1 : i32
      %dma_start3A_838 = arith.constant 0 : i32
      %dma_start3A_839 = arith.constant 0 : i32
      %dma_start3A_840 = tpu.memref_slice %arg9[%dma_start3A_837, %dma_start3A_838, %dma_start3A_839] : memref<2x128x128xf32, #tpu.memory_space<vmem>> -> memref<1x128x128xf32, #tpu.memory_space<vmem>>
      %dma_start3A_841 = tpu.memref_squeeze %dma_start3A_840 : memref<1x128x128xf32, #tpu.memory_space<vmem>> -> memref<128x128xf32, #tpu.memory_space<vmem>>
      %dma_start3A_842 = arith.constant 0 : i32
      %dma_start3A_843 = tpu.memref_slice %arg7[%dma_start3A_836, %dma_start3A_842] : memref<4x128xi32, #tpu.memory_space<vmem>> -> memref<1x128xi32, #tpu.memory_space<vmem>>
      %dma_start3A_844 = tpu.memref_squeeze %dma_start3A_843 : memref<1x128xi32, #tpu.memory_space<vmem>> -> memref<128xi32, #tpu.memory_space<vmem>>
      %dma_start3A_845 = arith.constant 0 : i32
      %dma_start3A_846 = arith.constant 0 : i32
      %dma_start3A_847 = tpu.memref_slice %arg2[%dma_start3A_845, %dma_start3A_846] : memref<10240x128xf32, #tpu.memory_space<hbm>> -> memref<10240x128xf32, #tpu.memory_space<hbm>>
      tpu.enqueue_indirect_dma source(%dma_start3A_847 : memref<10240x128xf32, #tpu.memory_space<hbm>>) target(%dma_start3A_841 : memref<128x128xf32, #tpu.memory_space<vmem>>) offsets(%dma_start3A_844 : memref<128xi32, #tpu.memory_space<vmem>>) semaphore(%arg13 : memref<!tpu.dma_semaphore, #tpu.memory_space<semaphore_mem>>)
      %dma_wait3A_848 = arith.constant 0 : i32
      %dma_wait3A_849 = arith.constant 0 : i32
      %dma_wait3A_850 = arith.constant 0 : i32
      %dma_wait3A_851 = arith.constant 0 : i32
      %dma_wait3A_852 = tpu.memref_slice %arg9[%dma_wait3A_849, %dma_wait3A_850, %dma_wait3A_851] : memref<2x128x128xf32, #tpu.memory_space<vmem>> -> memref<1x128x128xf32, #tpu.memory_space<vmem>>
      %dma_wait3A_853 = tpu.memref_squeeze %dma_wait3A_852 : memref<1x128x128xf32, #tpu.memory_space<vmem>> -> memref<128x128xf32, #tpu.memory_space<vmem>>
      %dma_wait3A_854 = arith.constant 0 : i32
      %dma_wait3A_855 = tpu.memref_slice %arg7[%dma_wait3A_848, %dma_wait3A_854] : memref<4x128xi32, #tpu.memory_space<vmem>> -> memref<1x128xi32, #tpu.memory_space<vmem>>
      %dma_wait3A_856 = tpu.memref_squeeze %dma_wait3A_855 : memref<1x128xi32, #tpu.memory_space<vmem>> -> memref<128xi32, #tpu.memory_space<vmem>>
      %dma_wait3A_857 = arith.constant 0 : i32
      %dma_wait3A_858 = arith.constant 0 : i32
      %dma_wait3A_859 = tpu.memref_slice %arg2[%dma_wait3A_857, %dma_wait3A_858] : memref<10240x128xf32, #tpu.memory_space<hbm>> -> memref<10240x128xf32, #tpu.memory_space<hbm>>
      tpu.wait_indirect_dma semaphore(%arg12 : memref<!tpu.dma_semaphore, #tpu.memory_space<semaphore_mem>>) src(%dma_wait3A_859 : memref<10240x128xf32, #tpu.memory_space<hbm>>) dst(%dma_wait3A_853 : memref<128x128xf32, #tpu.memory_space<vmem>>)
      %dma_start3A_860 = arith.constant 0 : i32
      %dma_start3A_861 = arith.constant 0 : i32
      %dma_start3A_862 = arith.constant 0 : i32
      %dma_start3A_863 = arith.constant 0 : i32
      %dma_start3A_864 = tpu.memref_slice %arg9[%dma_start3A_860, %dma_start3A_862, %dma_start3A_863] : memref<2x128x128xf32, #tpu.memory_space<vmem>> -> memref<1x128x128xf32, #tpu.memory_space<vmem>>
      %dma_start3A_865 = tpu.memref_squeeze %dma_start3A_864 : memref<1x128x128xf32, #tpu.memory_space<vmem>> -> memref<128x128xf32, #tpu.memory_space<vmem>>
      %dma_start3A_866 = arith.constant 0 : i32
      %dma_start3A_867 = tpu.memref_slice %arg8[%dma_start3A_861, %dma_start3A_866] : memref<4x128xi32, #tpu.memory_space<vmem>> -> memref<1x128xi32, #tpu.memory_space<vmem>>
      %dma_start3A_868 = tpu.memref_squeeze %dma_start3A_867 : memref<1x128xi32, #tpu.memory_space<vmem>> -> memref<128xi32, #tpu.memory_space<vmem>>
      %dma_start3A_869 = arith.constant 0 : i32
      %dma_start3A_870 = arith.constant 0 : i32
      %dma_start3A_871 = tpu.memref_slice %arg10[%dma_start3A_869, %dma_start3A_870] : memref<10240x128xf32, #tpu.memory_space<vmem_shared>> -> memref<10240x128xf32, #tpu.memory_space<vmem_shared>>
      tpu.enqueue_indirect_dma source(%dma_start3A_865 : memref<128x128xf32, #tpu.memory_space<vmem>>) target(%dma_start3A_871 : memref<10240x128xf32, #tpu.memory_space<vmem_shared>>) offsets(%dma_start3A_868 : memref<128xi32, #tpu.memory_space<vmem>>) semaphore(%arg14 : memref<!tpu.dma_semaphore, #tpu.memory_space<semaphore_mem>>) {add = true}
    }
    %scan3A_201 = arith.constant 19 : i32
    %dma_wait3A_202 = arith.constant 0 : i32
    %dma_wait3A_203 = arith.constant 0 : i32
    %dma_wait3A_204 = arith.constant 0 : i32
    %dma_wait3A_205 = arith.constant 0 : i32
    %dma_wait3A_206 = tpu.memref_slice %arg9[%dma_wait3A_202, %dma_wait3A_204, %dma_wait3A_205] : memref<2x128x128xf32, #tpu.memory_space<vmem>> -> memref<1x128x128xf32, #tpu.memory_space<vmem>>
    %dma_wait3A_207 = tpu.memref_squeeze %dma_wait3A_206 : memref<1x128x128xf32, #tpu.memory_space<vmem>> -> memref<128x128xf32, #tpu.memory_space<vmem>>
    %dma_wait3A_208 = arith.constant 0 : i32
    %dma_wait3A_209 = tpu.memref_slice %arg8[%dma_wait3A_203, %dma_wait3A_208] : memref<4x128xi32, #tpu.memory_space<vmem>> -> memref<1x128xi32, #tpu.memory_space<vmem>>
    %dma_wait3A_210 = tpu.memref_squeeze %dma_wait3A_209 : memref<1x128xi32, #tpu.memory_space<vmem>> -> memref<128xi32, #tpu.memory_space<vmem>>
    %dma_wait3A_211 = arith.constant 0 : i32
    %dma_wait3A_212 = arith.constant 0 : i32
    %dma_wait3A_213 = tpu.memref_slice %arg10[%dma_wait3A_211, %dma_wait3A_212] : memref<10240x128xf32, #tpu.memory_space<vmem_shared>> -> memref<10240x128xf32, #tpu.memory_space<vmem_shared>>
    tpu.wait_indirect_dma semaphore(%arg14 : memref<!tpu.dma_semaphore, #tpu.memory_space<semaphore_mem>>) src(%dma_wait3A_207 : memref<128x128xf32, #tpu.memory_space<vmem>>) dst(%dma_wait3A_213 : memref<10240x128xf32, #tpu.memory_space<vmem_shared>>)
    %dma_wait3A_214 = arith.constant 2 : i32
    %dma_wait3A_215 = arith.constant 0 : i32
    %dma_wait3A_216 = tpu.memref_slice %arg7[%dma_wait3A_214, %dma_wait3A_215] : memref<4x128xi32, #tpu.memory_space<vmem>> -> memref<1x128xi32, #tpu.memory_space<vmem>>
    %dma_wait3A_217 = tpu.memref_squeeze %dma_wait3A_216 : memref<1x128xi32, #tpu.memory_space<vmem>> -> memref<128xi32, #tpu.memory_space<vmem>>
    %dma_wait3A_218 = arith.constant 0 : i32
    %dma_wait3A_219 = tpu.memref_slice %arg3[%mul3A_2, %dma_wait3A_218] : memref<2560x128xi32, #tpu.memory_space<hbm>> -> memref<1x128xi32, #tpu.memory_space<hbm>>
    %dma_wait3A_220 = tpu.memref_squeeze %dma_wait3A_219 : memref<1x128xi32, #tpu.memory_space<hbm>> -> memref<128xi32, #tpu.memory_space<hbm>>
    %dma_wait3A_221 = arith.constant 0 : i32
    %dma_wait3A_222 = tpu.memref_slice %arg7[%dma_wait3A_214, %dma_wait3A_221] : memref<4x128xi32, #tpu.memory_space<vmem>> -> memref<1x128xi32, #tpu.memory_space<vmem>>
    %dma_wait3A_223 = tpu.memref_squeeze %dma_wait3A_222 : memref<1x128xi32, #tpu.memory_space<vmem>> -> memref<128xi32, #tpu.memory_space<vmem>>
    %dma_wait3A_224 = arith.constant 0 : i32
    %dma_wait3A_225 = tpu.memref_slice %arg3[%mul3A_2, %dma_wait3A_224] : memref<2560x128xi32, #tpu.memory_space<hbm>> -> memref<1x128xi32, #tpu.memory_space<hbm>>
    %dma_wait3A_226 = tpu.memref_squeeze %dma_wait3A_225 : memref<1x128xi32, #tpu.memory_space<hbm>> -> memref<128xi32, #tpu.memory_space<hbm>>
    tpu.wait_dma2 semaphore(%arg11 : memref<!tpu.dma_semaphore, #tpu.memory_space<semaphore_mem>>) src(%dma_wait3A_226 : memref<128xi32, #tpu.memory_space<hbm>>) dst(%dma_wait3A_223 : memref<128xi32, #tpu.memory_space<vmem>>)
    %dma_wait3A_227 = arith.constant 2 : i32
    %dma_wait3A_228 = arith.constant 0 : i32
    %dma_wait3A_229 = tpu.memref_slice %arg8[%dma_wait3A_227, %dma_wait3A_228] : memref<4x128xi32, #tpu.memory_space<vmem>> -> memref<1x128xi32, #tpu.memory_space<vmem>>
    %dma_wait3A_230 = tpu.memref_squeeze %dma_wait3A_229 : memref<1x128xi32, #tpu.memory_space<vmem>> -> memref<128xi32, #tpu.memory_space<vmem>>
    %dma_wait3A_231 = arith.constant 0 : i32
    %dma_wait3A_232 = tpu.memref_slice %arg4[%mul3A_2, %dma_wait3A_231] : memref<2560x128xi32, #tpu.memory_space<hbm>> -> memref<1x128xi32, #tpu.memory_space<hbm>>
    %dma_wait3A_233 = tpu.memref_squeeze %dma_wait3A_232 : memref<1x128xi32, #tpu.memory_space<hbm>> -> memref<128xi32, #tpu.memory_space<hbm>>
    %dma_wait3A_234 = arith.constant 0 : i32
    %dma_wait3A_235 = tpu.memref_slice %arg8[%dma_wait3A_227, %dma_wait3A_234] : memref<4x128xi32, #tpu.memory_space<vmem>> -> memref<1x128xi32, #tpu.memory_space<vmem>>
    %dma_wait3A_236 = tpu.memref_squeeze %dma_wait3A_235 : memref<1x128xi32, #tpu.memory_space<vmem>> -> memref<128xi32, #tpu.memory_space<vmem>>
    %dma_wait3A_237 = arith.constant 0 : i32
    %dma_wait3A_238 = tpu.memref_slice %arg4[%mul3A_2, %dma_wait3A_237] : memref<2560x128xi32, #tpu.memory_space<hbm>> -> memref<1x128xi32, #tpu.memory_space<hbm>>
    %dma_wait3A_239 = tpu.memref_squeeze %dma_wait3A_238 : memref<1x128xi32, #tpu.memory_space<hbm>> -> memref<128xi32, #tpu.memory_space<hbm>>
    tpu.wait_dma2 semaphore(%arg11 : memref<!tpu.dma_semaphore, #tpu.memory_space<semaphore_mem>>) src(%dma_wait3A_239 : memref<128xi32, #tpu.memory_space<hbm>>) dst(%dma_wait3A_236 : memref<128xi32, #tpu.memory_space<vmem>>)
    %add3A_240 = arith.constant 78 : i32
    %add3A_241 = arith.addi %mul3A_2, %add3A_240 : i32
    %add3A_242 = arith.constant 1 : i32
    %add3A_243 = arith.addi %add3A_241, %add3A_242 : i32
    %dma_start3A_244 = arith.constant 3 : i32
    %dma_start3A_245 = arith.constant 0 : i32
    %dma_start3A_246 = tpu.memref_slice %arg7[%dma_start3A_244, %dma_start3A_245] : memref<4x128xi32, #tpu.memory_space<vmem>> -> memref<1x128xi32, #tpu.memory_space<vmem>>
    %dma_start3A_247 = tpu.memref_squeeze %dma_start3A_246 : memref<1x128xi32, #tpu.memory_space<vmem>> -> memref<128xi32, #tpu.memory_space<vmem>>
    %dma_start3A_248 = arith.constant 0 : i32
    %dma_start3A_249 = tpu.memref_slice %arg3[%add3A_243, %dma_start3A_248] : memref<2560x128xi32, #tpu.memory_space<hbm>> -> memref<1x128xi32, #tpu.memory_space<hbm>>
    %dma_start3A_250 = tpu.memref_squeeze %dma_start3A_249 : memref<1x128xi32, #tpu.memory_space<hbm>> -> memref<128xi32, #tpu.memory_space<hbm>>
    %dma_start3A_251 = arith.constant 0 : i32
    %dma_start3A_252 = tpu.memref_slice %arg7[%dma_start3A_244, %dma_start3A_251] : memref<4x128xi32, #tpu.memory_space<vmem>> -> memref<1x128xi32, #tpu.memory_space<vmem>>
    %dma_start3A_253 = tpu.memref_squeeze %dma_start3A_252 : memref<1x128xi32, #tpu.memory_space<vmem>> -> memref<128xi32, #tpu.memory_space<vmem>>
    %dma_start3A_254 = arith.constant 0 : i32
    %dma_start3A_255 = tpu.memref_slice %arg3[%add3A_243, %dma_start3A_254] : memref<2560x128xi32, #tpu.memory_space<hbm>> -> memref<1x128xi32, #tpu.memory_space<hbm>>
    %dma_start3A_256 = tpu.memref_squeeze %dma_start3A_255 : memref<1x128xi32, #tpu.memory_space<hbm>> -> memref<128xi32, #tpu.memory_space<hbm>>
    tpu.enqueue_dma source(%dma_start3A_256 : memref<128xi32, #tpu.memory_space<hbm>>) target(%dma_start3A_253 : memref<128xi32, #tpu.memory_space<vmem>>) target_semaphore(%arg11 : memref<!tpu.dma_semaphore, #tpu.memory_space<semaphore_mem>>)
    %add3A_257 = arith.constant 78 : i32
    %add3A_258 = arith.addi %mul3A_2, %add3A_257 : i32
    %add3A_259 = arith.constant 1 : i32
    %add3A_260 = arith.addi %add3A_258, %add3A_259 : i32
    %dma_start3A_261 = arith.constant 3 : i32
    %dma_start3A_262 = arith.constant 0 : i32
    %dma_start3A_263 = tpu.memref_slice %arg8[%dma_start3A_261, %dma_start3A_262] : memref<4x128xi32, #tpu.memory_space<vmem>> -> memref<1x128xi32, #tpu.memory_space<vmem>>
    %dma_start3A_264 = tpu.memref_squeeze %dma_start3A_263 : memref<1x128xi32, #tpu.memory_space<vmem>> -> memref<128xi32, #tpu.memory_space<vmem>>
    %dma_start3A_265 = arith.constant 0 : i32
    %dma_start3A_266 = tpu.memref_slice %arg4[%add3A_260, %dma_start3A_265] : memref<2560x128xi32, #tpu.memory_space<hbm>> -> memref<1x128xi32, #tpu.memory_space<hbm>>
    %dma_start3A_267 = tpu.memref_squeeze %dma_start3A_266 : memref<1x128xi32, #tpu.memory_space<hbm>> -> memref<128xi32, #tpu.memory_space<hbm>>
    %dma_start3A_268 = arith.constant 0 : i32
    %dma_start3A_269 = tpu.memref_slice %arg8[%dma_start3A_261, %dma_start3A_268] : memref<4x128xi32, #tpu.memory_space<vmem>> -> memref<1x128xi32, #tpu.memory_space<vmem>>
    %dma_start3A_270 = tpu.memref_squeeze %dma_start3A_269 : memref<1x128xi32, #tpu.memory_space<vmem>> -> memref<128xi32, #tpu.memory_space<vmem>>
    %dma_start3A_271 = arith.constant 0 : i32
    %dma_start3A_272 = tpu.memref_slice %arg4[%add3A_260, %dma_start3A_271] : memref<2560x128xi32, #tpu.memory_space<hbm>> -> memref<1x128xi32, #tpu.memory_space<hbm>>
    %dma_start3A_273 = tpu.memref_squeeze %dma_start3A_272 : memref<1x128xi32, #tpu.memory_space<hbm>> -> memref<128xi32, #tpu.memory_space<hbm>>
    tpu.enqueue_dma source(%dma_start3A_273 : memref<128xi32, #tpu.memory_space<hbm>>) target(%dma_start3A_270 : memref<128xi32, #tpu.memory_space<vmem>>) target_semaphore(%arg11 : memref<!tpu.dma_semaphore, #tpu.memory_space<semaphore_mem>>)
    %dma_start3A_274 = arith.constant 2 : i32
    %dma_start3A_275 = arith.constant 0 : i32
    %dma_start3A_276 = arith.constant 0 : i32
    %dma_start3A_277 = arith.constant 0 : i32
    %dma_start3A_278 = tpu.memref_slice %arg9[%dma_start3A_275, %dma_start3A_276, %dma_start3A_277] : memref<2x128x128xf32, #tpu.memory_space<vmem>> -> memref<1x128x128xf32, #tpu.memory_space<vmem>>
    %dma_start3A_279 = tpu.memref_squeeze %dma_start3A_278 : memref<1x128x128xf32, #tpu.memory_space<vmem>> -> memref<128x128xf32, #tpu.memory_space<vmem>>
    %dma_start3A_280 = arith.constant 0 : i32
    %dma_start3A_281 = tpu.memref_slice %arg7[%dma_start3A_274, %dma_start3A_280] : memref<4x128xi32, #tpu.memory_space<vmem>> -> memref<1x128xi32, #tpu.memory_space<vmem>>
    %dma_start3A_282 = tpu.memref_squeeze %dma_start3A_281 : memref<1x128xi32, #tpu.memory_space<vmem>> -> memref<128xi32, #tpu.memory_space<vmem>>
    %dma_start3A_283 = arith.constant 0 : i32
    %dma_start3A_284 = arith.constant 0 : i32
    %dma_start3A_285 = tpu.memref_slice %arg2[%dma_start3A_283, %dma_start3A_284] : memref<10240x128xf32, #tpu.memory_space<hbm>> -> memref<10240x128xf32, #tpu.memory_space<hbm>>
    tpu.enqueue_indirect_dma source(%dma_start3A_285 : memref<10240x128xf32, #tpu.memory_space<hbm>>) target(%dma_start3A_279 : memref<128x128xf32, #tpu.memory_space<vmem>>) offsets(%dma_start3A_282 : memref<128xi32, #tpu.memory_space<vmem>>) semaphore(%arg12 : memref<!tpu.dma_semaphore, #tpu.memory_space<semaphore_mem>>)
    %dma_wait3A_286 = arith.constant 1 : i32
    %dma_wait3A_287 = arith.constant 1 : i32
    %dma_wait3A_288 = arith.constant 0 : i32
    %dma_wait3A_289 = arith.constant 0 : i32
    %dma_wait3A_290 = tpu.memref_slice %arg9[%dma_wait3A_287, %dma_wait3A_288, %dma_wait3A_289] : memref<2x128x128xf32, #tpu.memory_space<vmem>> -> memref<1x128x128xf32, #tpu.memory_space<vmem>>
    %dma_wait3A_291 = tpu.memref_squeeze %dma_wait3A_290 : memref<1x128x128xf32, #tpu.memory_space<vmem>> -> memref<128x128xf32, #tpu.memory_space<vmem>>
    %dma_wait3A_292 = arith.constant 0 : i32
    %dma_wait3A_293 = tpu.memref_slice %arg7[%dma_wait3A_286, %dma_wait3A_292] : memref<4x128xi32, #tpu.memory_space<vmem>> -> memref<1x128xi32, #tpu.memory_space<vmem>>
    %dma_wait3A_294 = tpu.memref_squeeze %dma_wait3A_293 : memref<1x128xi32, #tpu.memory_space<vmem>> -> memref<128xi32, #tpu.memory_space<vmem>>
    %dma_wait3A_295 = arith.constant 0 : i32
    %dma_wait3A_296 = arith.constant 0 : i32
    %dma_wait3A_297 = tpu.memref_slice %arg2[%dma_wait3A_295, %dma_wait3A_296] : memref<10240x128xf32, #tpu.memory_space<hbm>> -> memref<10240x128xf32, #tpu.memory_space<hbm>>
    tpu.wait_indirect_dma semaphore(%arg13 : memref<!tpu.dma_semaphore, #tpu.memory_space<semaphore_mem>>) src(%dma_wait3A_297 : memref<10240x128xf32, #tpu.memory_space<hbm>>) dst(%dma_wait3A_291 : memref<128x128xf32, #tpu.memory_space<vmem>>)
    %dma_start3A_298 = arith.constant 1 : i32
    %dma_start3A_299 = arith.constant 1 : i32
    %dma_start3A_300 = arith.constant 0 : i32
    %dma_start3A_301 = arith.constant 0 : i32
    %dma_start3A_302 = tpu.memref_slice %arg9[%dma_start3A_298, %dma_start3A_300, %dma_start3A_301] : memref<2x128x128xf32, #tpu.memory_space<vmem>> -> memref<1x128x128xf32, #tpu.memory_space<vmem>>
    %dma_start3A_303 = tpu.memref_squeeze %dma_start3A_302 : memref<1x128x128xf32, #tpu.memory_space<vmem>> -> memref<128x128xf32, #tpu.memory_space<vmem>>
    %dma_start3A_304 = arith.constant 0 : i32
    %dma_start3A_305 = tpu.memref_slice %arg8[%dma_start3A_299, %dma_start3A_304] : memref<4x128xi32, #tpu.memory_space<vmem>> -> memref<1x128xi32, #tpu.memory_space<vmem>>
    %dma_start3A_306 = tpu.memref_squeeze %dma_start3A_305 : memref<1x128xi32, #tpu.memory_space<vmem>> -> memref<128xi32, #tpu.memory_space<vmem>>
    %dma_start3A_307 = arith.constant 0 : i32
    %dma_start3A_308 = arith.constant 0 : i32
    %dma_start3A_309 = tpu.memref_slice %arg10[%dma_start3A_307, %dma_start3A_308] : memref<10240x128xf32, #tpu.memory_space<vmem_shared>> -> memref<10240x128xf32, #tpu.memory_space<vmem_shared>>
    tpu.enqueue_indirect_dma source(%dma_start3A_303 : memref<128x128xf32, #tpu.memory_space<vmem>>) target(%dma_start3A_309 : memref<10240x128xf32, #tpu.memory_space<vmem_shared>>) offsets(%dma_start3A_306 : memref<128xi32, #tpu.memory_space<vmem>>) semaphore(%arg15 : memref<!tpu.dma_semaphore, #tpu.memory_space<semaphore_mem>>) {add = true}
    %dma_wait3A_310 = arith.constant 1 : i32
    %dma_wait3A_311 = arith.constant 1 : i32
    %dma_wait3A_312 = arith.constant 0 : i32
    %dma_wait3A_313 = arith.constant 0 : i32
    %dma_wait3A_314 = tpu.memref_slice %arg9[%dma_wait3A_310, %dma_wait3A_312, %dma_wait3A_313] : memref<2x128x128xf32, #tpu.memory_space<vmem>> -> memref<1x128x128xf32, #tpu.memory_space<vmem>>
    %dma_wait3A_315 = tpu.memref_squeeze %dma_wait3A_314 : memref<1x128x128xf32, #tpu.memory_space<vmem>> -> memref<128x128xf32, #tpu.memory_space<vmem>>
    %dma_wait3A_316 = arith.constant 0 : i32
    %dma_wait3A_317 = tpu.memref_slice %arg8[%dma_wait3A_311, %dma_wait3A_316] : memref<4x128xi32, #tpu.memory_space<vmem>> -> memref<1x128xi32, #tpu.memory_space<vmem>>
    %dma_wait3A_318 = tpu.memref_squeeze %dma_wait3A_317 : memref<1x128xi32, #tpu.memory_space<vmem>> -> memref<128xi32, #tpu.memory_space<vmem>>
    %dma_wait3A_319 = arith.constant 0 : i32
    %dma_wait3A_320 = arith.constant 0 : i32
    %dma_wait3A_321 = tpu.memref_slice %arg10[%dma_wait3A_319, %dma_wait3A_320] : memref<10240x128xf32, #tpu.memory_space<vmem_shared>> -> memref<10240x128xf32, #tpu.memory_space<vmem_shared>>
    tpu.wait_indirect_dma semaphore(%arg15 : memref<!tpu.dma_semaphore, #tpu.memory_space<semaphore_mem>>) src(%dma_wait3A_315 : memref<128x128xf32, #tpu.memory_space<vmem>>) dst(%dma_wait3A_321 : memref<10240x128xf32, #tpu.memory_space<vmem_shared>>)
    %dma_wait3A_322 = arith.constant 3 : i32
    %dma_wait3A_323 = arith.constant 0 : i32
    %dma_wait3A_324 = tpu.memref_slice %arg7[%dma_wait3A_322, %dma_wait3A_323] : memref<4x128xi32, #tpu.memory_space<vmem>> -> memref<1x128xi32, #tpu.memory_space<vmem>>
    %dma_wait3A_325 = tpu.memref_squeeze %dma_wait3A_324 : memref<1x128xi32, #tpu.memory_space<vmem>> -> memref<128xi32, #tpu.memory_space<vmem>>
    %dma_wait3A_326 = arith.constant 0 : i32
    %dma_wait3A_327 = tpu.memref_slice %arg3[%mul3A_2, %dma_wait3A_326] : memref<2560x128xi32, #tpu.memory_space<hbm>> -> memref<1x128xi32, #tpu.memory_space<hbm>>
    %dma_wait3A_328 = tpu.memref_squeeze %dma_wait3A_327 : memref<1x128xi32, #tpu.memory_space<hbm>> -> memref<128xi32, #tpu.memory_space<hbm>>
    %dma_wait3A_329 = arith.constant 0 : i32
    %dma_wait3A_330 = tpu.memref_slice %arg7[%dma_wait3A_322, %dma_wait3A_329] : memref<4x128xi32, #tpu.memory_space<vmem>> -> memref<1x128xi32, #tpu.memory_space<vmem>>
    %dma_wait3A_331 = tpu.memref_squeeze %dma_wait3A_330 : memref<1x128xi32, #tpu.memory_space<vmem>> -> memref<128xi32, #tpu.memory_space<vmem>>
    %dma_wait3A_332 = arith.constant 0 : i32
    %dma_wait3A_333 = tpu.memref_slice %arg3[%mul3A_2, %dma_wait3A_332] : memref<2560x128xi32, #tpu.memory_space<hbm>> -> memref<1x128xi32, #tpu.memory_space<hbm>>
    %dma_wait3A_334 = tpu.memref_squeeze %dma_wait3A_333 : memref<1x128xi32, #tpu.memory_space<hbm>> -> memref<128xi32, #tpu.memory_space<hbm>>
    tpu.wait_dma2 semaphore(%arg11 : memref<!tpu.dma_semaphore, #tpu.memory_space<semaphore_mem>>) src(%dma_wait3A_334 : memref<128xi32, #tpu.memory_space<hbm>>) dst(%dma_wait3A_331 : memref<128xi32, #tpu.memory_space<vmem>>)
    %dma_wait3A_335 = arith.constant 3 : i32
    %dma_wait3A_336 = arith.constant 0 : i32
    %dma_wait3A_337 = tpu.memref_slice %arg8[%dma_wait3A_335, %dma_wait3A_336] : memref<4x128xi32, #tpu.memory_space<vmem>> -> memref<1x128xi32, #tpu.memory_space<vmem>>
    %dma_wait3A_338 = tpu.memref_squeeze %dma_wait3A_337 : memref<1x128xi32, #tpu.memory_space<vmem>> -> memref<128xi32, #tpu.memory_space<vmem>>
    %dma_wait3A_339 = arith.constant 0 : i32
    %dma_wait3A_340 = tpu.memref_slice %arg4[%mul3A_2, %dma_wait3A_339] : memref<2560x128xi32, #tpu.memory_space<hbm>> -> memref<1x128xi32, #tpu.memory_space<hbm>>
    %dma_wait3A_341 = tpu.memref_squeeze %dma_wait3A_340 : memref<1x128xi32, #tpu.memory_space<hbm>> -> memref<128xi32, #tpu.memory_space<hbm>>
    %dma_wait3A_342 = arith.constant 0 : i32
    %dma_wait3A_343 = tpu.memref_slice %arg8[%dma_wait3A_335, %dma_wait3A_342] : memref<4x128xi32, #tpu.memory_space<vmem>> -> memref<1x128xi32, #tpu.memory_space<vmem>>
    %dma_wait3A_344 = tpu.memref_squeeze %dma_wait3A_343 : memref<1x128xi32, #tpu.memory_space<vmem>> -> memref<128xi32, #tpu.memory_space<vmem>>
    %dma_wait3A_345 = arith.constant 0 : i32
    %dma_wait3A_346 = tpu.memref_slice %arg4[%mul3A_2, %dma_wait3A_345] : memref<2560x128xi32, #tpu.memory_space<hbm>> -> memref<1x128xi32, #tpu.memory_space<hbm>>
    %dma_wait3A_347 = tpu.memref_squeeze %dma_wait3A_346 : memref<1x128xi32, #tpu.memory_space<hbm>> -> memref<128xi32, #tpu.memory_space<hbm>>
    tpu.wait_dma2 semaphore(%arg11 : memref<!tpu.dma_semaphore, #tpu.memory_space<semaphore_mem>>) src(%dma_wait3A_347 : memref<128xi32, #tpu.memory_space<hbm>>) dst(%dma_wait3A_344 : memref<128xi32, #tpu.memory_space<vmem>>)
    %dma_start3A_348 = arith.constant 3 : i32
    %dma_start3A_349 = arith.constant 1 : i32
    %dma_start3A_350 = arith.constant 0 : i32
    %dma_start3A_351 = arith.constant 0 : i32
    %dma_start3A_352 = tpu.memref_slice %arg9[%dma_start3A_349, %dma_start3A_350, %dma_start3A_351] : memref<2x128x128xf32, #tpu.memory_space<vmem>> -> memref<1x128x128xf32, #tpu.memory_space<vmem>>
    %dma_start3A_353 = tpu.memref_squeeze %dma_start3A_352 : memref<1x128x128xf32, #tpu.memory_space<vmem>> -> memref<128x128xf32, #tpu.memory_space<vmem>>
    %dma_start3A_354 = arith.constant 0 : i32
    %dma_start3A_355 = tpu.memref_slice %arg7[%dma_start3A_348, %dma_start3A_354] : memref<4x128xi32, #tpu.memory_space<vmem>> -> memref<1x128xi32, #tpu.memory_space<vmem>>
    %dma_start3A_356 = tpu.memref_squeeze %dma_start3A_355 : memref<1x128xi32, #tpu.memory_space<vmem>> -> memref<128xi32, #tpu.memory_space<vmem>>
    %dma_start3A_357 = arith.constant 0 : i32
    %dma_start3A_358 = arith.constant 0 : i32
    %dma_start3A_359 = tpu.memref_slice %arg2[%dma_start3A_357, %dma_start3A_358] : memref<10240x128xf32, #tpu.memory_space<hbm>> -> memref<10240x128xf32, #tpu.memory_space<hbm>>
    tpu.enqueue_indirect_dma source(%dma_start3A_359 : memref<10240x128xf32, #tpu.memory_space<hbm>>) target(%dma_start3A_353 : memref<128x128xf32, #tpu.memory_space<vmem>>) offsets(%dma_start3A_356 : memref<128xi32, #tpu.memory_space<vmem>>) semaphore(%arg13 : memref<!tpu.dma_semaphore, #tpu.memory_space<semaphore_mem>>)
    %dma_wait3A_360 = arith.constant 2 : i32
    %dma_wait3A_361 = arith.constant 0 : i32
    %dma_wait3A_362 = arith.constant 0 : i32
    %dma_wait3A_363 = arith.constant 0 : i32
    %dma_wait3A_364 = tpu.memref_slice %arg9[%dma_wait3A_361, %dma_wait3A_362, %dma_wait3A_363] : memref<2x128x128xf32, #tpu.memory_space<vmem>> -> memref<1x128x128xf32, #tpu.memory_space<vmem>>
    %dma_wait3A_365 = tpu.memref_squeeze %dma_wait3A_364 : memref<1x128x128xf32, #tpu.memory_space<vmem>> -> memref<128x128xf32, #tpu.memory_space<vmem>>
    %dma_wait3A_366 = arith.constant 0 : i32
    %dma_wait3A_367 = tpu.memref_slice %arg7[%dma_wait3A_360, %dma_wait3A_366] : memref<4x128xi32, #tpu.memory_space<vmem>> -> memref<1x128xi32, #tpu.memory_space<vmem>>
    %dma_wait3A_368 = tpu.memref_squeeze %dma_wait3A_367 : memref<1x128xi32, #tpu.memory_space<vmem>> -> memref<128xi32, #tpu.memory_space<vmem>>
    %dma_wait3A_369 = arith.constant 0 : i32
    %dma_wait3A_370 = arith.constant 0 : i32
    %dma_wait3A_371 = tpu.memref_slice %arg2[%dma_wait3A_369, %dma_wait3A_370] : memref<10240x128xf32, #tpu.memory_space<hbm>> -> memref<10240x128xf32, #tpu.memory_space<hbm>>
    tpu.wait_indirect_dma semaphore(%arg12 : memref<!tpu.dma_semaphore, #tpu.memory_space<semaphore_mem>>) src(%dma_wait3A_371 : memref<10240x128xf32, #tpu.memory_space<hbm>>) dst(%dma_wait3A_365 : memref<128x128xf32, #tpu.memory_space<vmem>>)
    %dma_start3A_372 = arith.constant 0 : i32
    %dma_start3A_373 = arith.constant 2 : i32
    %dma_start3A_374 = arith.constant 0 : i32
    %dma_start3A_375 = arith.constant 0 : i32
    %dma_start3A_376 = tpu.memref_slice %arg9[%dma_start3A_372, %dma_start3A_374, %dma_start3A_375] : memref<2x128x128xf32, #tpu.memory_space<vmem>> -> memref<1x128x128xf32, #tpu.memory_space<vmem>>
    %dma_start3A_377 = tpu.memref_squeeze %dma_start3A_376 : memref<1x128x128xf32, #tpu.memory_space<vmem>> -> memref<128x128xf32, #tpu.memory_space<vmem>>
    %dma_start3A_378 = arith.constant 0 : i32
    %dma_start3A_379 = tpu.memref_slice %arg8[%dma_start3A_373, %dma_start3A_378] : memref<4x128xi32, #tpu.memory_space<vmem>> -> memref<1x128xi32, #tpu.memory_space<vmem>>
    %dma_start3A_380 = tpu.memref_squeeze %dma_start3A_379 : memref<1x128xi32, #tpu.memory_space<vmem>> -> memref<128xi32, #tpu.memory_space<vmem>>
    %dma_start3A_381 = arith.constant 0 : i32
    %dma_start3A_382 = arith.constant 0 : i32
    %dma_start3A_383 = tpu.memref_slice %arg10[%dma_start3A_381, %dma_start3A_382] : memref<10240x128xf32, #tpu.memory_space<vmem_shared>> -> memref<10240x128xf32, #tpu.memory_space<vmem_shared>>
    tpu.enqueue_indirect_dma source(%dma_start3A_377 : memref<128x128xf32, #tpu.memory_space<vmem>>) target(%dma_start3A_383 : memref<10240x128xf32, #tpu.memory_space<vmem_shared>>) offsets(%dma_start3A_380 : memref<128xi32, #tpu.memory_space<vmem>>) semaphore(%arg14 : memref<!tpu.dma_semaphore, #tpu.memory_space<semaphore_mem>>) {add = true}
    %dma_wait3A_384 = arith.constant 3 : i32
    %dma_wait3A_385 = arith.constant 1 : i32
    %dma_wait3A_386 = arith.constant 0 : i32
    %dma_wait3A_387 = arith.constant 0 : i32
    %dma_wait3A_388 = tpu.memref_slice %arg9[%dma_wait3A_385, %dma_wait3A_386, %dma_wait3A_387] : memref<2x128x128xf32, #tpu.memory_space<vmem>> -> memref<1x128x128xf32, #tpu.memory_space<vmem>>
    %dma_wait3A_389 = tpu.memref_squeeze %dma_wait3A_388 : memref<1x128x128xf32, #tpu.memory_space<vmem>> -> memref<128x128xf32, #tpu.memory_space<vmem>>
    %dma_wait3A_390 = arith.constant 0 : i32
    %dma_wait3A_391 = tpu.memref_slice %arg7[%dma_wait3A_384, %dma_wait3A_390] : memref<4x128xi32, #tpu.memory_space<vmem>> -> memref<1x128xi32, #tpu.memory_space<vmem>>
    %dma_wait3A_392 = tpu.memref_squeeze %dma_wait3A_391 : memref<1x128xi32, #tpu.memory_space<vmem>> -> memref<128xi32, #tpu.memory_space<vmem>>
    %dma_wait3A_393 = arith.constant 0 : i32
    %dma_wait3A_394 = arith.constant 0 : i32
    %dma_wait3A_395 = tpu.memref_slice %arg2[%dma_wait3A_393, %dma_wait3A_394] : memref<10240x128xf32, #tpu.memory_space<hbm>> -> memref<10240x128xf32, #tpu.memory_space<hbm>>
    tpu.wait_indirect_dma semaphore(%arg13 : memref<!tpu.dma_semaphore, #tpu.memory_space<semaphore_mem>>) src(%dma_wait3A_395 : memref<10240x128xf32, #tpu.memory_space<hbm>>) dst(%dma_wait3A_389 : memref<128x128xf32, #tpu.memory_space<vmem>>)
    %dma_start3A_396 = arith.constant 1 : i32
    %dma_start3A_397 = arith.constant 3 : i32
    %dma_start3A_398 = arith.constant 0 : i32
    %dma_start3A_399 = arith.constant 0 : i32
    %dma_start3A_400 = tpu.memref_slice %arg9[%dma_start3A_396, %dma_start3A_398, %dma_start3A_399] : memref<2x128x128xf32, #tpu.memory_space<vmem>> -> memref<1x128x128xf32, #tpu.memory_space<vmem>>
    %dma_start3A_401 = tpu.memref_squeeze %dma_start3A_400 : memref<1x128x128xf32, #tpu.memory_space<vmem>> -> memref<128x128xf32, #tpu.memory_space<vmem>>
    %dma_start3A_402 = arith.constant 0 : i32
    %dma_start3A_403 = tpu.memref_slice %arg8[%dma_start3A_397, %dma_start3A_402] : memref<4x128xi32, #tpu.memory_space<vmem>> -> memref<1x128xi32, #tpu.memory_space<vmem>>
    %dma_start3A_404 = tpu.memref_squeeze %dma_start3A_403 : memref<1x128xi32, #tpu.memory_space<vmem>> -> memref<128xi32, #tpu.memory_space<vmem>>
    %dma_start3A_405 = arith.constant 0 : i32
    %dma_start3A_406 = arith.constant 0 : i32
    %dma_start3A_407 = tpu.memref_slice %arg10[%dma_start3A_405, %dma_start3A_406] : memref<10240x128xf32, #tpu.memory_space<vmem_shared>> -> memref<10240x128xf32, #tpu.memory_space<vmem_shared>>
    tpu.enqueue_indirect_dma source(%dma_start3A_401 : memref<128x128xf32, #tpu.memory_space<vmem>>) target(%dma_start3A_407 : memref<10240x128xf32, #tpu.memory_space<vmem_shared>>) offsets(%dma_start3A_404 : memref<128xi32, #tpu.memory_space<vmem>>) semaphore(%arg15 : memref<!tpu.dma_semaphore, #tpu.memory_space<semaphore_mem>>) {add = true}
    %dma_wait3A_408 = arith.constant 0 : i32
    %dma_wait3A_409 = arith.constant 2 : i32
    %dma_wait3A_410 = arith.constant 0 : i32
    %dma_wait3A_411 = arith.constant 0 : i32
    %dma_wait3A_412 = tpu.memref_slice %arg9[%dma_wait3A_408, %dma_wait3A_410, %dma_wait3A_411] : memref<2x128x128xf32, #tpu.memory_space<vmem>> -> memref<1x128x128xf32, #tpu.memory_space<vmem>>
    %dma_wait3A_413 = tpu.memref_squeeze %dma_wait3A_412 : memref<1x128x128xf32, #tpu.memory_space<vmem>> -> memref<128x128xf32, #tpu.memory_space<vmem>>
    %dma_wait3A_414 = arith.constant 0 : i32
    %dma_wait3A_415 = tpu.memref_slice %arg8[%dma_wait3A_409, %dma_wait3A_414] : memref<4x128xi32, #tpu.memory_space<vmem>> -> memref<1x128xi32, #tpu.memory_space<vmem>>
    %dma_wait3A_416 = tpu.memref_squeeze %dma_wait3A_415 : memref<1x128xi32, #tpu.memory_space<vmem>> -> memref<128xi32, #tpu.memory_space<vmem>>
    %dma_wait3A_417 = arith.constant 0 : i32
    %dma_wait3A_418 = arith.constant 0 : i32
    %dma_wait3A_419 = tpu.memref_slice %arg10[%dma_wait3A_417, %dma_wait3A_418] : memref<10240x128xf32, #tpu.memory_space<vmem_shared>> -> memref<10240x128xf32, #tpu.memory_space<vmem_shared>>
    tpu.wait_indirect_dma semaphore(%arg14 : memref<!tpu.dma_semaphore, #tpu.memory_space<semaphore_mem>>) src(%dma_wait3A_413 : memref<128x128xf32, #tpu.memory_space<vmem>>) dst(%dma_wait3A_419 : memref<10240x128xf32, #tpu.memory_space<vmem_shared>>)
    %dma_wait3A_420 = arith.constant 1 : i32
    %dma_wait3A_421 = arith.constant 3 : i32
    %dma_wait3A_422 = arith.constant 0 : i32
    %dma_wait3A_423 = arith.constant 0 : i32
    %dma_wait3A_424 = tpu.memref_slice %arg9[%dma_wait3A_420, %dma_wait3A_422, %dma_wait3A_423] : memref<2x128x128xf32, #tpu.memory_space<vmem>> -> memref<1x128x128xf32, #tpu.memory_space<vmem>>
    %dma_wait3A_425 = tpu.memref_squeeze %dma_wait3A_424 : memref<1x128x128xf32, #tpu.memory_space<vmem>> -> memref<128x128xf32, #tpu.memory_space<vmem>>
    %dma_wait3A_426 = arith.constant 0 : i32
    %dma_wait3A_427 = tpu.memref_slice %arg8[%dma_wait3A_421, %dma_wait3A_426] : memref<4x128xi32, #tpu.memory_space<vmem>> -> memref<1x128xi32, #tpu.memory_space<vmem>>
    %dma_wait3A_428 = tpu.memref_squeeze %dma_wait3A_427 : memref<1x128xi32, #tpu.memory_space<vmem>> -> memref<128xi32, #tpu.memory_space<vmem>>
    %dma_wait3A_429 = arith.constant 0 : i32
    %dma_wait3A_430 = arith.constant 0 : i32
    %dma_wait3A_431 = tpu.memref_slice %arg10[%dma_wait3A_429, %dma_wait3A_430] : memref<10240x128xf32, #tpu.memory_space<vmem_shared>> -> memref<10240x128xf32, #tpu.memory_space<vmem_shared>>
    tpu.wait_indirect_dma semaphore(%arg15 : memref<!tpu.dma_semaphore, #tpu.memory_space<semaphore_mem>>) src(%dma_wait3A_425 : memref<128x128xf32, #tpu.memory_space<vmem>>) dst(%dma_wait3A_431 : memref<10240x128xf32, #tpu.memory_space<vmem_shared>>)
    %barrier3A_432 = arith.constant 0 : index
    tpu.barrier barrier_id(%barrier3A_432)
    %mul3A_433 = arith.constant 640 : i32
    %mul3A_434 = arith.muli %arg1, %mul3A_433 : i32
    %mul3A_435 = arith.constant 640 : i32
    %mul3A_436 = arith.muli %arg1, %mul3A_435 : i32
    "tpu.region"() ({
      %run_scoped3A = tpu.sem_alloc : memref<!tpu.dma_semaphore, #tpu.memory_space<semaphore_mem>>
      %dma_start3A_437 = arith.constant 0 : i32
      %dma_start3A_438 = tpu.memref_slice %arg6[%arg0, %mul3A_436, %dma_start3A_437] : memref<2x10240x128xf32, #tpu.memory_space<hbm>> -> memref<1x640x128xf32, #tpu.memory_space<hbm>>
      %dma_start3A_439 = tpu.memref_squeeze %dma_start3A_438 : memref<1x640x128xf32, #tpu.memory_space<hbm>> -> memref<640x128xf32, #tpu.memory_space<hbm>>
      %dma_start3A_440 = arith.constant 0 : i32
      %dma_start3A_441 = tpu.memref_slice %arg10[%mul3A_434, %dma_start3A_440] : memref<10240x128xf32, #tpu.memory_space<vmem_shared>> -> memref<640x128xf32, #tpu.memory_space<vmem_shared>>
      tpu.enqueue_dma source(%dma_start3A_441 : memref<640x128xf32, #tpu.memory_space<vmem_shared>>) target(%dma_start3A_439 : memref<640x128xf32, #tpu.memory_space<hbm>>) target_semaphore(%run_scoped3A : memref<!tpu.dma_semaphore, #tpu.memory_space<semaphore_mem>>)
      %dma_wait3A_442 = arith.constant 0 : i32
      %dma_wait3A_443 = tpu.memref_slice %arg6[%arg0, %mul3A_436, %dma_wait3A_442] : memref<2x10240x128xf32, #tpu.memory_space<hbm>> -> memref<1x640x128xf32, #tpu.memory_space<hbm>>
      %dma_wait3A_444 = tpu.memref_squeeze %dma_wait3A_443 : memref<1x640x128xf32, #tpu.memory_space<hbm>> -> memref<640x128xf32, #tpu.memory_space<hbm>>
      %dma_wait3A_445 = arith.constant 0 : i32
      %dma_wait3A_446 = tpu.memref_slice %arg10[%mul3A_434, %dma_wait3A_445] : memref<10240x128xf32, #tpu.memory_space<vmem_shared>> -> memref<640x128xf32, #tpu.memory_space<vmem_shared>>
      tpu.wait_dma2 semaphore(%run_scoped3A : memref<!tpu.dma_semaphore, #tpu.memory_space<semaphore_mem>>) src(%dma_wait3A_446 : memref<640x128xf32, #tpu.memory_space<vmem_shared>>) dst(%dma_wait3A_444 : memref<640x128xf32, #tpu.memory_space<hbm>>)
      tpu.yield
    }) : () -> ()
    return
  }
}

#map = affine_map<(d0, d1) -> (0, 0)>
module attributes {stable_mosaic.version = 14 : i64} {
  func.func @_seq_gather_sc(%arg0: i32, %arg1: i32, %arg2: memref<10240x128xf32, #tpu.memory_space<hbm>>, %arg3: memref<400x128xi32, #tpu.memory_space<hbm>>, %arg4: memref<51200x128xf32, #tpu.memory_space<hbm>>, %arg5: memref<128xi32, #tpu.memory_space<vmem>>, %arg6: memref<128x128xf32, #tpu.memory_space<vmem>>, %arg7: memref<!tpu.dma_semaphore, #tpu.memory_space<semaphore_mem>>) attributes {dimension_semantics = [#tpu.dimension_semantics<core_parallel>, #tpu.dimension_semantics<subcore_parallel>], iteration_bounds = array<i64: 2, 16>, scalar_prefetch = 0 : i64, scratch_operands = 3 : i64, tpu.core_type = #tpu.core_type<sc_vector_subcore>, window_params = [{transform_indices = #map}, {transform_indices = #map}, {transform_indices = #map}]} {
    %mul3A = arith.constant 16 : i32
    %mul3A_0 = arith.muli %arg0, %mul3A : i32
    %add3A = arith.addi %mul3A_0, %arg1 : i32
    %lt3A = arith.constant 16 : i32
    %lt3A_1 = arith.cmpi slt, %add3A, %lt3A : i32
    %jit3A = arith.constant 13 : i32
    %jit3A_2 = arith.constant 12 : i32
    %select_n3A = arith.select %lt3A_1, %jit3A, %jit3A_2 : i32
    %lt3A_3 = arith.constant 16 : i32
    %lt3A_4 = arith.cmpi slt, %add3A, %lt3A_3 : i32
    %mul3A_5 = arith.constant 13 : i32
    %mul3A_6 = arith.muli %add3A, %mul3A_5 : i32
    %sub3A = arith.constant 16 : i32
    %sub3A_7 = arith.subi %add3A, %sub3A : i32
    %mul3A_8 = arith.constant 12 : i32
    %mul3A_9 = arith.muli %sub3A_7, %mul3A_8 : i32
    %add3A_10 = arith.constant 208 : i32
    %add3A_11 = arith.addi %add3A_10, %mul3A_9 : i32
    %select_n3A_12 = arith.select %lt3A_4, %mul3A_6, %add3A_11 : i32
    %while3A = arith.constant 0 : i32
    %while3A_13 = arith.constant 0 : i32
    %while3A_14 = arith.subi %select_n3A, %while3A_13 : i32
    %while3A_15 = arith.addi %while3A_13, %while3A_14 : i32
    %while3A_16 = arith.constant 1 : i32
    %while3A_17 = arith.divsi %while3A_14, %while3A_16 : i32
    %while3A_18 = arith.muli %while3A_17, %while3A_16 : i32
    %while3A_19 = arith.addi %while3A_13, %while3A_18 : i32
    %while3A_20 = arith.constant 1 : i32
    scf.for %while3A_22 = %while3A_13 to %while3A_19 step %while3A_20  : i32 {
      %add3A_23 = arith.addi %select_n3A_12, %while3A_22 : i32
      "tpu.region"() ({
        %run_scoped3A = tpu.sem_alloc : memref<!tpu.dma_semaphore, #tpu.memory_space<semaphore_mem>>
        %dma_start3A_30 = arith.constant 0 : i32
        %dma_start3A_31 = tpu.memref_slice %arg3[%add3A_23, %dma_start3A_30] : memref<400x128xi32, #tpu.memory_space<hbm>> -> memref<1x128xi32, #tpu.memory_space<hbm>>
        %dma_start3A_32 = tpu.memref_squeeze %dma_start3A_31 : memref<1x128xi32, #tpu.memory_space<hbm>> -> memref<128xi32, #tpu.memory_space<hbm>>
        %dma_start3A_33 = arith.constant 0 : i32
        %dma_start3A_34 = tpu.memref_slice %arg3[%add3A_23, %dma_start3A_33] : memref<400x128xi32, #tpu.memory_space<hbm>> -> memref<1x128xi32, #tpu.memory_space<hbm>>
        %dma_start3A_35 = tpu.memref_squeeze %dma_start3A_34 : memref<1x128xi32, #tpu.memory_space<hbm>> -> memref<128xi32, #tpu.memory_space<hbm>>
        tpu.enqueue_dma source(%dma_start3A_35 : memref<128xi32, #tpu.memory_space<hbm>>) target(%arg5 : memref<128xi32, #tpu.memory_space<vmem>>) target_semaphore(%run_scoped3A : memref<!tpu.dma_semaphore, #tpu.memory_space<semaphore_mem>>)
        %dma_wait3A_36 = arith.constant 0 : i32
        %dma_wait3A_37 = tpu.memref_slice %arg3[%add3A_23, %dma_wait3A_36] : memref<400x128xi32, #tpu.memory_space<hbm>> -> memref<1x128xi32, #tpu.memory_space<hbm>>
        %dma_wait3A_38 = tpu.memref_squeeze %dma_wait3A_37 : memref<1x128xi32, #tpu.memory_space<hbm>> -> memref<128xi32, #tpu.memory_space<hbm>>
        %dma_wait3A_39 = arith.constant 0 : i32
        %dma_wait3A_40 = tpu.memref_slice %arg3[%add3A_23, %dma_wait3A_39] : memref<400x128xi32, #tpu.memory_space<hbm>> -> memref<1x128xi32, #tpu.memory_space<hbm>>
        %dma_wait3A_41 = tpu.memref_squeeze %dma_wait3A_40 : memref<1x128xi32, #tpu.memory_space<hbm>> -> memref<128xi32, #tpu.memory_space<hbm>>
        tpu.wait_dma2 semaphore(%run_scoped3A : memref<!tpu.dma_semaphore, #tpu.memory_space<semaphore_mem>>) src(%dma_wait3A_41 : memref<128xi32, #tpu.memory_space<hbm>>) dst(%arg5 : memref<128xi32, #tpu.memory_space<vmem>>)
        tpu.yield
      }) : () -> ()
      %dma_start3A = arith.constant 0 : i32
      %dma_start3A_24 = arith.constant 0 : i32
      %dma_start3A_25 = tpu.memref_slice %arg2[%dma_start3A, %dma_start3A_24] : memref<10240x128xf32, #tpu.memory_space<hbm>> -> memref<10240x128xf32, #tpu.memory_space<hbm>>
      tpu.enqueue_indirect_dma source(%dma_start3A_25 : memref<10240x128xf32, #tpu.memory_space<hbm>>) target(%arg6 : memref<128x128xf32, #tpu.memory_space<vmem>>) offsets(%arg5 : memref<128xi32, #tpu.memory_space<vmem>>) semaphore(%arg7 : memref<!tpu.dma_semaphore, #tpu.memory_space<semaphore_mem>>)
      %dma_wait3A = arith.constant 0 : i32
      %dma_wait3A_26 = arith.constant 0 : i32
      %dma_wait3A_27 = tpu.memref_slice %arg2[%dma_wait3A, %dma_wait3A_26] : memref<10240x128xf32, #tpu.memory_space<hbm>> -> memref<10240x128xf32, #tpu.memory_space<hbm>>
      tpu.wait_indirect_dma semaphore(%arg7 : memref<!tpu.dma_semaphore, #tpu.memory_space<semaphore_mem>>) src(%dma_wait3A_27 : memref<10240x128xf32, #tpu.memory_space<hbm>>) dst(%arg6 : memref<128x128xf32, #tpu.memory_space<vmem>>)
      %mul3A_28 = arith.constant 128 : i32
      %mul3A_29 = arith.muli %add3A_23, %mul3A_28 : i32
      "tpu.region"() ({
        %run_scoped3A = tpu.sem_alloc : memref<!tpu.dma_semaphore, #tpu.memory_space<semaphore_mem>>
        %dma_start3A_30 = arith.constant 0 : i32
        %dma_start3A_31 = tpu.memref_slice %arg4[%mul3A_29, %dma_start3A_30] : memref<51200x128xf32, #tpu.memory_space<hbm>> -> memref<128x128xf32, #tpu.memory_space<hbm>>
        %dma_start3A_32 = arith.constant 0 : i32
        %dma_start3A_33 = tpu.memref_slice %arg4[%mul3A_29, %dma_start3A_32] : memref<51200x128xf32, #tpu.memory_space<hbm>> -> memref<128x128xf32, #tpu.memory_space<hbm>>
        tpu.enqueue_dma source(%arg6 : memref<128x128xf32, #tpu.memory_space<vmem>>) target(%dma_start3A_33 : memref<128x128xf32, #tpu.memory_space<hbm>>) target_semaphore(%run_scoped3A : memref<!tpu.dma_semaphore, #tpu.memory_space<semaphore_mem>>)
        %dma_wait3A_34 = arith.constant 0 : i32
        %dma_wait3A_35 = tpu.memref_slice %arg4[%mul3A_29, %dma_wait3A_34] : memref<51200x128xf32, #tpu.memory_space<hbm>> -> memref<128x128xf32, #tpu.memory_space<hbm>>
        %dma_wait3A_36 = arith.constant 0 : i32
        %dma_wait3A_37 = tpu.memref_slice %arg4[%mul3A_29, %dma_wait3A_36] : memref<51200x128xf32, #tpu.memory_space<hbm>> -> memref<128x128xf32, #tpu.memory_space<hbm>>
        tpu.wait_dma2 semaphore(%run_scoped3A : memref<!tpu.dma_semaphore, #tpu.memory_space<semaphore_mem>>) src(%arg6 : memref<128x128xf32, #tpu.memory_space<vmem>>) dst(%dma_wait3A_37 : memref<128x128xf32, #tpu.memory_space<hbm>>)
        tpu.yield
      }) : () -> ()
    }
    %while3A_21 = arith.constant 1 : i32
    scf.for %while3A_22 = %while3A_19 to %while3A_15 step %while3A_21  : i32 {
      %add3A_23 = arith.addi %select_n3A_12, %while3A_22 : i32
      "tpu.region"() ({
        %run_scoped3A = tpu.sem_alloc : memref<!tpu.dma_semaphore, #tpu.memory_space<semaphore_mem>>
        %dma_start3A_30 = arith.constant 0 : i32
        %dma_start3A_31 = tpu.memref_slice %arg3[%add3A_23, %dma_start3A_30] : memref<400x128xi32, #tpu.memory_space<hbm>> -> memref<1x128xi32, #tpu.memory_space<hbm>>
        %dma_start3A_32 = tpu.memref_squeeze %dma_start3A_31 : memref<1x128xi32, #tpu.memory_space<hbm>> -> memref<128xi32, #tpu.memory_space<hbm>>
        %dma_start3A_33 = arith.constant 0 : i32
        %dma_start3A_34 = tpu.memref_slice %arg3[%add3A_23, %dma_start3A_33] : memref<400x128xi32, #tpu.memory_space<hbm>> -> memref<1x128xi32, #tpu.memory_space<hbm>>
        %dma_start3A_35 = tpu.memref_squeeze %dma_start3A_34 : memref<1x128xi32, #tpu.memory_space<hbm>> -> memref<128xi32, #tpu.memory_space<hbm>>
        tpu.enqueue_dma source(%dma_start3A_35 : memref<128xi32, #tpu.memory_space<hbm>>) target(%arg5 : memref<128xi32, #tpu.memory_space<vmem>>) target_semaphore(%run_scoped3A : memref<!tpu.dma_semaphore, #tpu.memory_space<semaphore_mem>>)
        %dma_wait3A_36 = arith.constant 0 : i32
        %dma_wait3A_37 = tpu.memref_slice %arg3[%add3A_23, %dma_wait3A_36] : memref<400x128xi32, #tpu.memory_space<hbm>> -> memref<1x128xi32, #tpu.memory_space<hbm>>
        %dma_wait3A_38 = tpu.memref_squeeze %dma_wait3A_37 : memref<1x128xi32, #tpu.memory_space<hbm>> -> memref<128xi32, #tpu.memory_space<hbm>>
        %dma_wait3A_39 = arith.constant 0 : i32
        %dma_wait3A_40 = tpu.memref_slice %arg3[%add3A_23, %dma_wait3A_39] : memref<400x128xi32, #tpu.memory_space<hbm>> -> memref<1x128xi32, #tpu.memory_space<hbm>>
        %dma_wait3A_41 = tpu.memref_squeeze %dma_wait3A_40 : memref<1x128xi32, #tpu.memory_space<hbm>> -> memref<128xi32, #tpu.memory_space<hbm>>
        tpu.wait_dma2 semaphore(%run_scoped3A : memref<!tpu.dma_semaphore, #tpu.memory_space<semaphore_mem>>) src(%dma_wait3A_41 : memref<128xi32, #tpu.memory_space<hbm>>) dst(%arg5 : memref<128xi32, #tpu.memory_space<vmem>>)
        tpu.yield
      }) : () -> ()
      %dma_start3A = arith.constant 0 : i32
      %dma_start3A_24 = arith.constant 0 : i32
      %dma_start3A_25 = tpu.memref_slice %arg2[%dma_start3A, %dma_start3A_24] : memref<10240x128xf32, #tpu.memory_space<hbm>> -> memref<10240x128xf32, #tpu.memory_space<hbm>>
      tpu.enqueue_indirect_dma source(%dma_start3A_25 : memref<10240x128xf32, #tpu.memory_space<hbm>>) target(%arg6 : memref<128x128xf32, #tpu.memory_space<vmem>>) offsets(%arg5 : memref<128xi32, #tpu.memory_space<vmem>>) semaphore(%arg7 : memref<!tpu.dma_semaphore, #tpu.memory_space<semaphore_mem>>)
      %dma_wait3A = arith.constant 0 : i32
      %dma_wait3A_26 = arith.constant 0 : i32
      %dma_wait3A_27 = tpu.memref_slice %arg2[%dma_wait3A, %dma_wait3A_26] : memref<10240x128xf32, #tpu.memory_space<hbm>> -> memref<10240x128xf32, #tpu.memory_space<hbm>>
      tpu.wait_indirect_dma semaphore(%arg7 : memref<!tpu.dma_semaphore, #tpu.memory_space<semaphore_mem>>) src(%dma_wait3A_27 : memref<10240x128xf32, #tpu.memory_space<hbm>>) dst(%arg6 : memref<128x128xf32, #tpu.memory_space<vmem>>)
      %mul3A_28 = arith.constant 128 : i32
      %mul3A_29 = arith.muli %add3A_23, %mul3A_28 : i32
      "tpu.region"() ({
        %run_scoped3A = tpu.sem_alloc : memref<!tpu.dma_semaphore, #tpu.memory_space<semaphore_mem>>
        %dma_start3A_30 = arith.constant 0 : i32
        %dma_start3A_31 = tpu.memref_slice %arg4[%mul3A_29, %dma_start3A_30] : memref<51200x128xf32, #tpu.memory_space<hbm>> -> memref<128x128xf32, #tpu.memory_space<hbm>>
        %dma_start3A_32 = arith.constant 0 : i32
        %dma_start3A_33 = tpu.memref_slice %arg4[%mul3A_29, %dma_start3A_32] : memref<51200x128xf32, #tpu.memory_space<hbm>> -> memref<128x128xf32, #tpu.memory_space<hbm>>
        tpu.enqueue_dma source(%arg6 : memref<128x128xf32, #tpu.memory_space<vmem>>) target(%dma_start3A_33 : memref<128x128xf32, #tpu.memory_space<hbm>>) target_semaphore(%run_scoped3A : memref<!tpu.dma_semaphore, #tpu.memory_space<semaphore_mem>>)
        %dma_wait3A_34 = arith.constant 0 : i32
        %dma_wait3A_35 = tpu.memref_slice %arg4[%mul3A_29, %dma_wait3A_34] : memref<51200x128xf32, #tpu.memory_space<hbm>> -> memref<128x128xf32, #tpu.memory_space<hbm>>
        %dma_wait3A_36 = arith.constant 0 : i32
        %dma_wait3A_37 = tpu.memref_slice %arg4[%mul3A_29, %dma_wait3A_36] : memref<51200x128xf32, #tpu.memory_space<hbm>> -> memref<128x128xf32, #tpu.memory_space<hbm>>
        tpu.wait_dma2 semaphore(%run_scoped3A : memref<!tpu.dma_semaphore, #tpu.memory_space<semaphore_mem>>) src(%arg6 : memref<128x128xf32, #tpu.memory_space<vmem>>) dst(%dma_wait3A_37 : memref<128x128xf32, #tpu.memory_space<hbm>>)
        tpu.yield
      }) : () -> ()
    }
    return
  }
}

module attributes {stable_mosaic.version = 14 : i64} {
  func.func @_prep_body(%arg0: memref<32x2x10240xf32, #tpu.memory_space<vmem>>, %arg1: memref<5000x128xf32, #tpu.memory_space<vmem>>, %arg2: memref<5000x128xf32, #tpu.memory_space<vmem>>, %arg3: memref<10240x1xf32, #tpu.memory_space<vmem>>, %arg4: memref<10240x1xf32, #tpu.memory_space<vmem>>, %arg5: memref<10240x128xf32, #tpu.memory_space<vmem>>, %arg6: memref<10240x128xf32, #tpu.memory_space<vmem>>) attributes {dimension_semantics = [], scalar_prefetch = 0 : i64, scratch_operands = 0 : i64, tpu.core_type = #tpu.core_type<tc>} {
    %get3A = arith.constant 0 : index
    %get3A_0 = arith.constant 0 : index
    %get3A_1 = arith.constant 0 : index
    %get3A_2 = vector.load %arg0[%get3A, %get3A_0, %get3A_1] : memref<32x2x10240xf32, #tpu.memory_space<vmem>>, vector<32x2x10240xf32>
    %reduce_sum3A = arith.constant dense<0.000000e+00> : vector<2x10240xf32>
    %reduce_sum3A_3 = vector.multi_reduction <add>, %get3A_2, %reduce_sum3A [0] : vector<32x2x10240xf32> to vector<2x10240xf32>
    %max3A = arith.constant 1.000000e+00 : f32
    %max3A_4 = vector.broadcast %max3A : f32 to vector<2x10240xf32>
    %max3A_5 = arith.maximumf %reduce_sum3A_3, %max3A_4 : vector<2x10240xf32>
    %rsqrt3A = math.rsqrt %max3A_5 : vector<2x10240xf32>
    %slice3A = vector.extract_strided_slice %rsqrt3A {offsets = [0, 0], sizes = [1, 10240], strides = [1, 1]} : vector<2x10240xf32> to vector<1x10240xf32>
    %squeeze3A = vector.shape_cast %slice3A : vector<1x10240xf32> to vector<10240xf32>
    %reshape3A = vector.shape_cast %squeeze3A : vector<10240xf32> to vector<10240x1xf32>
    %slice3A_6 = vector.extract_strided_slice %rsqrt3A {offsets = [1, 0], sizes = [1, 10240], strides = [1, 1]} : vector<2x10240xf32> to vector<1x10240xf32>
    %squeeze3A_7 = vector.shape_cast %slice3A_6 : vector<1x10240xf32> to vector<10240xf32>
    %reshape3A_8 = vector.shape_cast %squeeze3A_7 : vector<10240xf32> to vector<10240x1xf32>
    %swap3A = arith.constant 0 : index
    %swap3A_9 = arith.constant 0 : index
    %swap3A_10 = vector.load %arg3[%swap3A, %swap3A_9] : memref<10240x1xf32, #tpu.memory_space<vmem>>, vector<10240x1xf32>
    tpu.vector_store %arg3[%swap3A, %swap3A_9], %reshape3A {strides = array<i32>} : memref<10240x1xf32, #tpu.memory_space<vmem>>, vector<10240x1xf32>,
    %swap3A_11 = arith.constant 0 : index
    %swap3A_12 = arith.constant 0 : index
    %swap3A_13 = vector.load %arg4[%swap3A_11, %swap3A_12] : memref<10240x1xf32, #tpu.memory_space<vmem>>, vector<10240x1xf32>
    tpu.vector_store %arg4[%swap3A_11, %swap3A_12], %reshape3A_8 {strides = array<i32>} : memref<10240x1xf32, #tpu.memory_space<vmem>>, vector<10240x1xf32>,
    %broadcast_in_dim3A = arith.constant 0.000000e+00 : f32
    %broadcast_in_dim3A_14 = vector.broadcast %broadcast_in_dim3A : f32 to vector<240x128xf32>
    %get3A_15 = arith.constant 0 : index
    %get3A_16 = arith.constant 0 : index
    %get3A_17 = vector.load %arg1[%get3A_15, %get3A_16] : memref<5000x128xf32, #tpu.memory_space<vmem>>, vector<5000x128xf32>
    %get3A_18 = arith.constant 0 : index
    %get3A_19 = arith.constant 0 : index
    %get3A_20 = vector.load %arg2[%get3A_18, %get3A_19] : memref<5000x128xf32, #tpu.memory_space<vmem>>, vector<5000x128xf32>
    %concatenate3A = tpu.concatenate %get3A_17, %get3A_20, %broadcast_in_dim3A_14 in 0 : vector<5000x128xf32>, vector<5000x128xf32>, vector<240x128xf32> -> vector<10240x128xf32>
    %swap3A_21 = arith.constant 0 : index
    %swap3A_22 = arith.constant 0 : index
    %swap3A_23 = vector.load %arg5[%swap3A_21, %swap3A_22] : memref<10240x128xf32, #tpu.memory_space<vmem>>, vector<10240x128xf32>
    tpu.vector_store %arg5[%swap3A_21, %swap3A_22], %concatenate3A {strides = array<i32>} : memref<10240x128xf32, #tpu.memory_space<vmem>>, vector<10240x128xf32>,
    %mul3A = vector.broadcast %reshape3A : vector<10240x1xf32> to vector<10240x128xf32>
    %mul3A_24 = arith.mulf %mul3A, %concatenate3A : vector<10240x128xf32>
    %swap3A_25 = arith.constant 0 : index
    %swap3A_26 = arith.constant 0 : index
    %swap3A_27 = vector.load %arg6[%swap3A_25, %swap3A_26] : memref<10240x128xf32, #tpu.memory_space<vmem>>, vector<10240x128xf32>
    tpu.vector_store %arg6[%swap3A_25, %swap3A_26], %mul3A_24 {strides = array<i32>} : memref<10240x128xf32, #tpu.memory_space<vmem>>, vector<10240x128xf32>,
    return
  }
}

module attributes {stable_mosaic.version = 14 : i64} {
  func.func @_combine_body(%arg0: memref<2x10240x128xf32, #tpu.memory_space<vmem>>, %arg1: memref<10240x1xf32, #tpu.memory_space<vmem>>, %arg2: memref<10240x1xf32, #tpu.memory_space<vmem>>, %arg3: memref<10240x128xf32, #tpu.memory_space<vmem>>, %arg4: memref<10240x128xf32, #tpu.memory_space<vmem>>, %arg5: memref<10240x128xf32, #tpu.memory_space<vmem>>) attributes {dimension_semantics = [], scalar_prefetch = 0 : i64, scratch_operands = 0 : i64, tpu.core_type = #tpu.core_type<tc>} {
    %get3A = arith.constant 0 : index
    %get3A_0 = arith.constant 0 : index
    %get3A_1 = vector.load %arg2[%get3A, %get3A_0] : memref<10240x1xf32, #tpu.memory_space<vmem>>, vector<10240x1xf32>
    %get3A_2 = arith.constant 0 : index
    %get3A_3 = arith.constant 0 : index
    %get3A_4 = arith.constant 0 : index
    %get3A_5 = vector.load %arg0[%get3A_2, %get3A_3, %get3A_4] : memref<2x10240x128xf32, #tpu.memory_space<vmem>>, vector<2x10240x128xf32>
    %reduce_sum3A = arith.constant dense<0.000000e+00> : vector<10240x128xf32>
    %reduce_sum3A_6 = vector.multi_reduction <add>, %get3A_5, %reduce_sum3A [0] : vector<2x10240x128xf32> to vector<10240x128xf32>
    %mul3A = vector.broadcast %get3A_1 : vector<10240x1xf32> to vector<10240x128xf32>
    %mul3A_7 = arith.mulf %mul3A, %reduce_sum3A_6 : vector<10240x128xf32>
    %get3A_8 = arith.constant 0 : index
    %get3A_9 = arith.constant 0 : index
    %get3A_10 = vector.load %arg1[%get3A_8, %get3A_9] : memref<10240x1xf32, #tpu.memory_space<vmem>>, vector<10240x1xf32>
    %mul3A_11 = vector.broadcast %get3A_10 : vector<10240x1xf32> to vector<10240x128xf32>
    %mul3A_12 = arith.mulf %mul3A_11, %mul3A_7 : vector<10240x128xf32>
    %swap3A = arith.constant 0 : index
    %swap3A_13 = arith.constant 0 : index
    %swap3A_14 = vector.load %arg4[%swap3A, %swap3A_13] : memref<10240x128xf32, #tpu.memory_space<vmem>>, vector<10240x128xf32>
    tpu.vector_store %arg4[%swap3A, %swap3A_13], %mul3A_12 {strides = array<i32>} : memref<10240x128xf32, #tpu.memory_space<vmem>>, vector<10240x128xf32>,
    %get3A_15 = arith.constant 0 : index
    %get3A_16 = arith.constant 0 : index
    %get3A_17 = vector.load %arg3[%get3A_15, %get3A_16] : memref<10240x128xf32, #tpu.memory_space<vmem>>, vector<10240x128xf32>
    %add3A = arith.addf %get3A_17, %mul3A_7 : vector<10240x128xf32>
    %swap3A_18 = arith.constant 0 : index
    %swap3A_19 = arith.constant 0 : index
    %swap3A_20 = vector.load %arg5[%swap3A_18, %swap3A_19] : memref<10240x128xf32, #tpu.memory_space<vmem>>, vector<10240x128xf32>
    tpu.vector_store %arg5[%swap3A_18, %swap3A_19], %add3A {strides = array<i32>} : memref<10240x128xf32, #tpu.memory_space<vmem>>, vector<10240x128xf32>,
    return
  }
}

module attributes {stable_mosaic.version = 14 : i64} {
  func.func @_final_body(%arg0: memref<2x10240x128xf32, #tpu.memory_space<vmem>>, %arg1: memref<10240x1xf32, #tpu.memory_space<vmem>>, %arg2: memref<10240x128xf32, #tpu.memory_space<vmem>>, %arg3: memref<10240x128xf32, #tpu.memory_space<vmem>>) attributes {dimension_semantics = [], scalar_prefetch = 0 : i64, scratch_operands = 0 : i64, tpu.core_type = #tpu.core_type<tc>} {
    %get3A = arith.constant 0 : index
    %get3A_0 = arith.constant 0 : index
    %get3A_1 = vector.load %arg1[%get3A, %get3A_0] : memref<10240x1xf32, #tpu.memory_space<vmem>>, vector<10240x1xf32>
    %get3A_2 = arith.constant 0 : index
    %get3A_3 = arith.constant 0 : index
    %get3A_4 = arith.constant 0 : index
    %get3A_5 = vector.load %arg0[%get3A_2, %get3A_3, %get3A_4] : memref<2x10240x128xf32, #tpu.memory_space<vmem>>, vector<2x10240x128xf32>
    %reduce_sum3A = arith.constant dense<0.000000e+00> : vector<10240x128xf32>
    %reduce_sum3A_6 = vector.multi_reduction <add>, %get3A_5, %reduce_sum3A [0] : vector<2x10240x128xf32> to vector<10240x128xf32>
    %mul3A = vector.broadcast %get3A_1 : vector<10240x1xf32> to vector<10240x128xf32>
    %mul3A_7 = arith.mulf %mul3A, %reduce_sum3A_6 : vector<10240x128xf32>
    %get3A_8 = arith.constant 0 : index
    %get3A_9 = arith.constant 0 : index
    %get3A_10 = vector.load %arg2[%get3A_8, %get3A_9] : memref<10240x128xf32, #tpu.memory_space<vmem>>, vector<10240x128xf32>
    %add3A = arith.addf %get3A_10, %mul3A_7 : vector<10240x128xf32>
    %mul3A_11 = arith.constant 0.333333343 : f32
    %mul3A_12 = vector.broadcast %mul3A_11 : f32 to vector<10240x128xf32>
    %mul3A_13 = arith.mulf %add3A, %mul3A_12 : vector<10240x128xf32>
    %swap3A = arith.constant 0 : index
    %swap3A_14 = arith.constant 0 : index
    %swap3A_15 = vector.load %arg3[%swap3A, %swap3A_14] : memref<10240x128xf32, #tpu.memory_space<vmem>>, vector<10240x128xf32>
    tpu.vector_store %arg3[%swap3A, %swap3A_14], %mul3A_13 {strides = array<i32>} : memref<10240x128xf32, #tpu.memory_space<vmem>>, vector<10240x128xf32>,
    return
  }
}

module attributes {stable_mosaic.version = 14 : i64} {
  func.func @_gru_body(%arg0: i32, %arg1: memref<1024x128xf32, #tpu.memory_space<vmem>>, %arg2: memref<128x384xf32, #tpu.memory_space<vmem>>, %arg3: memref<128x384xf32, #tpu.memory_space<vmem>>, %arg4: memref<1x384xf32, #tpu.memory_space<vmem>>, %arg5: memref<1x384xf32, #tpu.memory_space<vmem>>, %arg6: memref<128x384xf32, #tpu.memory_space<vmem>>, %arg7: memref<1x384xf32, #tpu.memory_space<vmem>>, %arg8: memref<1x384xf32, #tpu.memory_space<vmem>>, %arg9: memref<1024x128xf32, #tpu.memory_space<vmem>>, %arg10: memref<1024x128xf32, #tpu.memory_space<vmem>>) attributes {dimension_semantics = [#tpu.dimension_semantics<arbitrary>], iteration_bounds = array<i64: 50>, scalar_prefetch = 0 : i64, scratch_operands = 1 : i64, tpu.core_type = #tpu.core_type<tc>, window_params = [{transform_indices = @transform_0, window_bounds = array<i64: 1024, 128>}, {pipeline_mode = #tpu.pipeline_mode<synchronous>, transform_indices = @transform_1, window_bounds = array<i64: 128, 384>}, {pipeline_mode = #tpu.pipeline_mode<synchronous>, transform_indices = @transform_2, window_bounds = array<i64: 128, 384>}, {pipeline_mode = #tpu.pipeline_mode<synchronous>, transform_indices = @transform_3, window_bounds = array<i64: 1, 384>}, {pipeline_mode = #tpu.pipeline_mode<synchronous>, transform_indices = @transform_4, window_bounds = array<i64: 1, 384>}, {pipeline_mode = #tpu.pipeline_mode<synchronous>, transform_indices = @transform_5, window_bounds = array<i64: 128, 384>}, {pipeline_mode = #tpu.pipeline_mode<synchronous>, transform_indices = @transform_6, window_bounds = array<i64: 1, 384>}, {pipeline_mode = #tpu.pipeline_mode<synchronous>, transform_indices = @transform_7, window_bounds = array<i64: 1, 384>}, {pipeline_mode = #tpu.pipeline_mode<synchronous>, transform_indices = @transform_8, window_bounds = array<i64: 1024, 128>}]} {
    %eq3A = arith.constant 0 : i32
    %eq3A_0 = arith.cmpi eq, %arg0, %eq3A : i32
    %convert_element_type3A = arith.extui %eq3A_0 : i1 to i32
    %cond3A = arith.constant 0 : i32
    %cond3A_1 = arith.cmpi ne, %convert_element_type3A, %cond3A : i32
    scf.if %cond3A_1 {
      %broadcast_in_dim3A = arith.constant 0.000000e+00 : f32
      %broadcast_in_dim3A_56 = vector.broadcast %broadcast_in_dim3A : f32 to vector<1024x128xf32>
      %swap3A_57 = arith.constant 0 : index
      %swap3A_58 = arith.constant 0 : index
      %swap3A_59 = vector.load %arg10[%swap3A_57, %swap3A_58] : memref<1024x128xf32, #tpu.memory_space<vmem>>, vector<1024x128xf32>
      tpu.vector_store %arg10[%swap3A_57, %swap3A_58], %broadcast_in_dim3A_56 {strides = array<i32>} : memref<1024x128xf32, #tpu.memory_space<vmem>>, vector<1024x128xf32>,
    } else {
    }
    %get3A = arith.constant 0 : index
    %get3A_2 = arith.constant 0 : index
    %get3A_3 = vector.load %arg10[%get3A, %get3A_2] : memref<1024x128xf32, #tpu.memory_space<vmem>>, vector<1024x128xf32>
    %get3A_4 = arith.constant 0 : index
    %get3A_5 = arith.constant 0 : index
    %get3A_6 = vector.load %arg1[%get3A_4, %get3A_5] : memref<1024x128xf32, #tpu.memory_space<vmem>>, vector<1024x128xf32>
    %get3A_7 = arith.constant 0 : index
    %get3A_8 = arith.constant 0 : index
    %get3A_9 = vector.load %arg2[%get3A_7, %get3A_8] : memref<128x384xf32, #tpu.memory_space<vmem>>, vector<128x384xf32>
    %dot_general3A = arith.constant dense<0.000000e+00> : vector<1024x384xf32>
    %dot_general3A_10 = tpu.matmul %get3A_6, %get3A_9, %dot_general3A {dimension_numbers = #tpu.dot_dimension_numbers<[1], [0], [0], [1], [0, 0, 1, 1], [], []>, transpose_lhs_hint = false} : vector<1024x128xf32>, vector<128x384xf32>, vector<1024x384xf32> -> vector<1024x384xf32>
    %get3A_11 = arith.constant 0 : index
    %get3A_12 = arith.constant 0 : index
    %get3A_13 = vector.load %arg4[%get3A_11, %get3A_12] : memref<1x384xf32, #tpu.memory_space<vmem>>, vector<1x384xf32>
    %add3A = vector.broadcast %get3A_13 : vector<1x384xf32> to vector<1024x384xf32>
    %add3A_14 = arith.addf %dot_general3A_10, %add3A : vector<1024x384xf32>
    %get3A_15 = arith.constant 0 : index
    %get3A_16 = arith.constant 0 : index
    %get3A_17 = vector.load %arg3[%get3A_15, %get3A_16] : memref<128x384xf32, #tpu.memory_space<vmem>>, vector<128x384xf32>
    %dot_general3A_18 = arith.constant dense<0.000000e+00> : vector<1024x384xf32>
    %dot_general3A_19 = tpu.matmul %get3A_3, %get3A_17, %dot_general3A_18 {dimension_numbers = #tpu.dot_dimension_numbers<[1], [0], [0], [1], [0, 0, 1, 1], [], []>, transpose_lhs_hint = false} : vector<1024x128xf32>, vector<128x384xf32>, vector<1024x384xf32> -> vector<1024x384xf32>
    %get3A_20 = arith.constant 0 : index
    %get3A_21 = arith.constant 0 : index
    %get3A_22 = vector.load %arg5[%get3A_20, %get3A_21] : memref<1x384xf32, #tpu.memory_space<vmem>>, vector<1x384xf32>
    %add3A_23 = vector.broadcast %get3A_22 : vector<1x384xf32> to vector<1024x384xf32>
    %add3A_24 = arith.addf %dot_general3A_19, %add3A_23 : vector<1024x384xf32>
    %slice3A = vector.extract_strided_slice %add3A_14 {offsets = [0, 0], sizes = [1024, 128], strides = [1, 1]} : vector<1024x384xf32> to vector<1024x128xf32>
    %slice3A_25 = vector.extract_strided_slice %add3A_24 {offsets = [0, 0], sizes = [1024, 128], strides = [1, 1]} : vector<1024x384xf32> to vector<1024x128xf32>
    %add3A_26 = arith.addf %slice3A, %slice3A_25 : vector<1024x128xf32>
    %logistic3A = arith.negf %add3A_26 : vector<1024x128xf32>
    %logistic3A_27 = math.exp %logistic3A : vector<1024x128xf32>
    %logistic3A_28 = arith.constant 1.000000e+00 : f32
    %logistic3A_29 = vector.broadcast %logistic3A_28 : f32 to vector<1024x128xf32>
    %logistic3A_30 = arith.addf %logistic3A_29, %logistic3A_27 : vector<1024x128xf32>
    %logistic3A_31 = arith.divf %logistic3A_29, %logistic3A_30 : vector<1024x128xf32>
    %slice3A_32 = vector.extract_strided_slice %add3A_14 {offsets = [0, 128], sizes = [1024, 128], strides = [1, 1]} : vector<1024x384xf32> to vector<1024x128xf32>
    %slice3A_33 = vector.extract_strided_slice %add3A_24 {offsets = [0, 128], sizes = [1024, 128], strides = [1, 1]} : vector<1024x384xf32> to vector<1024x128xf32>
    %add3A_34 = arith.addf %slice3A_32, %slice3A_33 : vector<1024x128xf32>
    %logistic3A_35 = arith.negf %add3A_34 : vector<1024x128xf32>
    %logistic3A_36 = math.exp %logistic3A_35 : vector<1024x128xf32>
    %logistic3A_37 = arith.constant 1.000000e+00 : f32
    %logistic3A_38 = vector.broadcast %logistic3A_37 : f32 to vector<1024x128xf32>
    %logistic3A_39 = arith.addf %logistic3A_38, %logistic3A_36 : vector<1024x128xf32>
    %logistic3A_40 = arith.divf %logistic3A_38, %logistic3A_39 : vector<1024x128xf32>
    %slice3A_41 = vector.extract_strided_slice %add3A_14 {offsets = [0, 256], sizes = [1024, 128], strides = [1, 1]} : vector<1024x384xf32> to vector<1024x128xf32>
    %slice3A_42 = vector.extract_strided_slice %add3A_24 {offsets = [0, 256], sizes = [1024, 128], strides = [1, 1]} : vector<1024x384xf32> to vector<1024x128xf32>
    %mul3A = arith.mulf %logistic3A_31, %slice3A_42 : vector<1024x128xf32>
    %add3A_43 = arith.addf %slice3A_41, %mul3A : vector<1024x128xf32>
    %tanh3A = math.tanh %add3A_43 : vector<1024x128xf32>
    %sub3A = arith.constant 1.000000e+00 : f32
    %sub3A_44 = vector.broadcast %sub3A : f32 to vector<1024x128xf32>
    %sub3A_45 = arith.subf %sub3A_44, %logistic3A_40 : vector<1024x128xf32>
    %mul3A_46 = arith.mulf %sub3A_45, %tanh3A : vector<1024x128xf32>
    %mul3A_47 = arith.mulf %logistic3A_40, %get3A_3 : vector<1024x128xf32>
    %add3A_48 = arith.addf %mul3A_46, %mul3A_47 : vector<1024x128xf32>
    %swap3A = arith.constant 0 : index
    %swap3A_49 = arith.constant 0 : index
    %swap3A_50 = vector.load %arg10[%swap3A, %swap3A_49] : memref<1024x128xf32, #tpu.memory_space<vmem>>, vector<1024x128xf32>
    tpu.vector_store %arg10[%swap3A, %swap3A_49], %add3A_48 {strides = array<i32>} : memref<1024x128xf32, #tpu.memory_space<vmem>>, vector<1024x128xf32>,
    %eq3A_51 = arith.constant 49 : i32
    %eq3A_52 = arith.cmpi eq, %arg0, %eq3A_51 : i32
    %convert_element_type3A_53 = arith.extui %eq3A_52 : i1 to i32
    %cond3A_54 = arith.constant 0 : i32
    %cond3A_55 = arith.cmpi ne, %convert_element_type3A_53, %cond3A_54 : i32
    scf.if %cond3A_55 {
      %get3A_56 = arith.constant 0 : index
      %get3A_57 = arith.constant 0 : index
      %get3A_58 = vector.load %arg6[%get3A_56, %get3A_57] : memref<128x384xf32, #tpu.memory_space<vmem>>, vector<128x384xf32>
      %dot_general3A_59 = arith.constant dense<0.000000e+00> : vector<1024x384xf32>
      %dot_general3A_60 = tpu.matmul %add3A_48, %get3A_58, %dot_general3A_59 {dimension_numbers = #tpu.dot_dimension_numbers<[1], [0], [0], [1], [0, 0, 1, 1], [], []>, transpose_lhs_hint = false} : vector<1024x128xf32>, vector<128x384xf32>, vector<1024x384xf32> -> vector<1024x384xf32>
      %get3A_61 = arith.constant 0 : index
      %get3A_62 = arith.constant 0 : index
      %get3A_63 = vector.load %arg7[%get3A_61, %get3A_62] : memref<1x384xf32, #tpu.memory_space<vmem>>, vector<1x384xf32>
      %add3A_64 = vector.broadcast %get3A_63 : vector<1x384xf32> to vector<1024x384xf32>
      %add3A_65 = arith.addf %dot_general3A_60, %add3A_64 : vector<1024x384xf32>
      %slice3A_66 = vector.extract_strided_slice %add3A_65 {offsets = [0, 0], sizes = [1024, 128], strides = [1, 1]} : vector<1024x384xf32> to vector<1024x128xf32>
      %get3A_67 = arith.constant 0 : index
      %get3A_68 = arith.constant 0 : index
      %get3A_69 = vector.load %arg8[%get3A_67, %get3A_68] : memref<1x384xf32, #tpu.memory_space<vmem>>, vector<1x128xf32>
      %add3A_70 = vector.broadcast %get3A_69 : vector<1x128xf32> to vector<1024x128xf32>
      %add3A_71 = arith.addf %slice3A_66, %add3A_70 : vector<1024x128xf32>
      %logistic3A_72 = arith.negf %add3A_71 : vector<1024x128xf32>
      %logistic3A_73 = math.exp %logistic3A_72 : vector<1024x128xf32>
      %logistic3A_74 = arith.constant 1.000000e+00 : f32
      %logistic3A_75 = vector.broadcast %logistic3A_74 : f32 to vector<1024x128xf32>
      %logistic3A_76 = arith.addf %logistic3A_75, %logistic3A_73 : vector<1024x128xf32>
      %logistic3A_77 = arith.divf %logistic3A_75, %logistic3A_76 : vector<1024x128xf32>
      %slice3A_78 = vector.extract_strided_slice %add3A_65 {offsets = [0, 128], sizes = [1024, 128], strides = [1, 1]} : vector<1024x384xf32> to vector<1024x128xf32>
      %get3A_79 = arith.constant 0 : index
      %get3A_80 = arith.constant 128 : index
      %get3A_81 = vector.load %arg8[%get3A_79, %get3A_80] : memref<1x384xf32, #tpu.memory_space<vmem>>, vector<1x128xf32>
      %add3A_82 = vector.broadcast %get3A_81 : vector<1x128xf32> to vector<1024x128xf32>
      %add3A_83 = arith.addf %slice3A_78, %add3A_82 : vector<1024x128xf32>
      %logistic3A_84 = arith.negf %add3A_83 : vector<1024x128xf32>
      %logistic3A_85 = math.exp %logistic3A_84 : vector<1024x128xf32>
      %logistic3A_86 = arith.constant 1.000000e+00 : f32
      %logistic3A_87 = vector.broadcast %logistic3A_86 : f32 to vector<1024x128xf32>
      %logistic3A_88 = arith.addf %logistic3A_87, %logistic3A_85 : vector<1024x128xf32>
      %logistic3A_89 = arith.divf %logistic3A_87, %logistic3A_88 : vector<1024x128xf32>
      %slice3A_90 = vector.extract_strided_slice %add3A_65 {offsets = [0, 256], sizes = [1024, 128], strides = [1, 1]} : vector<1024x384xf32> to vector<1024x128xf32>
      %get3A_91 = arith.constant 0 : index
      %get3A_92 = arith.constant 256 : index
      %get3A_93 = vector.load %arg8[%get3A_91, %get3A_92] : memref<1x384xf32, #tpu.memory_space<vmem>>, vector<1x128xf32>
      %mul3A_94 = vector.broadcast %get3A_93 : vector<1x128xf32> to vector<1024x128xf32>
      %mul3A_95 = arith.mulf %logistic3A_77, %mul3A_94 : vector<1024x128xf32>
      %add3A_96 = arith.addf %slice3A_90, %mul3A_95 : vector<1024x128xf32>
      %tanh3A_97 = math.tanh %add3A_96 : vector<1024x128xf32>
      %sub3A_98 = arith.constant 1.000000e+00 : f32
      %sub3A_99 = vector.broadcast %sub3A_98 : f32 to vector<1024x128xf32>
      %sub3A_100 = arith.subf %sub3A_99, %logistic3A_89 : vector<1024x128xf32>
      %mul3A_101 = arith.mulf %sub3A_100, %tanh3A_97 : vector<1024x128xf32>
      %swap3A_102 = arith.constant 0 : index
      %swap3A_103 = arith.constant 0 : index
      %swap3A_104 = vector.load %arg9[%swap3A_102, %swap3A_103] : memref<1024x128xf32, #tpu.memory_space<vmem>>, vector<1024x128xf32>
      tpu.vector_store %arg9[%swap3A_102, %swap3A_103], %mul3A_101 {strides = array<i32>} : memref<1024x128xf32, #tpu.memory_space<vmem>>, vector<1024x128xf32>,
    } else {
    }
    return
  }
  func.func @transform_0(%arg0: i32) -> (i32, i32) {
    %c0_i32 = arith.constant 0 : i32
    %c0_i32_0 = arith.constant 0 : i32
    return %arg0, %c0_i32 : i32, i32
  }
  func.func @transform_1(%arg0: i32) -> (i32, i32) {
    %c0_i32 = arith.constant 0 : i32
    %c0_i32_0 = arith.constant 0 : i32
    %c0_i32_1 = arith.constant 0 : i32
    return %c0_i32, %c0_i32_0 : i32, i32
  }
  func.func @transform_2(%arg0: i32) -> (i32, i32) {
    %c0_i32 = arith.constant 0 : i32
    %c0_i32_0 = arith.constant 0 : i32
    %c0_i32_1 = arith.constant 0 : i32
    return %c0_i32, %c0_i32_0 : i32, i32
  }
  func.func @transform_3(%arg0: i32) -> (i32, i32) {
    %c0_i32 = arith.constant 0 : i32
    %c0_i32_0 = arith.constant 0 : i32
    %c0_i32_1 = arith.constant 0 : i32
    return %c0_i32, %c0_i32_0 : i32, i32
  }
  func.func @transform_4(%arg0: i32) -> (i32, i32) {
    %c0_i32 = arith.constant 0 : i32
    %c0_i32_0 = arith.constant 0 : i32
    %c0_i32_1 = arith.constant 0 : i32
    return %c0_i32, %c0_i32_0 : i32, i32
  }
  func.func @transform_5(%arg0: i32) -> (i32, i32) {
    %c0_i32 = arith.constant 0 : i32
    %c0_i32_0 = arith.constant 0 : i32
    %c0_i32_1 = arith.constant 0 : i32
    return %c0_i32, %c0_i32_0 : i32, i32
  }
  func.func @transform_6(%arg0: i32) -> (i32, i32) {
    %c0_i32 = arith.constant 0 : i32
    %c0_i32_0 = arith.constant 0 : i32
    %c0_i32_1 = arith.constant 0 : i32
    return %c0_i32, %c0_i32_0 : i32, i32
  }
  func.func @transform_7(%arg0: i32) -> (i32, i32) {
    %c0_i32 = arith.constant 0 : i32
    %c0_i32_0 = arith.constant 0 : i32
    %c0_i32_1 = arith.constant 0 : i32
    return %c0_i32, %c0_i32_0 : i32, i32
  }
  func.func @transform_8(%arg0: i32) -> (i32, i32) {
    %c0_i32 = arith.constant 0 : i32
    %c0_i32_0 = arith.constant 0 : i32
    %c0_i32_1 = arith.constant 0 : i32
    return %c0_i32, %c0_i32_0 : i32, i32
  }
}

</mosaic_0001>

<sc_bundles>
// kernel: kernel.10.cloned.1.call-start
scs
__scs_entry_jumppad:
0x0: {  	(pc) =	sbr.rel $0x88, $3  }
0x1: {  	(tag) =	ssettag $0x0;
	lr =	simm.s32 $0x1  }
0x2: {  	[smem:$0x3F96] =	sst lr;
	_ =	strace $0xD0000000  }
0x3: {  	_ = 	snop  }
0x4: {  	_ = 	snop  }
0x5: {  	_ = 	snop  }
0x6: {  	_ = 	snop  }
0x7: {  	_ = 	snop  }
__scs_overlays_trampoline_lowered:
0x8: {  	[smem:$0x3FA5] =	sst s0  }
0x9: {  	[smem:$0x3FA6] =	sst s1  }
0xa: {  	[smem:$0x3FA7] =	sst s2  }
0xb: {  	[smem:$0x3FA8] =	sst s3  }
0xc: {  	[smem:$0x3FA9] =	sst s4  }
0xd: {  	[smem:$0x3FAA] =	sst s5  }
0xe: {  	[smem:$0x3FAB] =	sst s6  }
0xf: {  	[smem:$0x3FAC] =	sst s7  }
0x10: {  	[smem:$0x3FAD] =	sst s8  }
0x11: {  	[smem:$0x3FAE] =	sst s9;
	s0 =	simm.s32 @!p0 $0x0  }
0x12: {  	s1 =	sld [smem:$0x3F94];
	s0 =	simm.s32 @p0 $0x1  }
0x13: {  	[smem:$0x3FAF] =	sst s0;
	s0 =	simm.s32 @!p1 $0x0  }
0x14: {  	s2 =	sld [smem:$0x3F93];
	s0 =	simm.s32 @p1 $0x1  }
0x15: {  	[smem:$0x3FB0] =	sst s0;
	s0 =	simm.s32 @!p2 $0x0  }
0x16: {  	s3 =	sld [smem:$0x3FDB];
	s0 =	simm.s32 @p2 $0x1  }
0x17: {  	s4 =	simm.s32 $0x1BF5;
	[smem:$0x3FB2] =	sst s0  }
0x18: {  	s0 =	sld [smem:$0x3F95];
	_ =	swait.ge [sflag:s4], $0x0  }
0x19: {  	s7 =	sld [smem:$0x3F96]  }
0x1a: {  	s8 =	sadd.s32 $0xFFFFE003, lr  }
0x1b: {  	s9 =	sadd.s32 $0xFFFFFEF7, lr;
	s5 =	simm.s32 $0xFFFFFFFF;
	p2 =	slt.u32 s8, $0xFFFFF086  }
0x1c: {  	p1 =	slt.u32 s9, $0xF7A;
	s5 =	simm.s32 @!p2 $0x0  }
0x1d: {  	s5 =	simm.s32 @p1 $0x1;
	p0 =	seq.s32 s7, s2  }
0x1e: {  	s7 =	smul.u32 @!p0 $0xF7A, s2;
	p2 =	seq.s32 @!p0 s5, $0x0  }
0x1f: {  	s9 =	smul.u32 $0xF7A, s1;
	s8 =	simm.s32 @!p0 $0x1BF5;
	p2 =	por !p2, p0  }
0x20: {  	[sflag:s8] =	ssyncset.s32 @!p0 $0xFFFFF086;
	s6 =	sadd.s32 @!p0 s3, s7;
	s7 =	simm.s32 @!p0 $0x108  }
0x21: {  	s3 =	sadd.s32 s3, s9;
	s6 =	sadd.s32 @!p0 $0x88, s6;
	s7 =	simm.s32 @p2 $0x1082  }
0x22: {  	[simem:s7], [sflag:s8] =	dma.local @!p0 [hbm:s6], $0xF7A  }
0x23: {  	s9 =	sor.u32 $0xD0000000, s2;
	s6 =	simm.s32 $0x108;
	_ =	swait.ge @!p0 [sflag:s8], $0x0  }
0x24: {  	s3 =	sadd.s32 $0x88, s3;
	s6 =	simm.s32 @!p1 $0x1082;
	[sflag:s4] =	ssyncset.s32 $0xFFFFF086  }
0x25: {  	[simem:s6], [sflag:s4] =	dma.local [hbm:s3], $0xF7A  }
0x26: {  	[smem:$0x3F96] =	sst s1;
	(tag) =	ssettag s2;
	_ =	strace s9  }
0x27: {  	s1 =	sld [smem:$0x3FA6]  }
0x28: {  	s2 =	sld [smem:$0x3FA7]  }
0x29: {  	s4 =	sld [smem:$0x3FA9]  }
0x2a: {  	p0 =	seq.s32 s5, $0x0;
	s5 =	sld [smem:$0x3FAA]  }
0x2b: {  	s6 =	sld [smem:$0x3FAB]  }
0x2c: {  	s7 =	sld [smem:$0x3FAC]  }
0x2d: {  	s3 =	simm.s32 $0x108;
	s8 =	sld [smem:$0x3FAD]  }
0x2e: {  	s3 =	simm.s32 @!p0 $0x1082;
	s9 =	sld [smem:$0x3FAE]  }
0x2f: {  	lr =	sadd.s32 s0, s3;
	s0 =	sld [smem:$0x3FA5]  }
0x30: {  	s3 =	sld [smem:$0x3FA8]  }
0x31: {  	[smem:$0x3FB1] =	sst s10  }
0x32: {  	s10 =	sld [smem:$0x3FAF];
	_ =	sdelay $0x3  }
0x33: {  	p0 =	seq.s32 s10, $0x1;
	s10 =	sld [smem:$0x3FB1];
	_ =	sdelay $0x3  }
0x34: {  	[smem:$0x3FB1] =	sst s10  }
0x35: {  	s10 =	sld [smem:$0x3FB0];
	_ =	sdelay $0x3  }
0x36: {  	p1 =	seq.s32 s10, $0x1;
	s10 =	sld [smem:$0x3FB1];
	_ =	sdelay $0x3  }
0x37: {  	[smem:$0x3FB1] =	sst s10  }
0x38: {  	s10 =	sld [smem:$0x3FB2]  }
0x39: {  	_ = 	snop;
	(pc) =	sbr.ind lr, $3  }
0x3a: {  	_ = 	snop  }
0x3b: {  	_ = 	snop  }
0x3c: {  	p2 =	seq.s32 s10, $0x1;
	s10 =	sld [smem:$0x3FB1]  }
0x3d: {  	_ =	shalt  }
0x3e: {  	_ =	shalt  }
0x3f: {  	_ =	shalt  }
0x40: {  	_ =	shalt  }
0x41: {  	_ =	shalt  }
0x42: {  	_ =	shalt  }
0x43: {  	_ =	shalt  }
0x44: {  	_ =	shalt  }
0x45: {  	_ =	shalt  }
0x46: {  	_ =	shalt  }
0x47: {  	_ =	shalt  }
0x48: {  	_ =	shalt  }
0x49: {  	_ =	shalt  }
0x4a: {  	_ =	shalt  }
0x4b: {  	_ =	shalt  }
0x4c: {  	_ =	shalt  }
0x4d: {  	_ =	shalt  }
0x4e: {  	_ =	shalt  }
0x4f: {  	_ =	shalt  }
0x50: {  	_ =	shalt  }
0x51: {  	_ =	shalt  }
0x52: {  	_ =	shalt  }
0x53: {  	_ =	shalt  }
0x54: {  	_ =	shalt  }
0x55: {  	_ =	shalt  }
0x56: {  	_ =	shalt  }
0x57: {  	_ =	shalt  }
0x58: {  	_ =	shalt  }
0x59: {  	_ =	shalt  }
0x5a: {  	_ =	shalt  }
0x5b: {  	_ =	shalt  }
0x5c: {  	_ =	shalt  }
0x5d: {  	_ =	shalt  }
0x5e: {  	_ =	shalt  }
0x5f: {  	_ =	shalt  }
0x60: {  	_ =	shalt  }
0x61: {  	_ =	shalt  }
0x62: {  	_ =	shalt  }
0x63: {  	_ =	shalt  }
0x64: {  	_ =	shalt  }
0x65: {  	_ =	shalt  }
0x66: {  	_ =	shalt  }
0x67: {  	_ =	shalt  }
0x68: {  	_ =	shalt  }
0x69: {  	_ =	shalt  }
0x6a: {  	_ =	shalt  }
0x6b: {  	_ =	shalt  }
0x6c: {  	_ =	shalt  }
0x6d: {  	_ =	shalt  }
0x6e: {  	_ =	shalt  }
0x6f: {  	_ =	shalt  }
0x70: {  	_ =	shalt  }
0x71: {  	_ =	shalt  }
0x72: {  	_ =	shalt  }
0x73: {  	_ =	shalt  }
0x74: {  	_ =	shalt  }
0x75: {  	_ =	shalt  }
0x76: {  	_ =	shalt  }
0x77: {  	_ =	shalt  }
0x78: {  	_ =	shalt  }
0x79: {  	_ =	shalt  }
0x7a: {  	_ =	shalt  }
0x7b: {  	_ =	shalt  }
0x7c: {  	_ =	shalt  }
0x7d: {  	_ =	shalt  }
0x7e: {  	_ =	shalt  }
0x7f: {  	_ =	shalt  }
0x80: {  	_ =	shalt  }
0x81: {  	_ =	shalt  }
0x82: {  	_ =	shalt  }
0x83: {  	_ =	shalt  }
0x84: {  	_ =	shalt  }
0x85: {  	_ =	shalt  }
0x86: {  	_ =	shalt  }
0x87: {  	_ =	shalt  }
.Lfunc_end0:
.L_simem_size_0:
called_computation_lowered:
.L_overlay_start_0:
0x88: {  	s2 =	sld [smem:$0x3FD9]  }
0x89: {  	s3 =	sld [smem:$0x3FFE];
	_ =	sdelay $0x1  }
0x8a: {  	s1 =	srdreg.scid  }
0x8b: {  	s0 =	sand.u32 $0x1, s1  }
0x8c: {  	s14 =	sshll.u32 s0, $0xA;
	s2 =	sadd.s32 s3, s2  }
0x8d: {  	s2 =	sadd.s32 s2, s14  }
0x8e: {  	[smem:$0x3FBD] =	sst s2  }
0x8f: {  	_ = 	snop  }
0x90: {  	s2 =	sld [smem:$0x3FD0];
	_ =	sdelay $0x2  }
0x91: {  	s15 =	simm.s32 $0xA;
	s4 =	simm.s32 $0x10  }
0x92: {  	[smem:s4], [sflag:s15] =	dma.local [hbm:s2], $0x1  }
0x93: {  	_ =	swait.eq [sflag:s15], $0x1  }
0x94: {  	[sflag:s15] =	ssyncset.done $0x0  }
0x95: {  	s16 =	sld [smem:$0x10];
	[sflag:s15] =	ssyncadd.s32 $0xFFFFFFFF  }
0x96: {  	s17 =	sld [smem:$0x11];
	(tm) =	ssettm $0x1  }
0x97: {  	s18 =	sld [smem:$0x3FFB];
	_ =	sdelay $0x3  }
0x98: {  	_ =	strace s18  }
0x99: {  	s4 =	sld [smem:$0x3FFC];
	_ =	sdelay $0x3  }
0x9a: {  	_ =	strace s4  }
0x9b: {  	s4 =	sld [smem:$0x3FFD];
	_ =	sdelay $0x3  }
0x9c: {  	_ =	strace s4  }
0x9d: {  	_ =	strace $0x8FFFFFFF  }
0x9e: {  	s19 =	sld [smem:$0x3FDB];
	_ =	sdelay $0x1  }
0x9f: {  	s5 =	simm.s32 $_scs_section_size  }
0xa0: {  	s6 =	simm.s32 $_size__tile_overlayer_lowered;
	s7 =	simm.s32 $_tile_overlayer_lowered  }
0xa1: {  	s22 =	simm.s32 $0x1BFF;
	s21 =	sshll.u32 s7, $0x1;
	s4 =	sadd.s32 s5, s19  }
0xa2: {  	s8 =	simm.s32 $0x0;
	s20 =	sshll.u32 s6, $0x1;
	s6 =	sadd.s32 s21, s4  }
0xa3: {  	[timem:s8], [sflag:s22] =	dma.local [hbm:s6], s20  }
0xa4: {  	_ =	swait.ge [sflag:s22], s20  }
0xa5: {  	s5 =	ssub.s32 $0x0, s20;
	[sflag:s22] =	ssyncset.done $0x0  }
0xa6: {  	[sflag:s22] =	ssyncadd.s32 s5;
	_ =	sdelay $0x1  }
0xa7: {  	s23 =	simm.s32 $0x1B8B  }
0xa8: {  	_ =	swait.ge [sflag:s23], $0x1  }
0xa9: {  	[sflag:s23] =	ssyncset.done $0x0  }
0xaa: {  	s25 =	simm.s32 $0x1B8E;
	s24 =	sld [smem:$0x3FFE];
	[sflag:s23] =	ssyncadd.s32 $0xFFFFFFFF  }
0xab: {  	s26 =	simm.s32 $execute0_lowered;
	[smem:$0x3FD2] =	sst s25  }
0xac: {  	s6 =	sshll.u32 s26, $0x1;
	_ =	strace $0x80000046;
	[dreg:$0x1] =	wrdreg $0xFFFFFFFF  }
0xad: {  	s28 =	simm.s32 $_size_execute0_lowered;
	s4 =	sadd.s32 s4, s6;
	[dreg:$0x0] =	wrdreg $0x0  }
0xae: {  	s6 =	sshll.u32 s28, $0x1;
	[dreg:$0x2] =	wrdreg s4  }
0xaf: {  	[dreg:$0x3] =	wrdreg s6  }
0xb0: {  	[dreg:$0x4] =	wrdreg $0xC0  }
0xb1: {  	_ =	task [dreg:s8], $0x5FFFF  }
0xb2: {  	[dreg:$0x1] =	wrdreg $0xFFFFFFFF  }
0xb3: {  	[dreg:$0x0] =	wrdreg $0x60  }
0xb4: {  	[dreg:$0x2] =	wrdreg s24  }
0xb5: {  	[dreg:$0x3] =	wrdreg s16  }
0xb6: {  	[dreg:$0x4] =	wrdreg s17  }
0xb7: {  	[dreg:$0x5] =	wrdreg $0x9  }
0xb8: {  	_ =	task.clear_ibuf [dreg:s8], $0x6FFFF;
	_ =	strace $0x90000046  }
0xb9: {  	s29 =	simm.s32 $0x9;
	_ =	strace $0x80000048  }
0xba: {  	_ =	swait.ge [sflag:s29], $0x1  }
0xbb: {  	[sflag:s29] =	ssyncadd.s32 $0xFFFFFFFF  }
0xbc: {  	_ =	strace $0x90000048  }
0xbd: {  	_ =	sfence  }
0xbe: {  	s30 =	sld [smem:$0x0];
	_ =	sdelay $0x2  }
0xbf: {  	s31 =	sshll.u32 s1, $0xD;
	s1 =	sshrl.u32 s1, $0x2  }
0xc0: {  	s3 =	sand.u32 $0x4000, s31;
	s1 =	sadd.s32 s1, s30  }
0xc1: {  	s0 =	sor.u32 s3, s0;
	s1 =	sshll.u32 s1, $0x11  }
0xc2: {  	s0 =	sor.u32 s1, s0  }
0xc3: {  	s0 =	sadd.s32 $0x8F2B, s0  }
0xc4: {  	[sflag:s0] =	ssyncadd.remote.s32 $0x1  }
0xc5: {  	_ =	sfence.sel $0xFFFF  }
0xc6: {  	[dreg:$0x0] =	wrdreg $0xFFFFFFFF;
	(pc) =	sbr.abs _section_cstart, $3  }
0xc7: {  	[dreg:$0x1] =	wrdreg $0xFFFFFFFF  }
0xc8: {  	_ =	task.clear_ibuf [dreg:s8], $0x2FFFF;
	_ =	strace $0x9FFFFFFF  }
0xc9: {  	(tm) =	ssettm $0x7FFFFFFF  }
tec
execute0_lowered:
.L_overlay_start_1:
0x0: {  	(tag) =	ssettag $0x1  }
0x1: {  	s4 =	rddreg [dreg:$0x0]  }
0x2: {  	s2 =	rddreg [dreg:$0x1]  }
0x3: {  	s0 =	srdreg.scid;
	s6 =	rddreg [dreg:$0x2];
	s3 =	simm.s32 $0x0  }
0x4: {  	s11 =	simm.s32 $0x1;
	s12 =	simm.s32 $0x2800;
	s5 =	sand.u32 $0x1, s0  }
0x5: {  	s13 =	simm.s32 $0x80;
	s0 =	stileid.u32;
	s1 =	sshll.u32 s5, $0x4  }
0x6: {  	s14 =	simm.s32 $0x100;
	s15 =	simm.s32 $0x16880;
	s7 =	sor.u32 s0, s1  }
0x7: {  	s16 =	simm.s32 $0x0;
	s5 =	ssub.s32 $0x2, s5;
	s8 =	smul.u32 $0x5000, s7  }
0x8: {  	[smem:$0x7FF] =	sst s3;
	s9 =	sshrl.u32 s5, $0x1;
	s7 =	smul.u32 $0x500, s7  }
0x9: {  	v1 =	vlaneseq.u32;
	s1 =	rddreg [dreg:$0x3];
	_ =	strace $0x80000047;
	s10 =	ssub.s32 s5, s9  }
0xa: {  	v0 =	vmul.u32 $0x1400, v1;
	s10 =	smax.u32 s10, $0x1;
	s8 =	sshrl.u32 s8, $0x3;
	s7 =	sadd.s32 s7, s4  }
0xb: {  	s4 =	sadd.s32 s6, s8;
	s5 =	sadd.s32 $0xCA00, s7;
	s7 =	sadd.s32 $0x2A00, s7  }
0xc: {  	v2 =	vimm.f32 $1.000000000e+00;
	v1 =	vor.u32 $0x14000, v1;
	v3 =	vadd.s32 $0xFFFFEC00, v0;
	s6 =	sadd.s32 $0x500, s4;
	s8 =	sadd.s32 $0x10, s4;
	s9 =	sadd.s32 $0x510, s4  }
.LBB2_1:
0xd: {  	[tilespmem:s3], [sflag:$0x1] =	stream.linear.gather [hbm4b:s5+s3], $0x2800, $0x38;
	[tilespmem:$0x17C80] =	vst v63  }
0xe: {  	_ =	swait.ge [sflag:s11], $0x2800  }
0xf: {  	[sflag:s11] =	ssyncset.done $0x0  }
0x10: {  	[sflag:s11] =	ssyncadd.s32 $0xFFFFD800  }
0x11: {  	[tilespmem:s12], [sflag:$0x1] =	stream.linear.gather [hbm4b:s2+s3], $0x14080, $0x38;
	[tilespmem:$0x17C80] =	vst v63  }
0x12: {  	_ =	swait.ge [sflag:s11], $0x14080  }
0x13: {  	[sflag:s11] =	ssyncset.done $0x0  }
0x14: {  	s17 =	simm.s32 $0x0;
	[sflag:s11] =	ssyncadd.s32 $0xFFFEBF80  }
.LBB2_2:
0x15: {  	s19 =	sshra.s32 s17, $0x2  }
0x16: {  	v4 =	vld [tilespmem:s19+$0x0];
	_ =	sdelay $0x4  }
0x17: {  	vm0 =	vlt.u32 v4, $0x1400;
	v4 =	vadd.s32 v0, v4  }
0x18: {  	v4 =	vsel vm0, v4, v1;
	_ =	sdelay $0x3  }
0x19: {  	s18 =	simm.s32 $0x2800  }
0x1a: {  	[tilespmem:v4+s18+$0x0] =	vst.idx.add.f32.msk $0xffff, v2  }
0x1b: {  	v4 =	vld [tilespmem:s19+$0x10];
	_ =	sdelay $0x4  }
0x1c: {  	vm9 =	vlt.u32 v4, $0x1400;
	v4 =	vadd.s32 v0, v4  }
0x1d: {  	v4 =	vsel vm9, v4, v1;
	_ =	sdelay $0x4  }
0x1e: {  	[tilespmem:v4+s18+$0x0] =	vst.idx.add.f32.msk $0xffff, v2  }
0x1f: {  	v4 =	vld [tilespmem:s19+$0x20];
	_ =	sdelay $0x4  }
0x20: {  	vm10 =	vlt.u32 v4, $0x1400;
	v4 =	vadd.s32 v0, v4  }
0x21: {  	v4 =	vsel vm10, v4, v1;
	_ =	sdelay $0x4  }
0x22: {  	[tilespmem:v4+s18+$0x0] =	vst.idx.add.f32.msk $0xffff, v2  }
0x23: {  	v4 =	vld [tilespmem:s19+$0x30];
	_ =	sdelay $0x4  }
0x24: {  	vm11 =	vlt.u32 v4, $0x1400;
	v4 =	vadd.s32 v0, v4  }
0x25: {  	v4 =	vsel vm11, v4, v1;
	_ =	sdelay $0x4  }
0x26: {  	[tilespmem:v4+s18+$0x0] =	vst.idx.add.f32.msk $0xffff, v2  }
0x27: {  	v4 =	vld [tilespmem:s19+$0x40];
	_ =	sdelay $0x4  }
0x28: {  	vm12 =	vlt.u32 v4, $0x1400;
	v4 =	vadd.s32 v0, v4  }
0x29: {  	v4 =	vsel vm12, v4, v1;
	_ =	sdelay $0x4  }
0x2a: {  	[tilespmem:v4+s18+$0x0] =	vst.idx.add.f32.msk $0xffff, v2  }
0x2b: {  	v4 =	vld [tilespmem:s19+$0x50];
	_ =	sdelay $0x4  }
0x2c: {  	vm13 =	vlt.u32 v4, $0x1400;
	v4 =	vadd.s32 v0, v4  }
0x2d: {  	v4 =	vsel vm13, v4, v1;
	_ =	sdelay $0x4  }
0x2e: {  	[tilespmem:v4+s18+$0x0] =	vst.idx.add.f32.msk $0xffff, v2  }
0x2f: {  	v4 =	vld [tilespmem:s19+$0x60];
	_ =	sdelay $0x4  }
0x30: {  	vm14 =	vlt.u32 v4, $0x1400;
	v4 =	vadd.s32 v0, v4  }
0x31: {  	v4 =	vsel vm14, v4, v1;
	_ =	sdelay $0x4  }
0x32: {  	[tilespmem:v4+s18+$0x0] =	vst.idx.add.f32.msk $0xffff, v2  }
0x33: {  	v4 =	vld [tilespmem:s19+$0x70];
	_ =	sdelay $0x4  }
0x34: {  	vm15 =	vlt.u32 v4, $0x1400;
	v4 =	vadd.s32 v0, v4  }
0x35: {  	p0 =	sne.s32 s17, $0x9E00;
	v4 =	vsel vm15, v4, v1  }
.Ltmp0:
0x36: {  	_ = 	snop;
	(pc) =	sbr.rel @p0 .LBB2_2-.Ltmp0, $2  }
0x37: {  	_ =	sdelay $0x2  }
0x38: {  	s17 =	sadd.s32 $0x200, s17;
	[tilespmem:v4+s18+$0x0] =	vst.idx.add.f32.msk $0xffff, v2  }
0x39: {  	s17 =	simm.s32 $0x0  }
0x3a: {  	v5 =	vld [tilespmem:s18+$0x0];
	s17 =	sand.u32 $0x1FF0, s17  }
0x3b: {  	v4 =	vld [tilespmem:s17+$0x3C00];
	_ =	sdelay $0x1  }
0x3c: {  	v6 =	vld [tilespmem:s17+$0x5000];
	_ =	sdelay $0x1  }
0x3d: {  	v7 =	vld [tilespmem:s17+$0x6400]  }
0x3e: {  	v4 =	vadd.f32 v4, v5  }
0x3f: {  	v5 =	vld [tilespmem:s17+$0x7800]  }
0x40: {  	v4 =	vadd.f32 v6, v4  }
0x41: {  	v6 =	vld [tilespmem:s17+$0x8C00]  }
0x42: {  	v4 =	vadd.f32 v7, v4  }
0x43: {  	v7 =	vld [tilespmem:s17+$0xA000]  }
0x44: {  	v4 =	vadd.f32 v5, v4  }
0x45: {  	v5 =	vld [tilespmem:s17+$0xB400]  }
0x46: {  	v4 =	vadd.f32 v6, v4  }
0x47: {  	v6 =	vld [tilespmem:s17+$0xC800]  }
0x48: {  	v4 =	vadd.f32 v7, v4  }
0x49: {  	v7 =	vld [tilespmem:s17+$0xDC00]  }
0x4a: {  	v4 =	vadd.f32 v5, v4  }
0x4b: {  	v5 =	vld [tilespmem:s17+$0xF000]  }
0x4c: {  	v4 =	vadd.f32 v6, v4  }
0x4d: {  	v6 =	vld [tilespmem:s17+$0x10400]  }
0x4e: {  	v4 =	vadd.f32 v7, v4  }
0x4f: {  	v7 =	vld [tilespmem:s17+$0x11800]  }
0x50: {  	v4 =	vadd.f32 v5, v4  }
0x51: {  	v5 =	vld [tilespmem:s17+$0x12C00]  }
0x52: {  	v4 =	vadd.f32 v6, v4  }
0x53: {  	v6 =	vld [tilespmem:s17+$0x14000]  }
0x54: {  	v4 =	vadd.f32 v7, v4  }
0x55: {  	v7 =	vld [tilespmem:s17+$0x15400]  }
0x56: {  	v4 =	vadd.f32 v5, v4;
	_ =	sdelay $0x1  }
0x57: {  	v4 =	vadd.f32 v6, v4;
	_ =	sdelay $0x1  }
0x58: {  	v4 =	vadd.f32 v7, v4  }
0x59: {  	s31 =	simm.s32 $0x10;
	s17 =	simm.s32 $0x16880  }
0x5a: {  	s18 =	sand.u32 $0x1FF0, s31;
	[tilespmem:s17+$0x0] =	vst v4  }
0x5b: {  	s20 =	simm.s32 $0x20;
	s19 =	simm.s32 $0x2810;
	v4 =	vld [tilespmem:s18+$0x3C00]  }
.LBB2_4:
0x5c: {  	p0 =	sne.s32 s20, $0x13F0;
	v5 =	vld [tilespmem:s19+$0x0];
	_ =	sdelay $0x1  }
0x5d: {  	v6 =	vld [tilespmem:s18+$0x5000];
	_ =	sdelay $0x1  }
0x5e: {  	v7 =	vld [tilespmem:s18+$0x6400]  }
0x5f: {  	v4 =	vadd.f32 v4, v5  }
0x60: {  	v5 =	vld [tilespmem:s18+$0x7800]  }
0x61: {  	v4 =	vadd.f32 v6, v4  }
0x62: {  	v6 =	vld [tilespmem:s18+$0x8C00]  }
0x63: {  	v4 =	vadd.f32 v7, v4  }
0x64: {  	v7 =	vld [tilespmem:s18+$0xA000]  }
0x65: {  	v4 =	vadd.f32 v5, v4  }
0x66: {  	v5 =	vld [tilespmem:s18+$0xB400]  }
0x67: {  	v4 =	vadd.f32 v6, v4  }
0x68: {  	v6 =	vld [tilespmem:s18+$0xC800]  }
0x69: {  	v4 =	vadd.f32 v7, v4  }
0x6a: {  	v7 =	vld [tilespmem:s18+$0xDC00]  }
0x6b: {  	v4 =	vadd.f32 v5, v4  }
0x6c: {  	v5 =	vld [tilespmem:s18+$0xF000]  }
0x6d: {  	v4 =	vadd.f32 v6, v4  }
0x6e: {  	v6 =	vld [tilespmem:s18+$0x10400]  }
0x6f: {  	v4 =	vadd.f32 v7, v4  }
0x70: {  	v7 =	vld [tilespmem:s18+$0x11800]  }
0x71: {  	v4 =	vadd.f32 v5, v4  }
0x72: {  	v5 =	vld [tilespmem:s18+$0x12C00]  }
0x73: {  	v4 =	vadd.f32 v6, v4  }
0x74: {  	v6 =	vld [tilespmem:s18+$0x14000]  }
0x75: {  	v4 =	vadd.f32 v7, v4  }
0x76: {  	v7 =	vld [tilespmem:s18+$0x15400]  }
0x77: {  	v4 =	vadd.f32 v5, v4;
	_ =	sdelay $0x1  }
0x78: {  	v4 =	vadd.f32 v6, v4  }
.Ltmp1:
0x79: {  	(pc) =	sbr.rel @p0 .LBB2_4-.Ltmp1, $4  }
0x7a: {  	v4 =	vadd.f32 v7, v4  }
0x7b: {  	s17 =	sadd.s32 $0x10, s17  }
0x7c: {  	s18 =	sand.u32 $0x1FF0, s20;
	[tilespmem:s17+$0x0] =	vst v4  }
0x7d: {  	s19 =	sadd.s32 $0x10, s19;
	s20 =	sadd.s32 $0x10, s20;
	v4 =	vld [tilespmem:s18+$0x3C00]  }
0x7e: {  	v5 =	vld [tilespmem:s19+$0x0];
	_ =	sdelay $0x1  }
0x7f: {  	v6 =	vld [tilespmem:s18+$0x5000];
	_ =	sdelay $0x1  }
0x80: {  	v7 =	vld [tilespmem:s18+$0x6400]  }
0x81: {  	v4 =	vadd.f32 v4, v5  }
0x82: {  	v5 =	vld [tilespmem:s18+$0x7800]  }
0x83: {  	v4 =	vadd.f32 v6, v4  }
0x84: {  	v56 =	vld [tilespmem:s18+$0x8C00]  }
0x85: {  	v4 =	vadd.f32 v7, v4  }
0x86: {  	v57 =	vld [tilespmem:s18+$0xA000]  }
0x87: {  	v4 =	vadd.f32 v5, v4  }
0x88: {  	v5 =	vld [tilespmem:s18+$0xB400]  }
0x89: {  	v4 =	vadd.f32 v56, v4  }
0x8a: {  	v58 =	vld [tilespmem:s18+$0xC800]  }
0x8b: {  	v4 =	vadd.f32 v57, v4  }
0x8c: {  	v59 =	vld [tilespmem:s18+$0xDC00]  }
0x8d: {  	v4 =	vadd.f32 v5, v4  }
0x8e: {  	v5 =	vld [tilespmem:s18+$0xF000]  }
0x8f: {  	v4 =	vadd.f32 v58, v4  }
0x90: {  	v60 =	vld [tilespmem:s18+$0x10400]  }
0x91: {  	v4 =	vadd.f32 v59, v4  }
0x92: {  	v61 =	vld [tilespmem:s18+$0x11800]  }
0x93: {  	v4 =	vadd.f32 v5, v4  }
0x94: {  	v5 =	vld [tilespmem:s18+$0x12C00]  }
0x95: {  	v4 =	vadd.f32 v60, v4  }
0x96: {  	v62 =	vld [tilespmem:s18+$0x14000]  }
0x97: {  	v4 =	vadd.f32 v61, v4  }
0x98: {  	v63 =	vld [tilespmem:s18+$0x15400]  }
0x99: {  	v4 =	vadd.f32 v5, v4;
	_ =	sdelay $0x1  }
0x9a: {  	v4 =	vadd.f32 v62, v4;
	_ =	sdelay $0x1  }
0x9b: {  	v4 =	vadd.f32 v63, v4  }
0x9c: {  	s17 =	sadd.s32 $0x10, s17  }
0x9d: {  	[tilespmem:s17+$0x0] =	vst v4  }
0x9e: {  	[hbm4b:s4+s13] =	stream.strided.scatter [tilespmem:s15], [sflag:$0x1], $0x1400, s14, s13, $0x38;
	[tilespmem:$0x17C80] =	vst v63  }
0x9f: {  	_ =	swait.ge [sflag:s11], $0x1400  }
0xa0: {  	[sflag:s11] =	ssyncset.done $0x0  }
0xa1: {  	s17 =	simm.s32 $0x0;
	[sflag:s11] =	ssyncadd.s32 $0xFFFFEC00  }
0xa2: {  	[tilespmem:s12], [sflag:$0x1] =	stream.linear.gather [hbm4b:s2+s17], $0x14080, $0x38;
	[tilespmem:$0x17C80] =	vst v63  }
0xa3: {  	_ =	swait.ge [sflag:s11], $0x14080  }
0xa4: {  	[sflag:s11] =	ssyncset.done $0x0  }
0xa5: {  	s18 =	simm.s32 $0x0;
	[sflag:s11] =	ssyncadd.s32 $0xFFFEBF80  }
.LBB2_6:
0xa6: {  	s20 =	sshra.s32 s18, $0x2  }
0xa7: {  	v4 =	vld [tilespmem:s20+$0x0];
	_ =	sdelay $0x4  }
0xa8: {  	v5 =	vadd.s32 $0xFFFFEC00, v4  }
0xa9: {  	v4 =	vadd.s32 v3, v4;
	vm0 =	vlt.u32 v5, $0x1400  }
0xaa: {  	v4 =	vsel vm0, v4, v1;
	_ =	sdelay $0x3  }
0xab: {  	s19 =	simm.s32 $0x2800  }
0xac: {  	[tilespmem:v4+s19+$0x0] =	vst.idx.add.f32.msk $0xffff, v2  }
0xad: {  	v4 =	vld [tilespmem:s20+$0x10];
	_ =	sdelay $0x4  }
0xae: {  	v5 =	vadd.s32 $0xFFFFEC00, v4  }
0xaf: {  	v4 =	vadd.s32 v3, v4;
	vm9 =	vlt.u32 v5, $0x1400  }
0xb0: {  	v4 =	vsel vm9, v4, v1;
	_ =	sdelay $0x4  }
0xb1: {  	[tilespmem:v4+s19+$0x0] =	vst.idx.add.f32.msk $0xffff, v2  }
0xb2: {  	v4 =	vld [tilespmem:s20+$0x20];
	_ =	sdelay $0x4  }
0xb3: {  	v5 =	vadd.s32 $0xFFFFEC00, v4  }
0xb4: {  	v4 =	vadd.s32 v3, v4;
	vm10 =	vlt.u32 v5, $0x1400  }
0xb5: {  	v4 =	vsel vm10, v4, v1;
	_ =	sdelay $0x4  }
0xb6: {  	[tilespmem:v4+s19+$0x0] =	vst.idx.add.f32.msk $0xffff, v2  }
0xb7: {  	v4 =	vld [tilespmem:s20+$0x30];
	_ =	sdelay $0x4  }
0xb8: {  	v5 =	vadd.s32 $0xFFFFEC00, v4  }
0xb9: {  	v4 =	vadd.s32 v3, v4;
	vm11 =	vlt.u32 v5, $0x1400  }
0xba: {  	v4 =	vsel vm11, v4, v1;
	_ =	sdelay $0x4  }
0xbb: {  	[tilespmem:v4+s19+$0x0] =	vst.idx.add.f32.msk $0xffff, v2  }
0xbc: {  	v4 =	vld [tilespmem:s20+$0x40];
	_ =	sdelay $0x4  }
0xbd: {  	v5 =	vadd.s32 $0xFFFFEC00, v4  }
0xbe: {  	v4 =	vadd.s32 v3, v4;
	vm12 =	vlt.u32 v5, $0x1400  }
0xbf: {  	v4 =	vsel vm12, v4, v1;
	_ =	sdelay $0x4  }
0xc0: {  	[tilespmem:v4+s19+$0x0] =	vst.idx.add.f32.msk $0xffff, v2  }
0xc1: {  	v4 =	vld [tilespmem:s20+$0x50];
	_ =	sdelay $0x4  }
0xc2: {  	v5 =	vadd.s32 $0xFFFFEC00, v4  }
0xc3: {  	v4 =	vadd.s32 v3, v4;
	vm13 =	vlt.u32 v5, $0x1400  }
0xc4: {  	v4 =	vsel vm13, v4, v1;
	_ =	sdelay $0x4  }
0xc5: {  	[tilespmem:v4+s19+$0x0] =	vst.idx.add.f32.msk $0xffff, v2  }
0xc6: {  	v4 =	vld [tilespmem:s20+$0x60];
	_ =	sdelay $0x4  }
0xc7: {  	v5 =	vadd.s32 $0xFFFFEC00, v4  }
0xc8: {  	v4 =	vadd.s32 v3, v4;
	vm14 =	vlt.u32 v5, $0x1400  }
0xc9: {  	v4 =	vsel vm14, v4, v1;
	_ =	sdelay $0x4  }
0xca: {  	[tilespmem:v4+s19+$0x0] =	vst.idx.add.f32.msk $0xffff, v2  }
0xcb: {  	v4 =	vld [tilespmem:s20+$0x70];
	_ =	sdelay $0x4  }
0xcc: {  	v5 =	vadd.s32 $0xFFFFEC00, v4  }
0xcd: {  	v4 =	vadd.s32 v3, v4;
	vm15 =	vlt.u32 v5, $0x1400  }
0xce: {  	p0 =	sne.s32 s18, $0x9E00;
	v4 =	vsel vm15, v4, v1  }
.Ltmp2:
0xcf: {  	_ = 	snop;
	(pc) =	sbr.rel @p0 .LBB2_6-.Ltmp2, $2  }
0xd0: {  	_ =	sdelay $0x2  }
0xd1: {  	s18 =	sadd.s32 $0x200, s18;
	[tilespmem:v4+s19+$0x0] =	vst.idx.add.f32.msk $0xffff, v2  }
0xd2: {  	s17 =	sand.u32 $0x1FF0, s17;
	v5 =	vld [tilespmem:s19+$0x0]  }
0xd3: {  	v4 =	vld [tilespmem:s17+$0x3C00];
	_ =	sdelay $0x1  }
0xd4: {  	v6 =	vld [tilespmem:s17+$0x5000];
	_ =	sdelay $0x1  }
0xd5: {  	v7 =	vld [tilespmem:s17+$0x6400]  }
0xd6: {  	v4 =	vadd.f32 v4, v5  }
0xd7: {  	v5 =	vld [tilespmem:s17+$0x7800]  }
0xd8: {  	v4 =	vadd.f32 v6, v4  }
0xd9: {  	v6 =	vld [tilespmem:s17+$0x8C00]  }
0xda: {  	v4 =	vadd.f32 v7, v4  }
0xdb: {  	v7 =	vld [tilespmem:s17+$0xA000]  }
0xdc: {  	v4 =	vadd.f32 v5, v4  }
0xdd: {  	v5 =	vld [tilespmem:s17+$0xB400]  }
0xde: {  	v4 =	vadd.f32 v6, v4  }
0xdf: {  	v6 =	vld [tilespmem:s17+$0xC800]  }
0xe0: {  	v4 =	vadd.f32 v7, v4  }
0xe1: {  	v7 =	vld [tilespmem:s17+$0xDC00]  }
0xe2: {  	v4 =	vadd.f32 v5, v4  }
0xe3: {  	v5 =	vld [tilespmem:s17+$0xF000]  }
0xe4: {  	v4 =	vadd.f32 v6, v4  }
0xe5: {  	v6 =	vld [tilespmem:s17+$0x10400]  }
0xe6: {  	v4 =	vadd.f32 v7, v4  }
0xe7: {  	v7 =	vld [tilespmem:s17+$0x11800]  }
0xe8: {  	v4 =	vadd.f32 v5, v4  }
0xe9: {  	v5 =	vld [tilespmem:s17+$0x12C00]  }
0xea: {  	v4 =	vadd.f32 v6, v4  }
0xeb: {  	v6 =	vld [tilespmem:s17+$0x14000]  }
0xec: {  	v4 =	vadd.f32 v7, v4  }
0xed: {  	v7 =	vld [tilespmem:s17+$0x15400]  }
0xee: {  	v4 =	vadd.f32 v5, v4;
	_ =	sdelay $0x1  }
0xef: {  	v4 =	vadd.f32 v6, v4;
	_ =	sdelay $0x1  }
0xf0: {  	v4 =	vadd.f32 v7, v4  }
0xf1: {  	s18 =	simm.s32 $0x10;
	s17 =	simm.s32 $0x16880  }
0xf2: {  	s18 =	sand.u32 $0x1FF0, s18;
	[tilespmem:s17+$0x0] =	vst v4  }
0xf3: {  	s20 =	simm.s32 $0x20;
	s19 =	simm.s32 $0x2810;
	v4 =	vld [tilespmem:s18+$0x3C00]  }
.LBB2_8:
0xf4: {  	p0 =	sne.s32 s20, $0x13F0;
	v5 =	vld [tilespmem:s19+$0x0];
	_ =	sdelay $0x1  }
0xf5: {  	v6 =	vld [tilespmem:s18+$0x5000];
	_ =	sdelay $0x1  }
0xf6: {  	v7 =	vld [tilespmem:s18+$0x6400]  }
0xf7: {  	v4 =	vadd.f32 v4, v5  }
0xf8: {  	v5 =	vld [tilespmem:s18+$0x7800]  }
0xf9: {  	v4 =	vadd.f32 v6, v4  }
0xfa: {  	v6 =	vld [tilespmem:s18+$0x8C00]  }
0xfb: {  	v4 =	vadd.f32 v7, v4  }
0xfc: {  	v7 =	vld [tilespmem:s18+$0xA000]  }
0xfd: {  	v4 =	vadd.f32 v5, v4  }
0xfe: {  	v5 =	vld [tilespmem:s18+$0xB400]  }
0xff: {  	v4 =	vadd.f32 v6, v4  }
0x100: {  	v6 =	vld [tilespmem:s18+$0xC800]  }
0x101: {  	v4 =	vadd.f32 v7, v4  }
0x102: {  	v7 =	vld [tilespmem:s18+$0xDC00]  }
0x103: {  	v4 =	vadd.f32 v5, v4  }
0x104: {  	v5 =	vld [tilespmem:s18+$0xF000]  }
0x105: {  	v4 =	vadd.f32 v6, v4  }
0x106: {  	v6 =	vld [tilespmem:s18+$0x10400]  }
0x107: {  	v4 =	vadd.f32 v7, v4  }
0x108: {  	v7 =	vld [tilespmem:s18+$0x11800]  }
0x109: {  	v4 =	vadd.f32 v5, v4  }
0x10a: {  	v5 =	vld [tilespmem:s18+$0x12C00]  }
0x10b: {  	v4 =	vadd.f32 v6, v4  }
0x10c: {  	v6 =	vld [tilespmem:s18+$0x14000]  }
0x10d: {  	v4 =	vadd.f32 v7, v4  }
0x10e: {  	v7 =	vld [tilespmem:s18+$0x15400]  }
0x10f: {  	v4 =	vadd.f32 v5, v4;
	_ =	sdelay $0x1  }
0x110: {  	v4 =	vadd.f32 v6, v4  }
.Ltmp3:
0x111: {  	(pc) =	sbr.rel @p0 .LBB2_8-.Ltmp3, $4  }
0x112: {  	v4 =	vadd.f32 v7, v4  }
0x113: {  	s17 =	sadd.s32 $0x10, s17  }
0x114: {  	s18 =	sand.u32 $0x1FF0, s20;
	[tilespmem:s17+$0x0] =	vst v4  }
0x115: {  	s19 =	sadd.s32 $0x10, s19;
	s20 =	sadd.s32 $0x10, s20;
	v4 =	vld [tilespmem:s18+$0x3C00]  }
0x116: {  	v5 =	vld [tilespmem:s19+$0x0];
	_ =	sdelay $0x1  }
0x117: {  	v6 =	vld [tilespmem:s18+$0x5000];
	_ =	sdelay $0x1  }
0x118: {  	v7 =	vld [tilespmem:s18+$0x6400]  }
0x119: {  	v4 =	vadd.f32 v4, v5  }
0x11a: {  	v5 =	vld [tilespmem:s18+$0x7800]  }
0x11b: {  	v4 =	vadd.f32 v6, v4  }
0x11c: {  	v56 =	vld [tilespmem:s18+$0x8C00]  }
0x11d: {  	v4 =	vadd.f32 v7, v4  }
0x11e: {  	v57 =	vld [tilespmem:s18+$0xA000]  }
0x11f: {  	v4 =	vadd.f32 v5, v4  }
0x120: {  	v5 =	vld [tilespmem:s18+$0xB400]  }
0x121: {  	v4 =	vadd.f32 v56, v4  }
0x122: {  	v58 =	vld [tilespmem:s18+$0xC800]  }
0x123: {  	v4 =	vadd.f32 v57, v4  }
0x124: {  	v59 =	vld [tilespmem:s18+$0xDC00]  }
0x125: {  	v4 =	vadd.f32 v5, v4  }
0x126: {  	v5 =	vld [tilespmem:s18+$0xF000]  }
0x127: {  	v4 =	vadd.f32 v58, v4  }
0x128: {  	v60 =	vld [tilespmem:s18+$0x10400]  }
0x129: {  	v4 =	vadd.f32 v59, v4  }
0x12a: {  	v61 =	vld [tilespmem:s18+$0x11800]  }
0x12b: {  	v4 =	vadd.f32 v5, v4  }
0x12c: {  	v5 =	vld [tilespmem:s18+$0x12C00]  }
0x12d: {  	v4 =	vadd.f32 v60, v4  }
0x12e: {  	v62 =	vld [tilespmem:s18+$0x14000]  }
0x12f: {  	v4 =	vadd.f32 v61, v4  }
0x130: {  	v63 =	vld [tilespmem:s18+$0x15400]  }
0x131: {  	v4 =	vadd.f32 v5, v4;
	_ =	sdelay $0x1  }
0x132: {  	v4 =	vadd.f32 v62, v4;
	_ =	sdelay $0x1  }
0x133: {  	v4 =	vadd.f32 v63, v4  }
0x134: {  	s17 =	sadd.s32 $0x10, s17  }
0x135: {  	[tilespmem:s17+$0x0] =	vst v4  }
0x136: {  	[hbm4b:s6+s13] =	stream.strided.scatter [tilespmem:s15], [sflag:$0x1], $0x1400, s14, s13, $0x38;
	[tilespmem:$0x17C80] =	vst v63  }
0x137: {  	_ =	swait.ge [sflag:s11], $0x1400  }
0x138: {  	[sflag:s11] =	ssyncset.done $0x0  }
0x139: {  	s17 =	simm.s32 $0x0;
	[sflag:s11] =	ssyncadd.s32 $0xFFFFEC00  }
0x13a: {  	[tilespmem:s17], [sflag:$0x1] =	stream.linear.gather [hbm4b:s7+s17], $0x2800, $0x38;
	[tilespmem:$0x17C80] =	vst v63  }
0x13b: {  	_ =	swait.ge [sflag:s11], $0x2800  }
0x13c: {  	[sflag:s11] =	ssyncset.done $0x0  }
0x13d: {  	[sflag:s11] =	ssyncadd.s32 $0xFFFFD800  }
0x13e: {  	[tilespmem:s12], [sflag:$0x1] =	stream.linear.gather [hbm4b:s2+s17], $0x14080, $0x38;
	[tilespmem:$0x17C80] =	vst v63  }
0x13f: {  	_ =	swait.ge [sflag:s11], $0x14080  }
0x140: {  	[sflag:s11] =	ssyncset.done $0x0  }
0x141: {  	s18 =	simm.s32 $0x0;
	[sflag:s11] =	ssyncadd.s32 $0xFFFEBF80  }
.LBB2_10:
0x142: {  	s20 =	sshra.s32 s18, $0x2  }
0x143: {  	v4 =	vld [tilespmem:s20+$0x0];
	_ =	sdelay $0x4  }
0x144: {  	vm0 =	vlt.u32 v4, $0x1400;
	v4 =	vadd.s32 v0, v4  }
0x145: {  	v4 =	vsel vm0, v4, v1;
	_ =	sdelay $0x3  }
0x146: {  	s19 =	simm.s32 $0x2800  }
0x147: {  	[tilespmem:v4+s19+$0x0] =	vst.idx.add.f32.msk $0xffff, v2  }
0x148: {  	v4 =	vld [tilespmem:s20+$0x10];
	_ =	sdelay $0x4  }
0x149: {  	vm9 =	vlt.u32 v4, $0x1400;
	v4 =	vadd.s32 v0, v4  }
0x14a: {  	v4 =	vsel vm9, v4, v1;
	_ =	sdelay $0x4  }
0x14b: {  	[tilespmem:v4+s19+$0x0] =	vst.idx.add.f32.msk $0xffff, v2  }
0x14c: {  	v4 =	vld [tilespmem:s20+$0x20];
	_ =	sdelay $0x4  }
0x14d: {  	vm10 =	vlt.u32 v4, $0x1400;
	v4 =	vadd.s32 v0, v4  }
0x14e: {  	v4 =	vsel vm10, v4, v1;
	_ =	sdelay $0x4  }
0x14f: {  	[tilespmem:v4+s19+$0x0] =	vst.idx.add.f32.msk $0xffff, v2  }
0x150: {  	v4 =	vld [tilespmem:s20+$0x30];
	_ =	sdelay $0x4  }
0x151: {  	vm11 =	vlt.u32 v4, $0x1400;
	v4 =	vadd.s32 v0, v4  }
0x152: {  	v4 =	vsel vm11, v4, v1;
	_ =	sdelay $0x4  }
0x153: {  	[tilespmem:v4+s19+$0x0] =	vst.idx.add.f32.msk $0xffff, v2  }
0x154: {  	v4 =	vld [tilespmem:s20+$0x40];
	_ =	sdelay $0x4  }
0x155: {  	vm12 =	vlt.u32 v4, $0x1400;
	v4 =	vadd.s32 v0, v4  }
0x156: {  	v4 =	vsel vm12, v4, v1;
	_ =	sdelay $0x4  }
0x157: {  	[tilespmem:v4+s19+$0x0] =	vst.idx.add.f32.msk $0xffff, v2  }
0x158: {  	v4 =	vld [tilespmem:s20+$0x50];
	_ =	sdelay $0x4  }
0x159: {  	vm13 =	vlt.u32 v4, $0x1400;
	v4 =	vadd.s32 v0, v4  }
0x15a: {  	v4 =	vsel vm13, v4, v1;
	_ =	sdelay $0x4  }
0x15b: {  	[tilespmem:v4+s19+$0x0] =	vst.idx.add.f32.msk $0xffff, v2  }
0x15c: {  	v4 =	vld [tilespmem:s20+$0x60];
	_ =	sdelay $0x4  }
0x15d: {  	vm14 =	vlt.u32 v4, $0x1400;
	v4 =	vadd.s32 v0, v4  }
0x15e: {  	v4 =	vsel vm14, v4, v1;
	_ =	sdelay $0x4  }
0x15f: {  	[tilespmem:v4+s19+$0x0] =	vst.idx.add.f32.msk $0xffff, v2  }
0x160: {  	v4 =	vld [tilespmem:s20+$0x70];
	_ =	sdelay $0x4  }
0x161: {  	vm15 =	vlt.u32 v4, $0x1400;
	v4 =	vadd.s32 v0, v4  }
0x162: {  	p0 =	sne.s32 s18, $0x9E00;
	v4 =	vsel vm15, v4, v1  }
.Ltmp4:
0x163: {  	_ = 	snop;
	(pc) =	sbr.rel @p0 .LBB2_10-.Ltmp4, $2  }
0x164: {  	_ =	sdelay $0x2  }
0x165: {  	s18 =	sadd.s32 $0x200, s18;
	[tilespmem:v4+s19+$0x0] =	vst.idx.add.f32.msk $0xffff, v2  }
0x166: {  	s17 =	sand.u32 $0x1FF0, s17;
	v5 =	vld [tilespmem:s19+$0x0]  }
0x167: {  	v4 =	vld [tilespmem:s17+$0x3C00];
	_ =	sdelay $0x1  }
0x168: {  	v6 =	vld [tilespmem:s17+$0x5000];
	_ =	sdelay $0x1  }
0x169: {  	v7 =	vld [tilespmem:s17+$0x6400]  }
0x16a: {  	v4 =	vadd.f32 v4, v5  }
0x16b: {  	v5 =	vld [tilespmem:s17+$0x7800]  }
0x16c: {  	v4 =	vadd.f32 v6, v4  }
0x16d: {  	v6 =	vld [tilespmem:s17+$0x8C00]  }
0x16e: {  	v4 =	vadd.f32 v7, v4  }
0x16f: {  	v7 =	vld [tilespmem:s17+$0xA000]  }
0x170: {  	v4 =	vadd.f32 v5, v4  }
0x171: {  	v5 =	vld [tilespmem:s17+$0xB400]  }
0x172: {  	v4 =	vadd.f32 v6, v4  }
0x173: {  	v6 =	vld [tilespmem:s17+$0xC800]  }
0x174: {  	v4 =	vadd.f32 v7, v4  }
0x175: {  	v7 =	vld [tilespmem:s17+$0xDC00]  }
0x176: {  	v4 =	vadd.f32 v5, v4  }
0x177: {  	v5 =	vld [tilespmem:s17+$0xF000]  }
0x178: {  	v4 =	vadd.f32 v6, v4  }
0x179: {  	v6 =	vld [tilespmem:s17+$0x10400]  }
0x17a: {  	v4 =	vadd.f32 v7, v4  }
0x17b: {  	v7 =	vld [tilespmem:s17+$0x11800]  }
0x17c: {  	v4 =	vadd.f32 v5, v4  }
0x17d: {  	v5 =	vld [tilespmem:s17+$0x12C00]  }
0x17e: {  	v4 =	vadd.f32 v6, v4  }
0x17f: {  	v6 =	vld [tilespmem:s17+$0x14000]  }
0x180: {  	v4 =	vadd.f32 v7, v4  }
0x181: {  	v7 =	vld [tilespmem:s17+$0x15400]  }
0x182: {  	v4 =	vadd.f32 v5, v4;
	_ =	sdelay $0x1  }
0x183: {  	v4 =	vadd.f32 v6, v4;
	_ =	sdelay $0x1  }
0x184: {  	v4 =	vadd.f32 v7, v4  }
0x185: {  	s18 =	simm.s32 $0x10;
	s17 =	simm.s32 $0x16880  }
0x186: {  	s18 =	sand.u32 $0x1FF0, s18;
	[tilespmem:s17+$0x0] =	vst v4  }
0x187: {  	s20 =	simm.s32 $0x20;
	s19 =	simm.s32 $0x2810;
	v4 =	vld [tilespmem:s18+$0x3C00]  }
.LBB2_12:
0x188: {  	p0 =	sne.s32 s20, $0x13F0;
	v5 =	vld [tilespmem:s19+$0x0];
	_ =	sdelay $0x1  }
0x189: {  	v6 =	vld [tilespmem:s18+$0x5000];
	_ =	sdelay $0x1  }
0x18a: {  	v7 =	vld [tilespmem:s18+$0x6400]  }
0x18b: {  	v4 =	vadd.f32 v4, v5  }
0x18c: {  	v5 =	vld [tilespmem:s18+$0x7800]  }
0x18d: {  	v4 =	vadd.f32 v6, v4  }
0x18e: {  	v6 =	vld [tilespmem:s18+$0x8C00]  }
0x18f: {  	v4 =	vadd.f32 v7, v4  }
0x190: {  	v7 =	vld [tilespmem:s18+$0xA000]  }
0x191: {  	v4 =	vadd.f32 v5, v4  }
0x192: {  	v5 =	vld [tilespmem:s18+$0xB400]  }
0x193: {  	v4 =	vadd.f32 v6, v4  }
0x194: {  	v6 =	vld [tilespmem:s18+$0xC800]  }
0x195: {  	v4 =	vadd.f32 v7, v4  }
0x196: {  	v7 =	vld [tilespmem:s18+$0xDC00]  }
0x197: {  	v4 =	vadd.f32 v5, v4  }
0x198: {  	v5 =	vld [tilespmem:s18+$0xF000]  }
0x199: {  	v4 =	vadd.f32 v6, v4  }
0x19a: {  	v6 =	vld [tilespmem:s18+$0x10400]  }
0x19b: {  	v4 =	vadd.f32 v7, v4  }
0x19c: {  	v7 =	vld [tilespmem:s18+$0x11800]  }
0x19d: {  	v4 =	vadd.f32 v5, v4  }
0x19e: {  	v5 =	vld [tilespmem:s18+$0x12C00]  }
0x19f: {  	v4 =	vadd.f32 v6, v4  }
0x1a0: {  	v6 =	vld [tilespmem:s18+$0x14000]  }
0x1a1: {  	v4 =	vadd.f32 v7, v4  }
0x1a2: {  	v7 =	vld [tilespmem:s18+$0x15400]  }
0x1a3: {  	v4 =	vadd.f32 v5, v4;
	_ =	sdelay $0x1  }
0x1a4: {  	v4 =	vadd.f32 v6, v4  }
.Ltmp5:
0x1a5: {  	(pc) =	sbr.rel @p0 .LBB2_12-.Ltmp5, $4  }
0x1a6: {  	v4 =	vadd.f32 v7, v4  }
0x1a7: {  	s17 =	sadd.s32 $0x10, s17  }
0x1a8: {  	s18 =	sand.u32 $0x1FF0, s20;
	[tilespmem:s17+$0x0] =	vst v4  }
0x1a9: {  	s19 =	sadd.s32 $0x10, s19;
	s20 =	sadd.s32 $0x10, s20;
	v4 =	vld [tilespmem:s18+$0x3C00]  }
0x1aa: {  	v5 =	vld [tilespmem:s19+$0x0];
	_ =	sdelay $0x1  }
0x1ab: {  	v6 =	vld [tilespmem:s18+$0x5000];
	_ =	sdelay $0x1  }
0x1ac: {  	v7 =	vld [tilespmem:s18+$0x6400]  }
0x1ad: {  	v4 =	vadd.f32 v4, v5  }
0x1ae: {  	v5 =	vld [tilespmem:s18+$0x7800]  }
0x1af: {  	v4 =	vadd.f32 v6, v4  }
0x1b0: {  	v56 =	vld [tilespmem:s18+$0x8C00]  }
0x1b1: {  	v4 =	vadd.f32 v7, v4  }
0x1b2: {  	v57 =	vld [tilespmem:s18+$0xA000]  }
0x1b3: {  	v4 =	vadd.f32 v5, v4  }
0x1b4: {  	v5 =	vld [tilespmem:s18+$0xB400]  }
0x1b5: {  	v4 =	vadd.f32 v56, v4  }
0x1b6: {  	v58 =	vld [tilespmem:s18+$0xC800]  }
0x1b7: {  	v4 =	vadd.f32 v57, v4  }
0x1b8: {  	v59 =	vld [tilespmem:s18+$0xDC00]  }
0x1b9: {  	v4 =	vadd.f32 v5, v4  }
0x1ba: {  	v5 =	vld [tilespmem:s18+$0xF000]  }
0x1bb: {  	v4 =	vadd.f32 v58, v4  }
0x1bc: {  	v60 =	vld [tilespmem:s18+$0x10400]  }
0x1bd: {  	v4 =	vadd.f32 v59, v4  }
0x1be: {  	v61 =	vld [tilespmem:s18+$0x11800]  }
0x1bf: {  	v4 =	vadd.f32 v5, v4  }
0x1c0: {  	v5 =	vld [tilespmem:s18+$0x12C00]  }
0x1c1: {  	v4 =	vadd.f32 v60, v4  }
0x1c2: {  	v62 =	vld [tilespmem:s18+$0x14000]  }
0x1c3: {  	v4 =	vadd.f32 v61, v4  }
0x1c4: {  	v63 =	vld [tilespmem:s18+$0x15400]  }
0x1c5: {  	v4 =	vadd.f32 v5, v4;
	_ =	sdelay $0x1  }
0x1c6: {  	v4 =	vadd.f32 v62, v4;
	_ =	sdelay $0x1  }
0x1c7: {  	v4 =	vadd.f32 v63, v4  }
0x1c8: {  	s17 =	sadd.s32 $0x10, s17  }
0x1c9: {  	[tilespmem:s17+$0x0] =	vst v4  }
0x1ca: {  	[hbm4b:s8+s13] =	stream.strided.scatter [tilespmem:s15], [sflag:$0x1], $0x1400, s14, s13, $0x38;
	[tilespmem:$0x17C80] =	vst v63  }
0x1cb: {  	_ =	swait.ge [sflag:s11], $0x1400  }
0x1cc: {  	[sflag:s11] =	ssyncset.done $0x0  }
0x1cd: {  	s17 =	simm.s32 $0x0;
	[sflag:s11] =	ssyncadd.s32 $0xFFFFEC00  }
0x1ce: {  	[tilespmem:s12], [sflag:$0x1] =	stream.linear.gather [hbm4b:s2+s17], $0x14080, $0x38;
	[tilespmem:$0x17C80] =	vst v63  }
0x1cf: {  	_ =	swait.ge [sflag:s11], $0x14080  }
0x1d0: {  	[sflag:s11] =	ssyncset.done $0x0  }
0x1d1: {  	s18 =	simm.s32 $0x0;
	[sflag:s11] =	ssyncadd.s32 $0xFFFEBF80  }
.LBB2_14:
0x1d2: {  	s20 =	sshra.s32 s18, $0x2  }
0x1d3: {  	v4 =	vld [tilespmem:s20+$0x0];
	_ =	sdelay $0x4  }
0x1d4: {  	v5 =	vadd.s32 $0xFFFFEC00, v4  }
0x1d5: {  	v4 =	vadd.s32 v3, v4;
	vm0 =	vlt.u32 v5, $0x1400  }
0x1d6: {  	v4 =	vsel vm0, v4, v1;
	_ =	sdelay $0x3  }
0x1d7: {  	s19 =	simm.s32 $0x2800  }
0x1d8: {  	[tilespmem:v4+s19+$0x0] =	vst.idx.add.f32.msk $0xffff, v2  }
0x1d9: {  	v4 =	vld [tilespmem:s20+$0x10];
	_ =	sdelay $0x4  }
0x1da: {  	v5 =	vadd.s32 $0xFFFFEC00, v4  }
0x1db: {  	v4 =	vadd.s32 v3, v4;
	vm9 =	vlt.u32 v5, $0x1400  }
0x1dc: {  	v4 =	vsel vm9, v4, v1;
	_ =	sdelay $0x4  }
0x1dd: {  	[tilespmem:v4+s19+$0x0] =	vst.idx.add.f32.msk $0xffff, v2  }
0x1de: {  	v4 =	vld [tilespmem:s20+$0x20];
	_ =	sdelay $0x4  }
0x1df: {  	v5 =	vadd.s32 $0xFFFFEC00, v4  }
0x1e0: {  	v4 =	vadd.s32 v3, v4;
	vm10 =	vlt.u32 v5, $0x1400  }
0x1e1: {  	v4 =	vsel vm10, v4, v1;
	_ =	sdelay $0x4  }
0x1e2: {  	[tilespmem:v4+s19+$0x0] =	vst.idx.add.f32.msk $0xffff, v2  }
0x1e3: {  	v4 =	vld [tilespmem:s20+$0x30];
	_ =	sdelay $0x4  }
0x1e4: {  	v5 =	vadd.s32 $0xFFFFEC00, v4  }
0x1e5: {  	v4 =	vadd.s32 v3, v4;
	vm11 =	vlt.u32 v5, $0x1400  }
0x1e6: {  	v4 =	vsel vm11, v4, v1;
	_ =	sdelay $0x4  }
0x1e7: {  	[tilespmem:v4+s19+$0x0] =	vst.idx.add.f32.msk $0xffff, v2  }
0x1e8: {  	v4 =	vld [tilespmem:s20+$0x40];
	_ =	sdelay $0x4  }
0x1e9: {  	v5 =	vadd.s32 $0xFFFFEC00, v4  }
0x1ea: {  	v4 =	vadd.s32 v3, v4;
	vm12 =	vlt.u32 v5, $0x1400  }
0x1eb: {  	v4 =	vsel vm12, v4, v1;
	_ =	sdelay $0x4  }
0x1ec: {  	[tilespmem:v4+s19+$0x0] =	vst.idx.add.f32.msk $0xffff, v2  }
0x1ed: {  	v4 =	vld [tilespmem:s20+$0x50];
	_ =	sdelay $0x4  }
0x1ee: {  	v5 =	vadd.s32 $0xFFFFEC00, v4  }
0x1ef: {  	v4 =	vadd.s32 v3, v4;
	vm13 =	vlt.u32 v5, $0x1400  }
0x1f0: {  	v4 =	vsel vm13, v4, v1;
	_ =	sdelay $0x4  }
0x1f1: {  	[tilespmem:v4+s19+$0x0] =	vst.idx.add.f32.msk $0xffff, v2  }
0x1f2: {  	v4 =	vld [tilespmem:s20+$0x60];
	_ =	sdelay $0x4  }
0x1f3: {  	v5 =	vadd.s32 $0xFFFFEC00, v4  }
0x1f4: {  	v4 =	vadd.s32 v3, v4;
	vm14 =	vlt.u32 v5, $0x1400  }
0x1f5: {  	v4 =	vsel vm14, v4, v1;
	_ =	sdelay $0x4  }
0x1f6: {  	[tilespmem:v4+s19+$0x0] =	vst.idx.add.f32.msk $0xffff, v2  }
0x1f7: {  	v4 =	vld [tilespmem:s20+$0x70];
	_ =	sdelay $0x4  }
0x1f8: {  	v5 =	vadd.s32 $0xFFFFEC00, v4  }
0x1f9: {  	v4 =	vadd.s32 v3, v4;
	vm15 =	vlt.u32 v5, $0x1400  }
0x1fa: {  	p0 =	sne.s32 s18, $0x9E00;
	v4 =	vsel vm15, v4, v1  }
.Ltmp6:
0x1fb: {  	_ = 	snop;
	(pc) =	sbr.rel @p0 .LBB2_14-.Ltmp6, $2  }
0x1fc: {  	_ =	sdelay $0x2  }
0x1fd: {  	s18 =	sadd.s32 $0x200, s18;
	[tilespmem:v4+s19+$0x0] =	vst.idx.add.f32.msk $0xffff, v2  }
0x1fe: {  	s17 =	sand.u32 $0x1FF0, s17;
	v5 =	vld [tilespmem:s19+$0x0]  }
0x1ff: {  	v4 =	vld [tilespmem:s17+$0x3C00];
	_ =	sdelay $0x1  }
0x200: {  	v6 =	vld [tilespmem:s17+$0x5000];
	_ =	sdelay $0x1  }
0x201: {  	v7 =	vld [tilespmem:s17+$0x6400]  }
0x202: {  	v4 =	vadd.f32 v4, v5  }
0x203: {  	v5 =	vld [tilespmem:s17+$0x7800]  }
0x204: {  	v4 =	vadd.f32 v6, v4  }
0x205: {  	v6 =	vld [tilespmem:s17+$0x8C00]  }
0x206: {  	v4 =	vadd.f32 v7, v4  }
0x207: {  	v7 =	vld [tilespmem:s17+$0xA000]  }
0x208: {  	v4 =	vadd.f32 v5, v4  }
0x209: {  	v5 =	vld [tilespmem:s17+$0xB400]  }
0x20a: {  	v4 =	vadd.f32 v6, v4  }
0x20b: {  	v6 =	vld [tilespmem:s17+$0xC800]  }
0x20c: {  	v4 =	vadd.f32 v7, v4  }
0x20d: {  	v7 =	vld [tilespmem:s17+$0xDC00]  }
0x20e: {  	v4 =	vadd.f32 v5, v4  }
0x20f: {  	v5 =	vld [tilespmem:s17+$0xF000]  }
0x210: {  	v4 =	vadd.f32 v6, v4  }
0x211: {  	v6 =	vld [tilespmem:s17+$0x10400]  }
0x212: {  	v4 =	vadd.f32 v7, v4  }
0x213: {  	v7 =	vld [tilespmem:s17+$0x11800]  }
0x214: {  	v4 =	vadd.f32 v5, v4  }
0x215: {  	v5 =	vld [tilespmem:s17+$0x12C00]  }
0x216: {  	v4 =	vadd.f32 v6, v4  }
0x217: {  	v6 =	vld [tilespmem:s17+$0x14000]  }
0x218: {  	v4 =	vadd.f32 v7, v4  }
0x219: {  	v7 =	vld [tilespmem:s17+$0x15400]  }
0x21a: {  	v4 =	vadd.f32 v5, v4;
	_ =	sdelay $0x1  }
0x21b: {  	v4 =	vadd.f32 v6, v4;
	_ =	sdelay $0x1  }
0x21c: {  	v4 =	vadd.f32 v7, v4  }
0x21d: {  	s18 =	simm.s32 $0x10;
	s17 =	simm.s32 $0x16880  }
0x21e: {  	s18 =	sand.u32 $0x1FF0, s18;
	[tilespmem:s17+$0x0] =	vst v4  }
0x21f: {  	s20 =	simm.s32 $0x20;
	s19 =	simm.s32 $0x2810;
	v4 =	vld [tilespmem:s18+$0x3C00]  }
.LBB2_16:
0x220: {  	p0 =	sne.s32 s20, $0x13F0;
	v5 =	vld [tilespmem:s19+$0x0];
	_ =	sdelay $0x1  }
0x221: {  	v6 =	vld [tilespmem:s18+$0x5000];
	_ =	sdelay $0x1  }
0x222: {  	v7 =	vld [tilespmem:s18+$0x6400]  }
0x223: {  	v4 =	vadd.f32 v4, v5  }
0x224: {  	v5 =	vld [tilespmem:s18+$0x7800]  }
0x225: {  	v4 =	vadd.f32 v6, v4  }
0x226: {  	v6 =	vld [tilespmem:s18+$0x8C00]  }
0x227: {  	v4 =	vadd.f32 v7, v4  }
0x228: {  	v7 =	vld [tilespmem:s18+$0xA000]  }
0x229: {  	v4 =	vadd.f32 v5, v4  }
0x22a: {  	v5 =	vld [tilespmem:s18+$0xB400]  }
0x22b: {  	v4 =	vadd.f32 v6, v4  }
0x22c: {  	v6 =	vld [tilespmem:s18+$0xC800]  }
0x22d: {  	v4 =	vadd.f32 v7, v4  }
0x22e: {  	v7 =	vld [tilespmem:s18+$0xDC00]  }
0x22f: {  	v4 =	vadd.f32 v5, v4  }
0x230: {  	v5 =	vld [tilespmem:s18+$0xF000]  }
0x231: {  	v4 =	vadd.f32 v6, v4  }
0x232: {  	v6 =	vld [tilespmem:s18+$0x10400]  }
0x233: {  	v4 =	vadd.f32 v7, v4  }
0x234: {  	v7 =	vld [tilespmem:s18+$0x11800]  }
0x235: {  	v4 =	vadd.f32 v5, v4  }
0x236: {  	v5 =	vld [tilespmem:s18+$0x12C00]  }
0x237: {  	v4 =	vadd.f32 v6, v4  }
0x238: {  	v6 =	vld [tilespmem:s18+$0x14000]  }
0x239: {  	v4 =	vadd.f32 v7, v4  }
0x23a: {  	v7 =	vld [tilespmem:s18+$0x15400]  }
0x23b: {  	v4 =	vadd.f32 v5, v4;
	_ =	sdelay $0x1  }
0x23c: {  	v4 =	vadd.f32 v6, v4  }
.Ltmp7:
0x23d: {  	(pc) =	sbr.rel @p0 .LBB2_16-.Ltmp7, $4  }
0x23e: {  	v4 =	vadd.f32 v7, v4  }
0x23f: {  	s17 =	sadd.s32 $0x10, s17  }
0x240: {  	s18 =	sand.u32 $0x1FF0, s20;
	[tilespmem:s17+$0x0] =	vst v4  }
0x241: {  	s19 =	sadd.s32 $0x10, s19;
	s20 =	sadd.s32 $0x10, s20;
	v4 =	vld [tilespmem:s18+$0x3C00]  }
0x242: {  	v5 =	vld [tilespmem:s19+$0x0];
	_ =	sdelay $0x1  }
0x243: {  	v6 =	vld [tilespmem:s18+$0x5000];
	_ =	sdelay $0x1  }
0x244: {  	v7 =	vld [tilespmem:s18+$0x6400]  }
0x245: {  	v4 =	vadd.f32 v4, v5  }
0x246: {  	v5 =	vld [tilespmem:s18+$0x7800]  }
0x247: {  	v4 =	vadd.f32 v6, v4  }
0x248: {  	v56 =	vld [tilespmem:s18+$0x8C00]  }
0x249: {  	v4 =	vadd.f32 v7, v4  }
0x24a: {  	v57 =	vld [tilespmem:s18+$0xA000]  }
0x24b: {  	v4 =	vadd.f32 v5, v4  }
0x24c: {  	v5 =	vld [tilespmem:s18+$0xB400]  }
0x24d: {  	v4 =	vadd.f32 v56, v4  }
0x24e: {  	v58 =	vld [tilespmem:s18+$0xC800]  }
0x24f: {  	v4 =	vadd.f32 v57, v4  }
0x250: {  	v59 =	vld [tilespmem:s18+$0xDC00]  }
0x251: {  	v4 =	vadd.f32 v5, v4  }
0x252: {  	v5 =	vld [tilespmem:s18+$0xF000]  }
0x253: {  	v4 =	vadd.f32 v58, v4  }
0x254: {  	v60 =	vld [tilespmem:s18+$0x10400]  }
0x255: {  	v4 =	vadd.f32 v59, v4  }
0x256: {  	v61 =	vld [tilespmem:s18+$0x11800]  }
0x257: {  	v4 =	vadd.f32 v5, v4  }
0x258: {  	v5 =	vld [tilespmem:s18+$0x12C00]  }
0x259: {  	v4 =	vadd.f32 v60, v4  }
0x25a: {  	v62 =	vld [tilespmem:s18+$0x14000]  }
0x25b: {  	v4 =	vadd.f32 v61, v4  }
0x25c: {  	v63 =	vld [tilespmem:s18+$0x15400]  }
0x25d: {  	v4 =	vadd.f32 v5, v4;
	_ =	sdelay $0x1  }
0x25e: {  	v4 =	vadd.f32 v62, v4;
	_ =	sdelay $0x1  }
0x25f: {  	s16 =	sadd.s32 $0x1, s16;
	v4 =	vadd.f32 v63, v4  }
0x260: {  	s17 =	sadd.s32 $0x10, s17;
	p0 =	sne.s32 s16, s10  }
.Ltmp8:
0x261: {  	[tilespmem:s17+$0x0] =	vst v4;
	(pc) =	sbr.rel @p0 .LBB2_1-.Ltmp8, $4  }
0x262: {  	[hbm4b:s9+s13] =	stream.strided.scatter [tilespmem:s15], [sflag:$0x1], $0x1400, s14, s13, $0x38;
	[tilespmem:$0x17C80] =	vst v63  }
0x263: {  	_ =	swait.ge [sflag:s11], $0x1400  }
0x264: {  	[sflag:s11] =	ssyncset.done $0x0  }
0x265: {  	[sflag:s11] =	ssyncadd.s32 $0xFFFFEC00  }
0x266: {  	_ =	sfence.sel $0x180000  }
0x267: {  	[bflag:$0x0] =	sbarrier.arrive $0xFFFF  }
0x268: {  	p0 =	sne.s32 s0, $0x0;
	_ =	strace $0x90000047  }
0x269: {  	s0 =	sadd.s32 @!p0 $0x100000, s1;
	[bflag:$0x2] =	sbarrier.arrive $0xFFFF  }
0x26a: {  	[sflag:s0] =	ssyncadd.tile.s32 @!p0 $0x1;
	_ =	shalt  }
.Lfunc_end2:
_tile_overlayer_lowered:
.L_overlay_start_2:
0x26b: {  	(tag) =	ssettag $0x2  }
0x26c: {  	s0 =	rddreg [dreg:$0x0];
	s2 =	stileid.u32  }
0x26d: {  	s1 =	rddreg [dreg:$0x1];
	p0 =	sne.s32 s2, $0x0  }
0x26e: {  	s3 =	rddreg [dreg:$0x2];
	[bflag:$0x3] =	sbarrier.arrive $0xFFFF;
	s2 =	simm.s32 @!p0 $0x1C01  }
0x26f: {  	[timem:s3], [sflag:s2] =	dma.local @!p0 [hbm:s0], s1  }
0x270: {  	s0 =	simm.s32 @!p0 $0x1  }
0x271: {  	_ =	swait.ge @!p0 [sflag:s0], s1  }
0x272: {  	s1 =	ssub.s32 @!p0 $0x0, s1;
	[sflag:s0] =	ssyncset.done @!p0 $0x0  }
0x273: {  	[sflag:s0] =	ssyncadd.s32 @!p0 s1  }
0x274: {  	[bflag:$0x3] =	sbarrier.arrive $0xFFFF  }
0x275: {  	_ =	shalt  }

// kernel: kernel.13.cloned.1.call-start
scs
__scs_entry_jumppad:
0x0: {  	(pc) =	sbr.rel $0x88, $3  }
0x1: {  	(tag) =	ssettag $0x0;
	lr =	simm.s32 $0x1  }
0x2: {  	[smem:$0x3F96] =	sst lr;
	_ =	strace $0xD0000000  }
0x3: {  	_ = 	snop  }
0x4: {  	_ = 	snop  }
0x5: {  	_ = 	snop  }
0x6: {  	_ = 	snop  }
0x7: {  	_ = 	snop  }
__scs_overlays_trampoline_lowered:
0x8: {  	[smem:$0x3FA5] =	sst s0  }
0x9: {  	[smem:$0x3FA6] =	sst s1  }
0xa: {  	[smem:$0x3FA7] =	sst s2  }
0xb: {  	[smem:$0x3FA8] =	sst s3  }
0xc: {  	[smem:$0x3FA9] =	sst s4  }
0xd: {  	[smem:$0x3FAA] =	sst s5  }
0xe: {  	[smem:$0x3FAB] =	sst s6  }
0xf: {  	[smem:$0x3FAC] =	sst s7  }
0x10: {  	[smem:$0x3FAD] =	sst s8  }
0x11: {  	[smem:$0x3FAE] =	sst s9;
	s0 =	simm.s32 @!p0 $0x0  }
0x12: {  	s1 =	sld [smem:$0x3F94];
	s0 =	simm.s32 @p0 $0x1  }
0x13: {  	[smem:$0x3FAF] =	sst s0;
	s0 =	simm.s32 @!p1 $0x0  }
0x14: {  	s2 =	sld [smem:$0x3F93];
	s0 =	simm.s32 @p1 $0x1  }
0x15: {  	[smem:$0x3FB0] =	sst s0;
	s0 =	simm.s32 @!p2 $0x0  }
0x16: {  	s3 =	sld [smem:$0x3FDB];
	s0 =	simm.s32 @p2 $0x1  }
0x17: {  	s4 =	simm.s32 $0x1BF5;
	[smem:$0x3FB2] =	sst s0  }
0x18: {  	s0 =	sld [smem:$0x3F95];
	_ =	swait.ge [sflag:s4], $0x0  }
0x19: {  	s7 =	sld [smem:$0x3F96]  }
0x1a: {  	s8 =	sadd.s32 $0xFFFFE003, lr  }
0x1b: {  	s9 =	sadd.s32 $0xFFFFFEF7, lr;
	s5 =	simm.s32 $0xFFFFFFFF;
	p2 =	slt.u32 s8, $0xFFFFF086  }
0x1c: {  	p1 =	slt.u32 s9, $0xF7A;
	s5 =	simm.s32 @!p2 $0x0  }
0x1d: {  	s5 =	simm.s32 @p1 $0x1;
	p0 =	seq.s32 s7, s2  }
0x1e: {  	s7 =	smul.u32 @!p0 $0xF7A, s2;
	p2 =	seq.s32 @!p0 s5, $0x0  }
0x1f: {  	s9 =	smul.u32 $0xF7A, s1;
	s8 =	simm.s32 @!p0 $0x1BF5;
	p2 =	por !p2, p0  }
0x20: {  	[sflag:s8] =	ssyncset.s32 @!p0 $0xFFFFF086;
	s6 =	sadd.s32 @!p0 s3, s7;
	s7 =	simm.s32 @!p0 $0x108  }
0x21: {  	s3 =	sadd.s32 s3, s9;
	s6 =	sadd.s32 @!p0 $0x88, s6;
	s7 =	simm.s32 @p2 $0x1082  }
0x22: {  	[simem:s7], [sflag:s8] =	dma.local @!p0 [hbm:s6], $0xF7A  }
0x23: {  	s9 =	sor.u32 $0xD0000000, s2;
	s6 =	simm.s32 $0x108;
	_ =	swait.ge @!p0 [sflag:s8], $0x0  }
0x24: {  	s3 =	sadd.s32 $0x88, s3;
	s6 =	simm.s32 @!p1 $0x1082;
	[sflag:s4] =	ssyncset.s32 $0xFFFFF086  }
0x25: {  	[simem:s6], [sflag:s4] =	dma.local [hbm:s3], $0xF7A  }
0x26: {  	[smem:$0x3F96] =	sst s1;
	(tag) =	ssettag s2;
	_ =	strace s9  }
0x27: {  	s1 =	sld [smem:$0x3FA6]  }
0x28: {  	s2 =	sld [smem:$0x3FA7]  }
0x29: {  	s4 =	sld [smem:$0x3FA9]  }
0x2a: {  	p0 =	seq.s32 s5, $0x0;
	s5 =	sld [smem:$0x3FAA]  }
0x2b: {  	s6 =	sld [smem:$0x3FAB]  }
0x2c: {  	s7 =	sld [smem:$0x3FAC]  }
0x2d: {  	s3 =	simm.s32 $0x108;
	s8 =	sld [smem:$0x3FAD]  }
0x2e: {  	s3 =	simm.s32 @!p0 $0x1082;
	s9 =	sld [smem:$0x3FAE]  }
0x2f: {  	lr =	sadd.s32 s0, s3;
	s0 =	sld [smem:$0x3FA5]  }
0x30: {  	s3 =	sld [smem:$0x3FA8]  }
0x31: {  	[smem:$0x3FB1] =	sst s10  }
0x32: {  	s10 =	sld [smem:$0x3FAF];
	_ =	sdelay $0x3  }
0x33: {  	p0 =	seq.s32 s10, $0x1;
	s10 =	sld [smem:$0x3FB1];
	_ =	sdelay $0x3  }
0x34: {  	[smem:$0x3FB1] =	sst s10  }
0x35: {  	s10 =	sld [smem:$0x3FB0];
	_ =	sdelay $0x3  }
0x36: {  	p1 =	seq.s32 s10, $0x1;
	s10 =	sld [smem:$0x3FB1];
	_ =	sdelay $0x3  }
0x37: {  	[smem:$0x3FB1] =	sst s10  }
0x38: {  	s10 =	sld [smem:$0x3FB2]  }
0x39: {  	_ = 	snop;
	(pc) =	sbr.ind lr, $3  }
0x3a: {  	_ = 	snop  }
0x3b: {  	_ = 	snop  }
0x3c: {  	p2 =	seq.s32 s10, $0x1;
	s10 =	sld [smem:$0x3FB1]  }
0x3d: {  	_ =	shalt  }
0x3e: {  	_ =	shalt  }
0x3f: {  	_ =	shalt  }
0x40: {  	_ =	shalt  }
0x41: {  	_ =	shalt  }
0x42: {  	_ =	shalt  }
0x43: {  	_ =	shalt  }
0x44: {  	_ =	shalt  }
0x45: {  	_ =	shalt  }
0x46: {  	_ =	shalt  }
0x47: {  	_ =	shalt  }
0x48: {  	_ =	shalt  }
0x49: {  	_ =	shalt  }
0x4a: {  	_ =	shalt  }
0x4b: {  	_ =	shalt  }
0x4c: {  	_ =	shalt  }
0x4d: {  	_ =	shalt  }
0x4e: {  	_ =	shalt  }
0x4f: {  	_ =	shalt  }
0x50: {  	_ =	shalt  }
0x51: {  	_ =	shalt  }
0x52: {  	_ =	shalt  }
0x53: {  	_ =	shalt  }
0x54: {  	_ =	shalt  }
0x55: {  	_ =	shalt  }
0x56: {  	_ =	shalt  }
0x57: {  	_ =	shalt  }
0x58: {  	_ =	shalt  }
0x59: {  	_ =	shalt  }
0x5a: {  	_ =	shalt  }
0x5b: {  	_ =	shalt  }
0x5c: {  	_ =	shalt  }
0x5d: {  	_ =	shalt  }
0x5e: {  	_ =	shalt  }
0x5f: {  	_ =	shalt  }
0x60: {  	_ =	shalt  }
0x61: {  	_ =	shalt  }
0x62: {  	_ =	shalt  }
0x63: {  	_ =	shalt  }
0x64: {  	_ =	shalt  }
0x65: {  	_ =	shalt  }
0x66: {  	_ =	shalt  }
0x67: {  	_ =	shalt  }
0x68: {  	_ =	shalt  }
0x69: {  	_ =	shalt  }
0x6a: {  	_ =	shalt  }
0x6b: {  	_ =	shalt  }
0x6c: {  	_ =	shalt  }
0x6d: {  	_ =	shalt  }
0x6e: {  	_ =	shalt  }
0x6f: {  	_ =	shalt  }
0x70: {  	_ =	shalt  }
0x71: {  	_ =	shalt  }
0x72: {  	_ =	shalt  }
0x73: {  	_ =	shalt  }
0x74: {  	_ =	shalt  }
0x75: {  	_ =	shalt  }
0x76: {  	_ =	shalt  }
0x77: {  	_ =	shalt  }
0x78: {  	_ =	shalt  }
0x79: {  	_ =	shalt  }
0x7a: {  	_ =	shalt  }
0x7b: {  	_ =	shalt  }
0x7c: {  	_ =	shalt  }
0x7d: {  	_ =	shalt  }
0x7e: {  	_ =	shalt  }
0x7f: {  	_ =	shalt  }
0x80: {  	_ =	shalt  }
0x81: {  	_ =	shalt  }
0x82: {  	_ =	shalt  }
0x83: {  	_ =	shalt  }
0x84: {  	_ =	shalt  }
0x85: {  	_ =	shalt  }
0x86: {  	_ =	shalt  }
0x87: {  	_ =	shalt  }
.Lfunc_end0:
.L_simem_size_0:
called_computation.1_lowered:
.L_overlay_start_0:
0x88: {  	s2 =	sld [smem:$0x3FD9]  }
0x89: {  	s3 =	sld [smem:$0x3FFE];
	_ =	sdelay $0x1  }
0x8a: {  	s1 =	srdreg.scid  }
0x8b: {  	s0 =	sand.u32 $0x1, s1  }
0x8c: {  	s14 =	sshll.u32 s0, $0xA;
	s2 =	sadd.s32 s3, s2  }
0x8d: {  	s2 =	sadd.s32 s2, s14  }
0x8e: {  	[smem:$0x3FBD] =	sst s2  }
0x8f: {  	_ = 	snop  }
0x90: {  	s2 =	sld [smem:$0x3FD0];
	_ =	sdelay $0x2  }
0x91: {  	s15 =	simm.s32 $0xA;
	s4 =	simm.s32 $0x10  }
0x92: {  	[smem:s4], [sflag:s15] =	dma.local [hbm:s2], $0x1  }
0x93: {  	_ =	swait.eq [sflag:s15], $0x1  }
0x94: {  	[sflag:s15] =	ssyncset.done $0x0  }
0x95: {  	[sflag:s15] =	ssyncadd.s32 $0xFFFFFFFF  }
0x96: {  	s16 =	sld [smem:$0x10];
	(tm) =	ssettm $0x1  }
0x97: {  	s17 =	sld [smem:$0x3FFB];
	_ =	sdelay $0x3  }
0x98: {  	_ =	strace s17  }
0x99: {  	s3 =	sld [smem:$0x3FFC];
	_ =	sdelay $0x3  }
0x9a: {  	_ =	strace s3  }
0x9b: {  	s3 =	sld [smem:$0x3FFD];
	_ =	sdelay $0x3  }
0x9c: {  	_ =	strace s3  }
0x9d: {  	_ =	strace $0x8FFFFFFF  }
0x9e: {  	s18 =	sld [smem:$0x3FDB];
	_ =	sdelay $0x1  }
0x9f: {  	s19 =	simm.s32 $_scs_section_size  }
0xa0: {  	s5 =	simm.s32 $_size__tile_overlayer_lowered;
	s6 =	simm.s32 $_tile_overlayer_lowered  }
0xa1: {  	s22 =	simm.s32 $0x1BFF;
	s21 =	sshll.u32 s6, $0x1;
	s3 =	sadd.s32 s19, s18  }
0xa2: {  	s7 =	simm.s32 $0x0;
	s20 =	sshll.u32 s5, $0x1;
	s5 =	sadd.s32 s21, s3  }
0xa3: {  	[timem:s7], [sflag:s22] =	dma.local [hbm:s5], s20  }
0xa4: {  	_ =	swait.ge [sflag:s22], s20  }
0xa5: {  	s4 =	ssub.s32 $0x0, s20;
	[sflag:s22] =	ssyncset.done $0x0  }
0xa6: {  	[sflag:s22] =	ssyncadd.s32 s4;
	_ =	sdelay $0x1  }
0xa7: {  	s23 =	simm.s32 $0x1B8B  }
0xa8: {  	_ =	swait.ge [sflag:s23], $0x1  }
0xa9: {  	[sflag:s23] =	ssyncset.done $0x0  }
0xaa: {  	s25 =	simm.s32 $0x1B8E;
	s24 =	sld [smem:$0x3FFE];
	[sflag:s23] =	ssyncadd.s32 $0xFFFFFFFF  }
0xab: {  	s26 =	simm.s32 $execute0_lowered;
	[smem:$0x3FD2] =	sst s25  }
0xac: {  	s5 =	sshll.u32 s26, $0x1;
	_ =	strace $0x80000049;
	[dreg:$0x1] =	wrdreg $0xFFFFFFFF  }
0xad: {  	s28 =	simm.s32 $_size_execute0_lowered;
	s3 =	sadd.s32 s3, s5;
	[dreg:$0x0] =	wrdreg $0x0  }
0xae: {  	s5 =	sshll.u32 s28, $0x1;
	[dreg:$0x2] =	wrdreg s3  }
0xaf: {  	[dreg:$0x3] =	wrdreg s5  }
0xb0: {  	[dreg:$0x4] =	wrdreg $0xC0  }
0xb1: {  	_ =	task [dreg:s7], $0x5FFFF  }
0xb2: {  	[dreg:$0x1] =	wrdreg $0xFFFFFFFF  }
0xb3: {  	[dreg:$0x0] =	wrdreg $0x60  }
0xb4: {  	[dreg:$0x2] =	wrdreg s24  }
0xb5: {  	[dreg:$0x3] =	wrdreg s16  }
0xb6: {  	[dreg:$0x4] =	wrdreg $0x84000  }
0xb7: {  	[dreg:$0x5] =	wrdreg $0x9  }
0xb8: {  	_ =	task.clear_ibuf [dreg:s7], $0x6FFFF;
	_ =	strace $0x90000049  }
0xb9: {  	s29 =	simm.s32 $0x9;
	_ =	strace $0x8000004B  }
0xba: {  	_ =	swait.ge [sflag:s29], $0x1  }
0xbb: {  	[sflag:s29] =	ssyncadd.s32 $0xFFFFFFFF  }
0xbc: {  	_ =	strace $0x9000004B  }
0xbd: {  	_ =	sfence  }
0xbe: {  	s30 =	sld [smem:$0x0];
	_ =	sdelay $0x2  }
0xbf: {  	s31 =	sshll.u32 s1, $0xD;
	s1 =	sshrl.u32 s1, $0x2  }
0xc0: {  	s3 =	sand.u32 $0x4000, s31;
	s1 =	sadd.s32 s1, s30  }
0xc1: {  	s0 =	sor.u32 s3, s0;
	s1 =	sshll.u32 s1, $0x11  }
0xc2: {  	s0 =	sor.u32 s1, s0  }
0xc3: {  	s0 =	sadd.s32 $0x8F2B, s0  }
0xc4: {  	[sflag:s0] =	ssyncadd.remote.s32 $0x1  }
0xc5: {  	_ =	sfence.sel $0xFFFF  }
0xc6: {  	[dreg:$0x0] =	wrdreg $0xFFFFFFFF;
	(pc) =	sbr.abs _section_cstart, $3  }
0xc7: {  	[dreg:$0x1] =	wrdreg $0xFFFFFFFF  }
0xc8: {  	_ =	task.clear_ibuf [dreg:s7], $0x2FFFF;
	_ =	strace $0x9FFFFFFF  }
0xc9: {  	(tm) =	ssettm $0x7FFFFFFF  }
tec
execute0_lowered:
.L_overlay_start_1:
0x0: {  	(tag) =	ssettag $0x1  }
0x1: {  	s0 =	rddreg [dreg:$0x0]  }
0x2: {  	s2 =	rddreg [dreg:$0x2];
	s1 =	srdreg.scid  }
0x3: {  	s4 =	simm.s32 $0x0;
	s12 =	stileid.u32;
	s28 =	simm.s32 $0x100  }
0x4: {  	s29 =	simm.s32 $0x300;
	s30 =	simm.s32 $0x4400;
	s31 =	simm.s32 $0x2  }
0x5: {  	s1 =	sand.u32 $0x1, s1;
	[smem:$0x7FF] =	sst s4;
	s8 =	smul.u32 $0x14000, s12  }
0x6: {  	s5 =	sadd.s32 $0x16A00, s0;
	s6 =	sadd.s32 $0xCA00, s0;
	s9 =	smul.u32 $0x50000, s12  }
0x7: {  	s7 =	sadd.s32 $0x2A00, s0;
	s17 =	sshll.u32 s12, $0x6;
	s3 =	smul.u32 $0x140000, s1  }
0x8: {  	_ =	strace $0x8000004A;
	s15 =	sshll.u32 s1, $0x4;
	s16 =	ssub.s32 $0x2, s1  }
0x9: {  	s1 =	smul.u32 $0x5000, s1;
	s10 =	sshrl.u32 s16, $0x1;
	s9 =	sshrl.u32 s9, $0x2  }
0xa: {  	s3 =	sadd.s32 s8, s3;
	s8 =	sor.u32 s12, s15;
	s12 =	smul.u32 $0x500, s12  }
0xb: {  	s9 =	sadd.s32 s9, s2;
	s3 =	sshrl.u32 s3, $0x3;
	s11 =	smul.u32 $0x500, s8  }
0xc: {  	[dreg:$0x6] =	wrdreg s9;
	s9 =	sor.u32 $0x1C06, s17;
	s8 =	smul.u32 $0x2800, s8  }
0xd: {  	s0 =	sadd.s32 s3, s0;
	s3 =	ssub.s32 s16, s10;
	s16 =	sadd.s32 s12, s1  }
0xe: {  	s1 =	simm.s32 $0x380;
	s18 =	sadd.s32 s6, s11;
	s19 =	sadd.s32 s7, s11  }
0xf: {  	s20 =	sor.u32 $0x10, s11;
	s11 =	sor.u32 $0x20, s11;
	[dreg:$0x7] =	wrdreg s18  }
0x10: {  	s8 =	sshrl.u32 s8, $0x3;
	s0 =	sadd.s32 $0x66A00, s0;
	[dreg:$0x8] =	wrdreg s19  }
0x11: {  	s25 =	sadd.s32 s6, s16;
	s26 =	sadd.s32 s7, s16;
	[dreg:$0xf] =	wrdreg s0  }
0x12: {  	s13 =	sadd.s32 s6, s20;
	s10 =	sadd.s32 s7, s20;
	[dreg:$0x4] =	wrdreg s25  }
0x13: {  	s21 =	sadd.s32 s6, s11;
	s22 =	sadd.s32 s7, s11;
	[dreg:$0x5] =	wrdreg s26  }
0x14: {  	s8 =	sadd.s32 $0x4F0, s8;
	s20 =	smax.u32 s3, $0x1;
	[dreg:$0x9] =	wrdreg s13  }
0x15: {  	s25 =	simm.s32 $0x280;
	s26 =	simm.s32 $0x400;
	[dreg:$0xa] =	wrdreg s10  }
0x16: {  	s0 =	simm.s32 $0x4;
	s3 =	simm.s32 $0x180;
	[dreg:$0xb] =	wrdreg s21  }
0x17: {  	s11 =	simm.s32 $0x0;
	[dreg:$0xc] =	wrdreg s22;
	s23 =	sadd.s32 s6, s8  }
0x18: {  	s24 =	sadd.s32 s7, s8;
	s21 =	simm.s32 $0x6;
	s22 =	simm.s32 $0x200  }
0x19: {  	s8 =	simm.s32 $0x3;
	s10 =	simm.s32 $0x5;
	[dreg:$0xd] =	wrdreg s23  }
0x1a: {  	[dreg:$0xe] =	wrdreg s24;
	s23 =	simm.s32 $0x1;
	s24 =	simm.s32 $0x80  }
.LBB2_1:
0x1b: {  	s12 =	rddreg [dreg:$0x6]  }
0x1c: {  	s13 =	rddreg [dreg:$0x1];
	s12 =	sshrl.u32 s12, $0x3  }
0x1d: {  	[spmem:s12], [sflag:s9] =	dma.local [hbm:s13], $0x2800  }
0x1e: {  	_ =	swait.ge [sflag:s21], $0x2800  }
0x1f: {  	[sflag:s21] =	ssyncset.done $0x0  }
0x20: {  	[sflag:s21] =	ssyncadd.s32 $0xFFFFD800  }
0x21: {  	[bflag:$0x0] =	sbarrier.arrive $0xFFFF  }
0x22: {  	s18 =	rddreg [dreg:$0x7]  }
0x23: {  	[tilespmem:s4], [sflag:$0x1] =	stream.linear.gather [hbm4b:s18+s4], $0x80, $0x38;
	[tilespmem:$0x1C400] =	vst v63  }
0x24: {  	s19 =	rddreg [dreg:$0x8]  }
0x25: {  	[tilespmem:s22], [sflag:$0x1] =	stream.linear.gather [hbm4b:s19+s4], $0x80, $0x38;
	[tilespmem:$0x1C400] =	vst v63  }
0x26: {  	_ =	swait.ge [sflag:s23], $0x80  }
0x27: {  	[sflag:s23] =	ssyncset.done $0x0  }
0x28: {  	[sflag:s23] =	ssyncadd.s32 $0xFFFFFF80  }
0x29: {  	_ =	swait.ge [sflag:s23], $0x80  }
0x2a: {  	[sflag:s23] =	ssyncset.done $0x0  }
0x2b: {  	s14 =	rddreg [dreg:$0x9];
	[sflag:s23] =	ssyncadd.s32 $0xFFFFFF80  }
0x2c: {  	[tilespmem:s24], [sflag:$0x1] =	stream.linear.gather [hbm4b:s14+s4], $0x80, $0x38;
	[tilespmem:$0x1C400] =	vst v63  }
0x2d: {  	s15 =	rddreg [dreg:$0xa]  }
0x2e: {  	[tilespmem:s25], [sflag:$0x1] =	stream.linear.gather [hbm4b:s15+s4], $0x80, $0x38;
	[tilespmem:$0x1C400] =	vst v63  }
0x2f: {  	_ = 	snop  }
0x30: {  	[tilespmem:s26], [sflag:$0x2] =	stream.indirect.gather [hbm4b:s5+s24], $0x80, s4, s24, $0xb8;
	[tilespmem:$0x1C400] =	vst v63  }
0x31: {  	_ =	swait.ge [sflag:s23], $0x80  }
0x32: {  	[sflag:s23] =	ssyncset.done $0x0  }
0x33: {  	[sflag:s23] =	ssyncadd.s32 $0xFFFFFF80  }
0x34: {  	_ =	swait.ge [sflag:s23], $0x80  }
0x35: {  	[sflag:s23] =	ssyncset.done $0x0  }
0x36: {  	s17 =	rddreg [dreg:$0xb];
	[sflag:s23] =	ssyncadd.s32 $0xFFFFFF80  }
0x37: {  	[tilespmem:s28], [sflag:$0x1] =	stream.linear.gather [hbm4b:s17+s4], $0x80, $0x38;
	[tilespmem:$0x1C400] =	vst v63  }
0x38: {  	s18 =	rddreg [dreg:$0xc]  }
0x39: {  	[tilespmem:s29], [sflag:$0x1] =	stream.linear.gather [hbm4b:s18+s4], $0x80, $0x38;
	[tilespmem:$0x1C400] =	vst v63  }
0x3a: {  	_ = 	snop  }
0x3b: {  	[tilespmem:s30], [sflag:$0x3] =	stream.indirect.gather [hbm4b:s5+s24], $0x80, s24, s24, $0xb8;
	[tilespmem:$0x1C400] =	vst v63  }
0x3c: {  	_ =	swait.ge [sflag:s31], $0x4000  }
0x3d: {  	[sflag:s31] =	ssyncset.done $0x0  }
0x3e: {  	[sflag:s31] =	ssyncadd.s32 $0xFFFFC000  }
0x3f: {  	[spmem:s2] =	stream.indirect.scatter.add.f32 [tilespmem:s26], [sflag:$0x4], $0x80, s22, s24, $0xb8;
	[tilespmem:$0x1C400] =	vst v63  }
0x40: {  	_ =	swait.ge [sflag:s0], $0x4000  }
0x41: {  	[sflag:s0] =	ssyncset.done $0x0  }
0x42: {  	[sflag:s0] =	ssyncadd.s32 $0xFFFFC000  }
0x43: {  	_ =	swait.ge [sflag:s23], $0x80  }
0x44: {  	s14 =	sadd.s32 $0x0, s16;
	[sflag:s23] =	ssyncset.done $0x0  }
0x45: {  	s19 =	sand.u32 $0xFFFFF80, s14;
	s15 =	sand.u32 $0x40, s4;
	[sflag:s23] =	ssyncadd.s32 $0xFFFFFF80  }
0x46: {  	s13 =	sor.u32 s19, s15;
	_ =	swait.ge [sflag:s23], $0x80  }
0x47: {  	s13 =	sor.u32 $0x30, s13;
	[sflag:s23] =	ssyncset.done $0x0  }
0x48: {  	s17 =	sadd.s32 s6, s13;
	[sflag:s23] =	ssyncadd.s32 $0xFFFFFF80  }
0x49: {  	[tilespmem:s3], [sflag:$0x1] =	stream.linear.gather [hbm4b:s17+s4], $0x80, $0x38;
	[tilespmem:$0x1C400] =	vst v63  }
0x4a: {  	s13 =	sadd.s32 s7, s13  }
0x4b: {  	[tilespmem:s1], [sflag:$0x1] =	stream.linear.gather [hbm4b:s13+s4], $0x80, $0x38;
	[tilespmem:$0x1C400] =	vst v63  }
0x4c: {  	_ = 	snop  }
0x4d: {  	[tilespmem:s26], [sflag:$0x2] =	stream.indirect.gather [hbm4b:s5+s24], $0x80, s28, s24, $0xb8;
	[tilespmem:$0x1C400] =	vst v63  }
0x4e: {  	_ =	swait.ge [sflag:s8], $0x4000  }
0x4f: {  	[sflag:s8] =	ssyncset.done $0x0  }
0x50: {  	[sflag:s8] =	ssyncadd.s32 $0xFFFFC000  }
0x51: {  	[spmem:s2] =	stream.indirect.scatter.add.f32 [tilespmem:s30], [sflag:$0x5], $0x80, s25, s24, $0xb8;
	[tilespmem:$0x1C400] =	vst v63  }
0x52: {  	_ =	swait.ge [sflag:s10], $0x4000  }
0x53: {  	[sflag:s10] =	ssyncset.done $0x0  }
0x54: {  	[sflag:s10] =	ssyncadd.s32 $0xFFFFC000  }
0x55: {  	_ =	swait.ge [sflag:s23], $0x80  }
0x56: {  	[sflag:s23] =	ssyncset.done $0x0  }
0x57: {  	[sflag:s23] =	ssyncadd.s32 $0xFFFFFF80  }
0x58: {  	_ =	swait.ge [sflag:s23], $0x80  }
0x59: {  	s18 =	rddreg [dreg:$0x4]  }
0x5a: {  	s19 =	rddreg [dreg:$0x5];
	[sflag:s23] =	ssyncset.done $0x0;
	s17 =	sadd.s32 $0x0, s18  }
0x5b: {  	[sflag:s23] =	ssyncadd.s32 $0xFFFFFF80;
	s15 =	sadd.s32 $0x0, s19;
	s13 =	sadd.s32 $0x40, s17  }
0x5c: {  	[tilespmem:s4], [sflag:$0x1] =	stream.linear.gather [hbm4b:s13+s4], $0x80, $0x38;
	[tilespmem:$0x1C400] =	vst v63  }
0x5d: {  	s18 =	sadd.s32 $0x40, s15  }
0x5e: {  	[tilespmem:s22], [sflag:$0x1] =	stream.linear.gather [hbm4b:s18+s4], $0x80, $0x38;
	[tilespmem:$0x1C400] =	vst v63  }
0x5f: {  	_ = 	snop  }
0x60: {  	[tilespmem:s30], [sflag:$0x3] =	stream.indirect.gather [hbm4b:s5+s24], $0x80, s3, s24, $0xb8;
	[tilespmem:$0x1C400] =	vst v63  }
0x61: {  	_ =	swait.ge [sflag:s31], $0x4000  }
0x62: {  	[sflag:s31] =	ssyncset.done $0x0  }
0x63: {  	[sflag:s31] =	ssyncadd.s32 $0xFFFFC000  }
0x64: {  	[spmem:s2] =	stream.indirect.scatter.add.f32 [tilespmem:s26], [sflag:$0x4], $0x80, s29, s24, $0xb8;
	[tilespmem:$0x1C400] =	vst v63  }
0x65: {  	_ =	swait.ge [sflag:s0], $0x4000  }
0x66: {  	[sflag:s0] =	ssyncset.done $0x0  }
0x67: {  	[sflag:s0] =	ssyncadd.s32 $0xFFFFC000  }
0x68: {  	_ =	swait.ge [sflag:s23], $0x80  }
0x69: {  	s14 =	sadd.s32 $0x40, s14;
	s13 =	simm.s32 $0x40;
	[sflag:s23] =	ssyncset.done $0x0  }
0x6a: {  	s14 =	sand.u32 $0xFFFFF80, s14;
	s18 =	sand.u32 $0x40, s13;
	[sflag:s23] =	ssyncadd.s32 $0xFFFFFF80  }
0x6b: {  	s14 =	sor.u32 s14, s18;
	_ =	swait.ge [sflag:s23], $0x80  }
0x6c: {  	s14 =	sor.u32 $0x10, s14;
	[sflag:s23] =	ssyncset.done $0x0  }
0x6d: {  	s19 =	sadd.s32 s6, s14;
	[sflag:s23] =	ssyncadd.s32 $0xFFFFFF80  }
0x6e: {  	[tilespmem:s24], [sflag:$0x1] =	stream.linear.gather [hbm4b:s19+s4], $0x80, $0x38;
	[tilespmem:$0x1C400] =	vst v63  }
0x6f: {  	s14 =	sadd.s32 s7, s14  }
0x70: {  	[tilespmem:s25], [sflag:$0x1] =	stream.linear.gather [hbm4b:s14+s4], $0x80, $0x38;
	[tilespmem:$0x1C400] =	vst v63  }
0x71: {  	_ = 	snop  }
0x72: {  	[tilespmem:s26], [sflag:$0x2] =	stream.indirect.gather [hbm4b:s5+s24], $0x80, s4, s24, $0xb8;
	[tilespmem:$0x1C400] =	vst v63  }
0x73: {  	_ =	swait.ge [sflag:s8], $0x4000  }
0x74: {  	[sflag:s8] =	ssyncset.done $0x0  }
0x75: {  	[sflag:s8] =	ssyncadd.s32 $0xFFFFC000  }
0x76: {  	[spmem:s2] =	stream.indirect.scatter.add.f32 [tilespmem:s30], [sflag:$0x5], $0x80, s1, s24, $0xb8;
	[tilespmem:$0x1C400] =	vst v63  }
0x77: {  	_ =	swait.ge [sflag:s10], $0x4000  }
0x78: {  	[sflag:s10] =	ssyncset.done $0x0  }
0x79: {  	[sflag:s10] =	ssyncadd.s32 $0xFFFFC000  }
0x7a: {  	_ =	swait.ge [sflag:s23], $0x80  }
0x7b: {  	[sflag:s23] =	ssyncset.done $0x0  }
0x7c: {  	[sflag:s23] =	ssyncadd.s32 $0xFFFFFF80  }
0x7d: {  	_ =	swait.ge [sflag:s23], $0x80  }
0x7e: {  	[sflag:s23] =	ssyncset.done $0x0  }
0x7f: {  	s18 =	sadd.s32 $0x60, s17;
	[sflag:s23] =	ssyncadd.s32 $0xFFFFFF80  }
0x80: {  	[tilespmem:s28], [sflag:$0x1] =	stream.linear.gather [hbm4b:s18+s4], $0x80, $0x38;
	[tilespmem:$0x1C400] =	vst v63  }
0x81: {  	s19 =	sadd.s32 $0x60, s15  }
0x82: {  	[tilespmem:s29], [sflag:$0x1] =	stream.linear.gather [hbm4b:s19+s4], $0x80, $0x38;
	[tilespmem:$0x1C400] =	vst v63  }
0x83: {  	_ = 	snop  }
0x84: {  	[tilespmem:s30], [sflag:$0x3] =	stream.indirect.gather [hbm4b:s5+s24], $0x80, s24, s24, $0xb8;
	[tilespmem:$0x1C400] =	vst v63  }
0x85: {  	_ =	swait.ge [sflag:s31], $0x4000  }
0x86: {  	[sflag:s31] =	ssyncset.done $0x0  }
.LBB2_2:
0x87: {  	[sflag:s31] =	ssyncadd.s32 $0xFFFFC000  }
0x88: {  	[spmem:s2] =	stream.indirect.scatter.add.f32 [tilespmem:s26], [sflag:$0x4], $0x80, s22, s24, $0xb8;
	[tilespmem:$0x1C400] =	vst v63  }
0x89: {  	_ =	swait.ge [sflag:s0], $0x4000  }
0x8a: {  	[sflag:s0] =	ssyncset.done $0x0  }
0x8b: {  	[sflag:s0] =	ssyncadd.s32 $0xFFFFC000  }
0x8c: {  	s14 =	smov.u32 s13;
	_ =	swait.ge [sflag:s23], $0x80  }
0x8d: {  	s15 =	sadd.s32 s14, s16;
	[sflag:s23] =	ssyncset.done $0x0  }
0x8e: {  	s19 =	sand.u32 $0x40, s14;
	s18 =	sand.u32 $0xFFFFF80, s15;
	[sflag:s23] =	ssyncadd.s32 $0xFFFFFF80  }
0x8f: {  	s18 =	sor.u32 s18, s19;
	_ =	swait.ge [sflag:s23], $0x80  }
0x90: {  	s18 =	sor.u32 $0x30, s18;
	[sflag:s23] =	ssyncset.done $0x0  }
0x91: {  	s19 =	sadd.s32 s6, s18;
	[sflag:s23] =	ssyncadd.s32 $0xFFFFFF80  }
0x92: {  	[tilespmem:s3], [sflag:$0x1] =	stream.linear.gather [hbm4b:s19+s4], $0x80, $0x38;
	[tilespmem:$0x1C400] =	vst v63  }
0x93: {  	s18 =	sadd.s32 s7, s18  }
0x94: {  	[tilespmem:s1], [sflag:$0x1] =	stream.linear.gather [hbm4b:s18+s4], $0x80, $0x38;
	[tilespmem:$0x1C400] =	vst v63  }
0x95: {  	_ = 	snop  }
0x96: {  	[tilespmem:s26], [sflag:$0x2] =	stream.indirect.gather [hbm4b:s5+s24], $0x80, s28, s24, $0xb8;
	[tilespmem:$0x1C400] =	vst v63  }
0x97: {  	_ =	swait.ge [sflag:s8], $0x4000  }
0x98: {  	[sflag:s8] =	ssyncset.done $0x0  }
0x99: {  	[sflag:s8] =	ssyncadd.s32 $0xFFFFC000  }
0x9a: {  	[spmem:s2] =	stream.indirect.scatter.add.f32 [tilespmem:s30], [sflag:$0x5], $0x80, s25, s24, $0xb8;
	[tilespmem:$0x1C400] =	vst v63  }
0x9b: {  	_ =	swait.ge [sflag:s10], $0x4000  }
0x9c: {  	[sflag:s10] =	ssyncset.done $0x0  }
0x9d: {  	[sflag:s10] =	ssyncadd.s32 $0xFFFFC000  }
0x9e: {  	_ =	swait.ge [sflag:s23], $0x80  }
0x9f: {  	p0 =	sne.s32 s13, $0x480;
	[sflag:s23] =	ssyncset.done $0x0  }
0xa0: {  	s13 =	sadd.s32 $0x40, s13;
	s15 =	sadd.s32 $0x40, s15;
	[sflag:s23] =	ssyncadd.s32 $0xFFFFFF80  }
0xa1: {  	s17 =	sand.u32 $0x40, s13;
	s15 =	sand.u32 $0xFFFFF80, s15;
	_ =	swait.ge [sflag:s23], $0x80  }
0xa2: {  	s15 =	sor.u32 s15, s17;
	s19 =	rddreg [dreg:$0x4]  }
0xa3: {  	s18 =	rddreg [dreg:$0x5];
	[sflag:s23] =	ssyncset.done $0x0;
	s17 =	sadd.s32 s14, s19  }
0xa4: {  	[sflag:s23] =	ssyncadd.s32 $0xFFFFFF80;
	s14 =	sadd.s32 s14, s18;
	s19 =	sadd.s32 $0x40, s17  }
0xa5: {  	[tilespmem:s4], [sflag:$0x1] =	stream.linear.gather [hbm4b:s19+s4], $0x80, $0x38;
	[tilespmem:$0x1C400] =	vst v63  }
0xa6: {  	s18 =	sadd.s32 $0x40, s14  }
0xa7: {  	[tilespmem:s22], [sflag:$0x1] =	stream.linear.gather [hbm4b:s18+s4], $0x80, $0x38;
	[tilespmem:$0x1C400] =	vst v63  }
0xa8: {  	_ = 	snop  }
0xa9: {  	[tilespmem:s30], [sflag:$0x3] =	stream.indirect.gather [hbm4b:s5+s24], $0x80, s3, s24, $0xb8;
	[tilespmem:$0x1C400] =	vst v63  }
0xaa: {  	_ =	swait.ge [sflag:s31], $0x4000  }
0xab: {  	[sflag:s31] =	ssyncset.done $0x0  }
0xac: {  	[sflag:s31] =	ssyncadd.s32 $0xFFFFC000  }
0xad: {  	[spmem:s2] =	stream.indirect.scatter.add.f32 [tilespmem:s26], [sflag:$0x4], $0x80, s29, s24, $0xb8;
	[tilespmem:$0x1C400] =	vst v63  }
0xae: {  	_ =	swait.ge [sflag:s0], $0x4000  }
0xaf: {  	[sflag:s0] =	ssyncset.done $0x0  }
0xb0: {  	[sflag:s0] =	ssyncadd.s32 $0xFFFFC000  }
0xb1: {  	_ =	swait.ge [sflag:s23], $0x80  }
0xb2: {  	[sflag:s23] =	ssyncset.done $0x0  }
0xb3: {  	[sflag:s23] =	ssyncadd.s32 $0xFFFFFF80  }
0xb4: {  	_ =	swait.ge [sflag:s23], $0x80  }
0xb5: {  	s15 =	sor.u32 $0x10, s15;
	[sflag:s23] =	ssyncset.done $0x0  }
0xb6: {  	s19 =	sadd.s32 s6, s15;
	[sflag:s23] =	ssyncadd.s32 $0xFFFFFF80  }
0xb7: {  	[tilespmem:s24], [sflag:$0x1] =	stream.linear.gather [hbm4b:s19+s4], $0x80, $0x38;
	[tilespmem:$0x1C400] =	vst v63  }
0xb8: {  	s15 =	sadd.s32 s7, s15  }
0xb9: {  	[tilespmem:s25], [sflag:$0x1] =	stream.linear.gather [hbm4b:s15+s4], $0x80, $0x38;
	[tilespmem:$0x1C400] =	vst v63  }
0xba: {  	_ = 	snop  }
0xbb: {  	[tilespmem:s26], [sflag:$0x2] =	stream.indirect.gather [hbm4b:s5+s24], $0x80, s4, s24, $0xb8;
	[tilespmem:$0x1C400] =	vst v63  }
0xbc: {  	_ =	swait.ge [sflag:s8], $0x4000  }
0xbd: {  	[sflag:s8] =	ssyncset.done $0x0  }
0xbe: {  	[sflag:s8] =	ssyncadd.s32 $0xFFFFC000  }
0xbf: {  	[spmem:s2] =	stream.indirect.scatter.add.f32 [tilespmem:s30], [sflag:$0x5], $0x80, s1, s24, $0xb8;
	[tilespmem:$0x1C400] =	vst v63  }
0xc0: {  	_ =	swait.ge [sflag:s10], $0x4000  }
0xc1: {  	[sflag:s10] =	ssyncset.done $0x0  }
0xc2: {  	[sflag:s10] =	ssyncadd.s32 $0xFFFFC000  }
0xc3: {  	_ =	swait.ge [sflag:s23], $0x80  }
0xc4: {  	[sflag:s23] =	ssyncset.done $0x0  }
0xc5: {  	[sflag:s23] =	ssyncadd.s32 $0xFFFFFF80  }
0xc6: {  	_ =	swait.ge [sflag:s23], $0x80  }
0xc7: {  	[sflag:s23] =	ssyncset.done $0x0  }
0xc8: {  	s19 =	sadd.s32 $0x60, s17;
	[sflag:s23] =	ssyncadd.s32 $0xFFFFFF80  }
0xc9: {  	[tilespmem:s28], [sflag:$0x1] =	stream.linear.gather [hbm4b:s19+s4], $0x80, $0x38;
	[tilespmem:$0x1C400] =	vst v63  }
0xca: {  	s14 =	sadd.s32 $0x60, s14  }
0xcb: {  	[tilespmem:s29], [sflag:$0x1] =	stream.linear.gather [hbm4b:s14+s4], $0x80, $0x38;
	[tilespmem:$0x1C400] =	vst v63  }
.Ltmp0:
0xcc: {  	_ = 	snop;
	(pc) =	sbr.rel @p0 .LBB2_2-.Ltmp0, $4  }
0xcd: {  	_ = 	snop  }
0xce: {  	[tilespmem:s30], [sflag:$0x3] =	stream.indirect.gather [hbm4b:s5+s24], $0x80, s24, s24, $0xb8;
	[tilespmem:$0x1C400] =	vst v63  }
0xcf: {  	_ =	swait.ge [sflag:s31], $0x4000  }
0xd0: {  	[sflag:s31] =	ssyncset.done $0x0  }
0xd1: {  	[sflag:s31] =	ssyncadd.s32 $0xFFFFC000  }
0xd2: {  	[spmem:s2] =	stream.indirect.scatter.add.f32 [tilespmem:s26], [sflag:$0x4], $0x80, s22, s24, $0xb8;
	[tilespmem:$0x1C400] =	vst v63  }
0xd3: {  	_ =	swait.ge [sflag:s0], $0x4000  }
0xd4: {  	[sflag:s0] =	ssyncset.done $0x0  }
0xd5: {  	[sflag:s0] =	ssyncadd.s32 $0xFFFFC000  }
0xd6: {  	_ =	swait.ge [sflag:s23], $0x80  }
0xd7: {  	[sflag:s23] =	ssyncset.done $0x0  }
0xd8: {  	[sflag:s23] =	ssyncadd.s32 $0xFFFFFF80  }
0xd9: {  	_ =	swait.ge [sflag:s23], $0x80  }
0xda: {  	[sflag:s23] =	ssyncset.done $0x0  }
0xdb: {  	s13 =	rddreg [dreg:$0xd];
	[sflag:s23] =	ssyncadd.s32 $0xFFFFFF80  }
0xdc: {  	[tilespmem:s3], [sflag:$0x1] =	stream.linear.gather [hbm4b:s13+s4], $0x80, $0x38;
	[tilespmem:$0x1C400] =	vst v63  }
0xdd: {  	s18 =	rddreg [dreg:$0xe]  }
0xde: {  	[tilespmem:s1], [sflag:$0x1] =	stream.linear.gather [hbm4b:s18+s4], $0x80, $0x38;
	[tilespmem:$0x1C400] =	vst v63  }
0xdf: {  	_ = 	snop  }
0xe0: {  	[tilespmem:s26], [sflag:$0x2] =	stream.indirect.gather [hbm4b:s5+s24], $0x80, s28, s24, $0xb8;
	[tilespmem:$0x1C400] =	vst v63  }
0xe1: {  	_ =	swait.ge [sflag:s8], $0x4000  }
0xe2: {  	[sflag:s8] =	ssyncset.done $0x0  }
0xe3: {  	[sflag:s8] =	ssyncadd.s32 $0xFFFFC000  }
0xe4: {  	[spmem:s2] =	stream.indirect.scatter.add.f32 [tilespmem:s30], [sflag:$0x5], $0x80, s25, s24, $0xb8;
	[tilespmem:$0x1C400] =	vst v63  }
0xe5: {  	_ =	swait.ge [sflag:s10], $0x4000  }
0xe6: {  	[sflag:s10] =	ssyncset.done $0x0  }
0xe7: {  	[sflag:s10] =	ssyncadd.s32 $0xFFFFC000  }
0xe8: {  	_ =	swait.ge [sflag:s23], $0x80  }
0xe9: {  	[sflag:s23] =	ssyncset.done $0x0  }
0xea: {  	[sflag:s23] =	ssyncadd.s32 $0xFFFFFF80  }
0xeb: {  	_ =	swait.ge [sflag:s23], $0x80  }
0xec: {  	[sflag:s23] =	ssyncset.done $0x0  }
0xed: {  	[sflag:s23] =	ssyncadd.s32 $0xFFFFFF80  }
0xee: {  	[tilespmem:s30], [sflag:$0x3] =	stream.indirect.gather [hbm4b:s5+s24], $0x80, s3, s24, $0xb8;
	[tilespmem:$0x1C400] =	vst v63  }
0xef: {  	_ =	swait.ge [sflag:s31], $0x4000  }
0xf0: {  	[sflag:s31] =	ssyncset.done $0x0  }
0xf1: {  	[sflag:s31] =	ssyncadd.s32 $0xFFFFC000  }
0xf2: {  	[spmem:s2] =	stream.indirect.scatter.add.f32 [tilespmem:s26], [sflag:$0x4], $0x80, s29, s24, $0xb8;
	[tilespmem:$0x1C400] =	vst v63  }
0xf3: {  	_ =	swait.ge [sflag:s8], $0x4000  }
0xf4: {  	[sflag:s8] =	ssyncset.done $0x0  }
0xf5: {  	[sflag:s8] =	ssyncadd.s32 $0xFFFFC000  }
0xf6: {  	[spmem:s2] =	stream.indirect.scatter.add.f32 [tilespmem:s30], [sflag:$0x5], $0x80, s1, s24, $0xb8;
	[tilespmem:$0x1C400] =	vst v63  }
0xf7: {  	_ =	swait.ge [sflag:s0], $0x4000  }
0xf8: {  	[sflag:s0] =	ssyncset.done $0x0  }
0xf9: {  	[sflag:s0] =	ssyncadd.s32 $0xFFFFC000  }
0xfa: {  	_ =	swait.ge [sflag:s10], $0x4000  }
0xfb: {  	[sflag:s10] =	ssyncset.done $0x0  }
0xfc: {  	s11 =	sadd.s32 $0x1, s11;
	[sflag:s10] =	ssyncadd.s32 $0xFFFFC000  }
0xfd: {  	p0 =	sne.s32 s11, s20;
	[bflag:$0x0] =	sbarrier.arrive $0xFFFF  }
.Ltmp1:
0xfe: {  	s19 =	rddreg [dreg:$0xf];
	(pc) =	sbr.rel @p0 .LBB2_1-.Ltmp1, $4  }
0xff: {  	[hbm:s19], [sflag:s9] =	dma.local [spmem:s12], $0x2800  }
0x100: {  	_ =	swait.ge [sflag:s21], $0x2800  }
0x101: {  	[sflag:s21] =	ssyncset.done $0x0  }
0x102: {  	[sflag:s21] =	ssyncadd.s32 $0xFFFFD800  }
0x103: {  	_ =	sfence.sel $0x180000  }
0x104: {  	[bflag:$0x0] =	sbarrier.arrive $0xFFFF  }
0x105: {  	_ =	strace $0x9000004A  }
0x106: {  	s0 =	stileid.u32;
	[bflag:$0x2] =	sbarrier.arrive $0xFFFF  }
0x107: {  	p0 =	sne.s32 s0, $0x0;
	s0 =	rddreg [dreg:$0x3]  }
0x108: {  	s0 =	sadd.s32 @!p0 $0x100000, s0  }
0x109: {  	[sflag:s0] =	ssyncadd.tile.s32 @!p0 $0x1;
	_ =	shalt  }
.Lfunc_end2:
_tile_overlayer_lowered:
.L_overlay_start_2:
0x10a: {  	(tag) =	ssettag $0x2  }
0x10b: {  	s0 =	rddreg [dreg:$0x0];
	s2 =	stileid.u32  }
0x10c: {  	s1 =	rddreg [dreg:$0x1];
	p0 =	sne.s32 s2, $0x0  }
0x10d: {  	s3 =	rddreg [dreg:$0x2];
	[bflag:$0x3] =	sbarrier.arrive $0xFFFF;
	s2 =	simm.s32 @!p0 $0x1C06  }
0x10e: {  	[timem:s3], [sflag:s2] =	dma.local @!p0 [hbm:s0], s1  }
0x10f: {  	s0 =	simm.s32 @!p0 $0x6  }
0x110: {  	_ =	swait.ge @!p0 [sflag:s0], s1  }
0x111: {  	s1 =	ssub.s32 @!p0 $0x0, s1;
	[sflag:s0] =	ssyncset.done @!p0 $0x0  }
0x112: {  	[sflag:s0] =	ssyncadd.s32 @!p0 s1  }
0x113: {  	[bflag:$0x3] =	sbarrier.arrive $0xFFFF  }
0x114: {  	_ =	shalt  }

// kernel: kernel.16.cloned.1.call-start
scs
__scs_entry_jumppad:
0x0: {  	(pc) =	sbr.rel $0x88, $3  }
0x1: {  	(tag) =	ssettag $0x0;
	lr =	simm.s32 $0x1  }
0x2: {  	[smem:$0x3F96] =	sst lr;
	_ =	strace $0xD0000000  }
0x3: {  	_ = 	snop  }
0x4: {  	_ = 	snop  }
0x5: {  	_ = 	snop  }
0x6: {  	_ = 	snop  }
0x7: {  	_ = 	snop  }
__scs_overlays_trampoline_lowered:
0x8: {  	[smem:$0x3FA5] =	sst s0  }
0x9: {  	[smem:$0x3FA6] =	sst s1  }
0xa: {  	[smem:$0x3FA7] =	sst s2  }
0xb: {  	[smem:$0x3FA8] =	sst s3  }
0xc: {  	[smem:$0x3FA9] =	sst s4  }
0xd: {  	[smem:$0x3FAA] =	sst s5  }
0xe: {  	[smem:$0x3FAB] =	sst s6  }
0xf: {  	[smem:$0x3FAC] =	sst s7  }
0x10: {  	[smem:$0x3FAD] =	sst s8  }
0x11: {  	[smem:$0x3FAE] =	sst s9;
	s0 =	simm.s32 @!p0 $0x0  }
0x12: {  	s1 =	sld [smem:$0x3F94];
	s0 =	simm.s32 @p0 $0x1  }
0x13: {  	[smem:$0x3FAF] =	sst s0;
	s0 =	simm.s32 @!p1 $0x0  }
0x14: {  	s2 =	sld [smem:$0x3F93];
	s0 =	simm.s32 @p1 $0x1  }
0x15: {  	[smem:$0x3FB0] =	sst s0;
	s0 =	simm.s32 @!p2 $0x0  }
0x16: {  	s3 =	sld [smem:$0x3FDB];
	s0 =	simm.s32 @p2 $0x1  }
0x17: {  	s4 =	simm.s32 $0x1BF5;
	[smem:$0x3FB2] =	sst s0  }
0x18: {  	s0 =	sld [smem:$0x3F95];
	_ =	swait.ge [sflag:s4], $0x0  }
0x19: {  	s7 =	sld [smem:$0x3F96]  }
0x1a: {  	s8 =	sadd.s32 $0xFFFFE003, lr  }
0x1b: {  	s9 =	sadd.s32 $0xFFFFFEF7, lr;
	s5 =	simm.s32 $0xFFFFFFFF;
	p2 =	slt.u32 s8, $0xFFFFF086  }
0x1c: {  	p1 =	slt.u32 s9, $0xF7A;
	s5 =	simm.s32 @!p2 $0x0  }
0x1d: {  	s5 =	simm.s32 @p1 $0x1;
	p0 =	seq.s32 s7, s2  }
0x1e: {  	s7 =	smul.u32 @!p0 $0xF7A, s2;
	p2 =	seq.s32 @!p0 s5, $0x0  }
0x1f: {  	s9 =	smul.u32 $0xF7A, s1;
	s8 =	simm.s32 @!p0 $0x1BF5;
	p2 =	por !p2, p0  }
0x20: {  	[sflag:s8] =	ssyncset.s32 @!p0 $0xFFFFF086;
	s6 =	sadd.s32 @!p0 s3, s7;
	s7 =	simm.s32 @!p0 $0x108  }
0x21: {  	s3 =	sadd.s32 s3, s9;
	s6 =	sadd.s32 @!p0 $0x88, s6;
	s7 =	simm.s32 @p2 $0x1082  }
0x22: {  	[simem:s7], [sflag:s8] =	dma.local @!p0 [hbm:s6], $0xF7A  }
0x23: {  	s9 =	sor.u32 $0xD0000000, s2;
	s6 =	simm.s32 $0x108;
	_ =	swait.ge @!p0 [sflag:s8], $0x0  }
0x24: {  	s3 =	sadd.s32 $0x88, s3;
	s6 =	simm.s32 @!p1 $0x1082;
	[sflag:s4] =	ssyncset.s32 $0xFFFFF086  }
0x25: {  	[simem:s6], [sflag:s4] =	dma.local [hbm:s3], $0xF7A  }
0x26: {  	[smem:$0x3F96] =	sst s1;
	(tag) =	ssettag s2;
	_ =	strace s9  }
0x27: {  	s1 =	sld [smem:$0x3FA6]  }
0x28: {  	s2 =	sld [smem:$0x3FA7]  }
0x29: {  	s4 =	sld [smem:$0x3FA9]  }
0x2a: {  	p0 =	seq.s32 s5, $0x0;
	s5 =	sld [smem:$0x3FAA]  }
0x2b: {  	s6 =	sld [smem:$0x3FAB]  }
0x2c: {  	s7 =	sld [smem:$0x3FAC]  }
0x2d: {  	s3 =	simm.s32 $0x108;
	s8 =	sld [smem:$0x3FAD]  }
0x2e: {  	s3 =	simm.s32 @!p0 $0x1082;
	s9 =	sld [smem:$0x3FAE]  }
0x2f: {  	lr =	sadd.s32 s0, s3;
	s0 =	sld [smem:$0x3FA5]  }
0x30: {  	s3 =	sld [smem:$0x3FA8]  }
0x31: {  	[smem:$0x3FB1] =	sst s10  }
0x32: {  	s10 =	sld [smem:$0x3FAF];
	_ =	sdelay $0x3  }
0x33: {  	p0 =	seq.s32 s10, $0x1;
	s10 =	sld [smem:$0x3FB1];
	_ =	sdelay $0x3  }
0x34: {  	[smem:$0x3FB1] =	sst s10  }
0x35: {  	s10 =	sld [smem:$0x3FB0];
	_ =	sdelay $0x3  }
0x36: {  	p1 =	seq.s32 s10, $0x1;
	s10 =	sld [smem:$0x3FB1];
	_ =	sdelay $0x3  }
0x37: {  	[smem:$0x3FB1] =	sst s10  }
0x38: {  	s10 =	sld [smem:$0x3FB2]  }
0x39: {  	_ = 	snop;
	(pc) =	sbr.ind lr, $3  }
0x3a: {  	_ = 	snop  }
0x3b: {  	_ = 	snop  }
0x3c: {  	p2 =	seq.s32 s10, $0x1;
	s10 =	sld [smem:$0x3FB1]  }
0x3d: {  	_ =	shalt  }
0x3e: {  	_ =	shalt  }
0x3f: {  	_ =	shalt  }
0x40: {  	_ =	shalt  }
0x41: {  	_ =	shalt  }
0x42: {  	_ =	shalt  }
0x43: {  	_ =	shalt  }
0x44: {  	_ =	shalt  }
0x45: {  	_ =	shalt  }
0x46: {  	_ =	shalt  }
0x47: {  	_ =	shalt  }
0x48: {  	_ =	shalt  }
0x49: {  	_ =	shalt  }
0x4a: {  	_ =	shalt  }
0x4b: {  	_ =	shalt  }
0x4c: {  	_ =	shalt  }
0x4d: {  	_ =	shalt  }
0x4e: {  	_ =	shalt  }
0x4f: {  	_ =	shalt  }
0x50: {  	_ =	shalt  }
0x51: {  	_ =	shalt  }
0x52: {  	_ =	shalt  }
0x53: {  	_ =	shalt  }
0x54: {  	_ =	shalt  }
0x55: {  	_ =	shalt  }
0x56: {  	_ =	shalt  }
0x57: {  	_ =	shalt  }
0x58: {  	_ =	shalt  }
0x59: {  	_ =	shalt  }
0x5a: {  	_ =	shalt  }
0x5b: {  	_ =	shalt  }
0x5c: {  	_ =	shalt  }
0x5d: {  	_ =	shalt  }
0x5e: {  	_ =	shalt  }
0x5f: {  	_ =	shalt  }
0x60: {  	_ =	shalt  }
0x61: {  	_ =	shalt  }
0x62: {  	_ =	shalt  }
0x63: {  	_ =	shalt  }
0x64: {  	_ =	shalt  }
0x65: {  	_ =	shalt  }
0x66: {  	_ =	shalt  }
0x67: {  	_ =	shalt  }
0x68: {  	_ =	shalt  }
0x69: {  	_ =	shalt  }
0x6a: {  	_ =	shalt  }
0x6b: {  	_ =	shalt  }
0x6c: {  	_ =	shalt  }
0x6d: {  	_ =	shalt  }
0x6e: {  	_ =	shalt  }
0x6f: {  	_ =	shalt  }
0x70: {  	_ =	shalt  }
0x71: {  	_ =	shalt  }
0x72: {  	_ =	shalt  }
0x73: {  	_ =	shalt  }
0x74: {  	_ =	shalt  }
0x75: {  	_ =	shalt  }
0x76: {  	_ =	shalt  }
0x77: {  	_ =	shalt  }
0x78: {  	_ =	shalt  }
0x79: {  	_ =	shalt  }
0x7a: {  	_ =	shalt  }
0x7b: {  	_ =	shalt  }
0x7c: {  	_ =	shalt  }
0x7d: {  	_ =	shalt  }
0x7e: {  	_ =	shalt  }
0x7f: {  	_ =	shalt  }
0x80: {  	_ =	shalt  }
0x81: {  	_ =	shalt  }
0x82: {  	_ =	shalt  }
0x83: {  	_ =	shalt  }
0x84: {  	_ =	shalt  }
0x85: {  	_ =	shalt  }
0x86: {  	_ =	shalt  }
0x87: {  	_ =	shalt  }
.Lfunc_end0:
.L_simem_size_0:
called_computation.2_lowered:
.L_overlay_start_0:
0x88: {  	s2 =	sld [smem:$0x3FD9]  }
0x89: {  	s3 =	sld [smem:$0x3FFE];
	_ =	sdelay $0x1  }
0x8a: {  	s1 =	srdreg.scid  }
0x8b: {  	s0 =	sand.u32 $0x1, s1  }
0x8c: {  	s14 =	sshll.u32 s0, $0xA;
	s2 =	sadd.s32 s3, s2  }
0x8d: {  	s2 =	sadd.s32 s2, s14  }
0x8e: {  	[smem:$0x3FBD] =	sst s2  }
0x8f: {  	_ = 	snop  }
0x90: {  	s2 =	sld [smem:$0x3FD0];
	_ =	sdelay $0x2  }
0x91: {  	s15 =	simm.s32 $0xA;
	s4 =	simm.s32 $0x10  }
0x92: {  	[smem:s4], [sflag:s15] =	dma.local [hbm:s2], $0x1  }
0x93: {  	_ =	swait.eq [sflag:s15], $0x1  }
0x94: {  	[sflag:s15] =	ssyncset.done $0x0  }
0x95: {  	[sflag:s15] =	ssyncadd.s32 $0xFFFFFFFF  }
0x96: {  	s16 =	sld [smem:$0x10];
	(tm) =	ssettm $0x1  }
0x97: {  	s17 =	sld [smem:$0x3FFB];
	_ =	sdelay $0x3  }
0x98: {  	_ =	strace s17  }
0x99: {  	s3 =	sld [smem:$0x3FFC];
	_ =	sdelay $0x3  }
0x9a: {  	_ =	strace s3  }
0x9b: {  	s3 =	sld [smem:$0x3FFD];
	_ =	sdelay $0x3  }
0x9c: {  	_ =	strace s3  }
0x9d: {  	_ =	strace $0x8FFFFFFF  }
0x9e: {  	s18 =	sld [smem:$0x3FDB];
	_ =	sdelay $0x1  }
0x9f: {  	s19 =	simm.s32 $_scs_section_size  }
0xa0: {  	s5 =	simm.s32 $_size__tile_overlayer_lowered;
	s6 =	simm.s32 $_tile_overlayer_lowered  }
0xa1: {  	s22 =	simm.s32 $0x1BFF;
	s21 =	sshll.u32 s6, $0x1;
	s3 =	sadd.s32 s19, s18  }
0xa2: {  	s7 =	simm.s32 $0x0;
	s20 =	sshll.u32 s5, $0x1;
	s5 =	sadd.s32 s21, s3  }
0xa3: {  	[timem:s7], [sflag:s22] =	dma.local [hbm:s5], s20  }
0xa4: {  	_ =	swait.ge [sflag:s22], s20  }
0xa5: {  	s4 =	ssub.s32 $0x0, s20;
	[sflag:s22] =	ssyncset.done $0x0  }
0xa6: {  	[sflag:s22] =	ssyncadd.s32 s4;
	_ =	sdelay $0x1  }
0xa7: {  	s23 =	simm.s32 $0x1B8B  }
0xa8: {  	_ =	swait.ge [sflag:s23], $0x1  }
0xa9: {  	[sflag:s23] =	ssyncset.done $0x0  }
0xaa: {  	s25 =	simm.s32 $0x1B8E;
	s24 =	sld [smem:$0x3FFE];
	[sflag:s23] =	ssyncadd.s32 $0xFFFFFFFF  }
0xab: {  	s26 =	simm.s32 $execute0_lowered;
	[smem:$0x3FD2] =	sst s25  }
0xac: {  	s5 =	sshll.u32 s26, $0x1;
	_ =	strace $0x8000004C;
	[dreg:$0x1] =	wrdreg $0xFFFFFFFF  }
0xad: {  	s28 =	simm.s32 $_size_execute0_lowered;
	s3 =	sadd.s32 s3, s5;
	[dreg:$0x0] =	wrdreg $0x0  }
0xae: {  	s5 =	sshll.u32 s28, $0x1;
	[dreg:$0x2] =	wrdreg s3  }
0xaf: {  	[dreg:$0x3] =	wrdreg s5  }
0xb0: {  	[dreg:$0x4] =	wrdreg $0xC0  }
0xb1: {  	_ =	task [dreg:s7], $0x5FFFF  }
0xb2: {  	[dreg:$0x1] =	wrdreg $0xFFFFFFFF  }
0xb3: {  	[dreg:$0x0] =	wrdreg $0x60  }
0xb4: {  	[dreg:$0x2] =	wrdreg s24  }
0xb5: {  	[dreg:$0x3] =	wrdreg s16  }
0xb6: {  	[dreg:$0x4] =	wrdreg $0x84000  }
0xb7: {  	[dreg:$0x5] =	wrdreg $0x9  }
0xb8: {  	_ =	task.clear_ibuf [dreg:s7], $0x6FFFF;
	_ =	strace $0x9000004C  }
0xb9: {  	s29 =	simm.s32 $0x9;
	_ =	strace $0x8000004E  }
0xba: {  	_ =	swait.ge [sflag:s29], $0x1  }
0xbb: {  	[sflag:s29] =	ssyncadd.s32 $0xFFFFFFFF  }
0xbc: {  	_ =	strace $0x9000004E  }
0xbd: {  	_ =	sfence  }
0xbe: {  	s30 =	sld [smem:$0x0];
	_ =	sdelay $0x2  }
0xbf: {  	s31 =	sshll.u32 s1, $0xD;
	s1 =	sshrl.u32 s1, $0x2  }
0xc0: {  	s3 =	sand.u32 $0x4000, s31;
	s1 =	sadd.s32 s1, s30  }
0xc1: {  	s0 =	sor.u32 s3, s0;
	s1 =	sshll.u32 s1, $0x11  }
0xc2: {  	s0 =	sor.u32 s1, s0  }
0xc3: {  	s0 =	sadd.s32 $0x8F2B, s0  }
0xc4: {  	[sflag:s0] =	ssyncadd.remote.s32 $0x1  }
0xc5: {  	_ =	sfence.sel $0xFFFF  }
0xc6: {  	[dreg:$0x0] =	wrdreg $0xFFFFFFFF;
	(pc) =	sbr.abs _section_cstart, $3  }
0xc7: {  	[dreg:$0x1] =	wrdreg $0xFFFFFFFF  }
0xc8: {  	_ =	task.clear_ibuf [dreg:s7], $0x2FFFF;
	_ =	strace $0x9FFFFFFF  }
0xc9: {  	(tm) =	ssettm $0x7FFFFFFF  }
tec
execute0_lowered:
.L_overlay_start_1:
0x0: {  	(tag) =	ssettag $0x1  }
0x1: {  	s0 =	rddreg [dreg:$0x0]  }
0x2: {  	s2 =	rddreg [dreg:$0x2];
	s1 =	srdreg.scid  }
0x3: {  	s4 =	simm.s32 $0x0;
	s12 =	stileid.u32;
	s28 =	simm.s32 $0x100  }
0x4: {  	s29 =	simm.s32 $0x300;
	s30 =	simm.s32 $0x4400;
	s31 =	simm.s32 $0x2  }
0x5: {  	s1 =	sand.u32 $0x1, s1;
	[smem:$0x7FF] =	sst s4;
	s8 =	smul.u32 $0x14000, s12  }
0x6: {  	s5 =	sadd.s32 $0x16A00, s0;
	s6 =	sadd.s32 $0xCA00, s0;
	s9 =	smul.u32 $0x50000, s12  }
0x7: {  	s7 =	sadd.s32 $0x2A00, s0;
	s17 =	sshll.u32 s12, $0x6;
	s3 =	smul.u32 $0x140000, s1  }
0x8: {  	_ =	strace $0x8000004D;
	s15 =	sshll.u32 s1, $0x4;
	s16 =	ssub.s32 $0x2, s1  }
0x9: {  	s1 =	smul.u32 $0x5000, s1;
	s10 =	sshrl.u32 s16, $0x1;
	s9 =	sshrl.u32 s9, $0x2  }
0xa: {  	s3 =	sadd.s32 s8, s3;
	s8 =	sor.u32 s12, s15;
	s12 =	smul.u32 $0x500, s12  }
0xb: {  	s9 =	sadd.s32 s9, s2;
	s3 =	sshrl.u32 s3, $0x3;
	s11 =	smul.u32 $0x500, s8  }
0xc: {  	[dreg:$0x6] =	wrdreg s9;
	s9 =	sor.u32 $0x1C06, s17;
	s8 =	smul.u32 $0x2800, s8  }
0xd: {  	s0 =	sadd.s32 s3, s0;
	s3 =	ssub.s32 s16, s10;
	s16 =	sadd.s32 s12, s1  }
0xe: {  	s1 =	simm.s32 $0x380;
	s18 =	sadd.s32 s6, s11;
	s19 =	sadd.s32 s7, s11  }
0xf: {  	s20 =	sor.u32 $0x10, s11;
	s11 =	sor.u32 $0x20, s11;
	[dreg:$0x7] =	wrdreg s18  }
0x10: {  	s8 =	sshrl.u32 s8, $0x3;
	s0 =	sadd.s32 $0x3EA00, s0;
	[dreg:$0x8] =	wrdreg s19  }
0x11: {  	s25 =	sadd.s32 s6, s16;
	s26 =	sadd.s32 s7, s16;
	[dreg:$0xf] =	wrdreg s0  }
0x12: {  	s13 =	sadd.s32 s6, s20;
	s10 =	sadd.s32 s7, s20;
	[dreg:$0x4] =	wrdreg s25  }
0x13: {  	s21 =	sadd.s32 s6, s11;
	s22 =	sadd.s32 s7, s11;
	[dreg:$0x5] =	wrdreg s26  }
0x14: {  	s8 =	sadd.s32 $0x4F0, s8;
	s20 =	smax.u32 s3, $0x1;
	[dreg:$0x9] =	wrdreg s13  }
0x15: {  	s25 =	simm.s32 $0x280;
	s26 =	simm.s32 $0x400;
	[dreg:$0xa] =	wrdreg s10  }
0x16: {  	s0 =	simm.s32 $0x4;
	s3 =	simm.s32 $0x180;
	[dreg:$0xb] =	wrdreg s21  }
0x17: {  	s11 =	simm.s32 $0x0;
	[dreg:$0xc] =	wrdreg s22;
	s23 =	sadd.s32 s6, s8  }
0x18: {  	s24 =	sadd.s32 s7, s8;
	s21 =	simm.s32 $0x6;
	s22 =	simm.s32 $0x200  }
0x19: {  	s8 =	simm.s32 $0x3;
	s10 =	simm.s32 $0x5;
	[dreg:$0xd] =	wrdreg s23  }
0x1a: {  	[dreg:$0xe] =	wrdreg s24;
	s23 =	simm.s32 $0x1;
	s24 =	simm.s32 $0x80  }
.LBB2_1:
0x1b: {  	s12 =	rddreg [dreg:$0x6]  }
0x1c: {  	s13 =	rddreg [dreg:$0x1];
	s12 =	sshrl.u32 s12, $0x3  }
0x1d: {  	[spmem:s12], [sflag:s9] =	dma.local [hbm:s13], $0x2800  }
0x1e: {  	_ =	swait.ge [sflag:s21], $0x2800  }
0x1f: {  	[sflag:s21] =	ssyncset.done $0x0  }
0x20: {  	[sflag:s21] =	ssyncadd.s32 $0xFFFFD800  }
0x21: {  	[bflag:$0x0] =	sbarrier.arrive $0xFFFF  }
0x22: {  	s18 =	rddreg [dreg:$0x7]  }
0x23: {  	[tilespmem:s4], [sflag:$0x1] =	stream.linear.gather [hbm4b:s18+s4], $0x80, $0x38;
	[tilespmem:$0x1C400] =	vst v63  }
0x24: {  	s19 =	rddreg [dreg:$0x8]  }
0x25: {  	[tilespmem:s22], [sflag:$0x1] =	stream.linear.gather [hbm4b:s19+s4], $0x80, $0x38;
	[tilespmem:$0x1C400] =	vst v63  }
0x26: {  	_ =	swait.ge [sflag:s23], $0x80  }
0x27: {  	[sflag:s23] =	ssyncset.done $0x0  }
0x28: {  	[sflag:s23] =	ssyncadd.s32 $0xFFFFFF80  }
0x29: {  	_ =	swait.ge [sflag:s23], $0x80  }
0x2a: {  	[sflag:s23] =	ssyncset.done $0x0  }
0x2b: {  	s14 =	rddreg [dreg:$0x9];
	[sflag:s23] =	ssyncadd.s32 $0xFFFFFF80  }
0x2c: {  	[tilespmem:s24], [sflag:$0x1] =	stream.linear.gather [hbm4b:s14+s4], $0x80, $0x38;
	[tilespmem:$0x1C400] =	vst v63  }
0x2d: {  	s15 =	rddreg [dreg:$0xa]  }
0x2e: {  	[tilespmem:s25], [sflag:$0x1] =	stream.linear.gather [hbm4b:s15+s4], $0x80, $0x38;
	[tilespmem:$0x1C400] =	vst v63  }
0x2f: {  	_ = 	snop  }
0x30: {  	[tilespmem:s26], [sflag:$0x2] =	stream.indirect.gather [hbm4b:s5+s24], $0x80, s4, s24, $0xb8;
	[tilespmem:$0x1C400] =	vst v63  }
0x31: {  	_ =	swait.ge [sflag:s23], $0x80  }
0x32: {  	[sflag:s23] =	ssyncset.done $0x0  }
0x33: {  	[sflag:s23] =	ssyncadd.s32 $0xFFFFFF80  }
0x34: {  	_ =	swait.ge [sflag:s23], $0x80  }
0x35: {  	[sflag:s23] =	ssyncset.done $0x0  }
0x36: {  	s17 =	rddreg [dreg:$0xb];
	[sflag:s23] =	ssyncadd.s32 $0xFFFFFF80  }
0x37: {  	[tilespmem:s28], [sflag:$0x1] =	stream.linear.gather [hbm4b:s17+s4], $0x80, $0x38;
	[tilespmem:$0x1C400] =	vst v63  }
0x38: {  	s18 =	rddreg [dreg:$0xc]  }
0x39: {  	[tilespmem:s29], [sflag:$0x1] =	stream.linear.gather [hbm4b:s18+s4], $0x80, $0x38;
	[tilespmem:$0x1C400] =	vst v63  }
0x3a: {  	_ = 	snop  }
0x3b: {  	[tilespmem:s30], [sflag:$0x3] =	stream.indirect.gather [hbm4b:s5+s24], $0x80, s24, s24, $0xb8;
	[tilespmem:$0x1C400] =	vst v63  }
0x3c: {  	_ =	swait.ge [sflag:s31], $0x4000  }
0x3d: {  	[sflag:s31] =	ssyncset.done $0x0  }
0x3e: {  	[sflag:s31] =	ssyncadd.s32 $0xFFFFC000  }
0x3f: {  	[spmem:s2] =	stream.indirect.scatter.add.f32 [tilespmem:s26], [sflag:$0x4], $0x80, s22, s24, $0xb8;
	[tilespmem:$0x1C400] =	vst v63  }
0x40: {  	_ =	swait.ge [sflag:s0], $0x4000  }
0x41: {  	[sflag:s0] =	ssyncset.done $0x0  }
0x42: {  	[sflag:s0] =	ssyncadd.s32 $0xFFFFC000  }
0x43: {  	_ =	swait.ge [sflag:s23], $0x80  }
0x44: {  	s14 =	sadd.s32 $0x0, s16;
	[sflag:s23] =	ssyncset.done $0x0  }
0x45: {  	s19 =	sand.u32 $0xFFFFF80, s14;
	s15 =	sand.u32 $0x40, s4;
	[sflag:s23] =	ssyncadd.s32 $0xFFFFFF80  }
0x46: {  	s13 =	sor.u32 s19, s15;
	_ =	swait.ge [sflag:s23], $0x80  }
0x47: {  	s13 =	sor.u32 $0x30, s13;
	[sflag:s23] =	ssyncset.done $0x0  }
0x48: {  	s17 =	sadd.s32 s6, s13;
	[sflag:s23] =	ssyncadd.s32 $0xFFFFFF80  }
0x49: {  	[tilespmem:s3], [sflag:$0x1] =	stream.linear.gather [hbm4b:s17+s4], $0x80, $0x38;
	[tilespmem:$0x1C400] =	vst v63  }
0x4a: {  	s13 =	sadd.s32 s7, s13  }
0x4b: {  	[tilespmem:s1], [sflag:$0x1] =	stream.linear.gather [hbm4b:s13+s4], $0x80, $0x38;
	[tilespmem:$0x1C400] =	vst v63  }
0x4c: {  	_ = 	snop  }
0x4d: {  	[tilespmem:s26], [sflag:$0x2] =	stream.indirect.gather [hbm4b:s5+s24], $0x80, s28, s24, $0xb8;
	[tilespmem:$0x1C400] =	vst v63  }
0x4e: {  	_ =	swait.ge [sflag:s8], $0x4000  }
0x4f: {  	[sflag:s8] =	ssyncset.done $0x0  }
0x50: {  	[sflag:s8] =	ssyncadd.s32 $0xFFFFC000  }
0x51: {  	[spmem:s2] =	stream.indirect.scatter.add.f32 [tilespmem:s30], [sflag:$0x5], $0x80, s25, s24, $0xb8;
	[tilespmem:$0x1C400] =	vst v63  }
0x52: {  	_ =	swait.ge [sflag:s10], $0x4000  }
0x53: {  	[sflag:s10] =	ssyncset.done $0x0  }
0x54: {  	[sflag:s10] =	ssyncadd.s32 $0xFFFFC000  }
0x55: {  	_ =	swait.ge [sflag:s23], $0x80  }
0x56: {  	[sflag:s23] =	ssyncset.done $0x0  }
0x57: {  	[sflag:s23] =	ssyncadd.s32 $0xFFFFFF80  }
0x58: {  	_ =	swait.ge [sflag:s23], $0x80  }
0x59: {  	s18 =	rddreg [dreg:$0x4]  }
0x5a: {  	s19 =	rddreg [dreg:$0x5];
	[sflag:s23] =	ssyncset.done $0x0;
	s17 =	sadd.s32 $0x0, s18  }
0x5b: {  	[sflag:s23] =	ssyncadd.s32 $0xFFFFFF80;
	s15 =	sadd.s32 $0x0, s19;
	s13 =	sadd.s32 $0x40, s17  }
0x5c: {  	[tilespmem:s4], [sflag:$0x1] =	stream.linear.gather [hbm4b:s13+s4], $0x80, $0x38;
	[tilespmem:$0x1C400] =	vst v63  }
0x5d: {  	s18 =	sadd.s32 $0x40, s15  }
0x5e: {  	[tilespmem:s22], [sflag:$0x1] =	stream.linear.gather [hbm4b:s18+s4], $0x80, $0x38;
	[tilespmem:$0x1C400] =	vst v63  }
0x5f: {  	_ = 	snop  }
0x60: {  	[tilespmem:s30], [sflag:$0x3] =	stream.indirect.gather [hbm4b:s5+s24], $0x80, s3, s24, $0xb8;
	[tilespmem:$0x1C400] =	vst v63  }
0x61: {  	_ =	swait.ge [sflag:s31], $0x4000  }
0x62: {  	[sflag:s31] =	ssyncset.done $0x0  }
0x63: {  	[sflag:s31] =	ssyncadd.s32 $0xFFFFC000  }
0x64: {  	[spmem:s2] =	stream.indirect.scatter.add.f32 [tilespmem:s26], [sflag:$0x4], $0x80, s29, s24, $0xb8;
	[tilespmem:$0x1C400] =	vst v63  }
0x65: {  	_ =	swait.ge [sflag:s0], $0x4000  }
0x66: {  	[sflag:s0] =	ssyncset.done $0x0  }
0x67: {  	[sflag:s0] =	ssyncadd.s32 $0xFFFFC000  }
0x68: {  	_ =	swait.ge [sflag:s23], $0x80  }
0x69: {  	s14 =	sadd.s32 $0x40, s14;
	s13 =	simm.s32 $0x40;
	[sflag:s23] =	ssyncset.done $0x0  }
0x6a: {  	s14 =	sand.u32 $0xFFFFF80, s14;
	s18 =	sand.u32 $0x40, s13;
	[sflag:s23] =	ssyncadd.s32 $0xFFFFFF80  }
0x6b: {  	s14 =	sor.u32 s14, s18;
	_ =	swait.ge [sflag:s23], $0x80  }
0x6c: {  	s14 =	sor.u32 $0x10, s14;
	[sflag:s23] =	ssyncset.done $0x0  }
0x6d: {  	s19 =	sadd.s32 s6, s14;
	[sflag:s23] =	ssyncadd.s32 $0xFFFFFF80  }
0x6e: {  	[tilespmem:s24], [sflag:$0x1] =	stream.linear.gather [hbm4b:s19+s4], $0x80, $0x38;
	[tilespmem:$0x1C400] =	vst v63  }
0x6f: {  	s14 =	sadd.s32 s7, s14  }
0x70: {  	[tilespmem:s25], [sflag:$0x1] =	stream.linear.gather [hbm4b:s14+s4], $0x80, $0x38;
	[tilespmem:$0x1C400] =	vst v63  }
0x71: {  	_ = 	snop  }
0x72: {  	[tilespmem:s26], [sflag:$0x2] =	stream.indirect.gather [hbm4b:s5+s24], $0x80, s4, s24, $0xb8;
	[tilespmem:$0x1C400] =	vst v63  }
0x73: {  	_ =	swait.ge [sflag:s8], $0x4000  }
0x74: {  	[sflag:s8] =	ssyncset.done $0x0  }
0x75: {  	[sflag:s8] =	ssyncadd.s32 $0xFFFFC000  }
0x76: {  	[spmem:s2] =	stream.indirect.scatter.add.f32 [tilespmem:s30], [sflag:$0x5], $0x80, s1, s24, $0xb8;
	[tilespmem:$0x1C400] =	vst v63  }
0x77: {  	_ =	swait.ge [sflag:s10], $0x4000  }
0x78: {  	[sflag:s10] =	ssyncset.done $0x0  }
0x79: {  	[sflag:s10] =	ssyncadd.s32 $0xFFFFC000  }
0x7a: {  	_ =	swait.ge [sflag:s23], $0x80  }
0x7b: {  	[sflag:s23] =	ssyncset.done $0x0  }
0x7c: {  	[sflag:s23] =	ssyncadd.s32 $0xFFFFFF80  }
0x7d: {  	_ =	swait.ge [sflag:s23], $0x80  }
0x7e: {  	[sflag:s23] =	ssyncset.done $0x0  }
0x7f: {  	s18 =	sadd.s32 $0x60, s17;
	[sflag:s23] =	ssyncadd.s32 $0xFFFFFF80  }
0x80: {  	[tilespmem:s28], [sflag:$0x1] =	stream.linear.gather [hbm4b:s18+s4], $0x80, $0x38;
	[tilespmem:$0x1C400] =	vst v63  }
0x81: {  	s19 =	sadd.s32 $0x60, s15  }
0x82: {  	[tilespmem:s29], [sflag:$0x1] =	stream.linear.gather [hbm4b:s19+s4], $0x80, $0x38;
	[tilespmem:$0x1C400] =	vst v63  }
0x83: {  	_ = 	snop  }
0x84: {  	[tilespmem:s30], [sflag:$0x3] =	stream.indirect.gather [hbm4b:s5+s24], $0x80, s24, s24, $0xb8;
	[tilespmem:$0x1C400] =	vst v63  }
0x85: {  	_ =	swait.ge [sflag:s31], $0x4000  }
0x86: {  	[sflag:s31] =	ssyncset.done $0x0  }
.LBB2_2:
0x87: {  	[sflag:s31] =	ssyncadd.s32 $0xFFFFC000  }
0x88: {  	[spmem:s2] =	stream.indirect.scatter.add.f32 [tilespmem:s26], [sflag:$0x4], $0x80, s22, s24, $0xb8;
	[tilespmem:$0x1C400] =	vst v63  }
0x89: {  	_ =	swait.ge [sflag:s0], $0x4000  }
0x8a: {  	[sflag:s0] =	ssyncset.done $0x0  }
0x8b: {  	[sflag:s0] =	ssyncadd.s32 $0xFFFFC000  }
0x8c: {  	s14 =	smov.u32 s13;
	_ =	swait.ge [sflag:s23], $0x80  }
0x8d: {  	s15 =	sadd.s32 s14, s16;
	[sflag:s23] =	ssyncset.done $0x0  }
0x8e: {  	s19 =	sand.u32 $0x40, s14;
	s18 =	sand.u32 $0xFFFFF80, s15;
	[sflag:s23] =	ssyncadd.s32 $0xFFFFFF80  }
0x8f: {  	s18 =	sor.u32 s18, s19;
	_ =	swait.ge [sflag:s23], $0x80  }
0x90: {  	s18 =	sor.u32 $0x30, s18;
	[sflag:s23] =	ssyncset.done $0x0  }
0x91: {  	s19 =	sadd.s32 s6, s18;
	[sflag:s23] =	ssyncadd.s32 $0xFFFFFF80  }
0x92: {  	[tilespmem:s3], [sflag:$0x1] =	stream.linear.gather [hbm4b:s19+s4], $0x80, $0x38;
	[tilespmem:$0x1C400] =	vst v63  }
0x93: {  	s18 =	sadd.s32 s7, s18  }
0x94: {  	[tilespmem:s1], [sflag:$0x1] =	stream.linear.gather [hbm4b:s18+s4], $0x80, $0x38;
	[tilespmem:$0x1C400] =	vst v63  }
0x95: {  	_ = 	snop  }
0x96: {  	[tilespmem:s26], [sflag:$0x2] =	stream.indirect.gather [hbm4b:s5+s24], $0x80, s28, s24, $0xb8;
	[tilespmem:$0x1C400] =	vst v63  }
0x97: {  	_ =	swait.ge [sflag:s8], $0x4000  }
0x98: {  	[sflag:s8] =	ssyncset.done $0x0  }
0x99: {  	[sflag:s8] =	ssyncadd.s32 $0xFFFFC000  }
0x9a: {  	[spmem:s2] =	stream.indirect.scatter.add.f32 [tilespmem:s30], [sflag:$0x5], $0x80, s25, s24, $0xb8;
	[tilespmem:$0x1C400] =	vst v63  }
0x9b: {  	_ =	swait.ge [sflag:s10], $0x4000  }
0x9c: {  	[sflag:s10] =	ssyncset.done $0x0  }
0x9d: {  	[sflag:s10] =	ssyncadd.s32 $0xFFFFC000  }
0x9e: {  	_ =	swait.ge [sflag:s23], $0x80  }
0x9f: {  	p0 =	sne.s32 s13, $0x480;
	[sflag:s23] =	ssyncset.done $0x0  }
0xa0: {  	s13 =	sadd.s32 $0x40, s13;
	s15 =	sadd.s32 $0x40, s15;
	[sflag:s23] =	ssyncadd.s32 $0xFFFFFF80  }
0xa1: {  	s17 =	sand.u32 $0x40, s13;
	s15 =	sand.u32 $0xFFFFF80, s15;
	_ =	swait.ge [sflag:s23], $0x80  }
0xa2: {  	s15 =	sor.u32 s15, s17;
	s19 =	rddreg [dreg:$0x4]  }
0xa3: {  	s18 =	rddreg [dreg:$0x5];
	[sflag:s23] =	ssyncset.done $0x0;
	s17 =	sadd.s32 s14, s19  }
0xa4: {  	[sflag:s23] =	ssyncadd.s32 $0xFFFFFF80;
	s14 =	sadd.s32 s14, s18;
	s19 =	sadd.s32 $0x40, s17  }
0xa5: {  	[tilespmem:s4], [sflag:$0x1] =	stream.linear.gather [hbm4b:s19+s4], $0x80, $0x38;
	[tilespmem:$0x1C400] =	vst v63  }
0xa6: {  	s18 =	sadd.s32 $0x40, s14  }
0xa7: {  	[tilespmem:s22], [sflag:$0x1] =	stream.linear.gather [hbm4b:s18+s4], $0x80, $0x38;
	[tilespmem:$0x1C400] =	vst v63  }
0xa8: {  	_ = 	snop  }
0xa9: {  	[tilespmem:s30], [sflag:$0x3] =	stream.indirect.gather [hbm4b:s5+s24], $0x80, s3, s24, $0xb8;
	[tilespmem:$0x1C400] =	vst v63  }
0xaa: {  	_ =	swait.ge [sflag:s31], $0x4000  }
0xab: {  	[sflag:s31] =	ssyncset.done $0x0  }
0xac: {  	[sflag:s31] =	ssyncadd.s32 $0xFFFFC000  }
0xad: {  	[spmem:s2] =	stream.indirect.scatter.add.f32 [tilespmem:s26], [sflag:$0x4], $0x80, s29, s24, $0xb8;
	[tilespmem:$0x1C400] =	vst v63  }
0xae: {  	_ =	swait.ge [sflag:s0], $0x4000  }
0xaf: {  	[sflag:s0] =	ssyncset.done $0x0  }
0xb0: {  	[sflag:s0] =	ssyncadd.s32 $0xFFFFC000  }
0xb1: {  	_ =	swait.ge [sflag:s23], $0x80  }
0xb2: {  	[sflag:s23] =	ssyncset.done $0x0  }
0xb3: {  	[sflag:s23] =	ssyncadd.s32 $0xFFFFFF80  }
0xb4: {  	_ =	swait.ge [sflag:s23], $0x80  }
0xb5: {  	s15 =	sor.u32 $0x10, s15;
	[sflag:s23] =	ssyncset.done $0x0  }
0xb6: {  	s19 =	sadd.s32 s6, s15;
	[sflag:s23] =	ssyncadd.s32 $0xFFFFFF80  }
0xb7: {  	[tilespmem:s24], [sflag:$0x1] =	stream.linear.gather [hbm4b:s19+s4], $0x80, $0x38;
	[tilespmem:$0x1C400] =	vst v63  }
0xb8: {  	s15 =	sadd.s32 s7, s15  }
0xb9: {  	[tilespmem:s25], [sflag:$0x1] =	stream.linear.gather [hbm4b:s15+s4], $0x80, $0x38;
	[tilespmem:$0x1C400] =	vst v63  }
0xba: {  	_ = 	snop  }
0xbb: {  	[tilespmem:s26], [sflag:$0x2] =	stream.indirect.gather [hbm4b:s5+s24], $0x80, s4, s24, $0xb8;
	[tilespmem:$0x1C400] =	vst v63  }
0xbc: {  	_ =	swait.ge [sflag:s8], $0x4000  }
0xbd: {  	[sflag:s8] =	ssyncset.done $0x0  }
0xbe: {  	[sflag:s8] =	ssyncadd.s32 $0xFFFFC000  }
0xbf: {  	[spmem:s2] =	stream.indirect.scatter.add.f32 [tilespmem:s30], [sflag:$0x5], $0x80, s1, s24, $0xb8;
	[tilespmem:$0x1C400] =	vst v63  }
0xc0: {  	_ =	swait.ge [sflag:s10], $0x4000  }
0xc1: {  	[sflag:s10] =	ssyncset.done $0x0  }
0xc2: {  	[sflag:s10] =	ssyncadd.s32 $0xFFFFC000  }
0xc3: {  	_ =	swait.ge [sflag:s23], $0x80  }
0xc4: {  	[sflag:s23] =	ssyncset.done $0x0  }
0xc5: {  	[sflag:s23] =	ssyncadd.s32 $0xFFFFFF80  }
0xc6: {  	_ =	swait.ge [sflag:s23], $0x80  }
0xc7: {  	[sflag:s23] =	ssyncset.done $0x0  }
0xc8: {  	s19 =	sadd.s32 $0x60, s17;
	[sflag:s23] =	ssyncadd.s32 $0xFFFFFF80  }
0xc9: {  	[tilespmem:s28], [sflag:$0x1] =	stream.linear.gather [hbm4b:s19+s4], $0x80, $0x38;
	[tilespmem:$0x1C400] =	vst v63  }
0xca: {  	s14 =	sadd.s32 $0x60, s14  }
0xcb: {  	[tilespmem:s29], [sflag:$0x1] =	stream.linear.gather [hbm4b:s14+s4], $0x80, $0x38;
	[tilespmem:$0x1C400] =	vst v63  }
.Ltmp0:
0xcc: {  	_ = 	snop;
	(pc) =	sbr.rel @p0 .LBB2_2-.Ltmp0, $4  }
0xcd: {  	_ = 	snop  }
0xce: {  	[tilespmem:s30], [sflag:$0x3] =	stream.indirect.gather [hbm4b:s5+s24], $0x80, s24, s24, $0xb8;
	[tilespmem:$0x1C400] =	vst v63  }
0xcf: {  	_ =	swait.ge [sflag:s31], $0x4000  }
0xd0: {  	[sflag:s31] =	ssyncset.done $0x0  }
0xd1: {  	[sflag:s31] =	ssyncadd.s32 $0xFFFFC000  }
0xd2: {  	[spmem:s2] =	stream.indirect.scatter.add.f32 [tilespmem:s26], [sflag:$0x4], $0x80, s22, s24, $0xb8;
	[tilespmem:$0x1C400] =	vst v63  }
0xd3: {  	_ =	swait.ge [sflag:s0], $0x4000  }
0xd4: {  	[sflag:s0] =	ssyncset.done $0x0  }
0xd5: {  	[sflag:s0] =	ssyncadd.s32 $0xFFFFC000  }
0xd6: {  	_ =	swait.ge [sflag:s23], $0x80  }
0xd7: {  	[sflag:s23] =	ssyncset.done $0x0  }
0xd8: {  	[sflag:s23] =	ssyncadd.s32 $0xFFFFFF80  }
0xd9: {  	_ =	swait.ge [sflag:s23], $0x80  }
0xda: {  	[sflag:s23] =	ssyncset.done $0x0  }
0xdb: {  	s13 =	rddreg [dreg:$0xd];
	[sflag:s23] =	ssyncadd.s32 $0xFFFFFF80  }
0xdc: {  	[tilespmem:s3], [sflag:$0x1] =	stream.linear.gather [hbm4b:s13+s4], $0x80, $0x38;
	[tilespmem:$0x1C400] =	vst v63  }
0xdd: {  	s18 =	rddreg [dreg:$0xe]  }
0xde: {  	[tilespmem:s1], [sflag:$0x1] =	stream.linear.gather [hbm4b:s18+s4], $0x80, $0x38;
	[tilespmem:$0x1C400] =	vst v63  }
0xdf: {  	_ = 	snop  }
0xe0: {  	[tilespmem:s26], [sflag:$0x2] =	stream.indirect.gather [hbm4b:s5+s24], $0x80, s28, s24, $0xb8;
	[tilespmem:$0x1C400] =	vst v63  }
0xe1: {  	_ =	swait.ge [sflag:s8], $0x4000  }
0xe2: {  	[sflag:s8] =	ssyncset.done $0x0  }
0xe3: {  	[sflag:s8] =	ssyncadd.s32 $0xFFFFC000  }
0xe4: {  	[spmem:s2] =	stream.indirect.scatter.add.f32 [tilespmem:s30], [sflag:$0x5], $0x80, s25, s24, $0xb8;
	[tilespmem:$0x1C400] =	vst v63  }
0xe5: {  	_ =	swait.ge [sflag:s10], $0x4000  }
0xe6: {  	[sflag:s10] =	ssyncset.done $0x0  }
0xe7: {  	[sflag:s10] =	ssyncadd.s32 $0xFFFFC000  }
0xe8: {  	_ =	swait.ge [sflag:s23], $0x80  }
0xe9: {  	[sflag:s23] =	ssyncset.done $0x0  }
0xea: {  	[sflag:s23] =	ssyncadd.s32 $0xFFFFFF80  }
0xeb: {  	_ =	swait.ge [sflag:s23], $0x80  }
0xec: {  	[sflag:s23] =	ssyncset.done $0x0  }
0xed: {  	[sflag:s23] =	ssyncadd.s32 $0xFFFFFF80  }
0xee: {  	[tilespmem:s30], [sflag:$0x3] =	stream.indirect.gather [hbm4b:s5+s24], $0x80, s3, s24, $0xb8;
	[tilespmem:$0x1C400] =	vst v63  }
0xef: {  	_ =	swait.ge [sflag:s31], $0x4000  }
0xf0: {  	[sflag:s31] =	ssyncset.done $0x0  }
0xf1: {  	[sflag:s31] =	ssyncadd.s32 $0xFFFFC000  }
0xf2: {  	[spmem:s2] =	stream.indirect.scatter.add.f32 [tilespmem:s26], [sflag:$0x4], $0x80, s29, s24, $0xb8;
	[tilespmem:$0x1C400] =	vst v63  }
0xf3: {  	_ =	swait.ge [sflag:s8], $0x4000  }
0xf4: {  	[sflag:s8] =	ssyncset.done $0x0  }
0xf5: {  	[sflag:s8] =	ssyncadd.s32 $0xFFFFC000  }
0xf6: {  	[spmem:s2] =	stream.indirect.scatter.add.f32 [tilespmem:s30], [sflag:$0x5], $0x80, s1, s24, $0xb8;
	[tilespmem:$0x1C400] =	vst v63  }
0xf7: {  	_ =	swait.ge [sflag:s0], $0x4000  }
0xf8: {  	[sflag:s0] =	ssyncset.done $0x0  }
0xf9: {  	[sflag:s0] =	ssyncadd.s32 $0xFFFFC000  }
0xfa: {  	_ =	swait.ge [sflag:s10], $0x4000  }
0xfb: {  	[sflag:s10] =	ssyncset.done $0x0  }
0xfc: {  	s11 =	sadd.s32 $0x1, s11;
	[sflag:s10] =	ssyncadd.s32 $0xFFFFC000  }
0xfd: {  	p0 =	sne.s32 s11, s20;
	[bflag:$0x0] =	sbarrier.arrive $0xFFFF  }
.Ltmp1:
0xfe: {  	s19 =	rddreg [dreg:$0xf];
	(pc) =	sbr.rel @p0 .LBB2_1-.Ltmp1, $4  }
0xff: {  	[hbm:s19], [sflag:s9] =	dma.local [spmem:s12], $0x2800  }
0x100: {  	_ =	swait.ge [sflag:s21], $0x2800  }
0x101: {  	[sflag:s21] =	ssyncset.done $0x0  }
0x102: {  	[sflag:s21] =	ssyncadd.s32 $0xFFFFD800  }
0x103: {  	_ =	sfence.sel $0x180000  }
0x104: {  	[bflag:$0x0] =	sbarrier.arrive $0xFFFF  }
0x105: {  	_ =	strace $0x9000004D  }
0x106: {  	s0 =	stileid.u32;
	[bflag:$0x2] =	sbarrier.arrive $0xFFFF  }
0x107: {  	p0 =	sne.s32 s0, $0x0;
	s0 =	rddreg [dreg:$0x3]  }
0x108: {  	s0 =	sadd.s32 @!p0 $0x100000, s0  }
0x109: {  	[sflag:s0] =	ssyncadd.tile.s32 @!p0 $0x1;
	_ =	shalt  }
.Lfunc_end2:
_tile_overlayer_lowered:
.L_overlay_start_2:
0x10a: {  	(tag) =	ssettag $0x2  }
0x10b: {  	s0 =	rddreg [dreg:$0x0];
	s2 =	stileid.u32  }
0x10c: {  	s1 =	rddreg [dreg:$0x1];
	p0 =	sne.s32 s2, $0x0  }
0x10d: {  	s3 =	rddreg [dreg:$0x2];
	[bflag:$0x3] =	sbarrier.arrive $0xFFFF;
	s2 =	simm.s32 @!p0 $0x1C06  }
0x10e: {  	[timem:s3], [sflag:s2] =	dma.local @!p0 [hbm:s0], s1  }
0x10f: {  	s0 =	simm.s32 @!p0 $0x6  }
0x110: {  	_ =	swait.ge @!p0 [sflag:s0], s1  }
0x111: {  	s1 =	ssub.s32 @!p0 $0x0, s1;
	[sflag:s0] =	ssyncset.done @!p0 $0x0  }
0x112: {  	[sflag:s0] =	ssyncadd.s32 @!p0 s1  }
0x113: {  	[bflag:$0x3] =	sbarrier.arrive $0xFFFF  }
0x114: {  	_ =	shalt  }

// kernel: kernel.19.cloned.1.call-start
scs
__scs_entry_jumppad:
0x0: {  	(pc) =	sbr.rel $0x88, $3  }
0x1: {  	(tag) =	ssettag $0x0;
	lr =	simm.s32 $0x1  }
0x2: {  	[smem:$0x3F96] =	sst lr;
	_ =	strace $0xD0000000  }
0x3: {  	_ = 	snop  }
0x4: {  	_ = 	snop  }
0x5: {  	_ = 	snop  }
0x6: {  	_ = 	snop  }
0x7: {  	_ = 	snop  }
__scs_overlays_trampoline_lowered:
0x8: {  	[smem:$0x3FA5] =	sst s0  }
0x9: {  	[smem:$0x3FA6] =	sst s1  }
0xa: {  	[smem:$0x3FA7] =	sst s2  }
0xb: {  	[smem:$0x3FA8] =	sst s3  }
0xc: {  	[smem:$0x3FA9] =	sst s4  }
0xd: {  	[smem:$0x3FAA] =	sst s5  }
0xe: {  	[smem:$0x3FAB] =	sst s6  }
0xf: {  	[smem:$0x3FAC] =	sst s7  }
0x10: {  	[smem:$0x3FAD] =	sst s8  }
0x11: {  	[smem:$0x3FAE] =	sst s9;
	s0 =	simm.s32 @!p0 $0x0  }
0x12: {  	s1 =	sld [smem:$0x3F94];
	s0 =	simm.s32 @p0 $0x1  }
0x13: {  	[smem:$0x3FAF] =	sst s0;
	s0 =	simm.s32 @!p1 $0x0  }
0x14: {  	s2 =	sld [smem:$0x3F93];
	s0 =	simm.s32 @p1 $0x1  }
0x15: {  	[smem:$0x3FB0] =	sst s0;
	s0 =	simm.s32 @!p2 $0x0  }
0x16: {  	s3 =	sld [smem:$0x3FDB];
	s0 =	simm.s32 @p2 $0x1  }
0x17: {  	s4 =	simm.s32 $0x1BF5;
	[smem:$0x3FB2] =	sst s0  }
0x18: {  	s0 =	sld [smem:$0x3F95];
	_ =	swait.ge [sflag:s4], $0x0  }
0x19: {  	s7 =	sld [smem:$0x3F96]  }
0x1a: {  	s8 =	sadd.s32 $0xFFFFE003, lr  }
0x1b: {  	s9 =	sadd.s32 $0xFFFFFEF7, lr;
	s5 =	simm.s32 $0xFFFFFFFF;
	p2 =	slt.u32 s8, $0xFFFFF086  }
0x1c: {  	p1 =	slt.u32 s9, $0xF7A;
	s5 =	simm.s32 @!p2 $0x0  }
0x1d: {  	s5 =	simm.s32 @p1 $0x1;
	p0 =	seq.s32 s7, s2  }
0x1e: {  	s7 =	smul.u32 @!p0 $0xF7A, s2;
	p2 =	seq.s32 @!p0 s5, $0x0  }
0x1f: {  	s9 =	smul.u32 $0xF7A, s1;
	s8 =	simm.s32 @!p0 $0x1BF5;
	p2 =	por !p2, p0  }
0x20: {  	[sflag:s8] =	ssyncset.s32 @!p0 $0xFFFFF086;
	s6 =	sadd.s32 @!p0 s3, s7;
	s7 =	simm.s32 @!p0 $0x108  }
0x21: {  	s3 =	sadd.s32 s3, s9;
	s6 =	sadd.s32 @!p0 $0x88, s6;
	s7 =	simm.s32 @p2 $0x1082  }
0x22: {  	[simem:s7], [sflag:s8] =	dma.local @!p0 [hbm:s6], $0xF7A  }
0x23: {  	s9 =	sor.u32 $0xD0000000, s2;
	s6 =	simm.s32 $0x108;
	_ =	swait.ge @!p0 [sflag:s8], $0x0  }
0x24: {  	s3 =	sadd.s32 $0x88, s3;
	s6 =	simm.s32 @!p1 $0x1082;
	[sflag:s4] =	ssyncset.s32 $0xFFFFF086  }
0x25: {  	[simem:s6], [sflag:s4] =	dma.local [hbm:s3], $0xF7A  }
0x26: {  	[smem:$0x3F96] =	sst s1;
	(tag) =	ssettag s2;
	_ =	strace s9  }
0x27: {  	s1 =	sld [smem:$0x3FA6]  }
0x28: {  	s2 =	sld [smem:$0x3FA7]  }
0x29: {  	s4 =	sld [smem:$0x3FA9]  }
0x2a: {  	p0 =	seq.s32 s5, $0x0;
	s5 =	sld [smem:$0x3FAA]  }
0x2b: {  	s6 =	sld [smem:$0x3FAB]  }
0x2c: {  	s7 =	sld [smem:$0x3FAC]  }
0x2d: {  	s3 =	simm.s32 $0x108;
	s8 =	sld [smem:$0x3FAD]  }
0x2e: {  	s3 =	simm.s32 @!p0 $0x1082;
	s9 =	sld [smem:$0x3FAE]  }
0x2f: {  	lr =	sadd.s32 s0, s3;
	s0 =	sld [smem:$0x3FA5]  }
0x30: {  	s3 =	sld [smem:$0x3FA8]  }
0x31: {  	[smem:$0x3FB1] =	sst s10  }
0x32: {  	s10 =	sld [smem:$0x3FAF];
	_ =	sdelay $0x3  }
0x33: {  	p0 =	seq.s32 s10, $0x1;
	s10 =	sld [smem:$0x3FB1];
	_ =	sdelay $0x3  }
0x34: {  	[smem:$0x3FB1] =	sst s10  }
0x35: {  	s10 =	sld [smem:$0x3FB0];
	_ =	sdelay $0x3  }
0x36: {  	p1 =	seq.s32 s10, $0x1;
	s10 =	sld [smem:$0x3FB1];
	_ =	sdelay $0x3  }
0x37: {  	[smem:$0x3FB1] =	sst s10  }
0x38: {  	s10 =	sld [smem:$0x3FB2]  }
0x39: {  	_ = 	snop;
	(pc) =	sbr.ind lr, $3  }
0x3a: {  	_ = 	snop  }
0x3b: {  	_ = 	snop  }
0x3c: {  	p2 =	seq.s32 s10, $0x1;
	s10 =	sld [smem:$0x3FB1]  }
0x3d: {  	_ =	shalt  }
0x3e: {  	_ =	shalt  }
0x3f: {  	_ =	shalt  }
0x40: {  	_ =	shalt  }
0x41: {  	_ =	shalt  }
0x42: {  	_ =	shalt  }
0x43: {  	_ =	shalt  }
0x44: {  	_ =	shalt  }
0x45: {  	_ =	shalt  }
0x46: {  	_ =	shalt  }
0x47: {  	_ =	shalt  }
0x48: {  	_ =	shalt  }
0x49: {  	_ =	shalt  }
0x4a: {  	_ =	shalt  }
0x4b: {  	_ =	shalt  }
0x4c: {  	_ =	shalt  }
0x4d: {  	_ =	shalt  }
0x4e: {  	_ =	shalt  }
0x4f: {  	_ =	shalt  }
0x50: {  	_ =	shalt  }
0x51: {  	_ =	shalt  }
0x52: {  	_ =	shalt  }
0x53: {  	_ =	shalt  }
0x54: {  	_ =	shalt  }
0x55: {  	_ =	shalt  }
0x56: {  	_ =	shalt  }
0x57: {  	_ =	shalt  }
0x58: {  	_ =	shalt  }
0x59: {  	_ =	shalt  }
0x5a: {  	_ =	shalt  }
0x5b: {  	_ =	shalt  }
0x5c: {  	_ =	shalt  }
0x5d: {  	_ =	shalt  }
0x5e: {  	_ =	shalt  }
0x5f: {  	_ =	shalt  }
0x60: {  	_ =	shalt  }
0x61: {  	_ =	shalt  }
0x62: {  	_ =	shalt  }
0x63: {  	_ =	shalt  }
0x64: {  	_ =	shalt  }
0x65: {  	_ =	shalt  }
0x66: {  	_ =	shalt  }
0x67: {  	_ =	shalt  }
0x68: {  	_ =	shalt  }
0x69: {  	_ =	shalt  }
0x6a: {  	_ =	shalt  }
0x6b: {  	_ =	shalt  }
0x6c: {  	_ =	shalt  }
0x6d: {  	_ =	shalt  }
0x6e: {  	_ =	shalt  }
0x6f: {  	_ =	shalt  }
0x70: {  	_ =	shalt  }
0x71: {  	_ =	shalt  }
0x72: {  	_ =	shalt  }
0x73: {  	_ =	shalt  }
0x74: {  	_ =	shalt  }
0x75: {  	_ =	shalt  }
0x76: {  	_ =	shalt  }
0x77: {  	_ =	shalt  }
0x78: {  	_ =	shalt  }
0x79: {  	_ =	shalt  }
0x7a: {  	_ =	shalt  }
0x7b: {  	_ =	shalt  }
0x7c: {  	_ =	shalt  }
0x7d: {  	_ =	shalt  }
0x7e: {  	_ =	shalt  }
0x7f: {  	_ =	shalt  }
0x80: {  	_ =	shalt  }
0x81: {  	_ =	shalt  }
0x82: {  	_ =	shalt  }
0x83: {  	_ =	shalt  }
0x84: {  	_ =	shalt  }
0x85: {  	_ =	shalt  }
0x86: {  	_ =	shalt  }
0x87: {  	_ =	shalt  }
.Lfunc_end0:
.L_simem_size_0:
called_computation.3_lowered:
.L_overlay_start_0:
0x88: {  	s2 =	sld [smem:$0x3FD9]  }
0x89: {  	s3 =	sld [smem:$0x3FFE];
	_ =	sdelay $0x1  }
0x8a: {  	s1 =	srdreg.scid  }
0x8b: {  	s0 =	sand.u32 $0x1, s1  }
0x8c: {  	s16 =	sshll.u32 s0, $0xA;
	s2 =	sadd.s32 s3, s2  }
0x8d: {  	s2 =	sadd.s32 s2, s16  }
0x8e: {  	[smem:$0x3FBD] =	sst s2  }
0x8f: {  	_ = 	snop  }
0x90: {  	(tm) =	ssettm $0x1  }
0x91: {  	s17 =	sld [smem:$0x3FFB];
	_ =	sdelay $0x3  }
0x92: {  	_ =	strace s17  }
0x93: {  	s2 =	sld [smem:$0x3FFC];
	_ =	sdelay $0x3  }
0x94: {  	_ =	strace s2  }
0x95: {  	s2 =	sld [smem:$0x3FFD];
	_ =	sdelay $0x3  }
0x96: {  	_ =	strace s2  }
0x97: {  	_ =	strace $0x8FFFFFFF  }
0x98: {  	s18 =	sld [smem:$0x3FDB];
	_ =	sdelay $0x1  }
0x99: {  	s19 =	simm.s32 $_scs_section_size  }
0x9a: {  	s4 =	simm.s32 $_size__tile_overlayer_lowered;
	s5 =	simm.s32 $_tile_overlayer_lowered  }
0x9b: {  	s22 =	simm.s32 $0x1BFF;
	s21 =	sshll.u32 s5, $0x1;
	s2 =	sadd.s32 s19, s18  }
0x9c: {  	s6 =	simm.s32 $0x0;
	s20 =	sshll.u32 s4, $0x1;
	s4 =	sadd.s32 s21, s2  }
0x9d: {  	[timem:s6], [sflag:s22] =	dma.local [hbm:s4], s20  }
0x9e: {  	_ =	swait.ge [sflag:s22], s20  }
0x9f: {  	s3 =	ssub.s32 $0x0, s20;
	[sflag:s22] =	ssyncset.done $0x0  }
0xa0: {  	[sflag:s22] =	ssyncadd.s32 s3;
	_ =	sdelay $0x1  }
0xa1: {  	s23 =	simm.s32 $0x1B8B  }
0xa2: {  	_ =	swait.ge [sflag:s23], $0x1  }
0xa3: {  	[sflag:s23] =	ssyncset.done $0x0  }
0xa4: {  	s25 =	simm.s32 $0x1B8E;
	s24 =	sld [smem:$0x3FFE];
	[sflag:s23] =	ssyncadd.s32 $0xFFFFFFFF  }
0xa5: {  	s26 =	simm.s32 $execute0_lowered;
	[smem:$0x3FD2] =	sst s25  }
0xa6: {  	s4 =	sshll.u32 s26, $0x1;
	_ =	strace $0x8000004F;
	[dreg:$0x1] =	wrdreg $0xFFFFFFFF  }
0xa7: {  	s28 =	simm.s32 $_size_execute0_lowered;
	s2 =	sadd.s32 s2, s4;
	[dreg:$0x0] =	wrdreg $0x0  }
0xa8: {  	s4 =	sshll.u32 s28, $0x1;
	[dreg:$0x2] =	wrdreg s2  }
0xa9: {  	[dreg:$0x3] =	wrdreg s4  }
0xaa: {  	[dreg:$0x4] =	wrdreg $0xC0  }
0xab: {  	_ =	task [dreg:s6], $0x5FFFF  }
0xac: {  	[dreg:$0x1] =	wrdreg $0xFFFFFFFF  }
0xad: {  	[dreg:$0x0] =	wrdreg $0x60  }
0xae: {  	[dreg:$0x2] =	wrdreg s24  }
0xaf: {  	[dreg:$0x3] =	wrdreg $0x9  }
0xb0: {  	_ =	task.clear_ibuf [dreg:s6], $0x4FFFF;
	_ =	strace $0x9000004F  }
0xb1: {  	s29 =	simm.s32 $0x9;
	_ =	strace $0x80000051  }
0xb2: {  	_ =	swait.ge [sflag:s29], $0x1  }
0xb3: {  	[sflag:s29] =	ssyncadd.s32 $0xFFFFFFFF  }
0xb4: {  	_ =	strace $0x90000051  }
0xb5: {  	_ =	sfence  }
0xb6: {  	s30 =	sld [smem:$0x0];
	_ =	sdelay $0x2  }
0xb7: {  	s31 =	sshll.u32 s1, $0xD;
	s1 =	sshrl.u32 s1, $0x2  }
0xb8: {  	s3 =	sand.u32 $0x4000, s31;
	s1 =	sadd.s32 s1, s30  }
0xb9: {  	s0 =	sor.u32 s3, s0;
	s1 =	sshll.u32 s1, $0x11  }
0xba: {  	s0 =	sor.u32 s1, s0  }
0xbb: {  	s0 =	sadd.s32 $0x8F2B, s0  }
0xbc: {  	[sflag:s0] =	ssyncadd.remote.s32 $0x1  }
0xbd: {  	_ =	sfence.sel $0xFFFF  }
0xbe: {  	[dreg:$0x0] =	wrdreg $0xFFFFFFFF;
	(pc) =	sbr.abs _section_cstart, $3  }
0xbf: {  	[dreg:$0x1] =	wrdreg $0xFFFFFFFF  }
0xc0: {  	_ =	task.clear_ibuf [dreg:s6], $0x2FFFF;
	_ =	strace $0x9FFFFFFF  }
0xc1: {  	(tm) =	ssettm $0x7FFFFFFF  }
tec
execute0_lowered:
.L_overlay_start_1:
0x0: {  	(tag) =	ssettag $0x1  }
0x1: {  	s0 =	srdreg.scid  }
0x2: {  	s5 =	rddreg [dreg:$0x0];
	s2 =	sand.u32 $0x1, s0  }
0x3: {  	s1 =	stileid.u32;
	s3 =	simm.s32 $0x0;
	s4 =	sshll.u32 s2, $0x4  }
0x4: {  	s10 =	simm.s32 $0x1;
	s0 =	rddreg [dreg:$0x1];
	s4 =	sor.u32 s1, s4  }
0x5: {  	s11 =	simm.s32 $0x0;
	[smem:$0x7FF] =	sst s3;
	s6 =	smul.u32 $0xC, s4  }
0x6: {  	_ =	strace $0x80000050;
	s8 =	ssub.s32 $0x2, s2;
	s7 =	smul.u32 $0xD, s4  }
0x7: {  	p0 =	seq.s32 s2, $0x0;
	s29 =	sshrl.u32 s8, $0x1;
	s6 =	sadd.s32 $0x10, s6  }
0x8: {  	s4 =	sadd.s32 $0x2A00, s5;
	s6 =	smov.u32 @p0 s7;
	s7 =	ssub.s32 s8, s29  }
0x9: {  	s8 =	simm.s32 $0x2;
	s9 =	sshll.u32 s6, $0x4;
	s6 =	sshll.u32 s6, $0xB  }
0xa: {  	s30 =	sadd.s32 s9, s5;
	s31 =	sadd.s32 s6, s5;
	s5 =	smax.u32 s7, $0x1  }
0xb: {  	s9 =	simm.s32 $0x80;
	s6 =	sadd.s32 $0x8EA00, s30;
	s7 =	sadd.s32 $0x90400, s31  }
.LBB2_1:
0xc: {  	s12 =	smov.u32 s7;
	s13 =	smov.u32 s6;
	s14 =	simm.s32 $0x1  }
.LBB2_2:
0xd: {  	[tilespmem:s3], [sflag:$0x2] =	stream.linear.gather [hbm4b:s13+s3], $0x80, $0x38;
	[tilespmem:$0x4080] =	vst v63  }
0xe: {  	_ =	swait.ge [sflag:s8], $0x80  }
0xf: {  	[sflag:s8] =	ssyncset.done $0x0  }
0x10: {  	[sflag:s8] =	ssyncadd.s32 $0xFFFFFF80  }
0x11: {  	[tilespmem:s9], [sflag:$0x1] =	stream.indirect.gather [hbm4b:s4+s9], $0x80, s3, s9, $0xb8;
	[tilespmem:$0x4080] =	vst v63  }
0x12: {  	s15 =	sxor.u32 s14, s2;
	_ =	swait.ge [sflag:s10], $0x4000  }
0x13: {  	p0 =	sne.s32 s15, $0xD;
	[sflag:s10] =	ssyncset.done $0x0  }
.Ltmp0:
0x14: {  	[sflag:s10] =	ssyncadd.s32 $0xFFFFC000;
	(pc) =	sbr.rel @p0 .LBB2_2-.Ltmp0, $4  }
0x15: {  	[hbm4b:s12+s3] =	stream.linear.scatter [tilespmem:s9], [sflag:$0x2], $0x4000, $0x38;
	[tilespmem:$0x4080] =	vst v63  }
0x16: {  	_ =	swait.ge [sflag:s8], $0x4000  }
0x17: {  	s14 =	sadd.s32 $0x1, s14;
	[sflag:s8] =	ssyncset.done $0x0  }
0x18: {  	s13 =	sadd.s32 $0x10, s13;
	s12 =	sadd.s32 $0x800, s12;
	[sflag:s8] =	ssyncadd.s32 $0xFFFFC000  }
0x19: {  	s11 =	sadd.s32 $0x1, s11  }
0x1a: {  	p0 =	sne.s32 s11, s5  }
.Ltmp1:
0x1b: {  	_ = 	snop;
	(pc) =	sbr.rel @p0 .LBB2_1-.Ltmp1, $1  }
0x1c: {  	_ =	sdelay $0x3  }
0x1d: {  	_ =	sfence.sel $0x180000  }
0x1e: {  	[bflag:$0x0] =	sbarrier.arrive $0xFFFF  }
0x1f: {  	p0 =	sne.s32 s1, $0x0;
	_ =	strace $0x90000050  }
0x20: {  	s0 =	sadd.s32 @!p0 $0x100000, s0;
	[bflag:$0x2] =	sbarrier.arrive $0xFFFF  }
0x21: {  	[sflag:s0] =	ssyncadd.tile.s32 @!p0 $0x1;
	_ =	shalt  }
.Lfunc_end2:
_tile_overlayer_lowered:
.L_overlay_start_2:
0x22: {  	(tag) =	ssettag $0x2  }
0x23: {  	s0 =	rddreg [dreg:$0x0];
	s2 =	stileid.u32  }
0x24: {  	s1 =	rddreg [dreg:$0x1];
	p0 =	sne.s32 s2, $0x0  }
0x25: {  	s3 =	rddreg [dreg:$0x2];
	[bflag:$0x3] =	sbarrier.arrive $0xFFFF;
	s2 =	simm.s32 @!p0 $0x1C02  }
0x26: {  	[timem:s3], [sflag:s2] =	dma.local @!p0 [hbm:s0], s1  }
0x27: {  	s0 =	simm.s32 @!p0 $0x2  }
0x28: {  	_ =	swait.ge @!p0 [sflag:s0], s1  }
0x29: {  	s1 =	ssub.s32 @!p0 $0x0, s1;
	[sflag:s0] =	ssyncset.done @!p0 $0x0  }
0x2a: {  	[sflag:s0] =	ssyncadd.s32 @!p0 s1  }
0x2b: {  	[bflag:$0x3] =	sbarrier.arrive $0xFFFF  }
0x2c: {  	_ =	shalt  }

</sc_bundles>
